<compile_context>
chip_gen: v7x
topology: tpu7x:2x2x1
jax: 0.10.2.dev20260603
libtpu: 0.0.44.dev20260713+nightly
codegen_flags: <defaults>
</compile_context>

<pallas_src>
import functools

import jax
import jax.numpy as jnp
from jax import lax
from jax.experimental import pallas as pl
from jax.experimental.pallas import tpu as pltpu
from jax.experimental.pallas import tpu_sc as plsc

N = 10000
E = 320000
D = 128
DE = 16

K = 40
NCH = E // K
NTILES = 16
NW = 2 * NTILES
CH_PER_TILE = NCH // NW
ROWS_MOST = 624
ROWS_LAST = N - 15 * ROWS_MOST
ZCH = 16
IB = 25
NIB = CH_PER_TILE // IB
PAIRS = CH_PER_TILE // 2



def _lin_body(x_ref, w_ref, b_ref, o_ref):
    o_ref[...] = (
        jnp.dot(x_ref[...], w_ref[...], preferred_element_type=jnp.float32)
        + b_ref[...]
    )


def _linear(x, w, b, block_rows):
    rows, din = x.shape
    dout = w.shape[1]
    grid = rows // block_rows
    return pl.pallas_call(
        _lin_body,
        grid=(grid,),
        in_specs=[
            pl.BlockSpec((block_rows, din), lambda i: (i, 0)),
            pl.BlockSpec((din, dout), lambda i: (0, 0)),
            pl.BlockSpec((1, dout), lambda i: (0, 0)),
        ],
        out_specs=pl.BlockSpec((block_rows, dout), lambda i: (i, 0)),
        out_shape=jax.ShapeDtypeStruct((rows, dout), jnp.float32),
    )(x, w, b.reshape(1, dout))


def _enc_body(x_ref, ea_ref, wn_ref, bn_ref, we_ref, be_ref, xe_ref, ee_ref):
    xe_ref[...] = (
        jnp.dot(x_ref[...], wn_ref[...], preferred_element_type=jnp.float32)
        + bn_ref[...]
    )
    ee_ref[...] = (
        jnp.dot(ea_ref[...], we_ref[...], preferred_element_type=jnp.float32)
        + be_ref[...]
    )


def _encoders(x, ea, wn, bn, we, be):
    grid = 50
    brn = N // grid
    bre = E // grid
    return pl.pallas_call(
        _enc_body,
        grid=(grid,),
        in_specs=[
            pl.BlockSpec((brn, D), lambda i: (i, 0)),
            pl.BlockSpec((bre, DE), lambda i: (i, 0)),
            pl.BlockSpec((D, D), lambda i: (0, 0)),
            pl.BlockSpec((1, D), lambda i: (0, 0)),
            pl.BlockSpec((DE, D), lambda i: (0, 0)),
            pl.BlockSpec((1, D), lambda i: (0, 0)),
        ],
        out_specs=[
            pl.BlockSpec((brn, D), lambda i: (i, 0)),
            pl.BlockSpec((bre, D), lambda i: (i, 0)),
        ],
        out_shape=[
            jax.ShapeDtypeStruct((N, D), jnp.float32),
            jax.ShapeDtypeStruct((E, D), jnp.float32),
        ],
    )(x, ea, wn, bn.reshape(1, D), we, be.reshape(1, D))


def _mlp_body(h_ref, a_ref, w1_ref, b1_ref, w2_ref, b2_ref, o_ref, *, final_relu):
    h = h_ref[...] + a_ref[0] + a_ref[1]
    t = jnp.maximum(
        jnp.dot(h, w1_ref[...], preferred_element_type=jnp.float32) + b1_ref[...],
        0.0,
    )
    o = jnp.dot(t, w2_ref[...], preferred_element_type=jnp.float32) + b2_ref[...]
    if final_relu:
        o = jnp.maximum(o, 0.0)
    o_ref[...] = o


def _gine_mlp(h, agg2, w1, b1, w2, b2, final_relu):
    block_rows = 2000
    grid = N // block_rows
    return pl.pallas_call(
        functools.partial(_mlp_body, final_relu=final_relu),
        grid=(grid,),
        in_specs=[
            pl.BlockSpec((block_rows, D), lambda i: (i, 0)),
            pl.BlockSpec((2, block_rows, D), lambda i: (0, i, 0)),
            pl.BlockSpec((D, D), lambda i: (0, 0)),
            pl.BlockSpec((1, D), lambda i: (0, 0)),
            pl.BlockSpec((D, D), lambda i: (0, 0)),
            pl.BlockSpec((1, D), lambda i: (0, 0)),
        ],
        out_specs=pl.BlockSpec((block_rows, D), lambda i: (i, 0)),
        out_shape=jax.ShapeDtypeStruct((N, D), jnp.float32),
    )(h, agg2, w1, b1.reshape(1, D), w2, b2.reshape(1, D))



def _sc_aggregate(xe, ee, src2d, dst2d):
    mesh = plsc.VectorSubcoreMesh(core_axis_name="c", subcore_axis_name="s")

    @functools.partial(
        pl.kernel,
        out_type=jax.ShapeDtypeStruct((2, N, D), jnp.float32),
        mesh=mesh,
        scratch_types=[
            pltpu.VMEM((2, IB, K), jnp.int32),
            pltpu.VMEM((2, IB, K), jnp.int32),
            pltpu.VMEM((K, D), jnp.float32),
            pltpu.VMEM((K, D), jnp.float32),
            pltpu.VMEM((K, D), jnp.float32),
            pltpu.VMEM((K, D), jnp.float32),
            pltpu.VMEM((K, D), jnp.float32),
            pltpu.VMEM((K, D), jnp.float32),
            pltpu.VMEM_SHARED((N, D), jnp.float32),
            pltpu.SemaphoreType.DMA,
            pltpu.SemaphoreType.DMA,
            pltpu.SemaphoreType.DMA,
            pltpu.SemaphoreType.DMA,
            pltpu.SemaphoreType.DMA,
            pltpu.SemaphoreType.DMA,
            pltpu.SemaphoreType.DMA,
        ],
    )
    def body(xe_hbm, ee_hbm, src_hbm, dst_hbm, out_hbm,
             src_v, dst_v, gx0_v, gx1_v, ge0_v, ge1_v, ms0_v, ms1_v,
             acc_sh, sgx0, sgx1, sge0, sge1, ssc0, ssc1, szr):
        gx = (gx0_v, gx1_v)
        ge = (ge0_v, ge1_v)
        ms = (ms0_v, ms1_v)
        sgx = (sgx0, sgx1)
        sge = (sge0, sge1)
        ssc = (ssc0, ssc1)
        cid = lax.axis_index("c")
        sid = lax.axis_index("s")
        wid = cid * NTILES + sid

        row0 = sid * ROWS_MOST
        n_zch = jnp.where(sid == NTILES - 1, ROWS_LAST // ZCH, ROWS_MOST // ZCH)

        def zrow(r, carry):
            for c in range(D // 16):
                ms0_v[r, pl.ds(c * 16, 16)] = jnp.zeros((16,), jnp.float32)
            return carry

        lax.fori_loop(0, ZCH, zrow, 0)

        def zcp(i, carry):
            pltpu.async_copy(
                ms0_v.at[pl.ds(0, ZCH)],
                acc_sh.at[pl.ds(row0 + i * ZCH, ZCH)],
                szr,
            )
            return carry

        lax.fori_loop(0, n_zch, zcp, 0)
        pltpu.make_async_copy(
            xe_hbm.at[pl.ds(0, ROWS_MOST)],
            acc_sh.at[pl.ds(row0, ROWS_MOST)],
            szr,
        ).wait()

        @pl.when(sid == NTILES - 1)
        def _drain_last():
            pltpu.make_async_copy(
                xe_hbm.at[pl.ds(0, ROWS_LAST - ROWS_MOST)],
                acc_sh.at[pl.ds(row0, ROWS_LAST - ROWS_MOST)],
                szr,
            ).wait()

        plsc.subcore_barrier()

        ee_base = wid * CH_PER_TILE

        def idx_row(ref, j):
            return ref.at[(j // IB) % 2, j % IB]

        def wait_sem(sem, buf):
            pltpu.make_async_copy(ee_hbm.at[pl.ds(0, K)], buf, sem).wait()

        pltpu.sync_copy(src_hbm.at[wid * NIB], src_v.at[0])
        pltpu.sync_copy(dst_hbm.at[wid * NIB], dst_v.at[0])
        for b in range(2):
            pltpu.async_copy(xe_hbm.at[src_v.at[0, b]], gx[b], sgx[b])
            pltpu.async_copy(ee_hbm.at[pl.ds((ee_base + b) * K, K)], ge[b], sge[b])

        def pair(j2, carry):
            for b in range(2):
                j = 2 * j2 + b
                @pl.when(j >= 2)
                def _wait_sc():
                    wait_sem(ssc[b], ms[b])

                wait_sem(sgx[b], gx[b])
                wait_sem(sge[b], ge[b])

                @pl.when(jnp.logical_and(j % IB == 3, j < (NIB - 1) * IB))
                def _refill():
                    nblk = j // IB + 1
                    pltpu.sync_copy(src_hbm.at[wid * NIB + nblk],
                                    src_v.at[nblk % 2])
                    pltpu.sync_copy(dst_hbm.at[wid * NIB + nblk],
                                    dst_v.at[nblk % 2])

                def row(r, rc):
                    for c in range(D // 16):
                        s = pl.ds(c * 16, 16)
                        ms[b][r, s] = jnp.maximum(gx[b][r, s] + ge[b][r, s], 0.0)
                    return rc

                lax.fori_loop(0, K, row, 0)
                pltpu.async_copy(ms[b], acc_sh.at[idx_row(dst_v, j)],
                                 ssc[b], add=True)

                @pl.when(j + 2 < CH_PER_TILE)
                def _issue_next():
                    jn = j + 2
                    pltpu.async_copy(xe_hbm.at[idx_row(src_v, jn)],
                                     gx[b], sgx[b])
                    pltpu.async_copy(ee_hbm.at[pl.ds((ee_base + jn) * K, K)],
                                     ge[b], sge[b])
            return carry

        lax.fori_loop(0, PAIRS, pair, 0)
        for b in range(2):
            wait_sem(ssc[b], ms[b])
        plsc.subcore_barrier()

        pltpu.sync_copy(
            acc_sh.at[pl.ds(row0, ROWS_MOST)],
            out_hbm.at[cid, pl.ds(row0, ROWS_MOST)],
        )

        @pl.when(sid == NTILES - 1)
        def _out_last():
            r1 = row0 + ROWS_MOST
            pltpu.sync_copy(
                acc_sh.at[pl.ds(r1, ROWS_LAST - ROWS_MOST)],
                out_hbm.at[cid, pl.ds(r1, ROWS_LAST - ROWS_MOST)],
            )

    return body(xe, ee, src2d, dst2d)



def kernel(x, edge_index, edge_attr, Wn, bn, We, be,
           W1a, b1a, W2a, b2a, W1b, b1b, W2b, b2b):
    src2d = edge_index[0].astype(jnp.int32).reshape(NW * NIB, IB, K)
    dst2d = edge_index[1].astype(jnp.int32).reshape(NW * NIB, IB, K)

    xe, ee = _encoders(x, edge_attr, Wn, bn, We, be)

    parts1 = _sc_aggregate(xe, ee, src2d, dst2d)
    h = _gine_mlp(xe, parts1, W1a, b1a, W2a, b2a, final_relu=True)

    parts2 = _sc_aggregate(h, ee, src2d, dst2d)
    out = _gine_mlp(h, parts2, W1b, b1b, W2b, b2b, final_relu=False)
    return out

# --- scband reference (transcript-rebuilt; emitter-appended) ---
"""Pipeline reference for scband-gnn-py-g-41257455845846 (READ-ONLY COPY).

The authoritative reference and input builder live on the scoring server;
editing this copy changes nothing except your own understanding.
"""

import jax, jax.numpy as jnp
import numpy as np

N_NODES = 10000
N_EDGES = 320000
D_NODE = 128
D_EDGE = 16
D_ENC = 128


def setup_inputs(seed: int = 0) -> dict:
    key = jax.random.key(seed)
    ks = jax.random.split(key, 20)
    s = 0.05
    inp = {
        'x': jax.random.normal(ks[0], (N_NODES, D_NODE), dtype=jnp.float32),
        'edge_index': jax.random.randint(ks[1], (2, N_EDGES), 0, N_NODES, dtype=jnp.int64),
        'edge_attr': jax.random.normal(ks[2], (N_EDGES, D_EDGE), dtype=jnp.float32),
        # node/edge encoders (single SlimFC, no activation)
        'Wn': jax.random.normal(ks[3], (D_NODE, D_ENC), dtype=jnp.float32) * s,
        'bn': jnp.zeros((D_ENC,), dtype=jnp.float32),
        'We': jax.random.normal(ks[4], (D_EDGE, D_ENC), dtype=jnp.float32) * s,
        'be': jnp.zeros((D_ENC,), dtype=jnp.float32),
        # GINEConv round 1 MLP: Linear(128->128)+ReLU, Linear(128->128)
        'W1a': jax.random.normal(ks[5], (D_ENC, D_ENC), dtype=jnp.float32) * s,
        'b1a': jnp.zeros((D_ENC,), dtype=jnp.float32),
        'W2a': jax.random.normal(ks[6], (D_ENC, D_ENC), dtype=jnp.float32) * s,
        'b2a': jnp.zeros((D_ENC,), dtype=jnp.float32),
        # GINEConv round 2 MLP
        'W1b': jax.random.normal(ks[7], (D_ENC, D_ENC), dtype=jnp.float32) * s,
        'b1b': jnp.zeros((D_ENC,), dtype=jnp.float32),
        'W2b': jax.random.normal(ks[8], (D_ENC, D_ENC), dtype=jnp.float32) * s,
        'b2b': jnp.zeros((D_ENC,), dtype=jnp.float32),
    }
    return inp


def _gine_conv(x, edge_index, edge_attr, W1, b1, W2, b2):
    # GINEConv (eps=0): out_i = MLP(x_i + sum_{j in N(i)} ReLU(x_j + e_ji))
    src = edge_index[0]
    dst = edge_index[1]
    msg = jax.nn.relu(jnp.take(x, src, axis=0) + edge_attr)
    agg = jnp.zeros_like(x).at[dst].add(msg)
    h = x + agg
    h = jax.nn.relu(h @ W1 + b1)
    return h @ W2 + b2


def reference(x, edge_index, edge_attr, Wn, bn, We, be, W1a, b1a, W2a, b2a, W1b, b1b, W2b, b2b):
    # node / edge encoders
    xe = x @ Wn + bn
    ee = edge_attr @ We + be
    # actor GNN: rounds=2 -> GINEConv, ReLU, GINEConv
    h = _gine_conv(xe, edge_index, ee, W1a, b1a, W2a, b2a)
    h = jax.nn.relu(h)
    h = _gine_conv(h, edge_index, ee, W1b, b1b, W2b, b2b)
    return h

if __name__ == "__main__":
    import jax
    _d = setup_inputs()
    print(jax.jit(kernel)(*tuple(_d.values())))

</pallas_src>

<mosaic_0001>
#map = affine_map<(d0, d1) -> (0, 0)>
#map1 = affine_map<(d0, d1) -> (0, 0, 0)>
module attributes {stable_mosaic.version = 14 : i64} {
  func.func @body(%arg0: i32, %arg1: i32, %arg2: memref<10000x128xf32, #tpu.memory_space<hbm>>, %arg3: memref<320000x128xf32, #tpu.memory_space<hbm>>, %arg4: memref<320x25x40xi32, #tpu.memory_space<hbm>>, %arg5: memref<320x25x40xi32, #tpu.memory_space<hbm>>, %arg6: memref<2x10000x128xf32, #tpu.memory_space<hbm>>, %arg7: memref<2x25x40xi32, #tpu.memory_space<vmem>>, %arg8: memref<2x25x40xi32, #tpu.memory_space<vmem>>, %arg9: memref<40x128xf32, #tpu.memory_space<vmem>>, %arg10: memref<40x128xf32, #tpu.memory_space<vmem>>, %arg11: memref<40x128xf32, #tpu.memory_space<vmem>>, %arg12: memref<40x128xf32, #tpu.memory_space<vmem>>, %arg13: memref<40x128xf32, #tpu.memory_space<vmem>>, %arg14: memref<40x128xf32, #tpu.memory_space<vmem>>, %arg15: memref<10000x128xf32, #tpu.memory_space<vmem_shared>>, %arg16: memref<!tpu.dma_semaphore, #tpu.memory_space<semaphore_mem>>, %arg17: memref<!tpu.dma_semaphore, #tpu.memory_space<semaphore_mem>>, %arg18: memref<!tpu.dma_semaphore, #tpu.memory_space<semaphore_mem>>, %arg19: memref<!tpu.dma_semaphore, #tpu.memory_space<semaphore_mem>>, %arg20: memref<!tpu.dma_semaphore, #tpu.memory_space<semaphore_mem>>, %arg21: memref<!tpu.dma_semaphore, #tpu.memory_space<semaphore_mem>>, %arg22: memref<!tpu.dma_semaphore, #tpu.memory_space<semaphore_mem>>) attributes {dimension_semantics = [#tpu.dimension_semantics<core_parallel>, #tpu.dimension_semantics<subcore_parallel>], iteration_bounds = array<i64: 2, 16>, scalar_prefetch = 0 : i64, scratch_operands = 16 : i64, tpu.core_type = #tpu.core_type<sc_vector_subcore>, window_params = [{transform_indices = #map}, {transform_indices = #map}, {transform_indices = #map1}, {transform_indices = #map1}, {transform_indices = #map1}]} {
    %mul3A = arith.constant 16 : i32
    %mul3A_0 = arith.muli %arg0, %mul3A : i32
    %add3A = arith.addi %mul3A_0, %arg1 : i32
    %mul3A_1 = arith.constant 624 : i32
    %mul3A_2 = arith.muli %arg1, %mul3A_1 : i32
    %eq3A = arith.constant 15 : i32
    %eq3A_3 = arith.cmpi eq, %arg1, %eq3A : i32
    %jit3A = arith.constant 40 : i32
    %jit3A_4 = arith.constant 39 : i32
    %select_n3A = arith.select %eq3A_3, %jit3A, %jit3A_4 : i32
    %scan3A = arith.constant 0 : i32
    %scan3A_5 = arith.constant 0 : i32
    %scan3A_6 = arith.constant 16 : i32
    %scan3A_7 = arith.addi %scan3A_5, %scan3A_6 : i32
    %scan3A_8 = arith.constant 1 : i32
    scf.for %scan3A_88 = %scan3A_5 to %scan3A_7 step %scan3A_8  : i32 {
      %broadcast_in_dim3A = arith.constant 0.000000e+00 : f32
      %broadcast_in_dim3A_89 = vector.broadcast %broadcast_in_dim3A : f32 to vector<16xf32>
      %swap3A = arith.index_cast %scan3A_88 : i32 to index
      %swap3A_90 = arith.constant 0 : index
      %swap3A_91 = tpu.vector_load %arg13[%swap3A, %swap3A_90] {strides = array<i32>} : memref<40x128xf32, #tpu.memory_space<vmem>>, vector<1x16xf32>,
      %swap3A_92 = vector.shape_cast %swap3A_91 : vector<1x16xf32> to vector<16xf32>
      %swap3A_93 = vector.shape_cast %broadcast_in_dim3A_89 : vector<16xf32> to vector<1x16xf32>
      tpu.vector_store %arg13[%swap3A, %swap3A_90], %swap3A_93 {strides = array<i32>} : memref<40x128xf32, #tpu.memory_space<vmem>>, vector<1x16xf32>,
      %broadcast_in_dim3A_94 = arith.constant 0.000000e+00 : f32
      %broadcast_in_dim3A_95 = vector.broadcast %broadcast_in_dim3A_94 : f32 to vector<16xf32>
      %swap3A_96 = arith.index_cast %scan3A_88 : i32 to index
      %swap3A_97 = arith.constant 16 : index
      %swap3A_98 = tpu.vector_load %arg13[%swap3A_96, %swap3A_97] {strides = array<i32>} : memref<40x128xf32, #tpu.memory_space<vmem>>, vector<1x16xf32>,
      %swap3A_99 = vector.shape_cast %swap3A_98 : vector<1x16xf32> to vector<16xf32>
      %swap3A_100 = vector.shape_cast %broadcast_in_dim3A_95 : vector<16xf32> to vector<1x16xf32>
      tpu.vector_store %arg13[%swap3A_96, %swap3A_97], %swap3A_100 {strides = array<i32>} : memref<40x128xf32, #tpu.memory_space<vmem>>, vector<1x16xf32>,
      %broadcast_in_dim3A_101 = arith.constant 0.000000e+00 : f32
      %broadcast_in_dim3A_102 = vector.broadcast %broadcast_in_dim3A_101 : f32 to vector<16xf32>
      %swap3A_103 = arith.index_cast %scan3A_88 : i32 to index
      %swap3A_104 = arith.constant 32 : index
      %swap3A_105 = tpu.vector_load %arg13[%swap3A_103, %swap3A_104] {strides = array<i32>} : memref<40x128xf32, #tpu.memory_space<vmem>>, vector<1x16xf32>,
      %swap3A_106 = vector.shape_cast %swap3A_105 : vector<1x16xf32> to vector<16xf32>
      %swap3A_107 = vector.shape_cast %broadcast_in_dim3A_102 : vector<16xf32> to vector<1x16xf32>
      tpu.vector_store %arg13[%swap3A_103, %swap3A_104], %swap3A_107 {strides = array<i32>} : memref<40x128xf32, #tpu.memory_space<vmem>>, vector<1x16xf32>,
      %broadcast_in_dim3A_108 = arith.constant 0.000000e+00 : f32
      %broadcast_in_dim3A_109 = vector.broadcast %broadcast_in_dim3A_108 : f32 to vector<16xf32>
      %swap3A_110 = arith.index_cast %scan3A_88 : i32 to index
      %swap3A_111 = arith.constant 48 : index
      %swap3A_112 = tpu.vector_load %arg13[%swap3A_110, %swap3A_111] {strides = array<i32>} : memref<40x128xf32, #tpu.memory_space<vmem>>, vector<1x16xf32>,
      %swap3A_113 = vector.shape_cast %swap3A_112 : vector<1x16xf32> to vector<16xf32>
      %swap3A_114 = vector.shape_cast %broadcast_in_dim3A_109 : vector<16xf32> to vector<1x16xf32>
      tpu.vector_store %arg13[%swap3A_110, %swap3A_111], %swap3A_114 {strides = array<i32>} : memref<40x128xf32, #tpu.memory_space<vmem>>, vector<1x16xf32>,
      %broadcast_in_dim3A_115 = arith.constant 0.000000e+00 : f32
      %broadcast_in_dim3A_116 = vector.broadcast %broadcast_in_dim3A_115 : f32 to vector<16xf32>
      %swap3A_117 = arith.index_cast %scan3A_88 : i32 to index
      %swap3A_118 = arith.constant 64 : index
      %swap3A_119 = tpu.vector_load %arg13[%swap3A_117, %swap3A_118] {strides = array<i32>} : memref<40x128xf32, #tpu.memory_space<vmem>>, vector<1x16xf32>,
      %swap3A_120 = vector.shape_cast %swap3A_119 : vector<1x16xf32> to vector<16xf32>
      %swap3A_121 = vector.shape_cast %broadcast_in_dim3A_116 : vector<16xf32> to vector<1x16xf32>
      tpu.vector_store %arg13[%swap3A_117, %swap3A_118], %swap3A_121 {strides = array<i32>} : memref<40x128xf32, #tpu.memory_space<vmem>>, vector<1x16xf32>,
      %broadcast_in_dim3A_122 = arith.constant 0.000000e+00 : f32
      %broadcast_in_dim3A_123 = vector.broadcast %broadcast_in_dim3A_122 : f32 to vector<16xf32>
      %swap3A_124 = arith.index_cast %scan3A_88 : i32 to index
      %swap3A_125 = arith.constant 80 : index
      %swap3A_126 = tpu.vector_load %arg13[%swap3A_124, %swap3A_125] {strides = array<i32>} : memref<40x128xf32, #tpu.memory_space<vmem>>, vector<1x16xf32>,
      %swap3A_127 = vector.shape_cast %swap3A_126 : vector<1x16xf32> to vector<16xf32>
      %swap3A_128 = vector.shape_cast %broadcast_in_dim3A_123 : vector<16xf32> to vector<1x16xf32>
      tpu.vector_store %arg13[%swap3A_124, %swap3A_125], %swap3A_128 {strides = array<i32>} : memref<40x128xf32, #tpu.memory_space<vmem>>, vector<1x16xf32>,
      %broadcast_in_dim3A_129 = arith.constant 0.000000e+00 : f32
      %broadcast_in_dim3A_130 = vector.broadcast %broadcast_in_dim3A_129 : f32 to vector<16xf32>
      %swap3A_131 = arith.index_cast %scan3A_88 : i32 to index
      %swap3A_132 = arith.constant 96 : index
      %swap3A_133 = tpu.vector_load %arg13[%swap3A_131, %swap3A_132] {strides = array<i32>} : memref<40x128xf32, #tpu.memory_space<vmem>>, vector<1x16xf32>,
      %swap3A_134 = vector.shape_cast %swap3A_133 : vector<1x16xf32> to vector<16xf32>
      %swap3A_135 = vector.shape_cast %broadcast_in_dim3A_130 : vector<16xf32> to vector<1x16xf32>
      tpu.vector_store %arg13[%swap3A_131, %swap3A_132], %swap3A_135 {strides = array<i32>} : memref<40x128xf32, #tpu.memory_space<vmem>>, vector<1x16xf32>,
      %broadcast_in_dim3A_136 = arith.constant 0.000000e+00 : f32
      %broadcast_in_dim3A_137 = vector.broadcast %broadcast_in_dim3A_136 : f32 to vector<16xf32>
      %swap3A_138 = arith.index_cast %scan3A_88 : i32 to index
      %swap3A_139 = arith.constant 112 : index
      %swap3A_140 = tpu.vector_load %arg13[%swap3A_138, %swap3A_139] {strides = array<i32>} : memref<40x128xf32, #tpu.memory_space<vmem>>, vector<1x16xf32>,
      %swap3A_141 = vector.shape_cast %swap3A_140 : vector<1x16xf32> to vector<16xf32>
      %swap3A_142 = vector.shape_cast %broadcast_in_dim3A_137 : vector<16xf32> to vector<1x16xf32>
      tpu.vector_store %arg13[%swap3A_138, %swap3A_139], %swap3A_142 {strides = array<i32>} : memref<40x128xf32, #tpu.memory_space<vmem>>, vector<1x16xf32>,
    }
    %scan3A_9 = arith.constant 16 : i32
    %while3A = arith.constant 0 : i32
    %while3A_10 = arith.constant 0 : i32
    %while3A_11 = arith.subi %select_n3A, %while3A_10 : i32
    %while3A_12 = arith.addi %while3A_10, %while3A_11 : i32
    %while3A_13 = arith.constant 1 : i32
    %while3A_14 = arith.divsi %while3A_11, %while3A_13 : i32
    %while3A_15 = arith.muli %while3A_14, %while3A_13 : i32
    %while3A_16 = arith.addi %while3A_10, %while3A_15 : i32
    %while3A_17 = arith.constant 1 : i32
    scf.for %while3A_88 = %while3A_10 to %while3A_16 step %while3A_17  : i32 {
      %mul3A_89 = arith.constant 16 : i32
      %mul3A_90 = arith.muli %while3A_88, %mul3A_89 : i32
      %add3A_91 = arith.addi %mul3A_2, %mul3A_90 : i32
      %dma_start3A_92 = arith.constant 0 : i32
      %dma_start3A_93 = arith.constant 0 : i32
      %dma_start3A_94 = tpu.memref_slice %arg13[%dma_start3A_92, %dma_start3A_93] : memref<40x128xf32, #tpu.memory_space<vmem>> -> memref<16x128xf32, #tpu.memory_space<vmem>>
      %dma_start3A_95 = arith.constant 0 : i32
      %dma_start3A_96 = tpu.memref_slice %arg15[%add3A_91, %dma_start3A_95] : memref<10000x128xf32, #tpu.memory_space<vmem_shared>> -> memref<16x128xf32, #tpu.memory_space<vmem_shared>>
      %dma_start3A_97 = arith.constant 0 : i32
      %dma_start3A_98 = tpu.memref_slice %arg15[%add3A_91, %dma_start3A_97] : memref<10000x128xf32, #tpu.memory_space<vmem_shared>> -> memref<16x128xf32, #tpu.memory_space<vmem_shared>>
      %dma_start3A_99 = arith.constant 0 : i32
      %dma_start3A_100 = arith.constant 0 : i32
      %dma_start3A_101 = tpu.memref_slice %arg13[%dma_start3A_99, %dma_start3A_100] : memref<40x128xf32, #tpu.memory_space<vmem>> -> memref<16x128xf32, #tpu.memory_space<vmem>>
      tpu.enqueue_dma source(%dma_start3A_101 : memref<16x128xf32, #tpu.memory_space<vmem>>) target(%dma_start3A_98 : memref<16x128xf32, #tpu.memory_space<vmem_shared>>) target_semaphore(%arg22 : memref<!tpu.dma_semaphore, #tpu.memory_space<semaphore_mem>>)
    }
    %while3A_18 = arith.constant 1 : i32
    scf.for %while3A_88 = %while3A_16 to %while3A_12 step %while3A_18  : i32 {
      %mul3A_89 = arith.constant 16 : i32
      %mul3A_90 = arith.muli %while3A_88, %mul3A_89 : i32
      %add3A_91 = arith.addi %mul3A_2, %mul3A_90 : i32
      %dma_start3A_92 = arith.constant 0 : i32
      %dma_start3A_93 = arith.constant 0 : i32
      %dma_start3A_94 = tpu.memref_slice %arg13[%dma_start3A_92, %dma_start3A_93] : memref<40x128xf32, #tpu.memory_space<vmem>> -> memref<16x128xf32, #tpu.memory_space<vmem>>
      %dma_start3A_95 = arith.constant 0 : i32
      %dma_start3A_96 = tpu.memref_slice %arg15[%add3A_91, %dma_start3A_95] : memref<10000x128xf32, #tpu.memory_space<vmem_shared>> -> memref<16x128xf32, #tpu.memory_space<vmem_shared>>
      %dma_start3A_97 = arith.constant 0 : i32
      %dma_start3A_98 = tpu.memref_slice %arg15[%add3A_91, %dma_start3A_97] : memref<10000x128xf32, #tpu.memory_space<vmem_shared>> -> memref<16x128xf32, #tpu.memory_space<vmem_shared>>
      %dma_start3A_99 = arith.constant 0 : i32
      %dma_start3A_100 = arith.constant 0 : i32
      %dma_start3A_101 = tpu.memref_slice %arg13[%dma_start3A_99, %dma_start3A_100] : memref<40x128xf32, #tpu.memory_space<vmem>> -> memref<16x128xf32, #tpu.memory_space<vmem>>
      tpu.enqueue_dma source(%dma_start3A_101 : memref<16x128xf32, #tpu.memory_space<vmem>>) target(%dma_start3A_98 : memref<16x128xf32, #tpu.memory_space<vmem_shared>>) target_semaphore(%arg22 : memref<!tpu.dma_semaphore, #tpu.memory_space<semaphore_mem>>)
    }
    %dma_wait3A = arith.constant 0 : i32
    %dma_wait3A_19 = tpu.memref_slice %arg15[%mul3A_2, %dma_wait3A] : memref<10000x128xf32, #tpu.memory_space<vmem_shared>> -> memref<624x128xf32, #tpu.memory_space<vmem_shared>>
    %dma_wait3A_20 = arith.constant 0 : i32
    %dma_wait3A_21 = arith.constant 0 : i32
    %dma_wait3A_22 = tpu.memref_slice %arg2[%dma_wait3A_20, %dma_wait3A_21] : memref<10000x128xf32, #tpu.memory_space<hbm>> -> memref<624x128xf32, #tpu.memory_space<hbm>>
    tpu.wait_dma2 semaphore(%arg22 : memref<!tpu.dma_semaphore, #tpu.memory_space<semaphore_mem>>) src(%dma_wait3A_22 : memref<624x128xf32, #tpu.memory_space<hbm>>) dst(%dma_wait3A_19 : memref<624x128xf32, #tpu.memory_space<vmem_shared>>)
    %eq3A_23 = arith.constant 15 : i32
    %eq3A_24 = arith.cmpi eq, %arg1, %eq3A_23 : i32
    %convert_element_type3A = arith.extui %eq3A_24 : i1 to i32
    %cond3A = arith.constant 0 : i32
    %cond3A_25 = arith.cmpi ne, %convert_element_type3A, %cond3A : i32
    scf.if %cond3A_25 {
      %dma_wait3A_88 = arith.constant 0 : i32
      %dma_wait3A_89 = tpu.memref_slice %arg15[%mul3A_2, %dma_wait3A_88] : memref<10000x128xf32, #tpu.memory_space<vmem_shared>> -> memref<16x128xf32, #tpu.memory_space<vmem_shared>>
      %dma_wait3A_90 = arith.constant 0 : i32
      %dma_wait3A_91 = arith.constant 0 : i32
      %dma_wait3A_92 = tpu.memref_slice %arg2[%dma_wait3A_90, %dma_wait3A_91] : memref<10000x128xf32, #tpu.memory_space<hbm>> -> memref<16x128xf32, #tpu.memory_space<hbm>>
      tpu.wait_dma2 semaphore(%arg22 : memref<!tpu.dma_semaphore, #tpu.memory_space<semaphore_mem>>) src(%dma_wait3A_92 : memref<16x128xf32, #tpu.memory_space<hbm>>) dst(%dma_wait3A_89 : memref<16x128xf32, #tpu.memory_space<vmem_shared>>)
    } else {
    }
    %barrier3A = arith.constant 0 : index
    tpu.barrier barrier_id(%barrier3A)
    %mul3A_26 = arith.constant 250 : i32
    %mul3A_27 = arith.muli %add3A, %mul3A_26 : i32
    %mul3A_28 = arith.constant 10 : i32
    %mul3A_29 = arith.muli %add3A, %mul3A_28 : i32
    %run_scoped3A = arith.constant 0 : i32
    "tpu.region"() ({
      %run_scoped3A_88 = tpu.sem_alloc : memref<!tpu.dma_semaphore, #tpu.memory_space<semaphore_mem>>
      %dma_start3A_89 = arith.constant 0 : i32
      %dma_start3A_90 = arith.constant 0 : i32
      %dma_start3A_91 = tpu.memref_slice %arg7[%run_scoped3A, %dma_start3A_89, %dma_start3A_90] : memref<2x25x40xi32, #tpu.memory_space<vmem>> -> memref<1x25x40xi32, #tpu.memory_space<vmem>>
      %dma_start3A_92 = tpu.memref_squeeze %dma_start3A_91 : memref<1x25x40xi32, #tpu.memory_space<vmem>> -> memref<25x40xi32, #tpu.memory_space<vmem>>
      %dma_start3A_93 = arith.constant 0 : i32
      %dma_start3A_94 = arith.constant 0 : i32
      %dma_start3A_95 = tpu.memref_slice %arg4[%mul3A_29, %dma_start3A_93, %dma_start3A_94] : memref<320x25x40xi32, #tpu.memory_space<hbm>> -> memref<1x25x40xi32, #tpu.memory_space<hbm>>
      %dma_start3A_96 = tpu.memref_squeeze %dma_start3A_95 : memref<1x25x40xi32, #tpu.memory_space<hbm>> -> memref<25x40xi32, #tpu.memory_space<hbm>>
      %dma_start3A_97 = arith.constant 0 : i32
      %dma_start3A_98 = arith.constant 0 : i32
      %dma_start3A_99 = tpu.memref_slice %arg7[%run_scoped3A, %dma_start3A_97, %dma_start3A_98] : memref<2x25x40xi32, #tpu.memory_space<vmem>> -> memref<1x25x40xi32, #tpu.memory_space<vmem>>
      %dma_start3A_100 = tpu.memref_squeeze %dma_start3A_99 : memref<1x25x40xi32, #tpu.memory_space<vmem>> -> memref<25x40xi32, #tpu.memory_space<vmem>>
      %dma_start3A_101 = arith.constant 0 : i32
      %dma_start3A_102 = arith.constant 0 : i32
      %dma_start3A_103 = tpu.memref_slice %arg4[%mul3A_29, %dma_start3A_101, %dma_start3A_102] : memref<320x25x40xi32, #tpu.memory_space<hbm>> -> memref<1x25x40xi32, #tpu.memory_space<hbm>>
      %dma_start3A_104 = tpu.memref_squeeze %dma_start3A_103 : memref<1x25x40xi32, #tpu.memory_space<hbm>> -> memref<25x40xi32, #tpu.memory_space<hbm>>
      tpu.enqueue_dma source(%dma_start3A_104 : memref<25x40xi32, #tpu.memory_space<hbm>>) target(%dma_start3A_100 : memref<25x40xi32, #tpu.memory_space<vmem>>) target_semaphore(%run_scoped3A_88 : memref<!tpu.dma_semaphore, #tpu.memory_space<semaphore_mem>>)
      %dma_wait3A_105 = arith.constant 0 : i32
      %dma_wait3A_106 = arith.constant 0 : i32
      %dma_wait3A_107 = tpu.memref_slice %arg7[%run_scoped3A, %dma_wait3A_105, %dma_wait3A_106] : memref<2x25x40xi32, #tpu.memory_space<vmem>> -> memref<1x25x40xi32, #tpu.memory_space<vmem>>
      %dma_wait3A_108 = tpu.memref_squeeze %dma_wait3A_107 : memref<1x25x40xi32, #tpu.memory_space<vmem>> -> memref<25x40xi32, #tpu.memory_space<vmem>>
      %dma_wait3A_109 = arith.constant 0 : i32
      %dma_wait3A_110 = arith.constant 0 : i32
      %dma_wait3A_111 = tpu.memref_slice %arg4[%mul3A_29, %dma_wait3A_109, %dma_wait3A_110] : memref<320x25x40xi32, #tpu.memory_space<hbm>> -> memref<1x25x40xi32, #tpu.memory_space<hbm>>
      %dma_wait3A_112 = tpu.memref_squeeze %dma_wait3A_111 : memref<1x25x40xi32, #tpu.memory_space<hbm>> -> memref<25x40xi32, #tpu.memory_space<hbm>>
      %dma_wait3A_113 = arith.constant 0 : i32
      %dma_wait3A_114 = arith.constant 0 : i32
      %dma_wait3A_115 = tpu.memref_slice %arg7[%run_scoped3A, %dma_wait3A_113, %dma_wait3A_114] : memref<2x25x40xi32, #tpu.memory_space<vmem>> -> memref<1x25x40xi32, #tpu.memory_space<vmem>>
      %dma_wait3A_116 = tpu.memref_squeeze %dma_wait3A_115 : memref<1x25x40xi32, #tpu.memory_space<vmem>> -> memref<25x40xi32, #tpu.memory_space<vmem>>
      %dma_wait3A_117 = arith.constant 0 : i32
      %dma_wait3A_118 = arith.constant 0 : i32
      %dma_wait3A_119 = tpu.memref_slice %arg4[%mul3A_29, %dma_wait3A_117, %dma_wait3A_118] : memref<320x25x40xi32, #tpu.memory_space<hbm>> -> memref<1x25x40xi32, #tpu.memory_space<hbm>>
      %dma_wait3A_120 = tpu.memref_squeeze %dma_wait3A_119 : memref<1x25x40xi32, #tpu.memory_space<hbm>> -> memref<25x40xi32, #tpu.memory_space<hbm>>
      tpu.wait_dma2 semaphore(%run_scoped3A_88 : memref<!tpu.dma_semaphore, #tpu.memory_space<semaphore_mem>>) src(%dma_wait3A_120 : memref<25x40xi32, #tpu.memory_space<hbm>>) dst(%dma_wait3A_116 : memref<25x40xi32, #tpu.memory_space<vmem>>)
      tpu.yield
    }) : () -> ()
    %mul3A_30 = arith.constant 10 : i32
    %mul3A_31 = arith.muli %add3A, %mul3A_30 : i32
    %run_scoped3A_32 = arith.constant 0 : i32
    "tpu.region"() ({
      %run_scoped3A_88 = tpu.sem_alloc : memref<!tpu.dma_semaphore, #tpu.memory_space<semaphore_mem>>
      %dma_start3A_89 = arith.constant 0 : i32
      %dma_start3A_90 = arith.constant 0 : i32
      %dma_start3A_91 = tpu.memref_slice %arg8[%run_scoped3A_32, %dma_start3A_89, %dma_start3A_90] : memref<2x25x40xi32, #tpu.memory_space<vmem>> -> memref<1x25x40xi32, #tpu.memory_space<vmem>>
      %dma_start3A_92 = tpu.memref_squeeze %dma_start3A_91 : memref<1x25x40xi32, #tpu.memory_space<vmem>> -> memref<25x40xi32, #tpu.memory_space<vmem>>
      %dma_start3A_93 = arith.constant 0 : i32
      %dma_start3A_94 = arith.constant 0 : i32
      %dma_start3A_95 = tpu.memref_slice %arg5[%mul3A_31, %dma_start3A_93, %dma_start3A_94] : memref<320x25x40xi32, #tpu.memory_space<hbm>> -> memref<1x25x40xi32, #tpu.memory_space<hbm>>
      %dma_start3A_96 = tpu.memref_squeeze %dma_start3A_95 : memref<1x25x40xi32, #tpu.memory_space<hbm>> -> memref<25x40xi32, #tpu.memory_space<hbm>>
      %dma_start3A_97 = arith.constant 0 : i32
      %dma_start3A_98 = arith.constant 0 : i32
      %dma_start3A_99 = tpu.memref_slice %arg8[%run_scoped3A_32, %dma_start3A_97, %dma_start3A_98] : memref<2x25x40xi32, #tpu.memory_space<vmem>> -> memref<1x25x40xi32, #tpu.memory_space<vmem>>
      %dma_start3A_100 = tpu.memref_squeeze %dma_start3A_99 : memref<1x25x40xi32, #tpu.memory_space<vmem>> -> memref<25x40xi32, #tpu.memory_space<vmem>>
      %dma_start3A_101 = arith.constant 0 : i32
      %dma_start3A_102 = arith.constant 0 : i32
      %dma_start3A_103 = tpu.memref_slice %arg5[%mul3A_31, %dma_start3A_101, %dma_start3A_102] : memref<320x25x40xi32, #tpu.memory_space<hbm>> -> memref<1x25x40xi32, #tpu.memory_space<hbm>>
      %dma_start3A_104 = tpu.memref_squeeze %dma_start3A_103 : memref<1x25x40xi32, #tpu.memory_space<hbm>> -> memref<25x40xi32, #tpu.memory_space<hbm>>
      tpu.enqueue_dma source(%dma_start3A_104 : memref<25x40xi32, #tpu.memory_space<hbm>>) target(%dma_start3A_100 : memref<25x40xi32, #tpu.memory_space<vmem>>) target_semaphore(%run_scoped3A_88 : memref<!tpu.dma_semaphore, #tpu.memory_space<semaphore_mem>>)
      %dma_wait3A_105 = arith.constant 0 : i32
      %dma_wait3A_106 = arith.constant 0 : i32
      %dma_wait3A_107 = tpu.memref_slice %arg8[%run_scoped3A_32, %dma_wait3A_105, %dma_wait3A_106] : memref<2x25x40xi32, #tpu.memory_space<vmem>> -> memref<1x25x40xi32, #tpu.memory_space<vmem>>
      %dma_wait3A_108 = tpu.memref_squeeze %dma_wait3A_107 : memref<1x25x40xi32, #tpu.memory_space<vmem>> -> memref<25x40xi32, #tpu.memory_space<vmem>>
      %dma_wait3A_109 = arith.constant 0 : i32
      %dma_wait3A_110 = arith.constant 0 : i32
      %dma_wait3A_111 = tpu.memref_slice %arg5[%mul3A_31, %dma_wait3A_109, %dma_wait3A_110] : memref<320x25x40xi32, #tpu.memory_space<hbm>> -> memref<1x25x40xi32, #tpu.memory_space<hbm>>
      %dma_wait3A_112 = tpu.memref_squeeze %dma_wait3A_111 : memref<1x25x40xi32, #tpu.memory_space<hbm>> -> memref<25x40xi32, #tpu.memory_space<hbm>>
      %dma_wait3A_113 = arith.constant 0 : i32
      %dma_wait3A_114 = arith.constant 0 : i32
      %dma_wait3A_115 = tpu.memref_slice %arg8[%run_scoped3A_32, %dma_wait3A_113, %dma_wait3A_114] : memref<2x25x40xi32, #tpu.memory_space<vmem>> -> memref<1x25x40xi32, #tpu.memory_space<vmem>>
      %dma_wait3A_116 = tpu.memref_squeeze %dma_wait3A_115 : memref<1x25x40xi32, #tpu.memory_space<vmem>> -> memref<25x40xi32, #tpu.memory_space<vmem>>
      %dma_wait3A_117 = arith.constant 0 : i32
      %dma_wait3A_118 = arith.constant 0 : i32
      %dma_wait3A_119 = tpu.memref_slice %arg5[%mul3A_31, %dma_wait3A_117, %dma_wait3A_118] : memref<320x25x40xi32, #tpu.memory_space<hbm>> -> memref<1x25x40xi32, #tpu.memory_space<hbm>>
      %dma_wait3A_120 = tpu.memref_squeeze %dma_wait3A_119 : memref<1x25x40xi32, #tpu.memory_space<hbm>> -> memref<25x40xi32, #tpu.memory_space<hbm>>
      tpu.wait_dma2 semaphore(%run_scoped3A_88 : memref<!tpu.dma_semaphore, #tpu.memory_space<semaphore_mem>>) src(%dma_wait3A_120 : memref<25x40xi32, #tpu.memory_space<hbm>>) dst(%dma_wait3A_116 : memref<25x40xi32, #tpu.memory_space<vmem>>)
      tpu.yield
    }) : () -> ()
    %dma_start3A = arith.constant 0 : i32
    %dma_start3A_33 = arith.constant 0 : i32
    %dma_start3A_34 = arith.constant 0 : i32
    %dma_start3A_35 = tpu.memref_slice %arg7[%dma_start3A, %dma_start3A_33, %dma_start3A_34] : memref<2x25x40xi32, #tpu.memory_space<vmem>> -> memref<1x1x40xi32, #tpu.memory_space<vmem>>
    %dma_start3A_36 = tpu.memref_squeeze %dma_start3A_35 : memref<1x1x40xi32, #tpu.memory_space<vmem>> -> memref<40xi32, #tpu.memory_space<vmem>>
    %dma_start3A_37 = arith.constant 0 : i32
    %dma_start3A_38 = arith.constant 0 : i32
    %dma_start3A_39 = tpu.memref_slice %arg2[%dma_start3A_37, %dma_start3A_38] : memref<10000x128xf32, #tpu.memory_space<hbm>> -> memref<10000x128xf32, #tpu.memory_space<hbm>>
    tpu.enqueue_indirect_dma source(%dma_start3A_39 : memref<10000x128xf32, #tpu.memory_space<hbm>>) target(%arg9 : memref<40x128xf32, #tpu.memory_space<vmem>>) offsets(%dma_start3A_36 : memref<40xi32, #tpu.memory_space<vmem>>) semaphore(%arg16 : memref<!tpu.dma_semaphore, #tpu.memory_space<semaphore_mem>>)
    %add3A_40 = arith.constant 0 : i32
    %add3A_41 = arith.addi %mul3A_27, %add3A_40 : i32
    %mul3A_42 = arith.constant 40 : i32
    %mul3A_43 = arith.muli %add3A_41, %mul3A_42 : i32
    %dma_start3A_44 = arith.constant 0 : i32
    %dma_start3A_45 = tpu.memref_slice %arg3[%mul3A_43, %dma_start3A_44] : memref<320000x128xf32, #tpu.memory_space<hbm>> -> memref<40x128xf32, #tpu.memory_space<hbm>>
    %dma_start3A_46 = arith.constant 0 : i32
    %dma_start3A_47 = tpu.memref_slice %arg3[%mul3A_43, %dma_start3A_46] : memref<320000x128xf32, #tpu.memory_space<hbm>> -> memref<40x128xf32, #tpu.memory_space<hbm>>
    tpu.enqueue_dma source(%dma_start3A_47 : memref<40x128xf32, #tpu.memory_space<hbm>>) target(%arg11 : memref<40x128xf32, #tpu.memory_space<vmem>>) target_semaphore(%arg18 : memref<!tpu.dma_semaphore, #tpu.memory_space<semaphore_mem>>)
    %dma_start3A_48 = arith.constant 0 : i32
    %dma_start3A_49 = arith.constant 1 : i32
    %dma_start3A_50 = arith.constant 0 : i32
    %dma_start3A_51 = tpu.memref_slice %arg7[%dma_start3A_48, %dma_start3A_49, %dma_start3A_50] : memref<2x25x40xi32, #tpu.memory_space<vmem>> -> memref<1x1x40xi32, #tpu.memory_space<vmem>>
    %dma_start3A_52 = tpu.memref_squeeze %dma_start3A_51 : memref<1x1x40xi32, #tpu.memory_space<vmem>> -> memref<40xi32, #tpu.memory_space<vmem>>
    %dma_start3A_53 = arith.constant 0 : i32
    %dma_start3A_54 = arith.constant 0 : i32
    %dma_start3A_55 = tpu.memref_slice %arg2[%dma_start3A_53, %dma_start3A_54] : memref<10000x128xf32, #tpu.memory_space<hbm>> -> memref<10000x128xf32, #tpu.memory_space<hbm>>
    tpu.enqueue_indirect_dma source(%dma_start3A_55 : memref<10000x128xf32, #tpu.memory_space<hbm>>) target(%arg10 : memref<40x128xf32, #tpu.memory_space<vmem>>) offsets(%dma_start3A_52 : memref<40xi32, #tpu.memory_space<vmem>>) semaphore(%arg17 : memref<!tpu.dma_semaphore, #tpu.memory_space<semaphore_mem>>)
    %add3A_56 = arith.constant 1 : i32
    %add3A_57 = arith.addi %mul3A_27, %add3A_56 : i32
    %mul3A_58 = arith.constant 40 : i32
    %mul3A_59 = arith.muli %add3A_57, %mul3A_58 : i32
    %dma_start3A_60 = arith.constant 0 : i32
    %dma_start3A_61 = tpu.memref_slice %arg3[%mul3A_59, %dma_start3A_60] : memref<320000x128xf32, #tpu.memory_space<hbm>> -> memref<40x128xf32, #tpu.memory_space<hbm>>
    %dma_start3A_62 = arith.constant 0 : i32
    %dma_start3A_63 = tpu.memref_slice %arg3[%mul3A_59, %dma_start3A_62] : memref<320000x128xf32, #tpu.memory_space<hbm>> -> memref<40x128xf32, #tpu.memory_space<hbm>>
    tpu.enqueue_dma source(%dma_start3A_63 : memref<40x128xf32, #tpu.memory_space<hbm>>) target(%arg12 : memref<40x128xf32, #tpu.memory_space<vmem>>) target_semaphore(%arg19 : memref<!tpu.dma_semaphore, #tpu.memory_space<semaphore_mem>>)
    %scan3A_64 = arith.constant 0 : i32
    %scan3A_65 = arith.constant 0 : i32
    %scan3A_66 = arith.constant 125 : i32
    %scan3A_67 = arith.addi %scan3A_65, %scan3A_66 : i32
    %scan3A_68 = arith.constant 1 : i32
    scf.for %scan3A_88 = %scan3A_65 to %scan3A_67 step %scan3A_68  : i32 {
      %mul3A_89 = arith.constant 2 : i32
      %mul3A_90 = arith.muli %mul3A_89, %scan3A_88 : i32
      %add3A_91 = arith.constant 0 : i32
      %add3A_92 = arith.addi %mul3A_90, %add3A_91 : i32
      %ge3A = arith.constant 2 : i32
      %ge3A_93 = arith.cmpi sge, %add3A_92, %ge3A : i32
      %convert_element_type3A_94 = arith.extui %ge3A_93 : i1 to i32
      %cond3A_95 = arith.constant 0 : i32
      %cond3A_96 = arith.cmpi ne, %convert_element_type3A_94, %cond3A_95 : i32
      scf.if %cond3A_96 {
        %dma_wait3A_321 = arith.constant 0 : i32
        %dma_wait3A_322 = arith.constant 0 : i32
        %dma_wait3A_323 = tpu.memref_slice %arg3[%dma_wait3A_321, %dma_wait3A_322] : memref<320000x128xf32, #tpu.memory_space<hbm>> -> memref<40x128xf32, #tpu.memory_space<hbm>>
        %dma_wait3A_324 = arith.constant 0 : i32
        %dma_wait3A_325 = arith.constant 0 : i32
        %dma_wait3A_326 = tpu.memref_slice %arg3[%dma_wait3A_324, %dma_wait3A_325] : memref<320000x128xf32, #tpu.memory_space<hbm>> -> memref<40x128xf32, #tpu.memory_space<hbm>>
        tpu.wait_dma2 semaphore(%arg20 : memref<!tpu.dma_semaphore, #tpu.memory_space<semaphore_mem>>) src(%dma_wait3A_326 : memref<40x128xf32, #tpu.memory_space<hbm>>) dst(%arg13 : memref<40x128xf32, #tpu.memory_space<vmem>>)
      } else {
      }
      %dma_wait3A_97 = arith.constant 0 : i32
      %dma_wait3A_98 = arith.constant 0 : i32
      %dma_wait3A_99 = tpu.memref_slice %arg3[%dma_wait3A_97, %dma_wait3A_98] : memref<320000x128xf32, #tpu.memory_space<hbm>> -> memref<40x128xf32, #tpu.memory_space<hbm>>
      %dma_wait3A_100 = arith.constant 0 : i32
      %dma_wait3A_101 = arith.constant 0 : i32
      %dma_wait3A_102 = tpu.memref_slice %arg3[%dma_wait3A_100, %dma_wait3A_101] : memref<320000x128xf32, #tpu.memory_space<hbm>> -> memref<40x128xf32, #tpu.memory_space<hbm>>
      tpu.wait_dma2 semaphore(%arg16 : memref<!tpu.dma_semaphore, #tpu.memory_space<semaphore_mem>>) src(%dma_wait3A_102 : memref<40x128xf32, #tpu.memory_space<hbm>>) dst(%arg9 : memref<40x128xf32, #tpu.memory_space<vmem>>)
      %dma_wait3A_103 = arith.constant 0 : i32
      %dma_wait3A_104 = arith.constant 0 : i32
      %dma_wait3A_105 = tpu.memref_slice %arg3[%dma_wait3A_103, %dma_wait3A_104] : memref<320000x128xf32, #tpu.memory_space<hbm>> -> memref<40x128xf32, #tpu.memory_space<hbm>>
      %dma_wait3A_106 = arith.constant 0 : i32
      %dma_wait3A_107 = arith.constant 0 : i32
      %dma_wait3A_108 = tpu.memref_slice %arg3[%dma_wait3A_106, %dma_wait3A_107] : memref<320000x128xf32, #tpu.memory_space<hbm>> -> memref<40x128xf32, #tpu.memory_space<hbm>>
      tpu.wait_dma2 semaphore(%arg18 : memref<!tpu.dma_semaphore, #tpu.memory_space<semaphore_mem>>) src(%dma_wait3A_108 : memref<40x128xf32, #tpu.memory_space<hbm>>) dst(%arg11 : memref<40x128xf32, #tpu.memory_space<vmem>>)
      %jit3A_109 = arith.constant 25 : i32
      %eq3A_110 = arith.constant 0 : i32
      %eq3A_111 = arith.cmpi eq, %jit3A_109, %eq3A_110 : i32
      %jit3A_112 = arith.constant 1 : i32
      %select_n3A_113 = arith.select %eq3A_111, %jit3A_112, %jit3A_109 : i32
      %rem3A = arith.remsi %add3A_92, %select_n3A_113 : i32
      %ne3A = arith.constant 0 : i32
      %ne3A_114 = arith.cmpi ne, %rem3A, %ne3A : i32
      %lt3A = arith.constant 0 : i32
      %lt3A_115 = arith.cmpi slt, %rem3A, %lt3A : i32
      %lt3A_116 = arith.constant 0 : i32
      %lt3A_117 = arith.cmpi slt, %select_n3A_113, %lt3A_116 : i32
      %ne3A_118 = arith.xori %lt3A_115, %lt3A_117 : i1
      %and3A = arith.andi %ne3A_118, %ne3A_114 : i1
      %add3A_119 = arith.addi %rem3A, %select_n3A_113 : i32
      %select_n3A_120 = arith.select %and3A, %add3A_119, %rem3A : i32
      %eq3A_121 = arith.constant 3 : i32
      %eq3A_122 = arith.cmpi eq, %select_n3A_120, %eq3A_121 : i32
      %lt3A_123 = arith.constant 225 : i32
      %lt3A_124 = arith.cmpi slt, %add3A_92, %lt3A_123 : i32
      %and3A_125 = arith.andi %eq3A_122, %lt3A_124 : i1
      %convert_element_type3A_126 = arith.extui %and3A_125 : i1 to i32
      %cond3A_127 = arith.constant 0 : i32
      %cond3A_128 = arith.cmpi ne, %convert_element_type3A_126, %cond3A_127 : i32
      scf.if %cond3A_128 {
        %jit3A_321 = arith.constant 25 : i32
        %div3A_322 = arith.divsi %add3A_92, %jit3A_321 : i32
        %sign3A_323 = arith.constant 0 : i32
        %sign3A_324 = arith.cmpi sgt, %add3A_92, %sign3A_323 : i32
        %sign3A_325 = arith.extui %sign3A_324 : i1 to i32
        %sign3A_326 = arith.constant 0 : i32
        %sign3A_327 = arith.cmpi slt, %add3A_92, %sign3A_326 : i32
        %sign3A_328 = arith.extui %sign3A_327 : i1 to i32
        %sign3A_329 = arith.subi %sign3A_325, %sign3A_328 : i32
        %sign3A_330 = arith.constant 0 : i32
        %sign3A_331 = arith.cmpi sgt, %jit3A_321, %sign3A_330 : i32
        %sign3A_332 = arith.extui %sign3A_331 : i1 to i32
        %sign3A_333 = arith.constant 0 : i32
        %sign3A_334 = arith.cmpi slt, %jit3A_321, %sign3A_333 : i32
        %sign3A_335 = arith.extui %sign3A_334 : i1 to i32
        %sign3A_336 = arith.subi %sign3A_332, %sign3A_335 : i32
        %ne3A_337 = arith.cmpi ne, %sign3A_329, %sign3A_336 : i32
        %rem3A_338 = arith.remsi %add3A_92, %jit3A_321 : i32
        %ne3A_339 = arith.constant 0 : i32
        %ne3A_340 = arith.cmpi ne, %rem3A_338, %ne3A_339 : i32
        %and3A_341 = arith.andi %ne3A_337, %ne3A_340 : i1
        %sub3A_342 = arith.constant 1 : i32
        %sub3A_343 = arith.subi %div3A_322, %sub3A_342 : i32
        %select_n3A_344 = arith.select %and3A_341, %sub3A_343, %div3A_322 : i32
        %add3A_345 = arith.constant 1 : i32
        %add3A_346 = arith.addi %select_n3A_344, %add3A_345 : i32
        %mul3A_347 = arith.constant 10 : i32
        %mul3A_348 = arith.muli %add3A, %mul3A_347 : i32
        %add3A_349 = arith.addi %mul3A_348, %add3A_346 : i32
        %jit3A_350 = arith.constant 2 : i32
        %eq3A_351 = arith.constant 0 : i32
        %eq3A_352 = arith.cmpi eq, %jit3A_350, %eq3A_351 : i32
        %jit3A_353 = arith.constant 1 : i32
        %select_n3A_354 = arith.select %eq3A_352, %jit3A_353, %jit3A_350 : i32
        %rem3A_355 = arith.remsi %add3A_346, %select_n3A_354 : i32
        %ne3A_356 = arith.constant 0 : i32
        %ne3A_357 = arith.cmpi ne, %rem3A_355, %ne3A_356 : i32
        %lt3A_358 = arith.constant 0 : i32
        %lt3A_359 = arith.cmpi slt, %rem3A_355, %lt3A_358 : i32
        %lt3A_360 = arith.constant 0 : i32
        %lt3A_361 = arith.cmpi slt, %select_n3A_354, %lt3A_360 : i32
        %ne3A_362 = arith.xori %lt3A_359, %lt3A_361 : i1
        %and3A_363 = arith.andi %ne3A_362, %ne3A_357 : i1
        %add3A_364 = arith.addi %rem3A_355, %select_n3A_354 : i32
        %select_n3A_365 = arith.select %and3A_363, %add3A_364, %rem3A_355 : i32
        "tpu.region"() ({
          %run_scoped3A_385 = tpu.sem_alloc : memref<!tpu.dma_semaphore, #tpu.memory_space<semaphore_mem>>
          %dma_start3A_386 = arith.constant 0 : i32
          %dma_start3A_387 = arith.constant 0 : i32
          %dma_start3A_388 = tpu.memref_slice %arg7[%select_n3A_365, %dma_start3A_386, %dma_start3A_387] : memref<2x25x40xi32, #tpu.memory_space<vmem>> -> memref<1x25x40xi32, #tpu.memory_space<vmem>>
          %dma_start3A_389 = tpu.memref_squeeze %dma_start3A_388 : memref<1x25x40xi32, #tpu.memory_space<vmem>> -> memref<25x40xi32, #tpu.memory_space<vmem>>
          %dma_start3A_390 = arith.constant 0 : i32
          %dma_start3A_391 = arith.constant 0 : i32
          %dma_start3A_392 = tpu.memref_slice %arg4[%add3A_349, %dma_start3A_390, %dma_start3A_391] : memref<320x25x40xi32, #tpu.memory_space<hbm>> -> memref<1x25x40xi32, #tpu.memory_space<hbm>>
          %dma_start3A_393 = tpu.memref_squeeze %dma_start3A_392 : memref<1x25x40xi32, #tpu.memory_space<hbm>> -> memref<25x40xi32, #tpu.memory_space<hbm>>
          %dma_start3A_394 = arith.constant 0 : i32
          %dma_start3A_395 = arith.constant 0 : i32
          %dma_start3A_396 = tpu.memref_slice %arg7[%select_n3A_365, %dma_start3A_394, %dma_start3A_395] : memref<2x25x40xi32, #tpu.memory_space<vmem>> -> memref<1x25x40xi32, #tpu.memory_space<vmem>>
          %dma_start3A_397 = tpu.memref_squeeze %dma_start3A_396 : memref<1x25x40xi32, #tpu.memory_space<vmem>> -> memref<25x40xi32, #tpu.memory_space<vmem>>
          %dma_start3A_398 = arith.constant 0 : i32
          %dma_start3A_399 = arith.constant 0 : i32
          %dma_start3A_400 = tpu.memref_slice %arg4[%add3A_349, %dma_start3A_398, %dma_start3A_399] : memref<320x25x40xi32, #tpu.memory_space<hbm>> -> memref<1x25x40xi32, #tpu.memory_space<hbm>>
          %dma_start3A_401 = tpu.memref_squeeze %dma_start3A_400 : memref<1x25x40xi32, #tpu.memory_space<hbm>> -> memref<25x40xi32, #tpu.memory_space<hbm>>
          tpu.enqueue_dma source(%dma_start3A_401 : memref<25x40xi32, #tpu.memory_space<hbm>>) target(%dma_start3A_397 : memref<25x40xi32, #tpu.memory_space<vmem>>) target_semaphore(%run_scoped3A_385 : memref<!tpu.dma_semaphore, #tpu.memory_space<semaphore_mem>>)
          %dma_wait3A_402 = arith.constant 0 : i32
          %dma_wait3A_403 = arith.constant 0 : i32
          %dma_wait3A_404 = tpu.memref_slice %arg7[%select_n3A_365, %dma_wait3A_402, %dma_wait3A_403] : memref<2x25x40xi32, #tpu.memory_space<vmem>> -> memref<1x25x40xi32, #tpu.memory_space<vmem>>
          %dma_wait3A_405 = tpu.memref_squeeze %dma_wait3A_404 : memref<1x25x40xi32, #tpu.memory_space<vmem>> -> memref<25x40xi32, #tpu.memory_space<vmem>>
          %dma_wait3A_406 = arith.constant 0 : i32
          %dma_wait3A_407 = arith.constant 0 : i32
          %dma_wait3A_408 = tpu.memref_slice %arg4[%add3A_349, %dma_wait3A_406, %dma_wait3A_407] : memref<320x25x40xi32, #tpu.memory_space<hbm>> -> memref<1x25x40xi32, #tpu.memory_space<hbm>>
          %dma_wait3A_409 = tpu.memref_squeeze %dma_wait3A_408 : memref<1x25x40xi32, #tpu.memory_space<hbm>> -> memref<25x40xi32, #tpu.memory_space<hbm>>
          %dma_wait3A_410 = arith.constant 0 : i32
          %dma_wait3A_411 = arith.constant 0 : i32
          %dma_wait3A_412 = tpu.memref_slice %arg7[%select_n3A_365, %dma_wait3A_410, %dma_wait3A_411] : memref<2x25x40xi32, #tpu.memory_space<vmem>> -> memref<1x25x40xi32, #tpu.memory_space<vmem>>
          %dma_wait3A_413 = tpu.memref_squeeze %dma_wait3A_412 : memref<1x25x40xi32, #tpu.memory_space<vmem>> -> memref<25x40xi32, #tpu.memory_space<vmem>>
          %dma_wait3A_414 = arith.constant 0 : i32
          %dma_wait3A_415 = arith.constant 0 : i32
          %dma_wait3A_416 = tpu.memref_slice %arg4[%add3A_349, %dma_wait3A_414, %dma_wait3A_415] : memref<320x25x40xi32, #tpu.memory_space<hbm>> -> memref<1x25x40xi32, #tpu.memory_space<hbm>>
          %dma_wait3A_417 = tpu.memref_squeeze %dma_wait3A_416 : memref<1x25x40xi32, #tpu.memory_space<hbm>> -> memref<25x40xi32, #tpu.memory_space<hbm>>
          tpu.wait_dma2 semaphore(%run_scoped3A_385 : memref<!tpu.dma_semaphore, #tpu.memory_space<semaphore_mem>>) src(%dma_wait3A_417 : memref<25x40xi32, #tpu.memory_space<hbm>>) dst(%dma_wait3A_413 : memref<25x40xi32, #tpu.memory_space<vmem>>)
          tpu.yield
        }) : () -> ()
        %mul3A_366 = arith.constant 10 : i32
        %mul3A_367 = arith.muli %add3A, %mul3A_366 : i32
        %add3A_368 = arith.addi %mul3A_367, %add3A_346 : i32
        %jit3A_369 = arith.constant 2 : i32
        %eq3A_370 = arith.constant 0 : i32
        %eq3A_371 = arith.cmpi eq, %jit3A_369, %eq3A_370 : i32
        %jit3A_372 = arith.constant 1 : i32
        %select_n3A_373 = arith.select %eq3A_371, %jit3A_372, %jit3A_369 : i32
        %rem3A_374 = arith.remsi %add3A_346, %select_n3A_373 : i32
        %ne3A_375 = arith.constant 0 : i32
        %ne3A_376 = arith.cmpi ne, %rem3A_374, %ne3A_375 : i32
        %lt3A_377 = arith.constant 0 : i32
        %lt3A_378 = arith.cmpi slt, %rem3A_374, %lt3A_377 : i32
        %lt3A_379 = arith.constant 0 : i32
        %lt3A_380 = arith.cmpi slt, %select_n3A_373, %lt3A_379 : i32
        %ne3A_381 = arith.xori %lt3A_378, %lt3A_380 : i1
        %and3A_382 = arith.andi %ne3A_381, %ne3A_376 : i1
        %add3A_383 = arith.addi %rem3A_374, %select_n3A_373 : i32
        %select_n3A_384 = arith.select %and3A_382, %add3A_383, %rem3A_374 : i32
        "tpu.region"() ({
          %run_scoped3A_385 = tpu.sem_alloc : memref<!tpu.dma_semaphore, #tpu.memory_space<semaphore_mem>>
          %dma_start3A_386 = arith.constant 0 : i32
          %dma_start3A_387 = arith.constant 0 : i32
          %dma_start3A_388 = tpu.memref_slice %arg8[%select_n3A_384, %dma_start3A_386, %dma_start3A_387] : memref<2x25x40xi32, #tpu.memory_space<vmem>> -> memref<1x25x40xi32, #tpu.memory_space<vmem>>
          %dma_start3A_389 = tpu.memref_squeeze %dma_start3A_388 : memref<1x25x40xi32, #tpu.memory_space<vmem>> -> memref<25x40xi32, #tpu.memory_space<vmem>>
          %dma_start3A_390 = arith.constant 0 : i32
          %dma_start3A_391 = arith.constant 0 : i32
          %dma_start3A_392 = tpu.memref_slice %arg5[%add3A_368, %dma_start3A_390, %dma_start3A_391] : memref<320x25x40xi32, #tpu.memory_space<hbm>> -> memref<1x25x40xi32, #tpu.memory_space<hbm>>
          %dma_start3A_393 = tpu.memref_squeeze %dma_start3A_392 : memref<1x25x40xi32, #tpu.memory_space<hbm>> -> memref<25x40xi32, #tpu.memory_space<hbm>>
          %dma_start3A_394 = arith.constant 0 : i32
          %dma_start3A_395 = arith.constant 0 : i32
          %dma_start3A_396 = tpu.memref_slice %arg8[%select_n3A_384, %dma_start3A_394, %dma_start3A_395] : memref<2x25x40xi32, #tpu.memory_space<vmem>> -> memref<1x25x40xi32, #tpu.memory_space<vmem>>
          %dma_start3A_397 = tpu.memref_squeeze %dma_start3A_396 : memref<1x25x40xi32, #tpu.memory_space<vmem>> -> memref<25x40xi32, #tpu.memory_space<vmem>>
          %dma_start3A_398 = arith.constant 0 : i32
          %dma_start3A_399 = arith.constant 0 : i32
          %dma_start3A_400 = tpu.memref_slice %arg5[%add3A_368, %dma_start3A_398, %dma_start3A_399] : memref<320x25x40xi32, #tpu.memory_space<hbm>> -> memref<1x25x40xi32, #tpu.memory_space<hbm>>
          %dma_start3A_401 = tpu.memref_squeeze %dma_start3A_400 : memref<1x25x40xi32, #tpu.memory_space<hbm>> -> memref<25x40xi32, #tpu.memory_space<hbm>>
          tpu.enqueue_dma source(%dma_start3A_401 : memref<25x40xi32, #tpu.memory_space<hbm>>) target(%dma_start3A_397 : memref<25x40xi32, #tpu.memory_space<vmem>>) target_semaphore(%run_scoped3A_385 : memref<!tpu.dma_semaphore, #tpu.memory_space<semaphore_mem>>)
          %dma_wait3A_402 = arith.constant 0 : i32
          %dma_wait3A_403 = arith.constant 0 : i32
          %dma_wait3A_404 = tpu.memref_slice %arg8[%select_n3A_384, %dma_wait3A_402, %dma_wait3A_403] : memref<2x25x40xi32, #tpu.memory_space<vmem>> -> memref<1x25x40xi32, #tpu.memory_space<vmem>>
          %dma_wait3A_405 = tpu.memref_squeeze %dma_wait3A_404 : memref<1x25x40xi32, #tpu.memory_space<vmem>> -> memref<25x40xi32, #tpu.memory_space<vmem>>
          %dma_wait3A_406 = arith.constant 0 : i32
          %dma_wait3A_407 = arith.constant 0 : i32
          %dma_wait3A_408 = tpu.memref_slice %arg5[%add3A_368, %dma_wait3A_406, %dma_wait3A_407] : memref<320x25x40xi32, #tpu.memory_space<hbm>> -> memref<1x25x40xi32, #tpu.memory_space<hbm>>
          %dma_wait3A_409 = tpu.memref_squeeze %dma_wait3A_408 : memref<1x25x40xi32, #tpu.memory_space<hbm>> -> memref<25x40xi32, #tpu.memory_space<hbm>>
          %dma_wait3A_410 = arith.constant 0 : i32
          %dma_wait3A_411 = arith.constant 0 : i32
          %dma_wait3A_412 = tpu.memref_slice %arg8[%select_n3A_384, %dma_wait3A_410, %dma_wait3A_411] : memref<2x25x40xi32, #tpu.memory_space<vmem>> -> memref<1x25x40xi32, #tpu.memory_space<vmem>>
          %dma_wait3A_413 = tpu.memref_squeeze %dma_wait3A_412 : memref<1x25x40xi32, #tpu.memory_space<vmem>> -> memref<25x40xi32, #tpu.memory_space<vmem>>
          %dma_wait3A_414 = arith.constant 0 : i32
          %dma_wait3A_415 = arith.constant 0 : i32
          %dma_wait3A_416 = tpu.memref_slice %arg5[%add3A_368, %dma_wait3A_414, %dma_wait3A_415] : memref<320x25x40xi32, #tpu.memory_space<hbm>> -> memref<1x25x40xi32, #tpu.memory_space<hbm>>
          %dma_wait3A_417 = tpu.memref_squeeze %dma_wait3A_416 : memref<1x25x40xi32, #tpu.memory_space<hbm>> -> memref<25x40xi32, #tpu.memory_space<hbm>>
          tpu.wait_dma2 semaphore(%run_scoped3A_385 : memref<!tpu.dma_semaphore, #tpu.memory_space<semaphore_mem>>) src(%dma_wait3A_417 : memref<25x40xi32, #tpu.memory_space<hbm>>) dst(%dma_wait3A_413 : memref<25x40xi32, #tpu.memory_space<vmem>>)
          tpu.yield
        }) : () -> ()
      } else {
      }
      %scan3A_129 = arith.constant 0 : i32
      %scan3A_130 = arith.constant 0 : i32
      %scan3A_131 = arith.constant 40 : i32
      %scan3A_132 = arith.addi %scan3A_130, %scan3A_131 : i32
      %scan3A_133 = arith.constant 1 : i32
      scf.for %scan3A_321 = %scan3A_130 to %scan3A_132 step %scan3A_133  : i32 {
        %get3A = arith.index_cast %scan3A_321 : i32 to index
        %get3A_322 = arith.constant 0 : index
        %get3A_323 = tpu.vector_load %arg9[%get3A, %get3A_322] {strides = array<i32>} : memref<40x128xf32, #tpu.memory_space<vmem>>, vector<1x16xf32>,
        %get3A_324 = vector.shape_cast %get3A_323 : vector<1x16xf32> to vector<16xf32>
        %get3A_325 = arith.index_cast %scan3A_321 : i32 to index
        %get3A_326 = arith.constant 0 : index
        %get3A_327 = tpu.vector_load %arg11[%get3A_325, %get3A_326] {strides = array<i32>} : memref<40x128xf32, #tpu.memory_space<vmem>>, vector<1x16xf32>,
        %get3A_328 = vector.shape_cast %get3A_327 : vector<1x16xf32> to vector<16xf32>
        %add3A_329 = arith.addf %get3A_324, %get3A_328 : vector<16xf32>
        %max3A = arith.constant 0.000000e+00 : f32
        %max3A_330 = vector.broadcast %max3A : f32 to vector<16xf32>
        %max3A_331 = arith.maximumf %add3A_329, %max3A_330 : vector<16xf32>
        %swap3A = arith.index_cast %scan3A_321 : i32 to index
        %swap3A_332 = arith.constant 0 : index
        %swap3A_333 = tpu.vector_load %arg13[%swap3A, %swap3A_332] {strides = array<i32>} : memref<40x128xf32, #tpu.memory_space<vmem>>, vector<1x16xf32>,
        %swap3A_334 = vector.shape_cast %swap3A_333 : vector<1x16xf32> to vector<16xf32>
        %swap3A_335 = vector.shape_cast %max3A_331 : vector<16xf32> to vector<1x16xf32>
        tpu.vector_store %arg13[%swap3A, %swap3A_332], %swap3A_335 {strides = array<i32>} : memref<40x128xf32, #tpu.memory_space<vmem>>, vector<1x16xf32>,
        %get3A_336 = arith.index_cast %scan3A_321 : i32 to index
        %get3A_337 = arith.constant 16 : index
        %get3A_338 = tpu.vector_load %arg9[%get3A_336, %get3A_337] {strides = array<i32>} : memref<40x128xf32, #tpu.memory_space<vmem>>, vector<1x16xf32>,
        %get3A_339 = vector.shape_cast %get3A_338 : vector<1x16xf32> to vector<16xf32>
        %get3A_340 = arith.index_cast %scan3A_321 : i32 to index
        %get3A_341 = arith.constant 16 : index
        %get3A_342 = tpu.vector_load %arg11[%get3A_340, %get3A_341] {strides = array<i32>} : memref<40x128xf32, #tpu.memory_space<vmem>>, vector<1x16xf32>,
        %get3A_343 = vector.shape_cast %get3A_342 : vector<1x16xf32> to vector<16xf32>
        %add3A_344 = arith.addf %get3A_339, %get3A_343 : vector<16xf32>
        %max3A_345 = arith.constant 0.000000e+00 : f32
        %max3A_346 = vector.broadcast %max3A_345 : f32 to vector<16xf32>
        %max3A_347 = arith.maximumf %add3A_344, %max3A_346 : vector<16xf32>
        %swap3A_348 = arith.index_cast %scan3A_321 : i32 to index
        %swap3A_349 = arith.constant 16 : index
        %swap3A_350 = tpu.vector_load %arg13[%swap3A_348, %swap3A_349] {strides = array<i32>} : memref<40x128xf32, #tpu.memory_space<vmem>>, vector<1x16xf32>,
        %swap3A_351 = vector.shape_cast %swap3A_350 : vector<1x16xf32> to vector<16xf32>
        %swap3A_352 = vector.shape_cast %max3A_347 : vector<16xf32> to vector<1x16xf32>
        tpu.vector_store %arg13[%swap3A_348, %swap3A_349], %swap3A_352 {strides = array<i32>} : memref<40x128xf32, #tpu.memory_space<vmem>>, vector<1x16xf32>,
        %get3A_353 = arith.index_cast %scan3A_321 : i32 to index
        %get3A_354 = arith.constant 32 : index
        %get3A_355 = tpu.vector_load %arg9[%get3A_353, %get3A_354] {strides = array<i32>} : memref<40x128xf32, #tpu.memory_space<vmem>>, vector<1x16xf32>,
        %get3A_356 = vector.shape_cast %get3A_355 : vector<1x16xf32> to vector<16xf32>
        %get3A_357 = arith.index_cast %scan3A_321 : i32 to index
        %get3A_358 = arith.constant 32 : index
        %get3A_359 = tpu.vector_load %arg11[%get3A_357, %get3A_358] {strides = array<i32>} : memref<40x128xf32, #tpu.memory_space<vmem>>, vector<1x16xf32>,
        %get3A_360 = vector.shape_cast %get3A_359 : vector<1x16xf32> to vector<16xf32>
        %add3A_361 = arith.addf %get3A_356, %get3A_360 : vector<16xf32>
        %max3A_362 = arith.constant 0.000000e+00 : f32
        %max3A_363 = vector.broadcast %max3A_362 : f32 to vector<16xf32>
        %max3A_364 = arith.maximumf %add3A_361, %max3A_363 : vector<16xf32>
        %swap3A_365 = arith.index_cast %scan3A_321 : i32 to index
        %swap3A_366 = arith.constant 32 : index
        %swap3A_367 = tpu.vector_load %arg13[%swap3A_365, %swap3A_366] {strides = array<i32>} : memref<40x128xf32, #tpu.memory_space<vmem>>, vector<1x16xf32>,
        %swap3A_368 = vector.shape_cast %swap3A_367 : vector<1x16xf32> to vector<16xf32>
        %swap3A_369 = vector.shape_cast %max3A_364 : vector<16xf32> to vector<1x16xf32>
        tpu.vector_store %arg13[%swap3A_365, %swap3A_366], %swap3A_369 {strides = array<i32>} : memref<40x128xf32, #tpu.memory_space<vmem>>, vector<1x16xf32>,
        %get3A_370 = arith.index_cast %scan3A_321 : i32 to index
        %get3A_371 = arith.constant 48 : index
        %get3A_372 = tpu.vector_load %arg9[%get3A_370, %get3A_371] {strides = array<i32>} : memref<40x128xf32, #tpu.memory_space<vmem>>, vector<1x16xf32>,
        %get3A_373 = vector.shape_cast %get3A_372 : vector<1x16xf32> to vector<16xf32>
        %get3A_374 = arith.index_cast %scan3A_321 : i32 to index
        %get3A_375 = arith.constant 48 : index
        %get3A_376 = tpu.vector_load %arg11[%get3A_374, %get3A_375] {strides = array<i32>} : memref<40x128xf32, #tpu.memory_space<vmem>>, vector<1x16xf32>,
        %get3A_377 = vector.shape_cast %get3A_376 : vector<1x16xf32> to vector<16xf32>
        %add3A_378 = arith.addf %get3A_373, %get3A_377 : vector<16xf32>
        %max3A_379 = arith.constant 0.000000e+00 : f32
        %max3A_380 = vector.broadcast %max3A_379 : f32 to vector<16xf32>
        %max3A_381 = arith.maximumf %add3A_378, %max3A_380 : vector<16xf32>
        %swap3A_382 = arith.index_cast %scan3A_321 : i32 to index
        %swap3A_383 = arith.constant 48 : index
        %swap3A_384 = tpu.vector_load %arg13[%swap3A_382, %swap3A_383] {strides = array<i32>} : memref<40x128xf32, #tpu.memory_space<vmem>>, vector<1x16xf32>,
        %swap3A_385 = vector.shape_cast %swap3A_384 : vector<1x16xf32> to vector<16xf32>
        %swap3A_386 = vector.shape_cast %max3A_381 : vector<16xf32> to vector<1x16xf32>
        tpu.vector_store %arg13[%swap3A_382, %swap3A_383], %swap3A_386 {strides = array<i32>} : memref<40x128xf32, #tpu.memory_space<vmem>>, vector<1x16xf32>,
        %get3A_387 = arith.index_cast %scan3A_321 : i32 to index
        %get3A_388 = arith.constant 64 : index
        %get3A_389 = tpu.vector_load %arg9[%get3A_387, %get3A_388] {strides = array<i32>} : memref<40x128xf32, #tpu.memory_space<vmem>>, vector<1x16xf32>,
        %get3A_390 = vector.shape_cast %get3A_389 : vector<1x16xf32> to vector<16xf32>
        %get3A_391 = arith.index_cast %scan3A_321 : i32 to index
        %get3A_392 = arith.constant 64 : index
        %get3A_393 = tpu.vector_load %arg11[%get3A_391, %get3A_392] {strides = array<i32>} : memref<40x128xf32, #tpu.memory_space<vmem>>, vector<1x16xf32>,
        %get3A_394 = vector.shape_cast %get3A_393 : vector<1x16xf32> to vector<16xf32>
        %add3A_395 = arith.addf %get3A_390, %get3A_394 : vector<16xf32>
        %max3A_396 = arith.constant 0.000000e+00 : f32
        %max3A_397 = vector.broadcast %max3A_396 : f32 to vector<16xf32>
        %max3A_398 = arith.maximumf %add3A_395, %max3A_397 : vector<16xf32>
        %swap3A_399 = arith.index_cast %scan3A_321 : i32 to index
        %swap3A_400 = arith.constant 64 : index
        %swap3A_401 = tpu.vector_load %arg13[%swap3A_399, %swap3A_400] {strides = array<i32>} : memref<40x128xf32, #tpu.memory_space<vmem>>, vector<1x16xf32>,
        %swap3A_402 = vector.shape_cast %swap3A_401 : vector<1x16xf32> to vector<16xf32>
        %swap3A_403 = vector.shape_cast %max3A_398 : vector<16xf32> to vector<1x16xf32>
        tpu.vector_store %arg13[%swap3A_399, %swap3A_400], %swap3A_403 {strides = array<i32>} : memref<40x128xf32, #tpu.memory_space<vmem>>, vector<1x16xf32>,
        %get3A_404 = arith.index_cast %scan3A_321 : i32 to index
        %get3A_405 = arith.constant 80 : index
        %get3A_406 = tpu.vector_load %arg9[%get3A_404, %get3A_405] {strides = array<i32>} : memref<40x128xf32, #tpu.memory_space<vmem>>, vector<1x16xf32>,
        %get3A_407 = vector.shape_cast %get3A_406 : vector<1x16xf32> to vector<16xf32>
        %get3A_408 = arith.index_cast %scan3A_321 : i32 to index
        %get3A_409 = arith.constant 80 : index
        %get3A_410 = tpu.vector_load %arg11[%get3A_408, %get3A_409] {strides = array<i32>} : memref<40x128xf32, #tpu.memory_space<vmem>>, vector<1x16xf32>,
        %get3A_411 = vector.shape_cast %get3A_410 : vector<1x16xf32> to vector<16xf32>
        %add3A_412 = arith.addf %get3A_407, %get3A_411 : vector<16xf32>
        %max3A_413 = arith.constant 0.000000e+00 : f32
        %max3A_414 = vector.broadcast %max3A_413 : f32 to vector<16xf32>
        %max3A_415 = arith.maximumf %add3A_412, %max3A_414 : vector<16xf32>
        %swap3A_416 = arith.index_cast %scan3A_321 : i32 to index
        %swap3A_417 = arith.constant 80 : index
        %swap3A_418 = tpu.vector_load %arg13[%swap3A_416, %swap3A_417] {strides = array<i32>} : memref<40x128xf32, #tpu.memory_space<vmem>>, vector<1x16xf32>,
        %swap3A_419 = vector.shape_cast %swap3A_418 : vector<1x16xf32> to vector<16xf32>
        %swap3A_420 = vector.shape_cast %max3A_415 : vector<16xf32> to vector<1x16xf32>
        tpu.vector_store %arg13[%swap3A_416, %swap3A_417], %swap3A_420 {strides = array<i32>} : memref<40x128xf32, #tpu.memory_space<vmem>>, vector<1x16xf32>,
        %get3A_421 = arith.index_cast %scan3A_321 : i32 to index
        %get3A_422 = arith.constant 96 : index
        %get3A_423 = tpu.vector_load %arg9[%get3A_421, %get3A_422] {strides = array<i32>} : memref<40x128xf32, #tpu.memory_space<vmem>>, vector<1x16xf32>,
        %get3A_424 = vector.shape_cast %get3A_423 : vector<1x16xf32> to vector<16xf32>
        %get3A_425 = arith.index_cast %scan3A_321 : i32 to index
        %get3A_426 = arith.constant 96 : index
        %get3A_427 = tpu.vector_load %arg11[%get3A_425, %get3A_426] {strides = array<i32>} : memref<40x128xf32, #tpu.memory_space<vmem>>, vector<1x16xf32>,
        %get3A_428 = vector.shape_cast %get3A_427 : vector<1x16xf32> to vector<16xf32>
        %add3A_429 = arith.addf %get3A_424, %get3A_428 : vector<16xf32>
        %max3A_430 = arith.constant 0.000000e+00 : f32
        %max3A_431 = vector.broadcast %max3A_430 : f32 to vector<16xf32>
        %max3A_432 = arith.maximumf %add3A_429, %max3A_431 : vector<16xf32>
        %swap3A_433 = arith.index_cast %scan3A_321 : i32 to index
        %swap3A_434 = arith.constant 96 : index
        %swap3A_435 = tpu.vector_load %arg13[%swap3A_433, %swap3A_434] {strides = array<i32>} : memref<40x128xf32, #tpu.memory_space<vmem>>, vector<1x16xf32>,
        %swap3A_436 = vector.shape_cast %swap3A_435 : vector<1x16xf32> to vector<16xf32>
        %swap3A_437 = vector.shape_cast %max3A_432 : vector<16xf32> to vector<1x16xf32>
        tpu.vector_store %arg13[%swap3A_433, %swap3A_434], %swap3A_437 {strides = array<i32>} : memref<40x128xf32, #tpu.memory_space<vmem>>, vector<1x16xf32>,
        %get3A_438 = arith.index_cast %scan3A_321 : i32 to index
        %get3A_439 = arith.constant 112 : index
        %get3A_440 = tpu.vector_load %arg9[%get3A_438, %get3A_439] {strides = array<i32>} : memref<40x128xf32, #tpu.memory_space<vmem>>, vector<1x16xf32>,
        %get3A_441 = vector.shape_cast %get3A_440 : vector<1x16xf32> to vector<16xf32>
        %get3A_442 = arith.index_cast %scan3A_321 : i32 to index
        %get3A_443 = arith.constant 112 : index
        %get3A_444 = tpu.vector_load %arg11[%get3A_442, %get3A_443] {strides = array<i32>} : memref<40x128xf32, #tpu.memory_space<vmem>>, vector<1x16xf32>,
        %get3A_445 = vector.shape_cast %get3A_444 : vector<1x16xf32> to vector<16xf32>
        %add3A_446 = arith.addf %get3A_441, %get3A_445 : vector<16xf32>
        %max3A_447 = arith.constant 0.000000e+00 : f32
        %max3A_448 = vector.broadcast %max3A_447 : f32 to vector<16xf32>
        %max3A_449 = arith.maximumf %add3A_446, %max3A_448 : vector<16xf32>
        %swap3A_450 = arith.index_cast %scan3A_321 : i32 to index
        %swap3A_451 = arith.constant 112 : index
        %swap3A_452 = tpu.vector_load %arg13[%swap3A_450, %swap3A_451] {strides = array<i32>} : memref<40x128xf32, #tpu.memory_space<vmem>>, vector<1x16xf32>,
        %swap3A_453 = vector.shape_cast %swap3A_452 : vector<1x16xf32> to vector<16xf32>
        %swap3A_454 = vector.shape_cast %max3A_449 : vector<16xf32> to vector<1x16xf32>
        tpu.vector_store %arg13[%swap3A_450, %swap3A_451], %swap3A_454 {strides = array<i32>} : memref<40x128xf32, #tpu.memory_space<vmem>>, vector<1x16xf32>,
      }
      %scan3A_134 = arith.constant 40 : i32
      %jit3A_135 = arith.constant 25 : i32
      %div3A = arith.divsi %add3A_92, %jit3A_135 : i32
      %sign3A = arith.constant 0 : i32
      %sign3A_136 = arith.cmpi sgt, %add3A_92, %sign3A : i32
      %sign3A_137 = arith.extui %sign3A_136 : i1 to i32
      %sign3A_138 = arith.constant 0 : i32
      %sign3A_139 = arith.cmpi slt, %add3A_92, %sign3A_138 : i32
      %sign3A_140 = arith.extui %sign3A_139 : i1 to i32
      %sign3A_141 = arith.subi %sign3A_137, %sign3A_140 : i32
      %sign3A_142 = arith.constant 0 : i32
      %sign3A_143 = arith.cmpi sgt, %jit3A_135, %sign3A_142 : i32
      %sign3A_144 = arith.extui %sign3A_143 : i1 to i32
      %sign3A_145 = arith.constant 0 : i32
      %sign3A_146 = arith.cmpi slt, %jit3A_135, %sign3A_145 : i32
      %sign3A_147 = arith.extui %sign3A_146 : i1 to i32
      %sign3A_148 = arith.subi %sign3A_144, %sign3A_147 : i32
      %ne3A_149 = arith.cmpi ne, %sign3A_141, %sign3A_148 : i32
      %rem3A_150 = arith.remsi %add3A_92, %jit3A_135 : i32
      %ne3A_151 = arith.constant 0 : i32
      %ne3A_152 = arith.cmpi ne, %rem3A_150, %ne3A_151 : i32
      %and3A_153 = arith.andi %ne3A_149, %ne3A_152 : i1
      %sub3A = arith.constant 1 : i32
      %sub3A_154 = arith.subi %div3A, %sub3A : i32
      %select_n3A_155 = arith.select %and3A_153, %sub3A_154, %div3A : i32
      %jit3A_156 = arith.constant 2 : i32
      %eq3A_157 = arith.constant 0 : i32
      %eq3A_158 = arith.cmpi eq, %jit3A_156, %eq3A_157 : i32
      %jit3A_159 = arith.constant 1 : i32
      %select_n3A_160 = arith.select %eq3A_158, %jit3A_159, %jit3A_156 : i32
      %rem3A_161 = arith.remsi %select_n3A_155, %select_n3A_160 : i32
      %ne3A_162 = arith.constant 0 : i32
      %ne3A_163 = arith.cmpi ne, %rem3A_161, %ne3A_162 : i32
      %lt3A_164 = arith.constant 0 : i32
      %lt3A_165 = arith.cmpi slt, %rem3A_161, %lt3A_164 : i32
      %lt3A_166 = arith.constant 0 : i32
      %lt3A_167 = arith.cmpi slt, %select_n3A_160, %lt3A_166 : i32
      %ne3A_168 = arith.xori %lt3A_165, %lt3A_167 : i1
      %and3A_169 = arith.andi %ne3A_168, %ne3A_163 : i1
      %add3A_170 = arith.addi %rem3A_161, %select_n3A_160 : i32
      %select_n3A_171 = arith.select %and3A_169, %add3A_170, %rem3A_161 : i32
      %jit3A_172 = arith.constant 25 : i32
      %eq3A_173 = arith.constant 0 : i32
      %eq3A_174 = arith.cmpi eq, %jit3A_172, %eq3A_173 : i32
      %jit3A_175 = arith.constant 1 : i32
      %select_n3A_176 = arith.select %eq3A_174, %jit3A_175, %jit3A_172 : i32
      %rem3A_177 = arith.remsi %add3A_92, %select_n3A_176 : i32
      %ne3A_178 = arith.constant 0 : i32
      %ne3A_179 = arith.cmpi ne, %rem3A_177, %ne3A_178 : i32
      %lt3A_180 = arith.constant 0 : i32
      %lt3A_181 = arith.cmpi slt, %rem3A_177, %lt3A_180 : i32
      %lt3A_182 = arith.constant 0 : i32
      %lt3A_183 = arith.cmpi slt, %select_n3A_176, %lt3A_182 : i32
      %ne3A_184 = arith.xori %lt3A_181, %lt3A_183 : i1
      %and3A_185 = arith.andi %ne3A_184, %ne3A_179 : i1
      %add3A_186 = arith.addi %rem3A_177, %select_n3A_176 : i32
      %select_n3A_187 = arith.select %and3A_185, %add3A_186, %rem3A_177 : i32
      %dma_start3A_188 = arith.constant 0 : i32
      %dma_start3A_189 = tpu.memref_slice %arg8[%select_n3A_171, %select_n3A_187, %dma_start3A_188] : memref<2x25x40xi32, #tpu.memory_space<vmem>> -> memref<1x1x40xi32, #tpu.memory_space<vmem>>
      %dma_start3A_190 = tpu.memref_squeeze %dma_start3A_189 : memref<1x1x40xi32, #tpu.memory_space<vmem>> -> memref<40xi32, #tpu.memory_space<vmem>>
      %dma_start3A_191 = arith.constant 0 : i32
      %dma_start3A_192 = arith.constant 0 : i32
      %dma_start3A_193 = tpu.memref_slice %arg15[%dma_start3A_191, %dma_start3A_192] : memref<10000x128xf32, #tpu.memory_space<vmem_shared>> -> memref<10000x128xf32, #tpu.memory_space<vmem_shared>>
      tpu.enqueue_indirect_dma source(%arg13 : memref<40x128xf32, #tpu.memory_space<vmem>>) target(%dma_start3A_193 : memref<10000x128xf32, #tpu.memory_space<vmem_shared>>) offsets(%dma_start3A_190 : memref<40xi32, #tpu.memory_space<vmem>>) semaphore(%arg20 : memref<!tpu.dma_semaphore, #tpu.memory_space<semaphore_mem>>) {add = true}
      %add3A_194 = arith.constant 2 : i32
      %add3A_195 = arith.addi %add3A_92, %add3A_194 : i32
      %lt3A_196 = arith.constant 250 : i32
      %lt3A_197 = arith.cmpi slt, %add3A_195, %lt3A_196 : i32
      %convert_element_type3A_198 = arith.extui %lt3A_197 : i1 to i32
      %cond3A_199 = arith.constant 0 : i32
      %cond3A_200 = arith.cmpi ne, %convert_element_type3A_198, %cond3A_199 : i32
      scf.if %cond3A_200 {
        %add3A_321 = arith.constant 2 : i32
        %add3A_322 = arith.addi %add3A_92, %add3A_321 : i32
        %jit3A_323 = arith.constant 25 : i32
        %div3A_324 = arith.divsi %add3A_322, %jit3A_323 : i32
        %sign3A_325 = arith.constant 0 : i32
        %sign3A_326 = arith.cmpi sgt, %add3A_322, %sign3A_325 : i32
        %sign3A_327 = arith.extui %sign3A_326 : i1 to i32
        %sign3A_328 = arith.constant 0 : i32
        %sign3A_329 = arith.cmpi slt, %add3A_322, %sign3A_328 : i32
        %sign3A_330 = arith.extui %sign3A_329 : i1 to i32
        %sign3A_331 = arith.subi %sign3A_327, %sign3A_330 : i32
        %sign3A_332 = arith.constant 0 : i32
        %sign3A_333 = arith.cmpi sgt, %jit3A_323, %sign3A_332 : i32
        %sign3A_334 = arith.extui %sign3A_333 : i1 to i32
        %sign3A_335 = arith.constant 0 : i32
        %sign3A_336 = arith.cmpi slt, %jit3A_323, %sign3A_335 : i32
        %sign3A_337 = arith.extui %sign3A_336 : i1 to i32
        %sign3A_338 = arith.subi %sign3A_334, %sign3A_337 : i32
        %ne3A_339 = arith.cmpi ne, %sign3A_331, %sign3A_338 : i32
        %rem3A_340 = arith.remsi %add3A_322, %jit3A_323 : i32
        %ne3A_341 = arith.constant 0 : i32
        %ne3A_342 = arith.cmpi ne, %rem3A_340, %ne3A_341 : i32
        %and3A_343 = arith.andi %ne3A_339, %ne3A_342 : i1
        %sub3A_344 = arith.constant 1 : i32
        %sub3A_345 = arith.subi %div3A_324, %sub3A_344 : i32
        %select_n3A_346 = arith.select %and3A_343, %sub3A_345, %div3A_324 : i32
        %jit3A_347 = arith.constant 2 : i32
        %eq3A_348 = arith.constant 0 : i32
        %eq3A_349 = arith.cmpi eq, %jit3A_347, %eq3A_348 : i32
        %jit3A_350 = arith.constant 1 : i32
        %select_n3A_351 = arith.select %eq3A_349, %jit3A_350, %jit3A_347 : i32
        %rem3A_352 = arith.remsi %select_n3A_346, %select_n3A_351 : i32
        %ne3A_353 = arith.constant 0 : i32
        %ne3A_354 = arith.cmpi ne, %rem3A_352, %ne3A_353 : i32
        %lt3A_355 = arith.constant 0 : i32
        %lt3A_356 = arith.cmpi slt, %rem3A_352, %lt3A_355 : i32
        %lt3A_357 = arith.constant 0 : i32
        %lt3A_358 = arith.cmpi slt, %select_n3A_351, %lt3A_357 : i32
        %ne3A_359 = arith.xori %lt3A_356, %lt3A_358 : i1
        %and3A_360 = arith.andi %ne3A_359, %ne3A_354 : i1
        %add3A_361 = arith.addi %rem3A_352, %select_n3A_351 : i32
        %select_n3A_362 = arith.select %and3A_360, %add3A_361, %rem3A_352 : i32
        %jit3A_363 = arith.constant 25 : i32
        %eq3A_364 = arith.constant 0 : i32
        %eq3A_365 = arith.cmpi eq, %jit3A_363, %eq3A_364 : i32
        %jit3A_366 = arith.constant 1 : i32
        %select_n3A_367 = arith.select %eq3A_365, %jit3A_366, %jit3A_363 : i32
        %rem3A_368 = arith.remsi %add3A_322, %select_n3A_367 : i32
        %ne3A_369 = arith.constant 0 : i32
        %ne3A_370 = arith.cmpi ne, %rem3A_368, %ne3A_369 : i32
        %lt3A_371 = arith.constant 0 : i32
        %lt3A_372 = arith.cmpi slt, %rem3A_368, %lt3A_371 : i32
        %lt3A_373 = arith.constant 0 : i32
        %lt3A_374 = arith.cmpi slt, %select_n3A_367, %lt3A_373 : i32
        %ne3A_375 = arith.xori %lt3A_372, %lt3A_374 : i1
        %and3A_376 = arith.andi %ne3A_375, %ne3A_370 : i1
        %add3A_377 = arith.addi %rem3A_368, %select_n3A_367 : i32
        %select_n3A_378 = arith.select %and3A_376, %add3A_377, %rem3A_368 : i32
        %dma_start3A_379 = arith.constant 0 : i32
        %dma_start3A_380 = tpu.memref_slice %arg7[%select_n3A_362, %select_n3A_378, %dma_start3A_379] : memref<2x25x40xi32, #tpu.memory_space<vmem>> -> memref<1x1x40xi32, #tpu.memory_space<vmem>>
        %dma_start3A_381 = tpu.memref_squeeze %dma_start3A_380 : memref<1x1x40xi32, #tpu.memory_space<vmem>> -> memref<40xi32, #tpu.memory_space<vmem>>
        %dma_start3A_382 = arith.constant 0 : i32
        %dma_start3A_383 = arith.constant 0 : i32
        %dma_start3A_384 = tpu.memref_slice %arg2[%dma_start3A_382, %dma_start3A_383] : memref<10000x128xf32, #tpu.memory_space<hbm>> -> memref<10000x128xf32, #tpu.memory_space<hbm>>
        tpu.enqueue_indirect_dma source(%dma_start3A_384 : memref<10000x128xf32, #tpu.memory_space<hbm>>) target(%arg9 : memref<40x128xf32, #tpu.memory_space<vmem>>) offsets(%dma_start3A_381 : memref<40xi32, #tpu.memory_space<vmem>>) semaphore(%arg16 : memref<!tpu.dma_semaphore, #tpu.memory_space<semaphore_mem>>)
        %add3A_385 = arith.addi %mul3A_27, %add3A_322 : i32
        %mul3A_386 = arith.constant 40 : i32
        %mul3A_387 = arith.muli %add3A_385, %mul3A_386 : i32
        %dma_start3A_388 = arith.constant 0 : i32
        %dma_start3A_389 = tpu.memref_slice %arg3[%mul3A_387, %dma_start3A_388] : memref<320000x128xf32, #tpu.memory_space<hbm>> -> memref<40x128xf32, #tpu.memory_space<hbm>>
        %dma_start3A_390 = arith.constant 0 : i32
        %dma_start3A_391 = tpu.memref_slice %arg3[%mul3A_387, %dma_start3A_390] : memref<320000x128xf32, #tpu.memory_space<hbm>> -> memref<40x128xf32, #tpu.memory_space<hbm>>
        tpu.enqueue_dma source(%dma_start3A_391 : memref<40x128xf32, #tpu.memory_space<hbm>>) target(%arg11 : memref<40x128xf32, #tpu.memory_space<vmem>>) target_semaphore(%arg18 : memref<!tpu.dma_semaphore, #tpu.memory_space<semaphore_mem>>)
      } else {
      }
      %mul3A_201 = arith.constant 2 : i32
      %mul3A_202 = arith.muli %mul3A_201, %scan3A_88 : i32
      %add3A_203 = arith.constant 1 : i32
      %add3A_204 = arith.addi %mul3A_202, %add3A_203 : i32
      %ge3A_205 = arith.constant 2 : i32
      %ge3A_206 = arith.cmpi sge, %add3A_204, %ge3A_205 : i32
      %convert_element_type3A_207 = arith.extui %ge3A_206 : i1 to i32
      %cond3A_208 = arith.constant 0 : i32
      %cond3A_209 = arith.cmpi ne, %convert_element_type3A_207, %cond3A_208 : i32
      scf.if %cond3A_209 {
        %dma_wait3A_321 = arith.constant 0 : i32
        %dma_wait3A_322 = arith.constant 0 : i32
        %dma_wait3A_323 = tpu.memref_slice %arg3[%dma_wait3A_321, %dma_wait3A_322] : memref<320000x128xf32, #tpu.memory_space<hbm>> -> memref<40x128xf32, #tpu.memory_space<hbm>>
        %dma_wait3A_324 = arith.constant 0 : i32
        %dma_wait3A_325 = arith.constant 0 : i32
        %dma_wait3A_326 = tpu.memref_slice %arg3[%dma_wait3A_324, %dma_wait3A_325] : memref<320000x128xf32, #tpu.memory_space<hbm>> -> memref<40x128xf32, #tpu.memory_space<hbm>>
        tpu.wait_dma2 semaphore(%arg21 : memref<!tpu.dma_semaphore, #tpu.memory_space<semaphore_mem>>) src(%dma_wait3A_326 : memref<40x128xf32, #tpu.memory_space<hbm>>) dst(%arg14 : memref<40x128xf32, #tpu.memory_space<vmem>>)
      } else {
      }
      %dma_wait3A_210 = arith.constant 0 : i32
      %dma_wait3A_211 = arith.constant 0 : i32
      %dma_wait3A_212 = tpu.memref_slice %arg3[%dma_wait3A_210, %dma_wait3A_211] : memref<320000x128xf32, #tpu.memory_space<hbm>> -> memref<40x128xf32, #tpu.memory_space<hbm>>
      %dma_wait3A_213 = arith.constant 0 : i32
      %dma_wait3A_214 = arith.constant 0 : i32
      %dma_wait3A_215 = tpu.memref_slice %arg3[%dma_wait3A_213, %dma_wait3A_214] : memref<320000x128xf32, #tpu.memory_space<hbm>> -> memref<40x128xf32, #tpu.memory_space<hbm>>
      tpu.wait_dma2 semaphore(%arg17 : memref<!tpu.dma_semaphore, #tpu.memory_space<semaphore_mem>>) src(%dma_wait3A_215 : memref<40x128xf32, #tpu.memory_space<hbm>>) dst(%arg10 : memref<40x128xf32, #tpu.memory_space<vmem>>)
      %dma_wait3A_216 = arith.constant 0 : i32
      %dma_wait3A_217 = arith.constant 0 : i32
      %dma_wait3A_218 = tpu.memref_slice %arg3[%dma_wait3A_216, %dma_wait3A_217] : memref<320000x128xf32, #tpu.memory_space<hbm>> -> memref<40x128xf32, #tpu.memory_space<hbm>>
      %dma_wait3A_219 = arith.constant 0 : i32
      %dma_wait3A_220 = arith.constant 0 : i32
      %dma_wait3A_221 = tpu.memref_slice %arg3[%dma_wait3A_219, %dma_wait3A_220] : memref<320000x128xf32, #tpu.memory_space<hbm>> -> memref<40x128xf32, #tpu.memory_space<hbm>>
      tpu.wait_dma2 semaphore(%arg19 : memref<!tpu.dma_semaphore, #tpu.memory_space<semaphore_mem>>) src(%dma_wait3A_221 : memref<40x128xf32, #tpu.memory_space<hbm>>) dst(%arg12 : memref<40x128xf32, #tpu.memory_space<vmem>>)
      %jit3A_222 = arith.constant 25 : i32
      %eq3A_223 = arith.constant 0 : i32
      %eq3A_224 = arith.cmpi eq, %jit3A_222, %eq3A_223 : i32
      %jit3A_225 = arith.constant 1 : i32
      %select_n3A_226 = arith.select %eq3A_224, %jit3A_225, %jit3A_222 : i32
      %rem3A_227 = arith.remsi %add3A_204, %select_n3A_226 : i32
      %ne3A_228 = arith.constant 0 : i32
      %ne3A_229 = arith.cmpi ne, %rem3A_227, %ne3A_228 : i32
      %lt3A_230 = arith.constant 0 : i32
      %lt3A_231 = arith.cmpi slt, %rem3A_227, %lt3A_230 : i32
      %lt3A_232 = arith.constant 0 : i32
      %lt3A_233 = arith.cmpi slt, %select_n3A_226, %lt3A_232 : i32
      %ne3A_234 = arith.xori %lt3A_231, %lt3A_233 : i1
      %and3A_235 = arith.andi %ne3A_234, %ne3A_229 : i1
      %add3A_236 = arith.addi %rem3A_227, %select_n3A_226 : i32
      %select_n3A_237 = arith.select %and3A_235, %add3A_236, %rem3A_227 : i32
      %eq3A_238 = arith.constant 3 : i32
      %eq3A_239 = arith.cmpi eq, %select_n3A_237, %eq3A_238 : i32
      %lt3A_240 = arith.constant 225 : i32
      %lt3A_241 = arith.cmpi slt, %add3A_204, %lt3A_240 : i32
      %and3A_242 = arith.andi %eq3A_239, %lt3A_241 : i1
      %convert_element_type3A_243 = arith.extui %and3A_242 : i1 to i32
      %cond3A_244 = arith.constant 0 : i32
      %cond3A_245 = arith.cmpi ne, %convert_element_type3A_243, %cond3A_244 : i32
      scf.if %cond3A_245 {
        %jit3A_321 = arith.constant 25 : i32
        %div3A_322 = arith.divsi %add3A_204, %jit3A_321 : i32
        %sign3A_323 = arith.constant 0 : i32
        %sign3A_324 = arith.cmpi sgt, %add3A_204, %sign3A_323 : i32
        %sign3A_325 = arith.extui %sign3A_324 : i1 to i32
        %sign3A_326 = arith.constant 0 : i32
        %sign3A_327 = arith.cmpi slt, %add3A_204, %sign3A_326 : i32
        %sign3A_328 = arith.extui %sign3A_327 : i1 to i32
        %sign3A_329 = arith.subi %sign3A_325, %sign3A_328 : i32
        %sign3A_330 = arith.constant 0 : i32
        %sign3A_331 = arith.cmpi sgt, %jit3A_321, %sign3A_330 : i32
        %sign3A_332 = arith.extui %sign3A_331 : i1 to i32
        %sign3A_333 = arith.constant 0 : i32
        %sign3A_334 = arith.cmpi slt, %jit3A_321, %sign3A_333 : i32
        %sign3A_335 = arith.extui %sign3A_334 : i1 to i32
        %sign3A_336 = arith.subi %sign3A_332, %sign3A_335 : i32
        %ne3A_337 = arith.cmpi ne, %sign3A_329, %sign3A_336 : i32
        %rem3A_338 = arith.remsi %add3A_204, %jit3A_321 : i32
        %ne3A_339 = arith.constant 0 : i32
        %ne3A_340 = arith.cmpi ne, %rem3A_338, %ne3A_339 : i32
        %and3A_341 = arith.andi %ne3A_337, %ne3A_340 : i1
        %sub3A_342 = arith.constant 1 : i32
        %sub3A_343 = arith.subi %div3A_322, %sub3A_342 : i32
        %select_n3A_344 = arith.select %and3A_341, %sub3A_343, %div3A_322 : i32
        %add3A_345 = arith.constant 1 : i32
        %add3A_346 = arith.addi %select_n3A_344, %add3A_345 : i32
        %mul3A_347 = arith.constant 10 : i32
        %mul3A_348 = arith.muli %add3A, %mul3A_347 : i32
        %add3A_349 = arith.addi %mul3A_348, %add3A_346 : i32
        %jit3A_350 = arith.constant 2 : i32
        %eq3A_351 = arith.constant 0 : i32
        %eq3A_352 = arith.cmpi eq, %jit3A_350, %eq3A_351 : i32
        %jit3A_353 = arith.constant 1 : i32
        %select_n3A_354 = arith.select %eq3A_352, %jit3A_353, %jit3A_350 : i32
        %rem3A_355 = arith.remsi %add3A_346, %select_n3A_354 : i32
        %ne3A_356 = arith.constant 0 : i32
        %ne3A_357 = arith.cmpi ne, %rem3A_355, %ne3A_356 : i32
        %lt3A_358 = arith.constant 0 : i32
        %lt3A_359 = arith.cmpi slt, %rem3A_355, %lt3A_358 : i32
        %lt3A_360 = arith.constant 0 : i32
        %lt3A_361 = arith.cmpi slt, %select_n3A_354, %lt3A_360 : i32
        %ne3A_362 = arith.xori %lt3A_359, %lt3A_361 : i1
        %and3A_363 = arith.andi %ne3A_362, %ne3A_357 : i1
        %add3A_364 = arith.addi %rem3A_355, %select_n3A_354 : i32
        %select_n3A_365 = arith.select %and3A_363, %add3A_364, %rem3A_355 : i32
        "tpu.region"() ({
          %run_scoped3A_385 = tpu.sem_alloc : memref<!tpu.dma_semaphore, #tpu.memory_space<semaphore_mem>>
          %dma_start3A_386 = arith.constant 0 : i32
          %dma_start3A_387 = arith.constant 0 : i32
          %dma_start3A_388 = tpu.memref_slice %arg7[%select_n3A_365, %dma_start3A_386, %dma_start3A_387] : memref<2x25x40xi32, #tpu.memory_space<vmem>> -> memref<1x25x40xi32, #tpu.memory_space<vmem>>
          %dma_start3A_389 = tpu.memref_squeeze %dma_start3A_388 : memref<1x25x40xi32, #tpu.memory_space<vmem>> -> memref<25x40xi32, #tpu.memory_space<vmem>>
          %dma_start3A_390 = arith.constant 0 : i32
          %dma_start3A_391 = arith.constant 0 : i32
          %dma_start3A_392 = tpu.memref_slice %arg4[%add3A_349, %dma_start3A_390, %dma_start3A_391] : memref<320x25x40xi32, #tpu.memory_space<hbm>> -> memref<1x25x40xi32, #tpu.memory_space<hbm>>
          %dma_start3A_393 = tpu.memref_squeeze %dma_start3A_392 : memref<1x25x40xi32, #tpu.memory_space<hbm>> -> memref<25x40xi32, #tpu.memory_space<hbm>>
          %dma_start3A_394 = arith.constant 0 : i32
          %dma_start3A_395 = arith.constant 0 : i32
          %dma_start3A_396 = tpu.memref_slice %arg7[%select_n3A_365, %dma_start3A_394, %dma_start3A_395] : memref<2x25x40xi32, #tpu.memory_space<vmem>> -> memref<1x25x40xi32, #tpu.memory_space<vmem>>
          %dma_start3A_397 = tpu.memref_squeeze %dma_start3A_396 : memref<1x25x40xi32, #tpu.memory_space<vmem>> -> memref<25x40xi32, #tpu.memory_space<vmem>>
          %dma_start3A_398 = arith.constant 0 : i32
          %dma_start3A_399 = arith.constant 0 : i32
          %dma_start3A_400 = tpu.memref_slice %arg4[%add3A_349, %dma_start3A_398, %dma_start3A_399] : memref<320x25x40xi32, #tpu.memory_space<hbm>> -> memref<1x25x40xi32, #tpu.memory_space<hbm>>
          %dma_start3A_401 = tpu.memref_squeeze %dma_start3A_400 : memref<1x25x40xi32, #tpu.memory_space<hbm>> -> memref<25x40xi32, #tpu.memory_space<hbm>>
          tpu.enqueue_dma source(%dma_start3A_401 : memref<25x40xi32, #tpu.memory_space<hbm>>) target(%dma_start3A_397 : memref<25x40xi32, #tpu.memory_space<vmem>>) target_semaphore(%run_scoped3A_385 : memref<!tpu.dma_semaphore, #tpu.memory_space<semaphore_mem>>)
          %dma_wait3A_402 = arith.constant 0 : i32
          %dma_wait3A_403 = arith.constant 0 : i32
          %dma_wait3A_404 = tpu.memref_slice %arg7[%select_n3A_365, %dma_wait3A_402, %dma_wait3A_403] : memref<2x25x40xi32, #tpu.memory_space<vmem>> -> memref<1x25x40xi32, #tpu.memory_space<vmem>>
          %dma_wait3A_405 = tpu.memref_squeeze %dma_wait3A_404 : memref<1x25x40xi32, #tpu.memory_space<vmem>> -> memref<25x40xi32, #tpu.memory_space<vmem>>
          %dma_wait3A_406 = arith.constant 0 : i32
          %dma_wait3A_407 = arith.constant 0 : i32
          %dma_wait3A_408 = tpu.memref_slice %arg4[%add3A_349, %dma_wait3A_406, %dma_wait3A_407] : memref<320x25x40xi32, #tpu.memory_space<hbm>> -> memref<1x25x40xi32, #tpu.memory_space<hbm>>
          %dma_wait3A_409 = tpu.memref_squeeze %dma_wait3A_408 : memref<1x25x40xi32, #tpu.memory_space<hbm>> -> memref<25x40xi32, #tpu.memory_space<hbm>>
          %dma_wait3A_410 = arith.constant 0 : i32
          %dma_wait3A_411 = arith.constant 0 : i32
          %dma_wait3A_412 = tpu.memref_slice %arg7[%select_n3A_365, %dma_wait3A_410, %dma_wait3A_411] : memref<2x25x40xi32, #tpu.memory_space<vmem>> -> memref<1x25x40xi32, #tpu.memory_space<vmem>>
          %dma_wait3A_413 = tpu.memref_squeeze %dma_wait3A_412 : memref<1x25x40xi32, #tpu.memory_space<vmem>> -> memref<25x40xi32, #tpu.memory_space<vmem>>
          %dma_wait3A_414 = arith.constant 0 : i32
          %dma_wait3A_415 = arith.constant 0 : i32
          %dma_wait3A_416 = tpu.memref_slice %arg4[%add3A_349, %dma_wait3A_414, %dma_wait3A_415] : memref<320x25x40xi32, #tpu.memory_space<hbm>> -> memref<1x25x40xi32, #tpu.memory_space<hbm>>
          %dma_wait3A_417 = tpu.memref_squeeze %dma_wait3A_416 : memref<1x25x40xi32, #tpu.memory_space<hbm>> -> memref<25x40xi32, #tpu.memory_space<hbm>>
          tpu.wait_dma2 semaphore(%run_scoped3A_385 : memref<!tpu.dma_semaphore, #tpu.memory_space<semaphore_mem>>) src(%dma_wait3A_417 : memref<25x40xi32, #tpu.memory_space<hbm>>) dst(%dma_wait3A_413 : memref<25x40xi32, #tpu.memory_space<vmem>>)
          tpu.yield
        }) : () -> ()
        %mul3A_366 = arith.constant 10 : i32
        %mul3A_367 = arith.muli %add3A, %mul3A_366 : i32
        %add3A_368 = arith.addi %mul3A_367, %add3A_346 : i32
        %jit3A_369 = arith.constant 2 : i32
        %eq3A_370 = arith.constant 0 : i32
        %eq3A_371 = arith.cmpi eq, %jit3A_369, %eq3A_370 : i32
        %jit3A_372 = arith.constant 1 : i32
        %select_n3A_373 = arith.select %eq3A_371, %jit3A_372, %jit3A_369 : i32
        %rem3A_374 = arith.remsi %add3A_346, %select_n3A_373 : i32
        %ne3A_375 = arith.constant 0 : i32
        %ne3A_376 = arith.cmpi ne, %rem3A_374, %ne3A_375 : i32
        %lt3A_377 = arith.constant 0 : i32
        %lt3A_378 = arith.cmpi slt, %rem3A_374, %lt3A_377 : i32
        %lt3A_379 = arith.constant 0 : i32
        %lt3A_380 = arith.cmpi slt, %select_n3A_373, %lt3A_379 : i32
        %ne3A_381 = arith.xori %lt3A_378, %lt3A_380 : i1
        %and3A_382 = arith.andi %ne3A_381, %ne3A_376 : i1
        %add3A_383 = arith.addi %rem3A_374, %select_n3A_373 : i32
        %select_n3A_384 = arith.select %and3A_382, %add3A_383, %rem3A_374 : i32
        "tpu.region"() ({
          %run_scoped3A_385 = tpu.sem_alloc : memref<!tpu.dma_semaphore, #tpu.memory_space<semaphore_mem>>
          %dma_start3A_386 = arith.constant 0 : i32
          %dma_start3A_387 = arith.constant 0 : i32
          %dma_start3A_388 = tpu.memref_slice %arg8[%select_n3A_384, %dma_start3A_386, %dma_start3A_387] : memref<2x25x40xi32, #tpu.memory_space<vmem>> -> memref<1x25x40xi32, #tpu.memory_space<vmem>>
          %dma_start3A_389 = tpu.memref_squeeze %dma_start3A_388 : memref<1x25x40xi32, #tpu.memory_space<vmem>> -> memref<25x40xi32, #tpu.memory_space<vmem>>
          %dma_start3A_390 = arith.constant 0 : i32
          %dma_start3A_391 = arith.constant 0 : i32
          %dma_start3A_392 = tpu.memref_slice %arg5[%add3A_368, %dma_start3A_390, %dma_start3A_391] : memref<320x25x40xi32, #tpu.memory_space<hbm>> -> memref<1x25x40xi32, #tpu.memory_space<hbm>>
          %dma_start3A_393 = tpu.memref_squeeze %dma_start3A_392 : memref<1x25x40xi32, #tpu.memory_space<hbm>> -> memref<25x40xi32, #tpu.memory_space<hbm>>
          %dma_start3A_394 = arith.constant 0 : i32
          %dma_start3A_395 = arith.constant 0 : i32
          %dma_start3A_396 = tpu.memref_slice %arg8[%select_n3A_384, %dma_start3A_394, %dma_start3A_395] : memref<2x25x40xi32, #tpu.memory_space<vmem>> -> memref<1x25x40xi32, #tpu.memory_space<vmem>>
          %dma_start3A_397 = tpu.memref_squeeze %dma_start3A_396 : memref<1x25x40xi32, #tpu.memory_space<vmem>> -> memref<25x40xi32, #tpu.memory_space<vmem>>
          %dma_start3A_398 = arith.constant 0 : i32
          %dma_start3A_399 = arith.constant 0 : i32
          %dma_start3A_400 = tpu.memref_slice %arg5[%add3A_368, %dma_start3A_398, %dma_start3A_399] : memref<320x25x40xi32, #tpu.memory_space<hbm>> -> memref<1x25x40xi32, #tpu.memory_space<hbm>>
          %dma_start3A_401 = tpu.memref_squeeze %dma_start3A_400 : memref<1x25x40xi32, #tpu.memory_space<hbm>> -> memref<25x40xi32, #tpu.memory_space<hbm>>
          tpu.enqueue_dma source(%dma_start3A_401 : memref<25x40xi32, #tpu.memory_space<hbm>>) target(%dma_start3A_397 : memref<25x40xi32, #tpu.memory_space<vmem>>) target_semaphore(%run_scoped3A_385 : memref<!tpu.dma_semaphore, #tpu.memory_space<semaphore_mem>>)
          %dma_wait3A_402 = arith.constant 0 : i32
          %dma_wait3A_403 = arith.constant 0 : i32
          %dma_wait3A_404 = tpu.memref_slice %arg8[%select_n3A_384, %dma_wait3A_402, %dma_wait3A_403] : memref<2x25x40xi32, #tpu.memory_space<vmem>> -> memref<1x25x40xi32, #tpu.memory_space<vmem>>
          %dma_wait3A_405 = tpu.memref_squeeze %dma_wait3A_404 : memref<1x25x40xi32, #tpu.memory_space<vmem>> -> memref<25x40xi32, #tpu.memory_space<vmem>>
          %dma_wait3A_406 = arith.constant 0 : i32
          %dma_wait3A_407 = arith.constant 0 : i32
          %dma_wait3A_408 = tpu.memref_slice %arg5[%add3A_368, %dma_wait3A_406, %dma_wait3A_407] : memref<320x25x40xi32, #tpu.memory_space<hbm>> -> memref<1x25x40xi32, #tpu.memory_space<hbm>>
          %dma_wait3A_409 = tpu.memref_squeeze %dma_wait3A_408 : memref<1x25x40xi32, #tpu.memory_space<hbm>> -> memref<25x40xi32, #tpu.memory_space<hbm>>
          %dma_wait3A_410 = arith.constant 0 : i32
          %dma_wait3A_411 = arith.constant 0 : i32
          %dma_wait3A_412 = tpu.memref_slice %arg8[%select_n3A_384, %dma_wait3A_410, %dma_wait3A_411] : memref<2x25x40xi32, #tpu.memory_space<vmem>> -> memref<1x25x40xi32, #tpu.memory_space<vmem>>
          %dma_wait3A_413 = tpu.memref_squeeze %dma_wait3A_412 : memref<1x25x40xi32, #tpu.memory_space<vmem>> -> memref<25x40xi32, #tpu.memory_space<vmem>>
          %dma_wait3A_414 = arith.constant 0 : i32
          %dma_wait3A_415 = arith.constant 0 : i32
          %dma_wait3A_416 = tpu.memref_slice %arg5[%add3A_368, %dma_wait3A_414, %dma_wait3A_415] : memref<320x25x40xi32, #tpu.memory_space<hbm>> -> memref<1x25x40xi32, #tpu.memory_space<hbm>>
          %dma_wait3A_417 = tpu.memref_squeeze %dma_wait3A_416 : memref<1x25x40xi32, #tpu.memory_space<hbm>> -> memref<25x40xi32, #tpu.memory_space<hbm>>
          tpu.wait_dma2 semaphore(%run_scoped3A_385 : memref<!tpu.dma_semaphore, #tpu.memory_space<semaphore_mem>>) src(%dma_wait3A_417 : memref<25x40xi32, #tpu.memory_space<hbm>>) dst(%dma_wait3A_413 : memref<25x40xi32, #tpu.memory_space<vmem>>)
          tpu.yield
        }) : () -> ()
      } else {
      }
      %scan3A_246 = arith.constant 0 : i32
      %scan3A_247 = arith.constant 0 : i32
      %scan3A_248 = arith.constant 40 : i32
      %scan3A_249 = arith.addi %scan3A_247, %scan3A_248 : i32
      %scan3A_250 = arith.constant 1 : i32
      scf.for %scan3A_321 = %scan3A_247 to %scan3A_249 step %scan3A_250  : i32 {
        %get3A = arith.index_cast %scan3A_321 : i32 to index
        %get3A_322 = arith.constant 0 : index
        %get3A_323 = tpu.vector_load %arg10[%get3A, %get3A_322] {strides = array<i32>} : memref<40x128xf32, #tpu.memory_space<vmem>>, vector<1x16xf32>,
        %get3A_324 = vector.shape_cast %get3A_323 : vector<1x16xf32> to vector<16xf32>
        %get3A_325 = arith.index_cast %scan3A_321 : i32 to index
        %get3A_326 = arith.constant 0 : index
        %get3A_327 = tpu.vector_load %arg12[%get3A_325, %get3A_326] {strides = array<i32>} : memref<40x128xf32, #tpu.memory_space<vmem>>, vector<1x16xf32>,
        %get3A_328 = vector.shape_cast %get3A_327 : vector<1x16xf32> to vector<16xf32>
        %add3A_329 = arith.addf %get3A_324, %get3A_328 : vector<16xf32>
        %max3A = arith.constant 0.000000e+00 : f32
        %max3A_330 = vector.broadcast %max3A : f32 to vector<16xf32>
        %max3A_331 = arith.maximumf %add3A_329, %max3A_330 : vector<16xf32>
        %swap3A = arith.index_cast %scan3A_321 : i32 to index
        %swap3A_332 = arith.constant 0 : index
        %swap3A_333 = tpu.vector_load %arg14[%swap3A, %swap3A_332] {strides = array<i32>} : memref<40x128xf32, #tpu.memory_space<vmem>>, vector<1x16xf32>,
        %swap3A_334 = vector.shape_cast %swap3A_333 : vector<1x16xf32> to vector<16xf32>
        %swap3A_335 = vector.shape_cast %max3A_331 : vector<16xf32> to vector<1x16xf32>
        tpu.vector_store %arg14[%swap3A, %swap3A_332], %swap3A_335 {strides = array<i32>} : memref<40x128xf32, #tpu.memory_space<vmem>>, vector<1x16xf32>,
        %get3A_336 = arith.index_cast %scan3A_321 : i32 to index
        %get3A_337 = arith.constant 16 : index
        %get3A_338 = tpu.vector_load %arg10[%get3A_336, %get3A_337] {strides = array<i32>} : memref<40x128xf32, #tpu.memory_space<vmem>>, vector<1x16xf32>,
        %get3A_339 = vector.shape_cast %get3A_338 : vector<1x16xf32> to vector<16xf32>
        %get3A_340 = arith.index_cast %scan3A_321 : i32 to index
        %get3A_341 = arith.constant 16 : index
        %get3A_342 = tpu.vector_load %arg12[%get3A_340, %get3A_341] {strides = array<i32>} : memref<40x128xf32, #tpu.memory_space<vmem>>, vector<1x16xf32>,
        %get3A_343 = vector.shape_cast %get3A_342 : vector<1x16xf32> to vector<16xf32>
        %add3A_344 = arith.addf %get3A_339, %get3A_343 : vector<16xf32>
        %max3A_345 = arith.constant 0.000000e+00 : f32
        %max3A_346 = vector.broadcast %max3A_345 : f32 to vector<16xf32>
        %max3A_347 = arith.maximumf %add3A_344, %max3A_346 : vector<16xf32>
        %swap3A_348 = arith.index_cast %scan3A_321 : i32 to index
        %swap3A_349 = arith.constant 16 : index
        %swap3A_350 = tpu.vector_load %arg14[%swap3A_348, %swap3A_349] {strides = array<i32>} : memref<40x128xf32, #tpu.memory_space<vmem>>, vector<1x16xf32>,
        %swap3A_351 = vector.shape_cast %swap3A_350 : vector<1x16xf32> to vector<16xf32>
        %swap3A_352 = vector.shape_cast %max3A_347 : vector<16xf32> to vector<1x16xf32>
        tpu.vector_store %arg14[%swap3A_348, %swap3A_349], %swap3A_352 {strides = array<i32>} : memref<40x128xf32, #tpu.memory_space<vmem>>, vector<1x16xf32>,
        %get3A_353 = arith.index_cast %scan3A_321 : i32 to index
        %get3A_354 = arith.constant 32 : index
        %get3A_355 = tpu.vector_load %arg10[%get3A_353, %get3A_354] {strides = array<i32>} : memref<40x128xf32, #tpu.memory_space<vmem>>, vector<1x16xf32>,
        %get3A_356 = vector.shape_cast %get3A_355 : vector<1x16xf32> to vector<16xf32>
        %get3A_357 = arith.index_cast %scan3A_321 : i32 to index
        %get3A_358 = arith.constant 32 : index
        %get3A_359 = tpu.vector_load %arg12[%get3A_357, %get3A_358] {strides = array<i32>} : memref<40x128xf32, #tpu.memory_space<vmem>>, vector<1x16xf32>,
        %get3A_360 = vector.shape_cast %get3A_359 : vector<1x16xf32> to vector<16xf32>
        %add3A_361 = arith.addf %get3A_356, %get3A_360 : vector<16xf32>
        %max3A_362 = arith.constant 0.000000e+00 : f32
        %max3A_363 = vector.broadcast %max3A_362 : f32 to vector<16xf32>
        %max3A_364 = arith.maximumf %add3A_361, %max3A_363 : vector<16xf32>
        %swap3A_365 = arith.index_cast %scan3A_321 : i32 to index
        %swap3A_366 = arith.constant 32 : index
        %swap3A_367 = tpu.vector_load %arg14[%swap3A_365, %swap3A_366] {strides = array<i32>} : memref<40x128xf32, #tpu.memory_space<vmem>>, vector<1x16xf32>,
        %swap3A_368 = vector.shape_cast %swap3A_367 : vector<1x16xf32> to vector<16xf32>
        %swap3A_369 = vector.shape_cast %max3A_364 : vector<16xf32> to vector<1x16xf32>
        tpu.vector_store %arg14[%swap3A_365, %swap3A_366], %swap3A_369 {strides = array<i32>} : memref<40x128xf32, #tpu.memory_space<vmem>>, vector<1x16xf32>,
        %get3A_370 = arith.index_cast %scan3A_321 : i32 to index
        %get3A_371 = arith.constant 48 : index
        %get3A_372 = tpu.vector_load %arg10[%get3A_370, %get3A_371] {strides = array<i32>} : memref<40x128xf32, #tpu.memory_space<vmem>>, vector<1x16xf32>,
        %get3A_373 = vector.shape_cast %get3A_372 : vector<1x16xf32> to vector<16xf32>
        %get3A_374 = arith.index_cast %scan3A_321 : i32 to index
        %get3A_375 = arith.constant 48 : index
        %get3A_376 = tpu.vector_load %arg12[%get3A_374, %get3A_375] {strides = array<i32>} : memref<40x128xf32, #tpu.memory_space<vmem>>, vector<1x16xf32>,
        %get3A_377 = vector.shape_cast %get3A_376 : vector<1x16xf32> to vector<16xf32>
        %add3A_378 = arith.addf %get3A_373, %get3A_377 : vector<16xf32>
        %max3A_379 = arith.constant 0.000000e+00 : f32
        %max3A_380 = vector.broadcast %max3A_379 : f32 to vector<16xf32>
        %max3A_381 = arith.maximumf %add3A_378, %max3A_380 : vector<16xf32>
        %swap3A_382 = arith.index_cast %scan3A_321 : i32 to index
        %swap3A_383 = arith.constant 48 : index
        %swap3A_384 = tpu.vector_load %arg14[%swap3A_382, %swap3A_383] {strides = array<i32>} : memref<40x128xf32, #tpu.memory_space<vmem>>, vector<1x16xf32>,
        %swap3A_385 = vector.shape_cast %swap3A_384 : vector<1x16xf32> to vector<16xf32>
        %swap3A_386 = vector.shape_cast %max3A_381 : vector<16xf32> to vector<1x16xf32>
        tpu.vector_store %arg14[%swap3A_382, %swap3A_383], %swap3A_386 {strides = array<i32>} : memref<40x128xf32, #tpu.memory_space<vmem>>, vector<1x16xf32>,
        %get3A_387 = arith.index_cast %scan3A_321 : i32 to index
        %get3A_388 = arith.constant 64 : index
        %get3A_389 = tpu.vector_load %arg10[%get3A_387, %get3A_388] {strides = array<i32>} : memref<40x128xf32, #tpu.memory_space<vmem>>, vector<1x16xf32>,
        %get3A_390 = vector.shape_cast %get3A_389 : vector<1x16xf32> to vector<16xf32>
        %get3A_391 = arith.index_cast %scan3A_321 : i32 to index
        %get3A_392 = arith.constant 64 : index
        %get3A_393 = tpu.vector_load %arg12[%get3A_391, %get3A_392] {strides = array<i32>} : memref<40x128xf32, #tpu.memory_space<vmem>>, vector<1x16xf32>,
        %get3A_394 = vector.shape_cast %get3A_393 : vector<1x16xf32> to vector<16xf32>
        %add3A_395 = arith.addf %get3A_390, %get3A_394 : vector<16xf32>
        %max3A_396 = arith.constant 0.000000e+00 : f32
        %max3A_397 = vector.broadcast %max3A_396 : f32 to vector<16xf32>
        %max3A_398 = arith.maximumf %add3A_395, %max3A_397 : vector<16xf32>
        %swap3A_399 = arith.index_cast %scan3A_321 : i32 to index
        %swap3A_400 = arith.constant 64 : index
        %swap3A_401 = tpu.vector_load %arg14[%swap3A_399, %swap3A_400] {strides = array<i32>} : memref<40x128xf32, #tpu.memory_space<vmem>>, vector<1x16xf32>,
        %swap3A_402 = vector.shape_cast %swap3A_401 : vector<1x16xf32> to vector<16xf32>
        %swap3A_403 = vector.shape_cast %max3A_398 : vector<16xf32> to vector<1x16xf32>
        tpu.vector_store %arg14[%swap3A_399, %swap3A_400], %swap3A_403 {strides = array<i32>} : memref<40x128xf32, #tpu.memory_space<vmem>>, vector<1x16xf32>,
        %get3A_404 = arith.index_cast %scan3A_321 : i32 to index
        %get3A_405 = arith.constant 80 : index
        %get3A_406 = tpu.vector_load %arg10[%get3A_404, %get3A_405] {strides = array<i32>} : memref<40x128xf32, #tpu.memory_space<vmem>>, vector<1x16xf32>,
        %get3A_407 = vector.shape_cast %get3A_406 : vector<1x16xf32> to vector<16xf32>
        %get3A_408 = arith.index_cast %scan3A_321 : i32 to index
        %get3A_409 = arith.constant 80 : index
        %get3A_410 = tpu.vector_load %arg12[%get3A_408, %get3A_409] {strides = array<i32>} : memref<40x128xf32, #tpu.memory_space<vmem>>, vector<1x16xf32>,
        %get3A_411 = vector.shape_cast %get3A_410 : vector<1x16xf32> to vector<16xf32>
        %add3A_412 = arith.addf %get3A_407, %get3A_411 : vector<16xf32>
        %max3A_413 = arith.constant 0.000000e+00 : f32
        %max3A_414 = vector.broadcast %max3A_413 : f32 to vector<16xf32>
        %max3A_415 = arith.maximumf %add3A_412, %max3A_414 : vector<16xf32>
        %swap3A_416 = arith.index_cast %scan3A_321 : i32 to index
        %swap3A_417 = arith.constant 80 : index
        %swap3A_418 = tpu.vector_load %arg14[%swap3A_416, %swap3A_417] {strides = array<i32>} : memref<40x128xf32, #tpu.memory_space<vmem>>, vector<1x16xf32>,
        %swap3A_419 = vector.shape_cast %swap3A_418 : vector<1x16xf32> to vector<16xf32>
        %swap3A_420 = vector.shape_cast %max3A_415 : vector<16xf32> to vector<1x16xf32>
        tpu.vector_store %arg14[%swap3A_416, %swap3A_417], %swap3A_420 {strides = array<i32>} : memref<40x128xf32, #tpu.memory_space<vmem>>, vector<1x16xf32>,
        %get3A_421 = arith.index_cast %scan3A_321 : i32 to index
        %get3A_422 = arith.constant 96 : index
        %get3A_423 = tpu.vector_load %arg10[%get3A_421, %get3A_422] {strides = array<i32>} : memref<40x128xf32, #tpu.memory_space<vmem>>, vector<1x16xf32>,
        %get3A_424 = vector.shape_cast %get3A_423 : vector<1x16xf32> to vector<16xf32>
        %get3A_425 = arith.index_cast %scan3A_321 : i32 to index
        %get3A_426 = arith.constant 96 : index
        %get3A_427 = tpu.vector_load %arg12[%get3A_425, %get3A_426] {strides = array<i32>} : memref<40x128xf32, #tpu.memory_space<vmem>>, vector<1x16xf32>,
        %get3A_428 = vector.shape_cast %get3A_427 : vector<1x16xf32> to vector<16xf32>
        %add3A_429 = arith.addf %get3A_424, %get3A_428 : vector<16xf32>
        %max3A_430 = arith.constant 0.000000e+00 : f32
        %max3A_431 = vector.broadcast %max3A_430 : f32 to vector<16xf32>
        %max3A_432 = arith.maximumf %add3A_429, %max3A_431 : vector<16xf32>
        %swap3A_433 = arith.index_cast %scan3A_321 : i32 to index
        %swap3A_434 = arith.constant 96 : index
        %swap3A_435 = tpu.vector_load %arg14[%swap3A_433, %swap3A_434] {strides = array<i32>} : memref<40x128xf32, #tpu.memory_space<vmem>>, vector<1x16xf32>,
        %swap3A_436 = vector.shape_cast %swap3A_435 : vector<1x16xf32> to vector<16xf32>
        %swap3A_437 = vector.shape_cast %max3A_432 : vector<16xf32> to vector<1x16xf32>
        tpu.vector_store %arg14[%swap3A_433, %swap3A_434], %swap3A_437 {strides = array<i32>} : memref<40x128xf32, #tpu.memory_space<vmem>>, vector<1x16xf32>,
        %get3A_438 = arith.index_cast %scan3A_321 : i32 to index
        %get3A_439 = arith.constant 112 : index
        %get3A_440 = tpu.vector_load %arg10[%get3A_438, %get3A_439] {strides = array<i32>} : memref<40x128xf32, #tpu.memory_space<vmem>>, vector<1x16xf32>,
        %get3A_441 = vector.shape_cast %get3A_440 : vector<1x16xf32> to vector<16xf32>
        %get3A_442 = arith.index_cast %scan3A_321 : i32 to index
        %get3A_443 = arith.constant 112 : index
        %get3A_444 = tpu.vector_load %arg12[%get3A_442, %get3A_443] {strides = array<i32>} : memref<40x128xf32, #tpu.memory_space<vmem>>, vector<1x16xf32>,
        %get3A_445 = vector.shape_cast %get3A_444 : vector<1x16xf32> to vector<16xf32>
        %add3A_446 = arith.addf %get3A_441, %get3A_445 : vector<16xf32>
        %max3A_447 = arith.constant 0.000000e+00 : f32
        %max3A_448 = vector.broadcast %max3A_447 : f32 to vector<16xf32>
        %max3A_449 = arith.maximumf %add3A_446, %max3A_448 : vector<16xf32>
        %swap3A_450 = arith.index_cast %scan3A_321 : i32 to index
        %swap3A_451 = arith.constant 112 : index
        %swap3A_452 = tpu.vector_load %arg14[%swap3A_450, %swap3A_451] {strides = array<i32>} : memref<40x128xf32, #tpu.memory_space<vmem>>, vector<1x16xf32>,
        %swap3A_453 = vector.shape_cast %swap3A_452 : vector<1x16xf32> to vector<16xf32>
        %swap3A_454 = vector.shape_cast %max3A_449 : vector<16xf32> to vector<1x16xf32>
        tpu.vector_store %arg14[%swap3A_450, %swap3A_451], %swap3A_454 {strides = array<i32>} : memref<40x128xf32, #tpu.memory_space<vmem>>, vector<1x16xf32>,
      }
      %scan3A_251 = arith.constant 40 : i32
      %jit3A_252 = arith.constant 25 : i32
      %div3A_253 = arith.divsi %add3A_204, %jit3A_252 : i32
      %sign3A_254 = arith.constant 0 : i32
      %sign3A_255 = arith.cmpi sgt, %add3A_204, %sign3A_254 : i32
      %sign3A_256 = arith.extui %sign3A_255 : i1 to i32
      %sign3A_257 = arith.constant 0 : i32
      %sign3A_258 = arith.cmpi slt, %add3A_204, %sign3A_257 : i32
      %sign3A_259 = arith.extui %sign3A_258 : i1 to i32
      %sign3A_260 = arith.subi %sign3A_256, %sign3A_259 : i32
      %sign3A_261 = arith.constant 0 : i32
      %sign3A_262 = arith.cmpi sgt, %jit3A_252, %sign3A_261 : i32
      %sign3A_263 = arith.extui %sign3A_262 : i1 to i32
      %sign3A_264 = arith.constant 0 : i32
      %sign3A_265 = arith.cmpi slt, %jit3A_252, %sign3A_264 : i32
      %sign3A_266 = arith.extui %sign3A_265 : i1 to i32
      %sign3A_267 = arith.subi %sign3A_263, %sign3A_266 : i32
      %ne3A_268 = arith.cmpi ne, %sign3A_260, %sign3A_267 : i32
      %rem3A_269 = arith.remsi %add3A_204, %jit3A_252 : i32
      %ne3A_270 = arith.constant 0 : i32
      %ne3A_271 = arith.cmpi ne, %rem3A_269, %ne3A_270 : i32
      %and3A_272 = arith.andi %ne3A_268, %ne3A_271 : i1
      %sub3A_273 = arith.constant 1 : i32
      %sub3A_274 = arith.subi %div3A_253, %sub3A_273 : i32
      %select_n3A_275 = arith.select %and3A_272, %sub3A_274, %div3A_253 : i32
      %jit3A_276 = arith.constant 2 : i32
      %eq3A_277 = arith.constant 0 : i32
      %eq3A_278 = arith.cmpi eq, %jit3A_276, %eq3A_277 : i32
      %jit3A_279 = arith.constant 1 : i32
      %select_n3A_280 = arith.select %eq3A_278, %jit3A_279, %jit3A_276 : i32
      %rem3A_281 = arith.remsi %select_n3A_275, %select_n3A_280 : i32
      %ne3A_282 = arith.constant 0 : i32
      %ne3A_283 = arith.cmpi ne, %rem3A_281, %ne3A_282 : i32
      %lt3A_284 = arith.constant 0 : i32
      %lt3A_285 = arith.cmpi slt, %rem3A_281, %lt3A_284 : i32
      %lt3A_286 = arith.constant 0 : i32
      %lt3A_287 = arith.cmpi slt, %select_n3A_280, %lt3A_286 : i32
      %ne3A_288 = arith.xori %lt3A_285, %lt3A_287 : i1
      %and3A_289 = arith.andi %ne3A_288, %ne3A_283 : i1
      %add3A_290 = arith.addi %rem3A_281, %select_n3A_280 : i32
      %select_n3A_291 = arith.select %and3A_289, %add3A_290, %rem3A_281 : i32
      %jit3A_292 = arith.constant 25 : i32
      %eq3A_293 = arith.constant 0 : i32
      %eq3A_294 = arith.cmpi eq, %jit3A_292, %eq3A_293 : i32
      %jit3A_295 = arith.constant 1 : i32
      %select_n3A_296 = arith.select %eq3A_294, %jit3A_295, %jit3A_292 : i32
      %rem3A_297 = arith.remsi %add3A_204, %select_n3A_296 : i32
      %ne3A_298 = arith.constant 0 : i32
      %ne3A_299 = arith.cmpi ne, %rem3A_297, %ne3A_298 : i32
      %lt3A_300 = arith.constant 0 : i32
      %lt3A_301 = arith.cmpi slt, %rem3A_297, %lt3A_300 : i32
      %lt3A_302 = arith.constant 0 : i32
      %lt3A_303 = arith.cmpi slt, %select_n3A_296, %lt3A_302 : i32
      %ne3A_304 = arith.xori %lt3A_301, %lt3A_303 : i1
      %and3A_305 = arith.andi %ne3A_304, %ne3A_299 : i1
      %add3A_306 = arith.addi %rem3A_297, %select_n3A_296 : i32
      %select_n3A_307 = arith.select %and3A_305, %add3A_306, %rem3A_297 : i32
      %dma_start3A_308 = arith.constant 0 : i32
      %dma_start3A_309 = tpu.memref_slice %arg8[%select_n3A_291, %select_n3A_307, %dma_start3A_308] : memref<2x25x40xi32, #tpu.memory_space<vmem>> -> memref<1x1x40xi32, #tpu.memory_space<vmem>>
      %dma_start3A_310 = tpu.memref_squeeze %dma_start3A_309 : memref<1x1x40xi32, #tpu.memory_space<vmem>> -> memref<40xi32, #tpu.memory_space<vmem>>
      %dma_start3A_311 = arith.constant 0 : i32
      %dma_start3A_312 = arith.constant 0 : i32
      %dma_start3A_313 = tpu.memref_slice %arg15[%dma_start3A_311, %dma_start3A_312] : memref<10000x128xf32, #tpu.memory_space<vmem_shared>> -> memref<10000x128xf32, #tpu.memory_space<vmem_shared>>
      tpu.enqueue_indirect_dma source(%arg14 : memref<40x128xf32, #tpu.memory_space<vmem>>) target(%dma_start3A_313 : memref<10000x128xf32, #tpu.memory_space<vmem_shared>>) offsets(%dma_start3A_310 : memref<40xi32, #tpu.memory_space<vmem>>) semaphore(%arg21 : memref<!tpu.dma_semaphore, #tpu.memory_space<semaphore_mem>>) {add = true}
      %add3A_314 = arith.constant 2 : i32
      %add3A_315 = arith.addi %add3A_204, %add3A_314 : i32
      %lt3A_316 = arith.constant 250 : i32
      %lt3A_317 = arith.cmpi slt, %add3A_315, %lt3A_316 : i32
      %convert_element_type3A_318 = arith.extui %lt3A_317 : i1 to i32
      %cond3A_319 = arith.constant 0 : i32
      %cond3A_320 = arith.cmpi ne, %convert_element_type3A_318, %cond3A_319 : i32
      scf.if %cond3A_320 {
        %add3A_321 = arith.constant 2 : i32
        %add3A_322 = arith.addi %add3A_204, %add3A_321 : i32
        %jit3A_323 = arith.constant 25 : i32
        %div3A_324 = arith.divsi %add3A_322, %jit3A_323 : i32
        %sign3A_325 = arith.constant 0 : i32
        %sign3A_326 = arith.cmpi sgt, %add3A_322, %sign3A_325 : i32
        %sign3A_327 = arith.extui %sign3A_326 : i1 to i32
        %sign3A_328 = arith.constant 0 : i32
        %sign3A_329 = arith.cmpi slt, %add3A_322, %sign3A_328 : i32
        %sign3A_330 = arith.extui %sign3A_329 : i1 to i32
        %sign3A_331 = arith.subi %sign3A_327, %sign3A_330 : i32
        %sign3A_332 = arith.constant 0 : i32
        %sign3A_333 = arith.cmpi sgt, %jit3A_323, %sign3A_332 : i32
        %sign3A_334 = arith.extui %sign3A_333 : i1 to i32
        %sign3A_335 = arith.constant 0 : i32
        %sign3A_336 = arith.cmpi slt, %jit3A_323, %sign3A_335 : i32
        %sign3A_337 = arith.extui %sign3A_336 : i1 to i32
        %sign3A_338 = arith.subi %sign3A_334, %sign3A_337 : i32
        %ne3A_339 = arith.cmpi ne, %sign3A_331, %sign3A_338 : i32
        %rem3A_340 = arith.remsi %add3A_322, %jit3A_323 : i32
        %ne3A_341 = arith.constant 0 : i32
        %ne3A_342 = arith.cmpi ne, %rem3A_340, %ne3A_341 : i32
        %and3A_343 = arith.andi %ne3A_339, %ne3A_342 : i1
        %sub3A_344 = arith.constant 1 : i32
        %sub3A_345 = arith.subi %div3A_324, %sub3A_344 : i32
        %select_n3A_346 = arith.select %and3A_343, %sub3A_345, %div3A_324 : i32
        %jit3A_347 = arith.constant 2 : i32
        %eq3A_348 = arith.constant 0 : i32
        %eq3A_349 = arith.cmpi eq, %jit3A_347, %eq3A_348 : i32
        %jit3A_350 = arith.constant 1 : i32
        %select_n3A_351 = arith.select %eq3A_349, %jit3A_350, %jit3A_347 : i32
        %rem3A_352 = arith.remsi %select_n3A_346, %select_n3A_351 : i32
        %ne3A_353 = arith.constant 0 : i32
        %ne3A_354 = arith.cmpi ne, %rem3A_352, %ne3A_353 : i32
        %lt3A_355 = arith.constant 0 : i32
        %lt3A_356 = arith.cmpi slt, %rem3A_352, %lt3A_355 : i32
        %lt3A_357 = arith.constant 0 : i32
        %lt3A_358 = arith.cmpi slt, %select_n3A_351, %lt3A_357 : i32
        %ne3A_359 = arith.xori %lt3A_356, %lt3A_358 : i1
        %and3A_360 = arith.andi %ne3A_359, %ne3A_354 : i1
        %add3A_361 = arith.addi %rem3A_352, %select_n3A_351 : i32
        %select_n3A_362 = arith.select %and3A_360, %add3A_361, %rem3A_352 : i32
        %jit3A_363 = arith.constant 25 : i32
        %eq3A_364 = arith.constant 0 : i32
        %eq3A_365 = arith.cmpi eq, %jit3A_363, %eq3A_364 : i32
        %jit3A_366 = arith.constant 1 : i32
        %select_n3A_367 = arith.select %eq3A_365, %jit3A_366, %jit3A_363 : i32
        %rem3A_368 = arith.remsi %add3A_322, %select_n3A_367 : i32
        %ne3A_369 = arith.constant 0 : i32
        %ne3A_370 = arith.cmpi ne, %rem3A_368, %ne3A_369 : i32
        %lt3A_371 = arith.constant 0 : i32
        %lt3A_372 = arith.cmpi slt, %rem3A_368, %lt3A_371 : i32
        %lt3A_373 = arith.constant 0 : i32
        %lt3A_374 = arith.cmpi slt, %select_n3A_367, %lt3A_373 : i32
        %ne3A_375 = arith.xori %lt3A_372, %lt3A_374 : i1
        %and3A_376 = arith.andi %ne3A_375, %ne3A_370 : i1
        %add3A_377 = arith.addi %rem3A_368, %select_n3A_367 : i32
        %select_n3A_378 = arith.select %and3A_376, %add3A_377, %rem3A_368 : i32
        %dma_start3A_379 = arith.constant 0 : i32
        %dma_start3A_380 = tpu.memref_slice %arg7[%select_n3A_362, %select_n3A_378, %dma_start3A_379] : memref<2x25x40xi32, #tpu.memory_space<vmem>> -> memref<1x1x40xi32, #tpu.memory_space<vmem>>
        %dma_start3A_381 = tpu.memref_squeeze %dma_start3A_380 : memref<1x1x40xi32, #tpu.memory_space<vmem>> -> memref<40xi32, #tpu.memory_space<vmem>>
        %dma_start3A_382 = arith.constant 0 : i32
        %dma_start3A_383 = arith.constant 0 : i32
        %dma_start3A_384 = tpu.memref_slice %arg2[%dma_start3A_382, %dma_start3A_383] : memref<10000x128xf32, #tpu.memory_space<hbm>> -> memref<10000x128xf32, #tpu.memory_space<hbm>>
        tpu.enqueue_indirect_dma source(%dma_start3A_384 : memref<10000x128xf32, #tpu.memory_space<hbm>>) target(%arg10 : memref<40x128xf32, #tpu.memory_space<vmem>>) offsets(%dma_start3A_381 : memref<40xi32, #tpu.memory_space<vmem>>) semaphore(%arg17 : memref<!tpu.dma_semaphore, #tpu.memory_space<semaphore_mem>>)
        %add3A_385 = arith.addi %mul3A_27, %add3A_322 : i32
        %mul3A_386 = arith.constant 40 : i32
        %mul3A_387 = arith.muli %add3A_385, %mul3A_386 : i32
        %dma_start3A_388 = arith.constant 0 : i32
        %dma_start3A_389 = tpu.memref_slice %arg3[%mul3A_387, %dma_start3A_388] : memref<320000x128xf32, #tpu.memory_space<hbm>> -> memref<40x128xf32, #tpu.memory_space<hbm>>
        %dma_start3A_390 = arith.constant 0 : i32
        %dma_start3A_391 = tpu.memref_slice %arg3[%mul3A_387, %dma_start3A_390] : memref<320000x128xf32, #tpu.memory_space<hbm>> -> memref<40x128xf32, #tpu.memory_space<hbm>>
        tpu.enqueue_dma source(%dma_start3A_391 : memref<40x128xf32, #tpu.memory_space<hbm>>) target(%arg12 : memref<40x128xf32, #tpu.memory_space<vmem>>) target_semaphore(%arg19 : memref<!tpu.dma_semaphore, #tpu.memory_space<semaphore_mem>>)
      } else {
      }
    }
    %scan3A_69 = arith.constant 125 : i32
    %dma_wait3A_70 = arith.constant 0 : i32
    %dma_wait3A_71 = arith.constant 0 : i32
    %dma_wait3A_72 = tpu.memref_slice %arg3[%dma_wait3A_70, %dma_wait3A_71] : memref<320000x128xf32, #tpu.memory_space<hbm>> -> memref<40x128xf32, #tpu.memory_space<hbm>>
    %dma_wait3A_73 = arith.constant 0 : i32
    %dma_wait3A_74 = arith.constant 0 : i32
    %dma_wait3A_75 = tpu.memref_slice %arg3[%dma_wait3A_73, %dma_wait3A_74] : memref<320000x128xf32, #tpu.memory_space<hbm>> -> memref<40x128xf32, #tpu.memory_space<hbm>>
    tpu.wait_dma2 semaphore(%arg20 : memref<!tpu.dma_semaphore, #tpu.memory_space<semaphore_mem>>) src(%dma_wait3A_75 : memref<40x128xf32, #tpu.memory_space<hbm>>) dst(%arg13 : memref<40x128xf32, #tpu.memory_space<vmem>>)
    %dma_wait3A_76 = arith.constant 0 : i32
    %dma_wait3A_77 = arith.constant 0 : i32
    %dma_wait3A_78 = tpu.memref_slice %arg3[%dma_wait3A_76, %dma_wait3A_77] : memref<320000x128xf32, #tpu.memory_space<hbm>> -> memref<40x128xf32, #tpu.memory_space<hbm>>
    %dma_wait3A_79 = arith.constant 0 : i32
    %dma_wait3A_80 = arith.constant 0 : i32
    %dma_wait3A_81 = tpu.memref_slice %arg3[%dma_wait3A_79, %dma_wait3A_80] : memref<320000x128xf32, #tpu.memory_space<hbm>> -> memref<40x128xf32, #tpu.memory_space<hbm>>
    tpu.wait_dma2 semaphore(%arg21 : memref<!tpu.dma_semaphore, #tpu.memory_space<semaphore_mem>>) src(%dma_wait3A_81 : memref<40x128xf32, #tpu.memory_space<hbm>>) dst(%arg14 : memref<40x128xf32, #tpu.memory_space<vmem>>)
    %barrier3A_82 = arith.constant 0 : index
    tpu.barrier barrier_id(%barrier3A_82)
    "tpu.region"() ({
      %run_scoped3A_88 = tpu.sem_alloc : memref<!tpu.dma_semaphore, #tpu.memory_space<semaphore_mem>>
      %dma_start3A_89 = arith.constant 0 : i32
      %dma_start3A_90 = tpu.memref_slice %arg6[%arg0, %mul3A_2, %dma_start3A_89] : memref<2x10000x128xf32, #tpu.memory_space<hbm>> -> memref<1x624x128xf32, #tpu.memory_space<hbm>>
      %dma_start3A_91 = tpu.memref_squeeze %dma_start3A_90 : memref<1x624x128xf32, #tpu.memory_space<hbm>> -> memref<624x128xf32, #tpu.memory_space<hbm>>
      %dma_start3A_92 = arith.constant 0 : i32
      %dma_start3A_93 = tpu.memref_slice %arg15[%mul3A_2, %dma_start3A_92] : memref<10000x128xf32, #tpu.memory_space<vmem_shared>> -> memref<624x128xf32, #tpu.memory_space<vmem_shared>>
      tpu.enqueue_dma source(%dma_start3A_93 : memref<624x128xf32, #tpu.memory_space<vmem_shared>>) target(%dma_start3A_91 : memref<624x128xf32, #tpu.memory_space<hbm>>) target_semaphore(%run_scoped3A_88 : memref<!tpu.dma_semaphore, #tpu.memory_space<semaphore_mem>>)
      %dma_wait3A_94 = arith.constant 0 : i32
      %dma_wait3A_95 = tpu.memref_slice %arg6[%arg0, %mul3A_2, %dma_wait3A_94] : memref<2x10000x128xf32, #tpu.memory_space<hbm>> -> memref<1x624x128xf32, #tpu.memory_space<hbm>>
      %dma_wait3A_96 = tpu.memref_squeeze %dma_wait3A_95 : memref<1x624x128xf32, #tpu.memory_space<hbm>> -> memref<624x128xf32, #tpu.memory_space<hbm>>
      %dma_wait3A_97 = arith.constant 0 : i32
      %dma_wait3A_98 = tpu.memref_slice %arg15[%mul3A_2, %dma_wait3A_97] : memref<10000x128xf32, #tpu.memory_space<vmem_shared>> -> memref<624x128xf32, #tpu.memory_space<vmem_shared>>
      tpu.wait_dma2 semaphore(%run_scoped3A_88 : memref<!tpu.dma_semaphore, #tpu.memory_space<semaphore_mem>>) src(%dma_wait3A_98 : memref<624x128xf32, #tpu.memory_space<vmem_shared>>) dst(%dma_wait3A_96 : memref<624x128xf32, #tpu.memory_space<hbm>>)
      tpu.yield
    }) : () -> ()
    %eq3A_83 = arith.constant 15 : i32
    %eq3A_84 = arith.cmpi eq, %arg1, %eq3A_83 : i32
    %convert_element_type3A_85 = arith.extui %eq3A_84 : i1 to i32
    %cond3A_86 = arith.constant 0 : i32
    %cond3A_87 = arith.cmpi ne, %convert_element_type3A_85, %cond3A_86 : i32
    scf.if %cond3A_87 {
      %add3A_88 = arith.constant 624 : i32
      %add3A_89 = arith.addi %mul3A_2, %add3A_88 : i32
      "tpu.region"() ({
        %run_scoped3A_90 = tpu.sem_alloc : memref<!tpu.dma_semaphore, #tpu.memory_space<semaphore_mem>>
        %dma_start3A_91 = arith.constant 0 : i32
        %dma_start3A_92 = tpu.memref_slice %arg6[%arg0, %add3A_89, %dma_start3A_91] : memref<2x10000x128xf32, #tpu.memory_space<hbm>> -> memref<1x16x128xf32, #tpu.memory_space<hbm>>
        %dma_start3A_93 = tpu.memref_squeeze %dma_start3A_92 : memref<1x16x128xf32, #tpu.memory_space<hbm>> -> memref<16x128xf32, #tpu.memory_space<hbm>>
        %dma_start3A_94 = arith.constant 0 : i32
        %dma_start3A_95 = tpu.memref_slice %arg15[%add3A_89, %dma_start3A_94] : memref<10000x128xf32, #tpu.memory_space<vmem_shared>> -> memref<16x128xf32, #tpu.memory_space<vmem_shared>>
        tpu.enqueue_dma source(%dma_start3A_95 : memref<16x128xf32, #tpu.memory_space<vmem_shared>>) target(%dma_start3A_93 : memref<16x128xf32, #tpu.memory_space<hbm>>) target_semaphore(%run_scoped3A_90 : memref<!tpu.dma_semaphore, #tpu.memory_space<semaphore_mem>>)
        %dma_wait3A_96 = arith.constant 0 : i32
        %dma_wait3A_97 = tpu.memref_slice %arg6[%arg0, %add3A_89, %dma_wait3A_96] : memref<2x10000x128xf32, #tpu.memory_space<hbm>> -> memref<1x16x128xf32, #tpu.memory_space<hbm>>
        %dma_wait3A_98 = tpu.memref_squeeze %dma_wait3A_97 : memref<1x16x128xf32, #tpu.memory_space<hbm>> -> memref<16x128xf32, #tpu.memory_space<hbm>>
        %dma_wait3A_99 = arith.constant 0 : i32
        %dma_wait3A_100 = tpu.memref_slice %arg15[%add3A_89, %dma_wait3A_99] : memref<10000x128xf32, #tpu.memory_space<vmem_shared>> -> memref<16x128xf32, #tpu.memory_space<vmem_shared>>
        tpu.wait_dma2 semaphore(%run_scoped3A_90 : memref<!tpu.dma_semaphore, #tpu.memory_space<semaphore_mem>>) src(%dma_wait3A_100 : memref<16x128xf32, #tpu.memory_space<vmem_shared>>) dst(%dma_wait3A_98 : memref<16x128xf32, #tpu.memory_space<hbm>>)
        tpu.yield
      }) : () -> ()
    } else {
    }
    return
  }
}

#map = affine_map<(d0, d1) -> (0, 0)>
#map1 = affine_map<(d0, d1) -> (0, 0, 0)>
module attributes {stable_mosaic.version = 14 : i64} {
  func.func @body(%arg0: i32, %arg1: i32, %arg2: memref<10000x128xf32, #tpu.memory_space<hbm>>, %arg3: memref<320000x128xf32, #tpu.memory_space<hbm>>, %arg4: memref<320x25x40xi32, #tpu.memory_space<hbm>>, %arg5: memref<320x25x40xi32, #tpu.memory_space<hbm>>, %arg6: memref<2x10000x128xf32, #tpu.memory_space<hbm>>, %arg7: memref<2x25x40xi32, #tpu.memory_space<vmem>>, %arg8: memref<2x25x40xi32, #tpu.memory_space<vmem>>, %arg9: memref<40x128xf32, #tpu.memory_space<vmem>>, %arg10: memref<40x128xf32, #tpu.memory_space<vmem>>, %arg11: memref<40x128xf32, #tpu.memory_space<vmem>>, %arg12: memref<40x128xf32, #tpu.memory_space<vmem>>, %arg13: memref<40x128xf32, #tpu.memory_space<vmem>>, %arg14: memref<40x128xf32, #tpu.memory_space<vmem>>, %arg15: memref<10000x128xf32, #tpu.memory_space<vmem_shared>>, %arg16: memref<!tpu.dma_semaphore, #tpu.memory_space<semaphore_mem>>, %arg17: memref<!tpu.dma_semaphore, #tpu.memory_space<semaphore_mem>>, %arg18: memref<!tpu.dma_semaphore, #tpu.memory_space<semaphore_mem>>, %arg19: memref<!tpu.dma_semaphore, #tpu.memory_space<semaphore_mem>>, %arg20: memref<!tpu.dma_semaphore, #tpu.memory_space<semaphore_mem>>, %arg21: memref<!tpu.dma_semaphore, #tpu.memory_space<semaphore_mem>>, %arg22: memref<!tpu.dma_semaphore, #tpu.memory_space<semaphore_mem>>) attributes {dimension_semantics = [#tpu.dimension_semantics<core_parallel>, #tpu.dimension_semantics<subcore_parallel>], iteration_bounds = array<i64: 2, 16>, scalar_prefetch = 0 : i64, scratch_operands = 16 : i64, tpu.core_type = #tpu.core_type<sc_vector_subcore>, window_params = [{transform_indices = #map}, {transform_indices = #map}, {transform_indices = #map1}, {transform_indices = #map1}, {transform_indices = #map1}]} {
    %mul3A = arith.constant 16 : i32
    %mul3A_0 = arith.muli %arg0, %mul3A : i32
    %add3A = arith.addi %mul3A_0, %arg1 : i32
    %mul3A_1 = arith.constant 624 : i32
    %mul3A_2 = arith.muli %arg1, %mul3A_1 : i32
    %eq3A = arith.constant 15 : i32
    %eq3A_3 = arith.cmpi eq, %arg1, %eq3A : i32
    %jit3A = arith.constant 40 : i32
    %jit3A_4 = arith.constant 39 : i32
    %select_n3A = arith.select %eq3A_3, %jit3A, %jit3A_4 : i32
    %scan3A = arith.constant 0 : i32
    %scan3A_5 = arith.constant 0 : i32
    %scan3A_6 = arith.constant 16 : i32
    %scan3A_7 = arith.addi %scan3A_5, %scan3A_6 : i32
    %scan3A_8 = arith.constant 1 : i32
    scf.for %scan3A_88 = %scan3A_5 to %scan3A_7 step %scan3A_8  : i32 {
      %broadcast_in_dim3A = arith.constant 0.000000e+00 : f32
      %broadcast_in_dim3A_89 = vector.broadcast %broadcast_in_dim3A : f32 to vector<16xf32>
      %swap3A = arith.index_cast %scan3A_88 : i32 to index
      %swap3A_90 = arith.constant 0 : index
      %swap3A_91 = tpu.vector_load %arg13[%swap3A, %swap3A_90] {strides = array<i32>} : memref<40x128xf32, #tpu.memory_space<vmem>>, vector<1x16xf32>,
      %swap3A_92 = vector.shape_cast %swap3A_91 : vector<1x16xf32> to vector<16xf32>
      %swap3A_93 = vector.shape_cast %broadcast_in_dim3A_89 : vector<16xf32> to vector<1x16xf32>
      tpu.vector_store %arg13[%swap3A, %swap3A_90], %swap3A_93 {strides = array<i32>} : memref<40x128xf32, #tpu.memory_space<vmem>>, vector<1x16xf32>,
      %broadcast_in_dim3A_94 = arith.constant 0.000000e+00 : f32
      %broadcast_in_dim3A_95 = vector.broadcast %broadcast_in_dim3A_94 : f32 to vector<16xf32>
      %swap3A_96 = arith.index_cast %scan3A_88 : i32 to index
      %swap3A_97 = arith.constant 16 : index
      %swap3A_98 = tpu.vector_load %arg13[%swap3A_96, %swap3A_97] {strides = array<i32>} : memref<40x128xf32, #tpu.memory_space<vmem>>, vector<1x16xf32>,
      %swap3A_99 = vector.shape_cast %swap3A_98 : vector<1x16xf32> to vector<16xf32>
      %swap3A_100 = vector.shape_cast %broadcast_in_dim3A_95 : vector<16xf32> to vector<1x16xf32>
      tpu.vector_store %arg13[%swap3A_96, %swap3A_97], %swap3A_100 {strides = array<i32>} : memref<40x128xf32, #tpu.memory_space<vmem>>, vector<1x16xf32>,
      %broadcast_in_dim3A_101 = arith.constant 0.000000e+00 : f32
      %broadcast_in_dim3A_102 = vector.broadcast %broadcast_in_dim3A_101 : f32 to vector<16xf32>
      %swap3A_103 = arith.index_cast %scan3A_88 : i32 to index
      %swap3A_104 = arith.constant 32 : index
      %swap3A_105 = tpu.vector_load %arg13[%swap3A_103, %swap3A_104] {strides = array<i32>} : memref<40x128xf32, #tpu.memory_space<vmem>>, vector<1x16xf32>,
      %swap3A_106 = vector.shape_cast %swap3A_105 : vector<1x16xf32> to vector<16xf32>
      %swap3A_107 = vector.shape_cast %broadcast_in_dim3A_102 : vector<16xf32> to vector<1x16xf32>
      tpu.vector_store %arg13[%swap3A_103, %swap3A_104], %swap3A_107 {strides = array<i32>} : memref<40x128xf32, #tpu.memory_space<vmem>>, vector<1x16xf32>,
      %broadcast_in_dim3A_108 = arith.constant 0.000000e+00 : f32
      %broadcast_in_dim3A_109 = vector.broadcast %broadcast_in_dim3A_108 : f32 to vector<16xf32>
      %swap3A_110 = arith.index_cast %scan3A_88 : i32 to index
      %swap3A_111 = arith.constant 48 : index
      %swap3A_112 = tpu.vector_load %arg13[%swap3A_110, %swap3A_111] {strides = array<i32>} : memref<40x128xf32, #tpu.memory_space<vmem>>, vector<1x16xf32>,
      %swap3A_113 = vector.shape_cast %swap3A_112 : vector<1x16xf32> to vector<16xf32>
      %swap3A_114 = vector.shape_cast %broadcast_in_dim3A_109 : vector<16xf32> to vector<1x16xf32>
      tpu.vector_store %arg13[%swap3A_110, %swap3A_111], %swap3A_114 {strides = array<i32>} : memref<40x128xf32, #tpu.memory_space<vmem>>, vector<1x16xf32>,
      %broadcast_in_dim3A_115 = arith.constant 0.000000e+00 : f32
      %broadcast_in_dim3A_116 = vector.broadcast %broadcast_in_dim3A_115 : f32 to vector<16xf32>
      %swap3A_117 = arith.index_cast %scan3A_88 : i32 to index
      %swap3A_118 = arith.constant 64 : index
      %swap3A_119 = tpu.vector_load %arg13[%swap3A_117, %swap3A_118] {strides = array<i32>} : memref<40x128xf32, #tpu.memory_space<vmem>>, vector<1x16xf32>,
      %swap3A_120 = vector.shape_cast %swap3A_119 : vector<1x16xf32> to vector<16xf32>
      %swap3A_121 = vector.shape_cast %broadcast_in_dim3A_116 : vector<16xf32> to vector<1x16xf32>
      tpu.vector_store %arg13[%swap3A_117, %swap3A_118], %swap3A_121 {strides = array<i32>} : memref<40x128xf32, #tpu.memory_space<vmem>>, vector<1x16xf32>,
      %broadcast_in_dim3A_122 = arith.constant 0.000000e+00 : f32
      %broadcast_in_dim3A_123 = vector.broadcast %broadcast_in_dim3A_122 : f32 to vector<16xf32>
      %swap3A_124 = arith.index_cast %scan3A_88 : i32 to index
      %swap3A_125 = arith.constant 80 : index
      %swap3A_126 = tpu.vector_load %arg13[%swap3A_124, %swap3A_125] {strides = array<i32>} : memref<40x128xf32, #tpu.memory_space<vmem>>, vector<1x16xf32>,
      %swap3A_127 = vector.shape_cast %swap3A_126 : vector<1x16xf32> to vector<16xf32>
      %swap3A_128 = vector.shape_cast %broadcast_in_dim3A_123 : vector<16xf32> to vector<1x16xf32>
      tpu.vector_store %arg13[%swap3A_124, %swap3A_125], %swap3A_128 {strides = array<i32>} : memref<40x128xf32, #tpu.memory_space<vmem>>, vector<1x16xf32>,
      %broadcast_in_dim3A_129 = arith.constant 0.000000e+00 : f32
      %broadcast_in_dim3A_130 = vector.broadcast %broadcast_in_dim3A_129 : f32 to vector<16xf32>
      %swap3A_131 = arith.index_cast %scan3A_88 : i32 to index
      %swap3A_132 = arith.constant 96 : index
      %swap3A_133 = tpu.vector_load %arg13[%swap3A_131, %swap3A_132] {strides = array<i32>} : memref<40x128xf32, #tpu.memory_space<vmem>>, vector<1x16xf32>,
      %swap3A_134 = vector.shape_cast %swap3A_133 : vector<1x16xf32> to vector<16xf32>
      %swap3A_135 = vector.shape_cast %broadcast_in_dim3A_130 : vector<16xf32> to vector<1x16xf32>
      tpu.vector_store %arg13[%swap3A_131, %swap3A_132], %swap3A_135 {strides = array<i32>} : memref<40x128xf32, #tpu.memory_space<vmem>>, vector<1x16xf32>,
      %broadcast_in_dim3A_136 = arith.constant 0.000000e+00 : f32
      %broadcast_in_dim3A_137 = vector.broadcast %broadcast_in_dim3A_136 : f32 to vector<16xf32>
      %swap3A_138 = arith.index_cast %scan3A_88 : i32 to index
      %swap3A_139 = arith.constant 112 : index
      %swap3A_140 = tpu.vector_load %arg13[%swap3A_138, %swap3A_139] {strides = array<i32>} : memref<40x128xf32, #tpu.memory_space<vmem>>, vector<1x16xf32>,
      %swap3A_141 = vector.shape_cast %swap3A_140 : vector<1x16xf32> to vector<16xf32>
      %swap3A_142 = vector.shape_cast %broadcast_in_dim3A_137 : vector<16xf32> to vector<1x16xf32>
      tpu.vector_store %arg13[%swap3A_138, %swap3A_139], %swap3A_142 {strides = array<i32>} : memref<40x128xf32, #tpu.memory_space<vmem>>, vector<1x16xf32>,
    }
    %scan3A_9 = arith.constant 16 : i32
    %while3A = arith.constant 0 : i32
    %while3A_10 = arith.constant 0 : i32
    %while3A_11 = arith.subi %select_n3A, %while3A_10 : i32
    %while3A_12 = arith.addi %while3A_10, %while3A_11 : i32
    %while3A_13 = arith.constant 1 : i32
    %while3A_14 = arith.divsi %while3A_11, %while3A_13 : i32
    %while3A_15 = arith.muli %while3A_14, %while3A_13 : i32
    %while3A_16 = arith.addi %while3A_10, %while3A_15 : i32
    %while3A_17 = arith.constant 1 : i32
    scf.for %while3A_88 = %while3A_10 to %while3A_16 step %while3A_17  : i32 {
      %mul3A_89 = arith.constant 16 : i32
      %mul3A_90 = arith.muli %while3A_88, %mul3A_89 : i32
      %add3A_91 = arith.addi %mul3A_2, %mul3A_90 : i32
      %dma_start3A_92 = arith.constant 0 : i32
      %dma_start3A_93 = arith.constant 0 : i32
      %dma_start3A_94 = tpu.memref_slice %arg13[%dma_start3A_92, %dma_start3A_93] : memref<40x128xf32, #tpu.memory_space<vmem>> -> memref<16x128xf32, #tpu.memory_space<vmem>>
      %dma_start3A_95 = arith.constant 0 : i32
      %dma_start3A_96 = tpu.memref_slice %arg15[%add3A_91, %dma_start3A_95] : memref<10000x128xf32, #tpu.memory_space<vmem_shared>> -> memref<16x128xf32, #tpu.memory_space<vmem_shared>>
      %dma_start3A_97 = arith.constant 0 : i32
      %dma_start3A_98 = tpu.memref_slice %arg15[%add3A_91, %dma_start3A_97] : memref<10000x128xf32, #tpu.memory_space<vmem_shared>> -> memref<16x128xf32, #tpu.memory_space<vmem_shared>>
      %dma_start3A_99 = arith.constant 0 : i32
      %dma_start3A_100 = arith.constant 0 : i32
      %dma_start3A_101 = tpu.memref_slice %arg13[%dma_start3A_99, %dma_start3A_100] : memref<40x128xf32, #tpu.memory_space<vmem>> -> memref<16x128xf32, #tpu.memory_space<vmem>>
      tpu.enqueue_dma source(%dma_start3A_101 : memref<16x128xf32, #tpu.memory_space<vmem>>) target(%dma_start3A_98 : memref<16x128xf32, #tpu.memory_space<vmem_shared>>) target_semaphore(%arg22 : memref<!tpu.dma_semaphore, #tpu.memory_space<semaphore_mem>>)
    }
    %while3A_18 = arith.constant 1 : i32
    scf.for %while3A_88 = %while3A_16 to %while3A_12 step %while3A_18  : i32 {
      %mul3A_89 = arith.constant 16 : i32
      %mul3A_90 = arith.muli %while3A_88, %mul3A_89 : i32
      %add3A_91 = arith.addi %mul3A_2, %mul3A_90 : i32
      %dma_start3A_92 = arith.constant 0 : i32
      %dma_start3A_93 = arith.constant 0 : i32
      %dma_start3A_94 = tpu.memref_slice %arg13[%dma_start3A_92, %dma_start3A_93] : memref<40x128xf32, #tpu.memory_space<vmem>> -> memref<16x128xf32, #tpu.memory_space<vmem>>
      %dma_start3A_95 = arith.constant 0 : i32
      %dma_start3A_96 = tpu.memref_slice %arg15[%add3A_91, %dma_start3A_95] : memref<10000x128xf32, #tpu.memory_space<vmem_shared>> -> memref<16x128xf32, #tpu.memory_space<vmem_shared>>
      %dma_start3A_97 = arith.constant 0 : i32
      %dma_start3A_98 = tpu.memref_slice %arg15[%add3A_91, %dma_start3A_97] : memref<10000x128xf32, #tpu.memory_space<vmem_shared>> -> memref<16x128xf32, #tpu.memory_space<vmem_shared>>
      %dma_start3A_99 = arith.constant 0 : i32
      %dma_start3A_100 = arith.constant 0 : i32
      %dma_start3A_101 = tpu.memref_slice %arg13[%dma_start3A_99, %dma_start3A_100] : memref<40x128xf32, #tpu.memory_space<vmem>> -> memref<16x128xf32, #tpu.memory_space<vmem>>
      tpu.enqueue_dma source(%dma_start3A_101 : memref<16x128xf32, #tpu.memory_space<vmem>>) target(%dma_start3A_98 : memref<16x128xf32, #tpu.memory_space<vmem_shared>>) target_semaphore(%arg22 : memref<!tpu.dma_semaphore, #tpu.memory_space<semaphore_mem>>)
    }
    %dma_wait3A = arith.constant 0 : i32
    %dma_wait3A_19 = tpu.memref_slice %arg15[%mul3A_2, %dma_wait3A] : memref<10000x128xf32, #tpu.memory_space<vmem_shared>> -> memref<624x128xf32, #tpu.memory_space<vmem_shared>>
    %dma_wait3A_20 = arith.constant 0 : i32
    %dma_wait3A_21 = arith.constant 0 : i32
    %dma_wait3A_22 = tpu.memref_slice %arg2[%dma_wait3A_20, %dma_wait3A_21] : memref<10000x128xf32, #tpu.memory_space<hbm>> -> memref<624x128xf32, #tpu.memory_space<hbm>>
    tpu.wait_dma2 semaphore(%arg22 : memref<!tpu.dma_semaphore, #tpu.memory_space<semaphore_mem>>) src(%dma_wait3A_22 : memref<624x128xf32, #tpu.memory_space<hbm>>) dst(%dma_wait3A_19 : memref<624x128xf32, #tpu.memory_space<vmem_shared>>)
    %eq3A_23 = arith.constant 15 : i32
    %eq3A_24 = arith.cmpi eq, %arg1, %eq3A_23 : i32
    %convert_element_type3A = arith.extui %eq3A_24 : i1 to i32
    %cond3A = arith.constant 0 : i32
    %cond3A_25 = arith.cmpi ne, %convert_element_type3A, %cond3A : i32
    scf.if %cond3A_25 {
      %dma_wait3A_88 = arith.constant 0 : i32
      %dma_wait3A_89 = tpu.memref_slice %arg15[%mul3A_2, %dma_wait3A_88] : memref<10000x128xf32, #tpu.memory_space<vmem_shared>> -> memref<16x128xf32, #tpu.memory_space<vmem_shared>>
      %dma_wait3A_90 = arith.constant 0 : i32
      %dma_wait3A_91 = arith.constant 0 : i32
      %dma_wait3A_92 = tpu.memref_slice %arg2[%dma_wait3A_90, %dma_wait3A_91] : memref<10000x128xf32, #tpu.memory_space<hbm>> -> memref<16x128xf32, #tpu.memory_space<hbm>>
      tpu.wait_dma2 semaphore(%arg22 : memref<!tpu.dma_semaphore, #tpu.memory_space<semaphore_mem>>) src(%dma_wait3A_92 : memref<16x128xf32, #tpu.memory_space<hbm>>) dst(%dma_wait3A_89 : memref<16x128xf32, #tpu.memory_space<vmem_shared>>)
    } else {
    }
    %barrier3A = arith.constant 0 : index
    tpu.barrier barrier_id(%barrier3A)
    %mul3A_26 = arith.constant 250 : i32
    %mul3A_27 = arith.muli %add3A, %mul3A_26 : i32
    %mul3A_28 = arith.constant 10 : i32
    %mul3A_29 = arith.muli %add3A, %mul3A_28 : i32
    %run_scoped3A = arith.constant 0 : i32
    "tpu.region"() ({
      %run_scoped3A_88 = tpu.sem_alloc : memref<!tpu.dma_semaphore, #tpu.memory_space<semaphore_mem>>
      %dma_start3A_89 = arith.constant 0 : i32
      %dma_start3A_90 = arith.constant 0 : i32
      %dma_start3A_91 = tpu.memref_slice %arg7[%run_scoped3A, %dma_start3A_89, %dma_start3A_90] : memref<2x25x40xi32, #tpu.memory_space<vmem>> -> memref<1x25x40xi32, #tpu.memory_space<vmem>>
      %dma_start3A_92 = tpu.memref_squeeze %dma_start3A_91 : memref<1x25x40xi32, #tpu.memory_space<vmem>> -> memref<25x40xi32, #tpu.memory_space<vmem>>
      %dma_start3A_93 = arith.constant 0 : i32
      %dma_start3A_94 = arith.constant 0 : i32
      %dma_start3A_95 = tpu.memref_slice %arg4[%mul3A_29, %dma_start3A_93, %dma_start3A_94] : memref<320x25x40xi32, #tpu.memory_space<hbm>> -> memref<1x25x40xi32, #tpu.memory_space<hbm>>
      %dma_start3A_96 = tpu.memref_squeeze %dma_start3A_95 : memref<1x25x40xi32, #tpu.memory_space<hbm>> -> memref<25x40xi32, #tpu.memory_space<hbm>>
      %dma_start3A_97 = arith.constant 0 : i32
      %dma_start3A_98 = arith.constant 0 : i32
      %dma_start3A_99 = tpu.memref_slice %arg7[%run_scoped3A, %dma_start3A_97, %dma_start3A_98] : memref<2x25x40xi32, #tpu.memory_space<vmem>> -> memref<1x25x40xi32, #tpu.memory_space<vmem>>
      %dma_start3A_100 = tpu.memref_squeeze %dma_start3A_99 : memref<1x25x40xi32, #tpu.memory_space<vmem>> -> memref<25x40xi32, #tpu.memory_space<vmem>>
      %dma_start3A_101 = arith.constant 0 : i32
      %dma_start3A_102 = arith.constant 0 : i32
      %dma_start3A_103 = tpu.memref_slice %arg4[%mul3A_29, %dma_start3A_101, %dma_start3A_102] : memref<320x25x40xi32, #tpu.memory_space<hbm>> -> memref<1x25x40xi32, #tpu.memory_space<hbm>>
      %dma_start3A_104 = tpu.memref_squeeze %dma_start3A_103 : memref<1x25x40xi32, #tpu.memory_space<hbm>> -> memref<25x40xi32, #tpu.memory_space<hbm>>
      tpu.enqueue_dma source(%dma_start3A_104 : memref<25x40xi32, #tpu.memory_space<hbm>>) target(%dma_start3A_100 : memref<25x40xi32, #tpu.memory_space<vmem>>) target_semaphore(%run_scoped3A_88 : memref<!tpu.dma_semaphore, #tpu.memory_space<semaphore_mem>>)
      %dma_wait3A_105 = arith.constant 0 : i32
      %dma_wait3A_106 = arith.constant 0 : i32
      %dma_wait3A_107 = tpu.memref_slice %arg7[%run_scoped3A, %dma_wait3A_105, %dma_wait3A_106] : memref<2x25x40xi32, #tpu.memory_space<vmem>> -> memref<1x25x40xi32, #tpu.memory_space<vmem>>
      %dma_wait3A_108 = tpu.memref_squeeze %dma_wait3A_107 : memref<1x25x40xi32, #tpu.memory_space<vmem>> -> memref<25x40xi32, #tpu.memory_space<vmem>>
      %dma_wait3A_109 = arith.constant 0 : i32
      %dma_wait3A_110 = arith.constant 0 : i32
      %dma_wait3A_111 = tpu.memref_slice %arg4[%mul3A_29, %dma_wait3A_109, %dma_wait3A_110] : memref<320x25x40xi32, #tpu.memory_space<hbm>> -> memref<1x25x40xi32, #tpu.memory_space<hbm>>
      %dma_wait3A_112 = tpu.memref_squeeze %dma_wait3A_111 : memref<1x25x40xi32, #tpu.memory_space<hbm>> -> memref<25x40xi32, #tpu.memory_space<hbm>>
      %dma_wait3A_113 = arith.constant 0 : i32
      %dma_wait3A_114 = arith.constant 0 : i32
      %dma_wait3A_115 = tpu.memref_slice %arg7[%run_scoped3A, %dma_wait3A_113, %dma_wait3A_114] : memref<2x25x40xi32, #tpu.memory_space<vmem>> -> memref<1x25x40xi32, #tpu.memory_space<vmem>>
      %dma_wait3A_116 = tpu.memref_squeeze %dma_wait3A_115 : memref<1x25x40xi32, #tpu.memory_space<vmem>> -> memref<25x40xi32, #tpu.memory_space<vmem>>
      %dma_wait3A_117 = arith.constant 0 : i32
      %dma_wait3A_118 = arith.constant 0 : i32
      %dma_wait3A_119 = tpu.memref_slice %arg4[%mul3A_29, %dma_wait3A_117, %dma_wait3A_118] : memref<320x25x40xi32, #tpu.memory_space<hbm>> -> memref<1x25x40xi32, #tpu.memory_space<hbm>>
      %dma_wait3A_120 = tpu.memref_squeeze %dma_wait3A_119 : memref<1x25x40xi32, #tpu.memory_space<hbm>> -> memref<25x40xi32, #tpu.memory_space<hbm>>
      tpu.wait_dma2 semaphore(%run_scoped3A_88 : memref<!tpu.dma_semaphore, #tpu.memory_space<semaphore_mem>>) src(%dma_wait3A_120 : memref<25x40xi32, #tpu.memory_space<hbm>>) dst(%dma_wait3A_116 : memref<25x40xi32, #tpu.memory_space<vmem>>)
      tpu.yield
    }) : () -> ()
    %mul3A_30 = arith.constant 10 : i32
    %mul3A_31 = arith.muli %add3A, %mul3A_30 : i32
    %run_scoped3A_32 = arith.constant 0 : i32
    "tpu.region"() ({
      %run_scoped3A_88 = tpu.sem_alloc : memref<!tpu.dma_semaphore, #tpu.memory_space<semaphore_mem>>
      %dma_start3A_89 = arith.constant 0 : i32
      %dma_start3A_90 = arith.constant 0 : i32
      %dma_start3A_91 = tpu.memref_slice %arg8[%run_scoped3A_32, %dma_start3A_89, %dma_start3A_90] : memref<2x25x40xi32, #tpu.memory_space<vmem>> -> memref<1x25x40xi32, #tpu.memory_space<vmem>>
      %dma_start3A_92 = tpu.memref_squeeze %dma_start3A_91 : memref<1x25x40xi32, #tpu.memory_space<vmem>> -> memref<25x40xi32, #tpu.memory_space<vmem>>
      %dma_start3A_93 = arith.constant 0 : i32
      %dma_start3A_94 = arith.constant 0 : i32
      %dma_start3A_95 = tpu.memref_slice %arg5[%mul3A_31, %dma_start3A_93, %dma_start3A_94] : memref<320x25x40xi32, #tpu.memory_space<hbm>> -> memref<1x25x40xi32, #tpu.memory_space<hbm>>
      %dma_start3A_96 = tpu.memref_squeeze %dma_start3A_95 : memref<1x25x40xi32, #tpu.memory_space<hbm>> -> memref<25x40xi32, #tpu.memory_space<hbm>>
      %dma_start3A_97 = arith.constant 0 : i32
      %dma_start3A_98 = arith.constant 0 : i32
      %dma_start3A_99 = tpu.memref_slice %arg8[%run_scoped3A_32, %dma_start3A_97, %dma_start3A_98] : memref<2x25x40xi32, #tpu.memory_space<vmem>> -> memref<1x25x40xi32, #tpu.memory_space<vmem>>
      %dma_start3A_100 = tpu.memref_squeeze %dma_start3A_99 : memref<1x25x40xi32, #tpu.memory_space<vmem>> -> memref<25x40xi32, #tpu.memory_space<vmem>>
      %dma_start3A_101 = arith.constant 0 : i32
      %dma_start3A_102 = arith.constant 0 : i32
      %dma_start3A_103 = tpu.memref_slice %arg5[%mul3A_31, %dma_start3A_101, %dma_start3A_102] : memref<320x25x40xi32, #tpu.memory_space<hbm>> -> memref<1x25x40xi32, #tpu.memory_space<hbm>>
      %dma_start3A_104 = tpu.memref_squeeze %dma_start3A_103 : memref<1x25x40xi32, #tpu.memory_space<hbm>> -> memref<25x40xi32, #tpu.memory_space<hbm>>
      tpu.enqueue_dma source(%dma_start3A_104 : memref<25x40xi32, #tpu.memory_space<hbm>>) target(%dma_start3A_100 : memref<25x40xi32, #tpu.memory_space<vmem>>) target_semaphore(%run_scoped3A_88 : memref<!tpu.dma_semaphore, #tpu.memory_space<semaphore_mem>>)
      %dma_wait3A_105 = arith.constant 0 : i32
      %dma_wait3A_106 = arith.constant 0 : i32
      %dma_wait3A_107 = tpu.memref_slice %arg8[%run_scoped3A_32, %dma_wait3A_105, %dma_wait3A_106] : memref<2x25x40xi32, #tpu.memory_space<vmem>> -> memref<1x25x40xi32, #tpu.memory_space<vmem>>
      %dma_wait3A_108 = tpu.memref_squeeze %dma_wait3A_107 : memref<1x25x40xi32, #tpu.memory_space<vmem>> -> memref<25x40xi32, #tpu.memory_space<vmem>>
      %dma_wait3A_109 = arith.constant 0 : i32
      %dma_wait3A_110 = arith.constant 0 : i32
      %dma_wait3A_111 = tpu.memref_slice %arg5[%mul3A_31, %dma_wait3A_109, %dma_wait3A_110] : memref<320x25x40xi32, #tpu.memory_space<hbm>> -> memref<1x25x40xi32, #tpu.memory_space<hbm>>
      %dma_wait3A_112 = tpu.memref_squeeze %dma_wait3A_111 : memref<1x25x40xi32, #tpu.memory_space<hbm>> -> memref<25x40xi32, #tpu.memory_space<hbm>>
      %dma_wait3A_113 = arith.constant 0 : i32
      %dma_wait3A_114 = arith.constant 0 : i32
      %dma_wait3A_115 = tpu.memref_slice %arg8[%run_scoped3A_32, %dma_wait3A_113, %dma_wait3A_114] : memref<2x25x40xi32, #tpu.memory_space<vmem>> -> memref<1x25x40xi32, #tpu.memory_space<vmem>>
      %dma_wait3A_116 = tpu.memref_squeeze %dma_wait3A_115 : memref<1x25x40xi32, #tpu.memory_space<vmem>> -> memref<25x40xi32, #tpu.memory_space<vmem>>
      %dma_wait3A_117 = arith.constant 0 : i32
      %dma_wait3A_118 = arith.constant 0 : i32
      %dma_wait3A_119 = tpu.memref_slice %arg5[%mul3A_31, %dma_wait3A_117, %dma_wait3A_118] : memref<320x25x40xi32, #tpu.memory_space<hbm>> -> memref<1x25x40xi32, #tpu.memory_space<hbm>>
      %dma_wait3A_120 = tpu.memref_squeeze %dma_wait3A_119 : memref<1x25x40xi32, #tpu.memory_space<hbm>> -> memref<25x40xi32, #tpu.memory_space<hbm>>
      tpu.wait_dma2 semaphore(%run_scoped3A_88 : memref<!tpu.dma_semaphore, #tpu.memory_space<semaphore_mem>>) src(%dma_wait3A_120 : memref<25x40xi32, #tpu.memory_space<hbm>>) dst(%dma_wait3A_116 : memref<25x40xi32, #tpu.memory_space<vmem>>)
      tpu.yield
    }) : () -> ()
    %dma_start3A = arith.constant 0 : i32
    %dma_start3A_33 = arith.constant 0 : i32
    %dma_start3A_34 = arith.constant 0 : i32
    %dma_start3A_35 = tpu.memref_slice %arg7[%dma_start3A, %dma_start3A_33, %dma_start3A_34] : memref<2x25x40xi32, #tpu.memory_space<vmem>> -> memref<1x1x40xi32, #tpu.memory_space<vmem>>
    %dma_start3A_36 = tpu.memref_squeeze %dma_start3A_35 : memref<1x1x40xi32, #tpu.memory_space<vmem>> -> memref<40xi32, #tpu.memory_space<vmem>>
    %dma_start3A_37 = arith.constant 0 : i32
    %dma_start3A_38 = arith.constant 0 : i32
    %dma_start3A_39 = tpu.memref_slice %arg2[%dma_start3A_37, %dma_start3A_38] : memref<10000x128xf32, #tpu.memory_space<hbm>> -> memref<10000x128xf32, #tpu.memory_space<hbm>>
    tpu.enqueue_indirect_dma source(%dma_start3A_39 : memref<10000x128xf32, #tpu.memory_space<hbm>>) target(%arg9 : memref<40x128xf32, #tpu.memory_space<vmem>>) offsets(%dma_start3A_36 : memref<40xi32, #tpu.memory_space<vmem>>) semaphore(%arg16 : memref<!tpu.dma_semaphore, #tpu.memory_space<semaphore_mem>>)
    %add3A_40 = arith.constant 0 : i32
    %add3A_41 = arith.addi %mul3A_27, %add3A_40 : i32
    %mul3A_42 = arith.constant 40 : i32
    %mul3A_43 = arith.muli %add3A_41, %mul3A_42 : i32
    %dma_start3A_44 = arith.constant 0 : i32
    %dma_start3A_45 = tpu.memref_slice %arg3[%mul3A_43, %dma_start3A_44] : memref<320000x128xf32, #tpu.memory_space<hbm>> -> memref<40x128xf32, #tpu.memory_space<hbm>>
    %dma_start3A_46 = arith.constant 0 : i32
    %dma_start3A_47 = tpu.memref_slice %arg3[%mul3A_43, %dma_start3A_46] : memref<320000x128xf32, #tpu.memory_space<hbm>> -> memref<40x128xf32, #tpu.memory_space<hbm>>
    tpu.enqueue_dma source(%dma_start3A_47 : memref<40x128xf32, #tpu.memory_space<hbm>>) target(%arg11 : memref<40x128xf32, #tpu.memory_space<vmem>>) target_semaphore(%arg18 : memref<!tpu.dma_semaphore, #tpu.memory_space<semaphore_mem>>)
    %dma_start3A_48 = arith.constant 0 : i32
    %dma_start3A_49 = arith.constant 1 : i32
    %dma_start3A_50 = arith.constant 0 : i32
    %dma_start3A_51 = tpu.memref_slice %arg7[%dma_start3A_48, %dma_start3A_49, %dma_start3A_50] : memref<2x25x40xi32, #tpu.memory_space<vmem>> -> memref<1x1x40xi32, #tpu.memory_space<vmem>>
    %dma_start3A_52 = tpu.memref_squeeze %dma_start3A_51 : memref<1x1x40xi32, #tpu.memory_space<vmem>> -> memref<40xi32, #tpu.memory_space<vmem>>
    %dma_start3A_53 = arith.constant 0 : i32
    %dma_start3A_54 = arith.constant 0 : i32
    %dma_start3A_55 = tpu.memref_slice %arg2[%dma_start3A_53, %dma_start3A_54] : memref<10000x128xf32, #tpu.memory_space<hbm>> -> memref<10000x128xf32, #tpu.memory_space<hbm>>
    tpu.enqueue_indirect_dma source(%dma_start3A_55 : memref<10000x128xf32, #tpu.memory_space<hbm>>) target(%arg10 : memref<40x128xf32, #tpu.memory_space<vmem>>) offsets(%dma_start3A_52 : memref<40xi32, #tpu.memory_space<vmem>>) semaphore(%arg17 : memref<!tpu.dma_semaphore, #tpu.memory_space<semaphore_mem>>)
    %add3A_56 = arith.constant 1 : i32
    %add3A_57 = arith.addi %mul3A_27, %add3A_56 : i32
    %mul3A_58 = arith.constant 40 : i32
    %mul3A_59 = arith.muli %add3A_57, %mul3A_58 : i32
    %dma_start3A_60 = arith.constant 0 : i32
    %dma_start3A_61 = tpu.memref_slice %arg3[%mul3A_59, %dma_start3A_60] : memref<320000x128xf32, #tpu.memory_space<hbm>> -> memref<40x128xf32, #tpu.memory_space<hbm>>
    %dma_start3A_62 = arith.constant 0 : i32
    %dma_start3A_63 = tpu.memref_slice %arg3[%mul3A_59, %dma_start3A_62] : memref<320000x128xf32, #tpu.memory_space<hbm>> -> memref<40x128xf32, #tpu.memory_space<hbm>>
    tpu.enqueue_dma source(%dma_start3A_63 : memref<40x128xf32, #tpu.memory_space<hbm>>) target(%arg12 : memref<40x128xf32, #tpu.memory_space<vmem>>) target_semaphore(%arg19 : memref<!tpu.dma_semaphore, #tpu.memory_space<semaphore_mem>>)
    %scan3A_64 = arith.constant 0 : i32
    %scan3A_65 = arith.constant 0 : i32
    %scan3A_66 = arith.constant 125 : i32
    %scan3A_67 = arith.addi %scan3A_65, %scan3A_66 : i32
    %scan3A_68 = arith.constant 1 : i32
    scf.for %scan3A_88 = %scan3A_65 to %scan3A_67 step %scan3A_68  : i32 {
      %mul3A_89 = arith.constant 2 : i32
      %mul3A_90 = arith.muli %mul3A_89, %scan3A_88 : i32
      %add3A_91 = arith.constant 0 : i32
      %add3A_92 = arith.addi %mul3A_90, %add3A_91 : i32
      %ge3A = arith.constant 2 : i32
      %ge3A_93 = arith.cmpi sge, %add3A_92, %ge3A : i32
      %convert_element_type3A_94 = arith.extui %ge3A_93 : i1 to i32
      %cond3A_95 = arith.constant 0 : i32
      %cond3A_96 = arith.cmpi ne, %convert_element_type3A_94, %cond3A_95 : i32
      scf.if %cond3A_96 {
        %dma_wait3A_321 = arith.constant 0 : i32
        %dma_wait3A_322 = arith.constant 0 : i32
        %dma_wait3A_323 = tpu.memref_slice %arg3[%dma_wait3A_321, %dma_wait3A_322] : memref<320000x128xf32, #tpu.memory_space<hbm>> -> memref<40x128xf32, #tpu.memory_space<hbm>>
        %dma_wait3A_324 = arith.constant 0 : i32
        %dma_wait3A_325 = arith.constant 0 : i32
        %dma_wait3A_326 = tpu.memref_slice %arg3[%dma_wait3A_324, %dma_wait3A_325] : memref<320000x128xf32, #tpu.memory_space<hbm>> -> memref<40x128xf32, #tpu.memory_space<hbm>>
        tpu.wait_dma2 semaphore(%arg20 : memref<!tpu.dma_semaphore, #tpu.memory_space<semaphore_mem>>) src(%dma_wait3A_326 : memref<40x128xf32, #tpu.memory_space<hbm>>) dst(%arg13 : memref<40x128xf32, #tpu.memory_space<vmem>>)
      } else {
      }
      %dma_wait3A_97 = arith.constant 0 : i32
      %dma_wait3A_98 = arith.constant 0 : i32
      %dma_wait3A_99 = tpu.memref_slice %arg3[%dma_wait3A_97, %dma_wait3A_98] : memref<320000x128xf32, #tpu.memory_space<hbm>> -> memref<40x128xf32, #tpu.memory_space<hbm>>
      %dma_wait3A_100 = arith.constant 0 : i32
      %dma_wait3A_101 = arith.constant 0 : i32
      %dma_wait3A_102 = tpu.memref_slice %arg3[%dma_wait3A_100, %dma_wait3A_101] : memref<320000x128xf32, #tpu.memory_space<hbm>> -> memref<40x128xf32, #tpu.memory_space<hbm>>
      tpu.wait_dma2 semaphore(%arg16 : memref<!tpu.dma_semaphore, #tpu.memory_space<semaphore_mem>>) src(%dma_wait3A_102 : memref<40x128xf32, #tpu.memory_space<hbm>>) dst(%arg9 : memref<40x128xf32, #tpu.memory_space<vmem>>)
      %dma_wait3A_103 = arith.constant 0 : i32
      %dma_wait3A_104 = arith.constant 0 : i32
      %dma_wait3A_105 = tpu.memref_slice %arg3[%dma_wait3A_103, %dma_wait3A_104] : memref<320000x128xf32, #tpu.memory_space<hbm>> -> memref<40x128xf32, #tpu.memory_space<hbm>>
      %dma_wait3A_106 = arith.constant 0 : i32
      %dma_wait3A_107 = arith.constant 0 : i32
      %dma_wait3A_108 = tpu.memref_slice %arg3[%dma_wait3A_106, %dma_wait3A_107] : memref<320000x128xf32, #tpu.memory_space<hbm>> -> memref<40x128xf32, #tpu.memory_space<hbm>>
      tpu.wait_dma2 semaphore(%arg18 : memref<!tpu.dma_semaphore, #tpu.memory_space<semaphore_mem>>) src(%dma_wait3A_108 : memref<40x128xf32, #tpu.memory_space<hbm>>) dst(%arg11 : memref<40x128xf32, #tpu.memory_space<vmem>>)
      %jit3A_109 = arith.constant 25 : i32
      %eq3A_110 = arith.constant 0 : i32
      %eq3A_111 = arith.cmpi eq, %jit3A_109, %eq3A_110 : i32
      %jit3A_112 = arith.constant 1 : i32
      %select_n3A_113 = arith.select %eq3A_111, %jit3A_112, %jit3A_109 : i32
      %rem3A = arith.remsi %add3A_92, %select_n3A_113 : i32
      %ne3A = arith.constant 0 : i32
      %ne3A_114 = arith.cmpi ne, %rem3A, %ne3A : i32
      %lt3A = arith.constant 0 : i32
      %lt3A_115 = arith.cmpi slt, %rem3A, %lt3A : i32
      %lt3A_116 = arith.constant 0 : i32
      %lt3A_117 = arith.cmpi slt, %select_n3A_113, %lt3A_116 : i32
      %ne3A_118 = arith.xori %lt3A_115, %lt3A_117 : i1
      %and3A = arith.andi %ne3A_118, %ne3A_114 : i1
      %add3A_119 = arith.addi %rem3A, %select_n3A_113 : i32
      %select_n3A_120 = arith.select %and3A, %add3A_119, %rem3A : i32
      %eq3A_121 = arith.constant 3 : i32
      %eq3A_122 = arith.cmpi eq, %select_n3A_120, %eq3A_121 : i32
      %lt3A_123 = arith.constant 225 : i32
      %lt3A_124 = arith.cmpi slt, %add3A_92, %lt3A_123 : i32
      %and3A_125 = arith.andi %eq3A_122, %lt3A_124 : i1
      %convert_element_type3A_126 = arith.extui %and3A_125 : i1 to i32
      %cond3A_127 = arith.constant 0 : i32
      %cond3A_128 = arith.cmpi ne, %convert_element_type3A_126, %cond3A_127 : i32
      scf.if %cond3A_128 {
        %jit3A_321 = arith.constant 25 : i32
        %div3A_322 = arith.divsi %add3A_92, %jit3A_321 : i32
        %sign3A_323 = arith.constant 0 : i32
        %sign3A_324 = arith.cmpi sgt, %add3A_92, %sign3A_323 : i32
        %sign3A_325 = arith.extui %sign3A_324 : i1 to i32
        %sign3A_326 = arith.constant 0 : i32
        %sign3A_327 = arith.cmpi slt, %add3A_92, %sign3A_326 : i32
        %sign3A_328 = arith.extui %sign3A_327 : i1 to i32
        %sign3A_329 = arith.subi %sign3A_325, %sign3A_328 : i32
        %sign3A_330 = arith.constant 0 : i32
        %sign3A_331 = arith.cmpi sgt, %jit3A_321, %sign3A_330 : i32
        %sign3A_332 = arith.extui %sign3A_331 : i1 to i32
        %sign3A_333 = arith.constant 0 : i32
        %sign3A_334 = arith.cmpi slt, %jit3A_321, %sign3A_333 : i32
        %sign3A_335 = arith.extui %sign3A_334 : i1 to i32
        %sign3A_336 = arith.subi %sign3A_332, %sign3A_335 : i32
        %ne3A_337 = arith.cmpi ne, %sign3A_329, %sign3A_336 : i32
        %rem3A_338 = arith.remsi %add3A_92, %jit3A_321 : i32
        %ne3A_339 = arith.constant 0 : i32
        %ne3A_340 = arith.cmpi ne, %rem3A_338, %ne3A_339 : i32
        %and3A_341 = arith.andi %ne3A_337, %ne3A_340 : i1
        %sub3A_342 = arith.constant 1 : i32
        %sub3A_343 = arith.subi %div3A_322, %sub3A_342 : i32
        %select_n3A_344 = arith.select %and3A_341, %sub3A_343, %div3A_322 : i32
        %add3A_345 = arith.constant 1 : i32
        %add3A_346 = arith.addi %select_n3A_344, %add3A_345 : i32
        %mul3A_347 = arith.constant 10 : i32
        %mul3A_348 = arith.muli %add3A, %mul3A_347 : i32
        %add3A_349 = arith.addi %mul3A_348, %add3A_346 : i32
        %jit3A_350 = arith.constant 2 : i32
        %eq3A_351 = arith.constant 0 : i32
        %eq3A_352 = arith.cmpi eq, %jit3A_350, %eq3A_351 : i32
        %jit3A_353 = arith.constant 1 : i32
        %select_n3A_354 = arith.select %eq3A_352, %jit3A_353, %jit3A_350 : i32
        %rem3A_355 = arith.remsi %add3A_346, %select_n3A_354 : i32
        %ne3A_356 = arith.constant 0 : i32
        %ne3A_357 = arith.cmpi ne, %rem3A_355, %ne3A_356 : i32
        %lt3A_358 = arith.constant 0 : i32
        %lt3A_359 = arith.cmpi slt, %rem3A_355, %lt3A_358 : i32
        %lt3A_360 = arith.constant 0 : i32
        %lt3A_361 = arith.cmpi slt, %select_n3A_354, %lt3A_360 : i32
        %ne3A_362 = arith.xori %lt3A_359, %lt3A_361 : i1
        %and3A_363 = arith.andi %ne3A_362, %ne3A_357 : i1
        %add3A_364 = arith.addi %rem3A_355, %select_n3A_354 : i32
        %select_n3A_365 = arith.select %and3A_363, %add3A_364, %rem3A_355 : i32
        "tpu.region"() ({
          %run_scoped3A_385 = tpu.sem_alloc : memref<!tpu.dma_semaphore, #tpu.memory_space<semaphore_mem>>
          %dma_start3A_386 = arith.constant 0 : i32
          %dma_start3A_387 = arith.constant 0 : i32
          %dma_start3A_388 = tpu.memref_slice %arg7[%select_n3A_365, %dma_start3A_386, %dma_start3A_387] : memref<2x25x40xi32, #tpu.memory_space<vmem>> -> memref<1x25x40xi32, #tpu.memory_space<vmem>>
          %dma_start3A_389 = tpu.memref_squeeze %dma_start3A_388 : memref<1x25x40xi32, #tpu.memory_space<vmem>> -> memref<25x40xi32, #tpu.memory_space<vmem>>
          %dma_start3A_390 = arith.constant 0 : i32
          %dma_start3A_391 = arith.constant 0 : i32
          %dma_start3A_392 = tpu.memref_slice %arg4[%add3A_349, %dma_start3A_390, %dma_start3A_391] : memref<320x25x40xi32, #tpu.memory_space<hbm>> -> memref<1x25x40xi32, #tpu.memory_space<hbm>>
          %dma_start3A_393 = tpu.memref_squeeze %dma_start3A_392 : memref<1x25x40xi32, #tpu.memory_space<hbm>> -> memref<25x40xi32, #tpu.memory_space<hbm>>
          %dma_start3A_394 = arith.constant 0 : i32
          %dma_start3A_395 = arith.constant 0 : i32
          %dma_start3A_396 = tpu.memref_slice %arg7[%select_n3A_365, %dma_start3A_394, %dma_start3A_395] : memref<2x25x40xi32, #tpu.memory_space<vmem>> -> memref<1x25x40xi32, #tpu.memory_space<vmem>>
          %dma_start3A_397 = tpu.memref_squeeze %dma_start3A_396 : memref<1x25x40xi32, #tpu.memory_space<vmem>> -> memref<25x40xi32, #tpu.memory_space<vmem>>
          %dma_start3A_398 = arith.constant 0 : i32
          %dma_start3A_399 = arith.constant 0 : i32
          %dma_start3A_400 = tpu.memref_slice %arg4[%add3A_349, %dma_start3A_398, %dma_start3A_399] : memref<320x25x40xi32, #tpu.memory_space<hbm>> -> memref<1x25x40xi32, #tpu.memory_space<hbm>>
          %dma_start3A_401 = tpu.memref_squeeze %dma_start3A_400 : memref<1x25x40xi32, #tpu.memory_space<hbm>> -> memref<25x40xi32, #tpu.memory_space<hbm>>
          tpu.enqueue_dma source(%dma_start3A_401 : memref<25x40xi32, #tpu.memory_space<hbm>>) target(%dma_start3A_397 : memref<25x40xi32, #tpu.memory_space<vmem>>) target_semaphore(%run_scoped3A_385 : memref<!tpu.dma_semaphore, #tpu.memory_space<semaphore_mem>>)
          %dma_wait3A_402 = arith.constant 0 : i32
          %dma_wait3A_403 = arith.constant 0 : i32
          %dma_wait3A_404 = tpu.memref_slice %arg7[%select_n3A_365, %dma_wait3A_402, %dma_wait3A_403] : memref<2x25x40xi32, #tpu.memory_space<vmem>> -> memref<1x25x40xi32, #tpu.memory_space<vmem>>
          %dma_wait3A_405 = tpu.memref_squeeze %dma_wait3A_404 : memref<1x25x40xi32, #tpu.memory_space<vmem>> -> memref<25x40xi32, #tpu.memory_space<vmem>>
          %dma_wait3A_406 = arith.constant 0 : i32
          %dma_wait3A_407 = arith.constant 0 : i32
          %dma_wait3A_408 = tpu.memref_slice %arg4[%add3A_349, %dma_wait3A_406, %dma_wait3A_407] : memref<320x25x40xi32, #tpu.memory_space<hbm>> -> memref<1x25x40xi32, #tpu.memory_space<hbm>>
          %dma_wait3A_409 = tpu.memref_squeeze %dma_wait3A_408 : memref<1x25x40xi32, #tpu.memory_space<hbm>> -> memref<25x40xi32, #tpu.memory_space<hbm>>
          %dma_wait3A_410 = arith.constant 0 : i32
          %dma_wait3A_411 = arith.constant 0 : i32
          %dma_wait3A_412 = tpu.memref_slice %arg7[%select_n3A_365, %dma_wait3A_410, %dma_wait3A_411] : memref<2x25x40xi32, #tpu.memory_space<vmem>> -> memref<1x25x40xi32, #tpu.memory_space<vmem>>
          %dma_wait3A_413 = tpu.memref_squeeze %dma_wait3A_412 : memref<1x25x40xi32, #tpu.memory_space<vmem>> -> memref<25x40xi32, #tpu.memory_space<vmem>>
          %dma_wait3A_414 = arith.constant 0 : i32
          %dma_wait3A_415 = arith.constant 0 : i32
          %dma_wait3A_416 = tpu.memref_slice %arg4[%add3A_349, %dma_wait3A_414, %dma_wait3A_415] : memref<320x25x40xi32, #tpu.memory_space<hbm>> -> memref<1x25x40xi32, #tpu.memory_space<hbm>>
          %dma_wait3A_417 = tpu.memref_squeeze %dma_wait3A_416 : memref<1x25x40xi32, #tpu.memory_space<hbm>> -> memref<25x40xi32, #tpu.memory_space<hbm>>
          tpu.wait_dma2 semaphore(%run_scoped3A_385 : memref<!tpu.dma_semaphore, #tpu.memory_space<semaphore_mem>>) src(%dma_wait3A_417 : memref<25x40xi32, #tpu.memory_space<hbm>>) dst(%dma_wait3A_413 : memref<25x40xi32, #tpu.memory_space<vmem>>)
          tpu.yield
        }) : () -> ()
        %mul3A_366 = arith.constant 10 : i32
        %mul3A_367 = arith.muli %add3A, %mul3A_366 : i32
        %add3A_368 = arith.addi %mul3A_367, %add3A_346 : i32
        %jit3A_369 = arith.constant 2 : i32
        %eq3A_370 = arith.constant 0 : i32
        %eq3A_371 = arith.cmpi eq, %jit3A_369, %eq3A_370 : i32
        %jit3A_372 = arith.constant 1 : i32
        %select_n3A_373 = arith.select %eq3A_371, %jit3A_372, %jit3A_369 : i32
        %rem3A_374 = arith.remsi %add3A_346, %select_n3A_373 : i32
        %ne3A_375 = arith.constant 0 : i32
        %ne3A_376 = arith.cmpi ne, %rem3A_374, %ne3A_375 : i32
        %lt3A_377 = arith.constant 0 : i32
        %lt3A_378 = arith.cmpi slt, %rem3A_374, %lt3A_377 : i32
        %lt3A_379 = arith.constant 0 : i32
        %lt3A_380 = arith.cmpi slt, %select_n3A_373, %lt3A_379 : i32
        %ne3A_381 = arith.xori %lt3A_378, %lt3A_380 : i1
        %and3A_382 = arith.andi %ne3A_381, %ne3A_376 : i1
        %add3A_383 = arith.addi %rem3A_374, %select_n3A_373 : i32
        %select_n3A_384 = arith.select %and3A_382, %add3A_383, %rem3A_374 : i32
        "tpu.region"() ({
          %run_scoped3A_385 = tpu.sem_alloc : memref<!tpu.dma_semaphore, #tpu.memory_space<semaphore_mem>>
          %dma_start3A_386 = arith.constant 0 : i32
          %dma_start3A_387 = arith.constant 0 : i32
          %dma_start3A_388 = tpu.memref_slice %arg8[%select_n3A_384, %dma_start3A_386, %dma_start3A_387] : memref<2x25x40xi32, #tpu.memory_space<vmem>> -> memref<1x25x40xi32, #tpu.memory_space<vmem>>
          %dma_start3A_389 = tpu.memref_squeeze %dma_start3A_388 : memref<1x25x40xi32, #tpu.memory_space<vmem>> -> memref<25x40xi32, #tpu.memory_space<vmem>>
          %dma_start3A_390 = arith.constant 0 : i32
          %dma_start3A_391 = arith.constant 0 : i32
          %dma_start3A_392 = tpu.memref_slice %arg5[%add3A_368, %dma_start3A_390, %dma_start3A_391] : memref<320x25x40xi32, #tpu.memory_space<hbm>> -> memref<1x25x40xi32, #tpu.memory_space<hbm>>
          %dma_start3A_393 = tpu.memref_squeeze %dma_start3A_392 : memref<1x25x40xi32, #tpu.memory_space<hbm>> -> memref<25x40xi32, #tpu.memory_space<hbm>>
          %dma_start3A_394 = arith.constant 0 : i32
          %dma_start3A_395 = arith.constant 0 : i32
          %dma_start3A_396 = tpu.memref_slice %arg8[%select_n3A_384, %dma_start3A_394, %dma_start3A_395] : memref<2x25x40xi32, #tpu.memory_space<vmem>> -> memref<1x25x40xi32, #tpu.memory_space<vmem>>
          %dma_start3A_397 = tpu.memref_squeeze %dma_start3A_396 : memref<1x25x40xi32, #tpu.memory_space<vmem>> -> memref<25x40xi32, #tpu.memory_space<vmem>>
          %dma_start3A_398 = arith.constant 0 : i32
          %dma_start3A_399 = arith.constant 0 : i32
          %dma_start3A_400 = tpu.memref_slice %arg5[%add3A_368, %dma_start3A_398, %dma_start3A_399] : memref<320x25x40xi32, #tpu.memory_space<hbm>> -> memref<1x25x40xi32, #tpu.memory_space<hbm>>
          %dma_start3A_401 = tpu.memref_squeeze %dma_start3A_400 : memref<1x25x40xi32, #tpu.memory_space<hbm>> -> memref<25x40xi32, #tpu.memory_space<hbm>>
          tpu.enqueue_dma source(%dma_start3A_401 : memref<25x40xi32, #tpu.memory_space<hbm>>) target(%dma_start3A_397 : memref<25x40xi32, #tpu.memory_space<vmem>>) target_semaphore(%run_scoped3A_385 : memref<!tpu.dma_semaphore, #tpu.memory_space<semaphore_mem>>)
          %dma_wait3A_402 = arith.constant 0 : i32
          %dma_wait3A_403 = arith.constant 0 : i32
          %dma_wait3A_404 = tpu.memref_slice %arg8[%select_n3A_384, %dma_wait3A_402, %dma_wait3A_403] : memref<2x25x40xi32, #tpu.memory_space<vmem>> -> memref<1x25x40xi32, #tpu.memory_space<vmem>>
          %dma_wait3A_405 = tpu.memref_squeeze %dma_wait3A_404 : memref<1x25x40xi32, #tpu.memory_space<vmem>> -> memref<25x40xi32, #tpu.memory_space<vmem>>
          %dma_wait3A_406 = arith.constant 0 : i32
          %dma_wait3A_407 = arith.constant 0 : i32
          %dma_wait3A_408 = tpu.memref_slice %arg5[%add3A_368, %dma_wait3A_406, %dma_wait3A_407] : memref<320x25x40xi32, #tpu.memory_space<hbm>> -> memref<1x25x40xi32, #tpu.memory_space<hbm>>
          %dma_wait3A_409 = tpu.memref_squeeze %dma_wait3A_408 : memref<1x25x40xi32, #tpu.memory_space<hbm>> -> memref<25x40xi32, #tpu.memory_space<hbm>>
          %dma_wait3A_410 = arith.constant 0 : i32
          %dma_wait3A_411 = arith.constant 0 : i32
          %dma_wait3A_412 = tpu.memref_slice %arg8[%select_n3A_384, %dma_wait3A_410, %dma_wait3A_411] : memref<2x25x40xi32, #tpu.memory_space<vmem>> -> memref<1x25x40xi32, #tpu.memory_space<vmem>>
          %dma_wait3A_413 = tpu.memref_squeeze %dma_wait3A_412 : memref<1x25x40xi32, #tpu.memory_space<vmem>> -> memref<25x40xi32, #tpu.memory_space<vmem>>
          %dma_wait3A_414 = arith.constant 0 : i32
          %dma_wait3A_415 = arith.constant 0 : i32
          %dma_wait3A_416 = tpu.memref_slice %arg5[%add3A_368, %dma_wait3A_414, %dma_wait3A_415] : memref<320x25x40xi32, #tpu.memory_space<hbm>> -> memref<1x25x40xi32, #tpu.memory_space<hbm>>
          %dma_wait3A_417 = tpu.memref_squeeze %dma_wait3A_416 : memref<1x25x40xi32, #tpu.memory_space<hbm>> -> memref<25x40xi32, #tpu.memory_space<hbm>>
          tpu.wait_dma2 semaphore(%run_scoped3A_385 : memref<!tpu.dma_semaphore, #tpu.memory_space<semaphore_mem>>) src(%dma_wait3A_417 : memref<25x40xi32, #tpu.memory_space<hbm>>) dst(%dma_wait3A_413 : memref<25x40xi32, #tpu.memory_space<vmem>>)
          tpu.yield
        }) : () -> ()
      } else {
      }
      %scan3A_129 = arith.constant 0 : i32
      %scan3A_130 = arith.constant 0 : i32
      %scan3A_131 = arith.constant 40 : i32
      %scan3A_132 = arith.addi %scan3A_130, %scan3A_131 : i32
      %scan3A_133 = arith.constant 1 : i32
      scf.for %scan3A_321 = %scan3A_130 to %scan3A_132 step %scan3A_133  : i32 {
        %get3A = arith.index_cast %scan3A_321 : i32 to index
        %get3A_322 = arith.constant 0 : index
        %get3A_323 = tpu.vector_load %arg9[%get3A, %get3A_322] {strides = array<i32>} : memref<40x128xf32, #tpu.memory_space<vmem>>, vector<1x16xf32>,
        %get3A_324 = vector.shape_cast %get3A_323 : vector<1x16xf32> to vector<16xf32>
        %get3A_325 = arith.index_cast %scan3A_321 : i32 to index
        %get3A_326 = arith.constant 0 : index
        %get3A_327 = tpu.vector_load %arg11[%get3A_325, %get3A_326] {strides = array<i32>} : memref<40x128xf32, #tpu.memory_space<vmem>>, vector<1x16xf32>,
        %get3A_328 = vector.shape_cast %get3A_327 : vector<1x16xf32> to vector<16xf32>
        %add3A_329 = arith.addf %get3A_324, %get3A_328 : vector<16xf32>
        %max3A = arith.constant 0.000000e+00 : f32
        %max3A_330 = vector.broadcast %max3A : f32 to vector<16xf32>
        %max3A_331 = arith.maximumf %add3A_329, %max3A_330 : vector<16xf32>
        %swap3A = arith.index_cast %scan3A_321 : i32 to index
        %swap3A_332 = arith.constant 0 : index
        %swap3A_333 = tpu.vector_load %arg13[%swap3A, %swap3A_332] {strides = array<i32>} : memref<40x128xf32, #tpu.memory_space<vmem>>, vector<1x16xf32>,
        %swap3A_334 = vector.shape_cast %swap3A_333 : vector<1x16xf32> to vector<16xf32>
        %swap3A_335 = vector.shape_cast %max3A_331 : vector<16xf32> to vector<1x16xf32>
        tpu.vector_store %arg13[%swap3A, %swap3A_332], %swap3A_335 {strides = array<i32>} : memref<40x128xf32, #tpu.memory_space<vmem>>, vector<1x16xf32>,
        %get3A_336 = arith.index_cast %scan3A_321 : i32 to index
        %get3A_337 = arith.constant 16 : index
        %get3A_338 = tpu.vector_load %arg9[%get3A_336, %get3A_337] {strides = array<i32>} : memref<40x128xf32, #tpu.memory_space<vmem>>, vector<1x16xf32>,
        %get3A_339 = vector.shape_cast %get3A_338 : vector<1x16xf32> to vector<16xf32>
        %get3A_340 = arith.index_cast %scan3A_321 : i32 to index
        %get3A_341 = arith.constant 16 : index
        %get3A_342 = tpu.vector_load %arg11[%get3A_340, %get3A_341] {strides = array<i32>} : memref<40x128xf32, #tpu.memory_space<vmem>>, vector<1x16xf32>,
        %get3A_343 = vector.shape_cast %get3A_342 : vector<1x16xf32> to vector<16xf32>
        %add3A_344 = arith.addf %get3A_339, %get3A_343 : vector<16xf32>
        %max3A_345 = arith.constant 0.000000e+00 : f32
        %max3A_346 = vector.broadcast %max3A_345 : f32 to vector<16xf32>
        %max3A_347 = arith.maximumf %add3A_344, %max3A_346 : vector<16xf32>
        %swap3A_348 = arith.index_cast %scan3A_321 : i32 to index
        %swap3A_349 = arith.constant 16 : index
        %swap3A_350 = tpu.vector_load %arg13[%swap3A_348, %swap3A_349] {strides = array<i32>} : memref<40x128xf32, #tpu.memory_space<vmem>>, vector<1x16xf32>,
        %swap3A_351 = vector.shape_cast %swap3A_350 : vector<1x16xf32> to vector<16xf32>
        %swap3A_352 = vector.shape_cast %max3A_347 : vector<16xf32> to vector<1x16xf32>
        tpu.vector_store %arg13[%swap3A_348, %swap3A_349], %swap3A_352 {strides = array<i32>} : memref<40x128xf32, #tpu.memory_space<vmem>>, vector<1x16xf32>,
        %get3A_353 = arith.index_cast %scan3A_321 : i32 to index
        %get3A_354 = arith.constant 32 : index
        %get3A_355 = tpu.vector_load %arg9[%get3A_353, %get3A_354] {strides = array<i32>} : memref<40x128xf32, #tpu.memory_space<vmem>>, vector<1x16xf32>,
        %get3A_356 = vector.shape_cast %get3A_355 : vector<1x16xf32> to vector<16xf32>
        %get3A_357 = arith.index_cast %scan3A_321 : i32 to index
        %get3A_358 = arith.constant 32 : index
        %get3A_359 = tpu.vector_load %arg11[%get3A_357, %get3A_358] {strides = array<i32>} : memref<40x128xf32, #tpu.memory_space<vmem>>, vector<1x16xf32>,
        %get3A_360 = vector.shape_cast %get3A_359 : vector<1x16xf32> to vector<16xf32>
        %add3A_361 = arith.addf %get3A_356, %get3A_360 : vector<16xf32>
        %max3A_362 = arith.constant 0.000000e+00 : f32
        %max3A_363 = vector.broadcast %max3A_362 : f32 to vector<16xf32>
        %max3A_364 = arith.maximumf %add3A_361, %max3A_363 : vector<16xf32>
        %swap3A_365 = arith.index_cast %scan3A_321 : i32 to index
        %swap3A_366 = arith.constant 32 : index
        %swap3A_367 = tpu.vector_load %arg13[%swap3A_365, %swap3A_366] {strides = array<i32>} : memref<40x128xf32, #tpu.memory_space<vmem>>, vector<1x16xf32>,
        %swap3A_368 = vector.shape_cast %swap3A_367 : vector<1x16xf32> to vector<16xf32>
        %swap3A_369 = vector.shape_cast %max3A_364 : vector<16xf32> to vector<1x16xf32>
        tpu.vector_store %arg13[%swap3A_365, %swap3A_366], %swap3A_369 {strides = array<i32>} : memref<40x128xf32, #tpu.memory_space<vmem>>, vector<1x16xf32>,
        %get3A_370 = arith.index_cast %scan3A_321 : i32 to index
        %get3A_371 = arith.constant 48 : index
        %get3A_372 = tpu.vector_load %arg9[%get3A_370, %get3A_371] {strides = array<i32>} : memref<40x128xf32, #tpu.memory_space<vmem>>, vector<1x16xf32>,
        %get3A_373 = vector.shape_cast %get3A_372 : vector<1x16xf32> to vector<16xf32>
        %get3A_374 = arith.index_cast %scan3A_321 : i32 to index
        %get3A_375 = arith.constant 48 : index
        %get3A_376 = tpu.vector_load %arg11[%get3A_374, %get3A_375] {strides = array<i32>} : memref<40x128xf32, #tpu.memory_space<vmem>>, vector<1x16xf32>,
        %get3A_377 = vector.shape_cast %get3A_376 : vector<1x16xf32> to vector<16xf32>
        %add3A_378 = arith.addf %get3A_373, %get3A_377 : vector<16xf32>
        %max3A_379 = arith.constant 0.000000e+00 : f32
        %max3A_380 = vector.broadcast %max3A_379 : f32 to vector<16xf32>
        %max3A_381 = arith.maximumf %add3A_378, %max3A_380 : vector<16xf32>
        %swap3A_382 = arith.index_cast %scan3A_321 : i32 to index
        %swap3A_383 = arith.constant 48 : index
        %swap3A_384 = tpu.vector_load %arg13[%swap3A_382, %swap3A_383] {strides = array<i32>} : memref<40x128xf32, #tpu.memory_space<vmem>>, vector<1x16xf32>,
        %swap3A_385 = vector.shape_cast %swap3A_384 : vector<1x16xf32> to vector<16xf32>
        %swap3A_386 = vector.shape_cast %max3A_381 : vector<16xf32> to vector<1x16xf32>
        tpu.vector_store %arg13[%swap3A_382, %swap3A_383], %swap3A_386 {strides = array<i32>} : memref<40x128xf32, #tpu.memory_space<vmem>>, vector<1x16xf32>,
        %get3A_387 = arith.index_cast %scan3A_321 : i32 to index
        %get3A_388 = arith.constant 64 : index
        %get3A_389 = tpu.vector_load %arg9[%get3A_387, %get3A_388] {strides = array<i32>} : memref<40x128xf32, #tpu.memory_space<vmem>>, vector<1x16xf32>,
        %get3A_390 = vector.shape_cast %get3A_389 : vector<1x16xf32> to vector<16xf32>
        %get3A_391 = arith.index_cast %scan3A_321 : i32 to index
        %get3A_392 = arith.constant 64 : index
        %get3A_393 = tpu.vector_load %arg11[%get3A_391, %get3A_392] {strides = array<i32>} : memref<40x128xf32, #tpu.memory_space<vmem>>, vector<1x16xf32>,
        %get3A_394 = vector.shape_cast %get3A_393 : vector<1x16xf32> to vector<16xf32>
        %add3A_395 = arith.addf %get3A_390, %get3A_394 : vector<16xf32>
        %max3A_396 = arith.constant 0.000000e+00 : f32
        %max3A_397 = vector.broadcast %max3A_396 : f32 to vector<16xf32>
        %max3A_398 = arith.maximumf %add3A_395, %max3A_397 : vector<16xf32>
        %swap3A_399 = arith.index_cast %scan3A_321 : i32 to index
        %swap3A_400 = arith.constant 64 : index
        %swap3A_401 = tpu.vector_load %arg13[%swap3A_399, %swap3A_400] {strides = array<i32>} : memref<40x128xf32, #tpu.memory_space<vmem>>, vector<1x16xf32>,
        %swap3A_402 = vector.shape_cast %swap3A_401 : vector<1x16xf32> to vector<16xf32>
        %swap3A_403 = vector.shape_cast %max3A_398 : vector<16xf32> to vector<1x16xf32>
        tpu.vector_store %arg13[%swap3A_399, %swap3A_400], %swap3A_403 {strides = array<i32>} : memref<40x128xf32, #tpu.memory_space<vmem>>, vector<1x16xf32>,
        %get3A_404 = arith.index_cast %scan3A_321 : i32 to index
        %get3A_405 = arith.constant 80 : index
        %get3A_406 = tpu.vector_load %arg9[%get3A_404, %get3A_405] {strides = array<i32>} : memref<40x128xf32, #tpu.memory_space<vmem>>, vector<1x16xf32>,
        %get3A_407 = vector.shape_cast %get3A_406 : vector<1x16xf32> to vector<16xf32>
        %get3A_408 = arith.index_cast %scan3A_321 : i32 to index
        %get3A_409 = arith.constant 80 : index
        %get3A_410 = tpu.vector_load %arg11[%get3A_408, %get3A_409] {strides = array<i32>} : memref<40x128xf32, #tpu.memory_space<vmem>>, vector<1x16xf32>,
        %get3A_411 = vector.shape_cast %get3A_410 : vector<1x16xf32> to vector<16xf32>
        %add3A_412 = arith.addf %get3A_407, %get3A_411 : vector<16xf32>
        %max3A_413 = arith.constant 0.000000e+00 : f32
        %max3A_414 = vector.broadcast %max3A_413 : f32 to vector<16xf32>
        %max3A_415 = arith.maximumf %add3A_412, %max3A_414 : vector<16xf32>
        %swap3A_416 = arith.index_cast %scan3A_321 : i32 to index
        %swap3A_417 = arith.constant 80 : index
        %swap3A_418 = tpu.vector_load %arg13[%swap3A_416, %swap3A_417] {strides = array<i32>} : memref<40x128xf32, #tpu.memory_space<vmem>>, vector<1x16xf32>,
        %swap3A_419 = vector.shape_cast %swap3A_418 : vector<1x16xf32> to vector<16xf32>
        %swap3A_420 = vector.shape_cast %max3A_415 : vector<16xf32> to vector<1x16xf32>
        tpu.vector_store %arg13[%swap3A_416, %swap3A_417], %swap3A_420 {strides = array<i32>} : memref<40x128xf32, #tpu.memory_space<vmem>>, vector<1x16xf32>,
        %get3A_421 = arith.index_cast %scan3A_321 : i32 to index
        %get3A_422 = arith.constant 96 : index
        %get3A_423 = tpu.vector_load %arg9[%get3A_421, %get3A_422] {strides = array<i32>} : memref<40x128xf32, #tpu.memory_space<vmem>>, vector<1x16xf32>,
        %get3A_424 = vector.shape_cast %get3A_423 : vector<1x16xf32> to vector<16xf32>
        %get3A_425 = arith.index_cast %scan3A_321 : i32 to index
        %get3A_426 = arith.constant 96 : index
        %get3A_427 = tpu.vector_load %arg11[%get3A_425, %get3A_426] {strides = array<i32>} : memref<40x128xf32, #tpu.memory_space<vmem>>, vector<1x16xf32>,
        %get3A_428 = vector.shape_cast %get3A_427 : vector<1x16xf32> to vector<16xf32>
        %add3A_429 = arith.addf %get3A_424, %get3A_428 : vector<16xf32>
        %max3A_430 = arith.constant 0.000000e+00 : f32
        %max3A_431 = vector.broadcast %max3A_430 : f32 to vector<16xf32>
        %max3A_432 = arith.maximumf %add3A_429, %max3A_431 : vector<16xf32>
        %swap3A_433 = arith.index_cast %scan3A_321 : i32 to index
        %swap3A_434 = arith.constant 96 : index
        %swap3A_435 = tpu.vector_load %arg13[%swap3A_433, %swap3A_434] {strides = array<i32>} : memref<40x128xf32, #tpu.memory_space<vmem>>, vector<1x16xf32>,
        %swap3A_436 = vector.shape_cast %swap3A_435 : vector<1x16xf32> to vector<16xf32>
        %swap3A_437 = vector.shape_cast %max3A_432 : vector<16xf32> to vector<1x16xf32>
        tpu.vector_store %arg13[%swap3A_433, %swap3A_434], %swap3A_437 {strides = array<i32>} : memref<40x128xf32, #tpu.memory_space<vmem>>, vector<1x16xf32>,
        %get3A_438 = arith.index_cast %scan3A_321 : i32 to index
        %get3A_439 = arith.constant 112 : index
        %get3A_440 = tpu.vector_load %arg9[%get3A_438, %get3A_439] {strides = array<i32>} : memref<40x128xf32, #tpu.memory_space<vmem>>, vector<1x16xf32>,
        %get3A_441 = vector.shape_cast %get3A_440 : vector<1x16xf32> to vector<16xf32>
        %get3A_442 = arith.index_cast %scan3A_321 : i32 to index
        %get3A_443 = arith.constant 112 : index
        %get3A_444 = tpu.vector_load %arg11[%get3A_442, %get3A_443] {strides = array<i32>} : memref<40x128xf32, #tpu.memory_space<vmem>>, vector<1x16xf32>,
        %get3A_445 = vector.shape_cast %get3A_444 : vector<1x16xf32> to vector<16xf32>
        %add3A_446 = arith.addf %get3A_441, %get3A_445 : vector<16xf32>
        %max3A_447 = arith.constant 0.000000e+00 : f32
        %max3A_448 = vector.broadcast %max3A_447 : f32 to vector<16xf32>
        %max3A_449 = arith.maximumf %add3A_446, %max3A_448 : vector<16xf32>
        %swap3A_450 = arith.index_cast %scan3A_321 : i32 to index
        %swap3A_451 = arith.constant 112 : index
        %swap3A_452 = tpu.vector_load %arg13[%swap3A_450, %swap3A_451] {strides = array<i32>} : memref<40x128xf32, #tpu.memory_space<vmem>>, vector<1x16xf32>,
        %swap3A_453 = vector.shape_cast %swap3A_452 : vector<1x16xf32> to vector<16xf32>
        %swap3A_454 = vector.shape_cast %max3A_449 : vector<16xf32> to vector<1x16xf32>
        tpu.vector_store %arg13[%swap3A_450, %swap3A_451], %swap3A_454 {strides = array<i32>} : memref<40x128xf32, #tpu.memory_space<vmem>>, vector<1x16xf32>,
      }
      %scan3A_134 = arith.constant 40 : i32
      %jit3A_135 = arith.constant 25 : i32
      %div3A = arith.divsi %add3A_92, %jit3A_135 : i32
      %sign3A = arith.constant 0 : i32
      %sign3A_136 = arith.cmpi sgt, %add3A_92, %sign3A : i32
      %sign3A_137 = arith.extui %sign3A_136 : i1 to i32
      %sign3A_138 = arith.constant 0 : i32
      %sign3A_139 = arith.cmpi slt, %add3A_92, %sign3A_138 : i32
      %sign3A_140 = arith.extui %sign3A_139 : i1 to i32
      %sign3A_141 = arith.subi %sign3A_137, %sign3A_140 : i32
      %sign3A_142 = arith.constant 0 : i32
      %sign3A_143 = arith.cmpi sgt, %jit3A_135, %sign3A_142 : i32
      %sign3A_144 = arith.extui %sign3A_143 : i1 to i32
      %sign3A_145 = arith.constant 0 : i32
      %sign3A_146 = arith.cmpi slt, %jit3A_135, %sign3A_145 : i32
      %sign3A_147 = arith.extui %sign3A_146 : i1 to i32
      %sign3A_148 = arith.subi %sign3A_144, %sign3A_147 : i32
      %ne3A_149 = arith.cmpi ne, %sign3A_141, %sign3A_148 : i32
      %rem3A_150 = arith.remsi %add3A_92, %jit3A_135 : i32
      %ne3A_151 = arith.constant 0 : i32
      %ne3A_152 = arith.cmpi ne, %rem3A_150, %ne3A_151 : i32
      %and3A_153 = arith.andi %ne3A_149, %ne3A_152 : i1
      %sub3A = arith.constant 1 : i32
      %sub3A_154 = arith.subi %div3A, %sub3A : i32
      %select_n3A_155 = arith.select %and3A_153, %sub3A_154, %div3A : i32
      %jit3A_156 = arith.constant 2 : i32
      %eq3A_157 = arith.constant 0 : i32
      %eq3A_158 = arith.cmpi eq, %jit3A_156, %eq3A_157 : i32
      %jit3A_159 = arith.constant 1 : i32
      %select_n3A_160 = arith.select %eq3A_158, %jit3A_159, %jit3A_156 : i32
      %rem3A_161 = arith.remsi %select_n3A_155, %select_n3A_160 : i32
      %ne3A_162 = arith.constant 0 : i32
      %ne3A_163 = arith.cmpi ne, %rem3A_161, %ne3A_162 : i32
      %lt3A_164 = arith.constant 0 : i32
      %lt3A_165 = arith.cmpi slt, %rem3A_161, %lt3A_164 : i32
      %lt3A_166 = arith.constant 0 : i32
      %lt3A_167 = arith.cmpi slt, %select_n3A_160, %lt3A_166 : i32
      %ne3A_168 = arith.xori %lt3A_165, %lt3A_167 : i1
      %and3A_169 = arith.andi %ne3A_168, %ne3A_163 : i1
      %add3A_170 = arith.addi %rem3A_161, %select_n3A_160 : i32
      %select_n3A_171 = arith.select %and3A_169, %add3A_170, %rem3A_161 : i32
      %jit3A_172 = arith.constant 25 : i32
      %eq3A_173 = arith.constant 0 : i32
      %eq3A_174 = arith.cmpi eq, %jit3A_172, %eq3A_173 : i32
      %jit3A_175 = arith.constant 1 : i32
      %select_n3A_176 = arith.select %eq3A_174, %jit3A_175, %jit3A_172 : i32
      %rem3A_177 = arith.remsi %add3A_92, %select_n3A_176 : i32
      %ne3A_178 = arith.constant 0 : i32
      %ne3A_179 = arith.cmpi ne, %rem3A_177, %ne3A_178 : i32
      %lt3A_180 = arith.constant 0 : i32
      %lt3A_181 = arith.cmpi slt, %rem3A_177, %lt3A_180 : i32
      %lt3A_182 = arith.constant 0 : i32
      %lt3A_183 = arith.cmpi slt, %select_n3A_176, %lt3A_182 : i32
      %ne3A_184 = arith.xori %lt3A_181, %lt3A_183 : i1
      %and3A_185 = arith.andi %ne3A_184, %ne3A_179 : i1
      %add3A_186 = arith.addi %rem3A_177, %select_n3A_176 : i32
      %select_n3A_187 = arith.select %and3A_185, %add3A_186, %rem3A_177 : i32
      %dma_start3A_188 = arith.constant 0 : i32
      %dma_start3A_189 = tpu.memref_slice %arg8[%select_n3A_171, %select_n3A_187, %dma_start3A_188] : memref<2x25x40xi32, #tpu.memory_space<vmem>> -> memref<1x1x40xi32, #tpu.memory_space<vmem>>
      %dma_start3A_190 = tpu.memref_squeeze %dma_start3A_189 : memref<1x1x40xi32, #tpu.memory_space<vmem>> -> memref<40xi32, #tpu.memory_space<vmem>>
      %dma_start3A_191 = arith.constant 0 : i32
      %dma_start3A_192 = arith.constant 0 : i32
      %dma_start3A_193 = tpu.memref_slice %arg15[%dma_start3A_191, %dma_start3A_192] : memref<10000x128xf32, #tpu.memory_space<vmem_shared>> -> memref<10000x128xf32, #tpu.memory_space<vmem_shared>>
      tpu.enqueue_indirect_dma source(%arg13 : memref<40x128xf32, #tpu.memory_space<vmem>>) target(%dma_start3A_193 : memref<10000x128xf32, #tpu.memory_space<vmem_shared>>) offsets(%dma_start3A_190 : memref<40xi32, #tpu.memory_space<vmem>>) semaphore(%arg20 : memref<!tpu.dma_semaphore, #tpu.memory_space<semaphore_mem>>) {add = true}
      %add3A_194 = arith.constant 2 : i32
      %add3A_195 = arith.addi %add3A_92, %add3A_194 : i32
      %lt3A_196 = arith.constant 250 : i32
      %lt3A_197 = arith.cmpi slt, %add3A_195, %lt3A_196 : i32
      %convert_element_type3A_198 = arith.extui %lt3A_197 : i1 to i32
      %cond3A_199 = arith.constant 0 : i32
      %cond3A_200 = arith.cmpi ne, %convert_element_type3A_198, %cond3A_199 : i32
      scf.if %cond3A_200 {
        %add3A_321 = arith.constant 2 : i32
        %add3A_322 = arith.addi %add3A_92, %add3A_321 : i32
        %jit3A_323 = arith.constant 25 : i32
        %div3A_324 = arith.divsi %add3A_322, %jit3A_323 : i32
        %sign3A_325 = arith.constant 0 : i32
        %sign3A_326 = arith.cmpi sgt, %add3A_322, %sign3A_325 : i32
        %sign3A_327 = arith.extui %sign3A_326 : i1 to i32
        %sign3A_328 = arith.constant 0 : i32
        %sign3A_329 = arith.cmpi slt, %add3A_322, %sign3A_328 : i32
        %sign3A_330 = arith.extui %sign3A_329 : i1 to i32
        %sign3A_331 = arith.subi %sign3A_327, %sign3A_330 : i32
        %sign3A_332 = arith.constant 0 : i32
        %sign3A_333 = arith.cmpi sgt, %jit3A_323, %sign3A_332 : i32
        %sign3A_334 = arith.extui %sign3A_333 : i1 to i32
        %sign3A_335 = arith.constant 0 : i32
        %sign3A_336 = arith.cmpi slt, %jit3A_323, %sign3A_335 : i32
        %sign3A_337 = arith.extui %sign3A_336 : i1 to i32
        %sign3A_338 = arith.subi %sign3A_334, %sign3A_337 : i32
        %ne3A_339 = arith.cmpi ne, %sign3A_331, %sign3A_338 : i32
        %rem3A_340 = arith.remsi %add3A_322, %jit3A_323 : i32
        %ne3A_341 = arith.constant 0 : i32
        %ne3A_342 = arith.cmpi ne, %rem3A_340, %ne3A_341 : i32
        %and3A_343 = arith.andi %ne3A_339, %ne3A_342 : i1
        %sub3A_344 = arith.constant 1 : i32
        %sub3A_345 = arith.subi %div3A_324, %sub3A_344 : i32
        %select_n3A_346 = arith.select %and3A_343, %sub3A_345, %div3A_324 : i32
        %jit3A_347 = arith.constant 2 : i32
        %eq3A_348 = arith.constant 0 : i32
        %eq3A_349 = arith.cmpi eq, %jit3A_347, %eq3A_348 : i32
        %jit3A_350 = arith.constant 1 : i32
        %select_n3A_351 = arith.select %eq3A_349, %jit3A_350, %jit3A_347 : i32
        %rem3A_352 = arith.remsi %select_n3A_346, %select_n3A_351 : i32
        %ne3A_353 = arith.constant 0 : i32
        %ne3A_354 = arith.cmpi ne, %rem3A_352, %ne3A_353 : i32
        %lt3A_355 = arith.constant 0 : i32
        %lt3A_356 = arith.cmpi slt, %rem3A_352, %lt3A_355 : i32
        %lt3A_357 = arith.constant 0 : i32
        %lt3A_358 = arith.cmpi slt, %select_n3A_351, %lt3A_357 : i32
        %ne3A_359 = arith.xori %lt3A_356, %lt3A_358 : i1
        %and3A_360 = arith.andi %ne3A_359, %ne3A_354 : i1
        %add3A_361 = arith.addi %rem3A_352, %select_n3A_351 : i32
        %select_n3A_362 = arith.select %and3A_360, %add3A_361, %rem3A_352 : i32
        %jit3A_363 = arith.constant 25 : i32
        %eq3A_364 = arith.constant 0 : i32
        %eq3A_365 = arith.cmpi eq, %jit3A_363, %eq3A_364 : i32
        %jit3A_366 = arith.constant 1 : i32
        %select_n3A_367 = arith.select %eq3A_365, %jit3A_366, %jit3A_363 : i32
        %rem3A_368 = arith.remsi %add3A_322, %select_n3A_367 : i32
        %ne3A_369 = arith.constant 0 : i32
        %ne3A_370 = arith.cmpi ne, %rem3A_368, %ne3A_369 : i32
        %lt3A_371 = arith.constant 0 : i32
        %lt3A_372 = arith.cmpi slt, %rem3A_368, %lt3A_371 : i32
        %lt3A_373 = arith.constant 0 : i32
        %lt3A_374 = arith.cmpi slt, %select_n3A_367, %lt3A_373 : i32
        %ne3A_375 = arith.xori %lt3A_372, %lt3A_374 : i1
        %and3A_376 = arith.andi %ne3A_375, %ne3A_370 : i1
        %add3A_377 = arith.addi %rem3A_368, %select_n3A_367 : i32
        %select_n3A_378 = arith.select %and3A_376, %add3A_377, %rem3A_368 : i32
        %dma_start3A_379 = arith.constant 0 : i32
        %dma_start3A_380 = tpu.memref_slice %arg7[%select_n3A_362, %select_n3A_378, %dma_start3A_379] : memref<2x25x40xi32, #tpu.memory_space<vmem>> -> memref<1x1x40xi32, #tpu.memory_space<vmem>>
        %dma_start3A_381 = tpu.memref_squeeze %dma_start3A_380 : memref<1x1x40xi32, #tpu.memory_space<vmem>> -> memref<40xi32, #tpu.memory_space<vmem>>
        %dma_start3A_382 = arith.constant 0 : i32
        %dma_start3A_383 = arith.constant 0 : i32
        %dma_start3A_384 = tpu.memref_slice %arg2[%dma_start3A_382, %dma_start3A_383] : memref<10000x128xf32, #tpu.memory_space<hbm>> -> memref<10000x128xf32, #tpu.memory_space<hbm>>
        tpu.enqueue_indirect_dma source(%dma_start3A_384 : memref<10000x128xf32, #tpu.memory_space<hbm>>) target(%arg9 : memref<40x128xf32, #tpu.memory_space<vmem>>) offsets(%dma_start3A_381 : memref<40xi32, #tpu.memory_space<vmem>>) semaphore(%arg16 : memref<!tpu.dma_semaphore, #tpu.memory_space<semaphore_mem>>)
        %add3A_385 = arith.addi %mul3A_27, %add3A_322 : i32
        %mul3A_386 = arith.constant 40 : i32
        %mul3A_387 = arith.muli %add3A_385, %mul3A_386 : i32
        %dma_start3A_388 = arith.constant 0 : i32
        %dma_start3A_389 = tpu.memref_slice %arg3[%mul3A_387, %dma_start3A_388] : memref<320000x128xf32, #tpu.memory_space<hbm>> -> memref<40x128xf32, #tpu.memory_space<hbm>>
        %dma_start3A_390 = arith.constant 0 : i32
        %dma_start3A_391 = tpu.memref_slice %arg3[%mul3A_387, %dma_start3A_390] : memref<320000x128xf32, #tpu.memory_space<hbm>> -> memref<40x128xf32, #tpu.memory_space<hbm>>
        tpu.enqueue_dma source(%dma_start3A_391 : memref<40x128xf32, #tpu.memory_space<hbm>>) target(%arg11 : memref<40x128xf32, #tpu.memory_space<vmem>>) target_semaphore(%arg18 : memref<!tpu.dma_semaphore, #tpu.memory_space<semaphore_mem>>)
      } else {
      }
      %mul3A_201 = arith.constant 2 : i32
      %mul3A_202 = arith.muli %mul3A_201, %scan3A_88 : i32
      %add3A_203 = arith.constant 1 : i32
      %add3A_204 = arith.addi %mul3A_202, %add3A_203 : i32
      %ge3A_205 = arith.constant 2 : i32
      %ge3A_206 = arith.cmpi sge, %add3A_204, %ge3A_205 : i32
      %convert_element_type3A_207 = arith.extui %ge3A_206 : i1 to i32
      %cond3A_208 = arith.constant 0 : i32
      %cond3A_209 = arith.cmpi ne, %convert_element_type3A_207, %cond3A_208 : i32
      scf.if %cond3A_209 {
        %dma_wait3A_321 = arith.constant 0 : i32
        %dma_wait3A_322 = arith.constant 0 : i32
        %dma_wait3A_323 = tpu.memref_slice %arg3[%dma_wait3A_321, %dma_wait3A_322] : memref<320000x128xf32, #tpu.memory_space<hbm>> -> memref<40x128xf32, #tpu.memory_space<hbm>>
        %dma_wait3A_324 = arith.constant 0 : i32
        %dma_wait3A_325 = arith.constant 0 : i32
        %dma_wait3A_326 = tpu.memref_slice %arg3[%dma_wait3A_324, %dma_wait3A_325] : memref<320000x128xf32, #tpu.memory_space<hbm>> -> memref<40x128xf32, #tpu.memory_space<hbm>>
        tpu.wait_dma2 semaphore(%arg21 : memref<!tpu.dma_semaphore, #tpu.memory_space<semaphore_mem>>) src(%dma_wait3A_326 : memref<40x128xf32, #tpu.memory_space<hbm>>) dst(%arg14 : memref<40x128xf32, #tpu.memory_space<vmem>>)
      } else {
      }
      %dma_wait3A_210 = arith.constant 0 : i32
      %dma_wait3A_211 = arith.constant 0 : i32
      %dma_wait3A_212 = tpu.memref_slice %arg3[%dma_wait3A_210, %dma_wait3A_211] : memref<320000x128xf32, #tpu.memory_space<hbm>> -> memref<40x128xf32, #tpu.memory_space<hbm>>
      %dma_wait3A_213 = arith.constant 0 : i32
      %dma_wait3A_214 = arith.constant 0 : i32
      %dma_wait3A_215 = tpu.memref_slice %arg3[%dma_wait3A_213, %dma_wait3A_214] : memref<320000x128xf32, #tpu.memory_space<hbm>> -> memref<40x128xf32, #tpu.memory_space<hbm>>
      tpu.wait_dma2 semaphore(%arg17 : memref<!tpu.dma_semaphore, #tpu.memory_space<semaphore_mem>>) src(%dma_wait3A_215 : memref<40x128xf32, #tpu.memory_space<hbm>>) dst(%arg10 : memref<40x128xf32, #tpu.memory_space<vmem>>)
      %dma_wait3A_216 = arith.constant 0 : i32
      %dma_wait3A_217 = arith.constant 0 : i32
      %dma_wait3A_218 = tpu.memref_slice %arg3[%dma_wait3A_216, %dma_wait3A_217] : memref<320000x128xf32, #tpu.memory_space<hbm>> -> memref<40x128xf32, #tpu.memory_space<hbm>>
      %dma_wait3A_219 = arith.constant 0 : i32
      %dma_wait3A_220 = arith.constant 0 : i32
      %dma_wait3A_221 = tpu.memref_slice %arg3[%dma_wait3A_219, %dma_wait3A_220] : memref<320000x128xf32, #tpu.memory_space<hbm>> -> memref<40x128xf32, #tpu.memory_space<hbm>>
      tpu.wait_dma2 semaphore(%arg19 : memref<!tpu.dma_semaphore, #tpu.memory_space<semaphore_mem>>) src(%dma_wait3A_221 : memref<40x128xf32, #tpu.memory_space<hbm>>) dst(%arg12 : memref<40x128xf32, #tpu.memory_space<vmem>>)
      %jit3A_222 = arith.constant 25 : i32
      %eq3A_223 = arith.constant 0 : i32
      %eq3A_224 = arith.cmpi eq, %jit3A_222, %eq3A_223 : i32
      %jit3A_225 = arith.constant 1 : i32
      %select_n3A_226 = arith.select %eq3A_224, %jit3A_225, %jit3A_222 : i32
      %rem3A_227 = arith.remsi %add3A_204, %select_n3A_226 : i32
      %ne3A_228 = arith.constant 0 : i32
      %ne3A_229 = arith.cmpi ne, %rem3A_227, %ne3A_228 : i32
      %lt3A_230 = arith.constant 0 : i32
      %lt3A_231 = arith.cmpi slt, %rem3A_227, %lt3A_230 : i32
      %lt3A_232 = arith.constant 0 : i32
      %lt3A_233 = arith.cmpi slt, %select_n3A_226, %lt3A_232 : i32
      %ne3A_234 = arith.xori %lt3A_231, %lt3A_233 : i1
      %and3A_235 = arith.andi %ne3A_234, %ne3A_229 : i1
      %add3A_236 = arith.addi %rem3A_227, %select_n3A_226 : i32
      %select_n3A_237 = arith.select %and3A_235, %add3A_236, %rem3A_227 : i32
      %eq3A_238 = arith.constant 3 : i32
      %eq3A_239 = arith.cmpi eq, %select_n3A_237, %eq3A_238 : i32
      %lt3A_240 = arith.constant 225 : i32
      %lt3A_241 = arith.cmpi slt, %add3A_204, %lt3A_240 : i32
      %and3A_242 = arith.andi %eq3A_239, %lt3A_241 : i1
      %convert_element_type3A_243 = arith.extui %and3A_242 : i1 to i32
      %cond3A_244 = arith.constant 0 : i32
      %cond3A_245 = arith.cmpi ne, %convert_element_type3A_243, %cond3A_244 : i32
      scf.if %cond3A_245 {
        %jit3A_321 = arith.constant 25 : i32
        %div3A_322 = arith.divsi %add3A_204, %jit3A_321 : i32
        %sign3A_323 = arith.constant 0 : i32
        %sign3A_324 = arith.cmpi sgt, %add3A_204, %sign3A_323 : i32
        %sign3A_325 = arith.extui %sign3A_324 : i1 to i32
        %sign3A_326 = arith.constant 0 : i32
        %sign3A_327 = arith.cmpi slt, %add3A_204, %sign3A_326 : i32
        %sign3A_328 = arith.extui %sign3A_327 : i1 to i32
        %sign3A_329 = arith.subi %sign3A_325, %sign3A_328 : i32
        %sign3A_330 = arith.constant 0 : i32
        %sign3A_331 = arith.cmpi sgt, %jit3A_321, %sign3A_330 : i32
        %sign3A_332 = arith.extui %sign3A_331 : i1 to i32
        %sign3A_333 = arith.constant 0 : i32
        %sign3A_334 = arith.cmpi slt, %jit3A_321, %sign3A_333 : i32
        %sign3A_335 = arith.extui %sign3A_334 : i1 to i32
        %sign3A_336 = arith.subi %sign3A_332, %sign3A_335 : i32
        %ne3A_337 = arith.cmpi ne, %sign3A_329, %sign3A_336 : i32
        %rem3A_338 = arith.remsi %add3A_204, %jit3A_321 : i32
        %ne3A_339 = arith.constant 0 : i32
        %ne3A_340 = arith.cmpi ne, %rem3A_338, %ne3A_339 : i32
        %and3A_341 = arith.andi %ne3A_337, %ne3A_340 : i1
        %sub3A_342 = arith.constant 1 : i32
        %sub3A_343 = arith.subi %div3A_322, %sub3A_342 : i32
        %select_n3A_344 = arith.select %and3A_341, %sub3A_343, %div3A_322 : i32
        %add3A_345 = arith.constant 1 : i32
        %add3A_346 = arith.addi %select_n3A_344, %add3A_345 : i32
        %mul3A_347 = arith.constant 10 : i32
        %mul3A_348 = arith.muli %add3A, %mul3A_347 : i32
        %add3A_349 = arith.addi %mul3A_348, %add3A_346 : i32
        %jit3A_350 = arith.constant 2 : i32
        %eq3A_351 = arith.constant 0 : i32
        %eq3A_352 = arith.cmpi eq, %jit3A_350, %eq3A_351 : i32
        %jit3A_353 = arith.constant 1 : i32
        %select_n3A_354 = arith.select %eq3A_352, %jit3A_353, %jit3A_350 : i32
        %rem3A_355 = arith.remsi %add3A_346, %select_n3A_354 : i32
        %ne3A_356 = arith.constant 0 : i32
        %ne3A_357 = arith.cmpi ne, %rem3A_355, %ne3A_356 : i32
        %lt3A_358 = arith.constant 0 : i32
        %lt3A_359 = arith.cmpi slt, %rem3A_355, %lt3A_358 : i32
        %lt3A_360 = arith.constant 0 : i32
        %lt3A_361 = arith.cmpi slt, %select_n3A_354, %lt3A_360 : i32
        %ne3A_362 = arith.xori %lt3A_359, %lt3A_361 : i1
        %and3A_363 = arith.andi %ne3A_362, %ne3A_357 : i1
        %add3A_364 = arith.addi %rem3A_355, %select_n3A_354 : i32
        %select_n3A_365 = arith.select %and3A_363, %add3A_364, %rem3A_355 : i32
        "tpu.region"() ({
          %run_scoped3A_385 = tpu.sem_alloc : memref<!tpu.dma_semaphore, #tpu.memory_space<semaphore_mem>>
          %dma_start3A_386 = arith.constant 0 : i32
          %dma_start3A_387 = arith.constant 0 : i32
          %dma_start3A_388 = tpu.memref_slice %arg7[%select_n3A_365, %dma_start3A_386, %dma_start3A_387] : memref<2x25x40xi32, #tpu.memory_space<vmem>> -> memref<1x25x40xi32, #tpu.memory_space<vmem>>
          %dma_start3A_389 = tpu.memref_squeeze %dma_start3A_388 : memref<1x25x40xi32, #tpu.memory_space<vmem>> -> memref<25x40xi32, #tpu.memory_space<vmem>>
          %dma_start3A_390 = arith.constant 0 : i32
          %dma_start3A_391 = arith.constant 0 : i32
          %dma_start3A_392 = tpu.memref_slice %arg4[%add3A_349, %dma_start3A_390, %dma_start3A_391] : memref<320x25x40xi32, #tpu.memory_space<hbm>> -> memref<1x25x40xi32, #tpu.memory_space<hbm>>
          %dma_start3A_393 = tpu.memref_squeeze %dma_start3A_392 : memref<1x25x40xi32, #tpu.memory_space<hbm>> -> memref<25x40xi32, #tpu.memory_space<hbm>>
          %dma_start3A_394 = arith.constant 0 : i32
          %dma_start3A_395 = arith.constant 0 : i32
          %dma_start3A_396 = tpu.memref_slice %arg7[%select_n3A_365, %dma_start3A_394, %dma_start3A_395] : memref<2x25x40xi32, #tpu.memory_space<vmem>> -> memref<1x25x40xi32, #tpu.memory_space<vmem>>
          %dma_start3A_397 = tpu.memref_squeeze %dma_start3A_396 : memref<1x25x40xi32, #tpu.memory_space<vmem>> -> memref<25x40xi32, #tpu.memory_space<vmem>>
          %dma_start3A_398 = arith.constant 0 : i32
          %dma_start3A_399 = arith.constant 0 : i32
          %dma_start3A_400 = tpu.memref_slice %arg4[%add3A_349, %dma_start3A_398, %dma_start3A_399] : memref<320x25x40xi32, #tpu.memory_space<hbm>> -> memref<1x25x40xi32, #tpu.memory_space<hbm>>
          %dma_start3A_401 = tpu.memref_squeeze %dma_start3A_400 : memref<1x25x40xi32, #tpu.memory_space<hbm>> -> memref<25x40xi32, #tpu.memory_space<hbm>>
          tpu.enqueue_dma source(%dma_start3A_401 : memref<25x40xi32, #tpu.memory_space<hbm>>) target(%dma_start3A_397 : memref<25x40xi32, #tpu.memory_space<vmem>>) target_semaphore(%run_scoped3A_385 : memref<!tpu.dma_semaphore, #tpu.memory_space<semaphore_mem>>)
          %dma_wait3A_402 = arith.constant 0 : i32
          %dma_wait3A_403 = arith.constant 0 : i32
          %dma_wait3A_404 = tpu.memref_slice %arg7[%select_n3A_365, %dma_wait3A_402, %dma_wait3A_403] : memref<2x25x40xi32, #tpu.memory_space<vmem>> -> memref<1x25x40xi32, #tpu.memory_space<vmem>>
          %dma_wait3A_405 = tpu.memref_squeeze %dma_wait3A_404 : memref<1x25x40xi32, #tpu.memory_space<vmem>> -> memref<25x40xi32, #tpu.memory_space<vmem>>
          %dma_wait3A_406 = arith.constant 0 : i32
          %dma_wait3A_407 = arith.constant 0 : i32
          %dma_wait3A_408 = tpu.memref_slice %arg4[%add3A_349, %dma_wait3A_406, %dma_wait3A_407] : memref<320x25x40xi32, #tpu.memory_space<hbm>> -> memref<1x25x40xi32, #tpu.memory_space<hbm>>
          %dma_wait3A_409 = tpu.memref_squeeze %dma_wait3A_408 : memref<1x25x40xi32, #tpu.memory_space<hbm>> -> memref<25x40xi32, #tpu.memory_space<hbm>>
          %dma_wait3A_410 = arith.constant 0 : i32
          %dma_wait3A_411 = arith.constant 0 : i32
          %dma_wait3A_412 = tpu.memref_slice %arg7[%select_n3A_365, %dma_wait3A_410, %dma_wait3A_411] : memref<2x25x40xi32, #tpu.memory_space<vmem>> -> memref<1x25x40xi32, #tpu.memory_space<vmem>>
          %dma_wait3A_413 = tpu.memref_squeeze %dma_wait3A_412 : memref<1x25x40xi32, #tpu.memory_space<vmem>> -> memref<25x40xi32, #tpu.memory_space<vmem>>
          %dma_wait3A_414 = arith.constant 0 : i32
          %dma_wait3A_415 = arith.constant 0 : i32
          %dma_wait3A_416 = tpu.memref_slice %arg4[%add3A_349, %dma_wait3A_414, %dma_wait3A_415] : memref<320x25x40xi32, #tpu.memory_space<hbm>> -> memref<1x25x40xi32, #tpu.memory_space<hbm>>
          %dma_wait3A_417 = tpu.memref_squeeze %dma_wait3A_416 : memref<1x25x40xi32, #tpu.memory_space<hbm>> -> memref<25x40xi32, #tpu.memory_space<hbm>>
          tpu.wait_dma2 semaphore(%run_scoped3A_385 : memref<!tpu.dma_semaphore, #tpu.memory_space<semaphore_mem>>) src(%dma_wait3A_417 : memref<25x40xi32, #tpu.memory_space<hbm>>) dst(%dma_wait3A_413 : memref<25x40xi32, #tpu.memory_space<vmem>>)
          tpu.yield
        }) : () -> ()
        %mul3A_366 = arith.constant 10 : i32
        %mul3A_367 = arith.muli %add3A, %mul3A_366 : i32
        %add3A_368 = arith.addi %mul3A_367, %add3A_346 : i32
        %jit3A_369 = arith.constant 2 : i32
        %eq3A_370 = arith.constant 0 : i32
        %eq3A_371 = arith.cmpi eq, %jit3A_369, %eq3A_370 : i32
        %jit3A_372 = arith.constant 1 : i32
        %select_n3A_373 = arith.select %eq3A_371, %jit3A_372, %jit3A_369 : i32
        %rem3A_374 = arith.remsi %add3A_346, %select_n3A_373 : i32
        %ne3A_375 = arith.constant 0 : i32
        %ne3A_376 = arith.cmpi ne, %rem3A_374, %ne3A_375 : i32
        %lt3A_377 = arith.constant 0 : i32
        %lt3A_378 = arith.cmpi slt, %rem3A_374, %lt3A_377 : i32
        %lt3A_379 = arith.constant 0 : i32
        %lt3A_380 = arith.cmpi slt, %select_n3A_373, %lt3A_379 : i32
        %ne3A_381 = arith.xori %lt3A_378, %lt3A_380 : i1
        %and3A_382 = arith.andi %ne3A_381, %ne3A_376 : i1
        %add3A_383 = arith.addi %rem3A_374, %select_n3A_373 : i32
        %select_n3A_384 = arith.select %and3A_382, %add3A_383, %rem3A_374 : i32
        "tpu.region"() ({
          %run_scoped3A_385 = tpu.sem_alloc : memref<!tpu.dma_semaphore, #tpu.memory_space<semaphore_mem>>
          %dma_start3A_386 = arith.constant 0 : i32
          %dma_start3A_387 = arith.constant 0 : i32
          %dma_start3A_388 = tpu.memref_slice %arg8[%select_n3A_384, %dma_start3A_386, %dma_start3A_387] : memref<2x25x40xi32, #tpu.memory_space<vmem>> -> memref<1x25x40xi32, #tpu.memory_space<vmem>>
          %dma_start3A_389 = tpu.memref_squeeze %dma_start3A_388 : memref<1x25x40xi32, #tpu.memory_space<vmem>> -> memref<25x40xi32, #tpu.memory_space<vmem>>
          %dma_start3A_390 = arith.constant 0 : i32
          %dma_start3A_391 = arith.constant 0 : i32
          %dma_start3A_392 = tpu.memref_slice %arg5[%add3A_368, %dma_start3A_390, %dma_start3A_391] : memref<320x25x40xi32, #tpu.memory_space<hbm>> -> memref<1x25x40xi32, #tpu.memory_space<hbm>>
          %dma_start3A_393 = tpu.memref_squeeze %dma_start3A_392 : memref<1x25x40xi32, #tpu.memory_space<hbm>> -> memref<25x40xi32, #tpu.memory_space<hbm>>
          %dma_start3A_394 = arith.constant 0 : i32
          %dma_start3A_395 = arith.constant 0 : i32
          %dma_start3A_396 = tpu.memref_slice %arg8[%select_n3A_384, %dma_start3A_394, %dma_start3A_395] : memref<2x25x40xi32, #tpu.memory_space<vmem>> -> memref<1x25x40xi32, #tpu.memory_space<vmem>>
          %dma_start3A_397 = tpu.memref_squeeze %dma_start3A_396 : memref<1x25x40xi32, #tpu.memory_space<vmem>> -> memref<25x40xi32, #tpu.memory_space<vmem>>
          %dma_start3A_398 = arith.constant 0 : i32
          %dma_start3A_399 = arith.constant 0 : i32
          %dma_start3A_400 = tpu.memref_slice %arg5[%add3A_368, %dma_start3A_398, %dma_start3A_399] : memref<320x25x40xi32, #tpu.memory_space<hbm>> -> memref<1x25x40xi32, #tpu.memory_space<hbm>>
          %dma_start3A_401 = tpu.memref_squeeze %dma_start3A_400 : memref<1x25x40xi32, #tpu.memory_space<hbm>> -> memref<25x40xi32, #tpu.memory_space<hbm>>
          tpu.enqueue_dma source(%dma_start3A_401 : memref<25x40xi32, #tpu.memory_space<hbm>>) target(%dma_start3A_397 : memref<25x40xi32, #tpu.memory_space<vmem>>) target_semaphore(%run_scoped3A_385 : memref<!tpu.dma_semaphore, #tpu.memory_space<semaphore_mem>>)
          %dma_wait3A_402 = arith.constant 0 : i32
          %dma_wait3A_403 = arith.constant 0 : i32
          %dma_wait3A_404 = tpu.memref_slice %arg8[%select_n3A_384, %dma_wait3A_402, %dma_wait3A_403] : memref<2x25x40xi32, #tpu.memory_space<vmem>> -> memref<1x25x40xi32, #tpu.memory_space<vmem>>
          %dma_wait3A_405 = tpu.memref_squeeze %dma_wait3A_404 : memref<1x25x40xi32, #tpu.memory_space<vmem>> -> memref<25x40xi32, #tpu.memory_space<vmem>>
          %dma_wait3A_406 = arith.constant 0 : i32
          %dma_wait3A_407 = arith.constant 0 : i32
          %dma_wait3A_408 = tpu.memref_slice %arg5[%add3A_368, %dma_wait3A_406, %dma_wait3A_407] : memref<320x25x40xi32, #tpu.memory_space<hbm>> -> memref<1x25x40xi32, #tpu.memory_space<hbm>>
          %dma_wait3A_409 = tpu.memref_squeeze %dma_wait3A_408 : memref<1x25x40xi32, #tpu.memory_space<hbm>> -> memref<25x40xi32, #tpu.memory_space<hbm>>
          %dma_wait3A_410 = arith.constant 0 : i32
          %dma_wait3A_411 = arith.constant 0 : i32
          %dma_wait3A_412 = tpu.memref_slice %arg8[%select_n3A_384, %dma_wait3A_410, %dma_wait3A_411] : memref<2x25x40xi32, #tpu.memory_space<vmem>> -> memref<1x25x40xi32, #tpu.memory_space<vmem>>
          %dma_wait3A_413 = tpu.memref_squeeze %dma_wait3A_412 : memref<1x25x40xi32, #tpu.memory_space<vmem>> -> memref<25x40xi32, #tpu.memory_space<vmem>>
          %dma_wait3A_414 = arith.constant 0 : i32
          %dma_wait3A_415 = arith.constant 0 : i32
          %dma_wait3A_416 = tpu.memref_slice %arg5[%add3A_368, %dma_wait3A_414, %dma_wait3A_415] : memref<320x25x40xi32, #tpu.memory_space<hbm>> -> memref<1x25x40xi32, #tpu.memory_space<hbm>>
          %dma_wait3A_417 = tpu.memref_squeeze %dma_wait3A_416 : memref<1x25x40xi32, #tpu.memory_space<hbm>> -> memref<25x40xi32, #tpu.memory_space<hbm>>
          tpu.wait_dma2 semaphore(%run_scoped3A_385 : memref<!tpu.dma_semaphore, #tpu.memory_space<semaphore_mem>>) src(%dma_wait3A_417 : memref<25x40xi32, #tpu.memory_space<hbm>>) dst(%dma_wait3A_413 : memref<25x40xi32, #tpu.memory_space<vmem>>)
          tpu.yield
        }) : () -> ()
      } else {
      }
      %scan3A_246 = arith.constant 0 : i32
      %scan3A_247 = arith.constant 0 : i32
      %scan3A_248 = arith.constant 40 : i32
      %scan3A_249 = arith.addi %scan3A_247, %scan3A_248 : i32
      %scan3A_250 = arith.constant 1 : i32
      scf.for %scan3A_321 = %scan3A_247 to %scan3A_249 step %scan3A_250  : i32 {
        %get3A = arith.index_cast %scan3A_321 : i32 to index
        %get3A_322 = arith.constant 0 : index
        %get3A_323 = tpu.vector_load %arg10[%get3A, %get3A_322] {strides = array<i32>} : memref<40x128xf32, #tpu.memory_space<vmem>>, vector<1x16xf32>,
        %get3A_324 = vector.shape_cast %get3A_323 : vector<1x16xf32> to vector<16xf32>
        %get3A_325 = arith.index_cast %scan3A_321 : i32 to index
        %get3A_326 = arith.constant 0 : index
        %get3A_327 = tpu.vector_load %arg12[%get3A_325, %get3A_326] {strides = array<i32>} : memref<40x128xf32, #tpu.memory_space<vmem>>, vector<1x16xf32>,
        %get3A_328 = vector.shape_cast %get3A_327 : vector<1x16xf32> to vector<16xf32>
        %add3A_329 = arith.addf %get3A_324, %get3A_328 : vector<16xf32>
        %max3A = arith.constant 0.000000e+00 : f32
        %max3A_330 = vector.broadcast %max3A : f32 to vector<16xf32>
        %max3A_331 = arith.maximumf %add3A_329, %max3A_330 : vector<16xf32>
        %swap3A = arith.index_cast %scan3A_321 : i32 to index
        %swap3A_332 = arith.constant 0 : index
        %swap3A_333 = tpu.vector_load %arg14[%swap3A, %swap3A_332] {strides = array<i32>} : memref<40x128xf32, #tpu.memory_space<vmem>>, vector<1x16xf32>,
        %swap3A_334 = vector.shape_cast %swap3A_333 : vector<1x16xf32> to vector<16xf32>
        %swap3A_335 = vector.shape_cast %max3A_331 : vector<16xf32> to vector<1x16xf32>
        tpu.vector_store %arg14[%swap3A, %swap3A_332], %swap3A_335 {strides = array<i32>} : memref<40x128xf32, #tpu.memory_space<vmem>>, vector<1x16xf32>,
        %get3A_336 = arith.index_cast %scan3A_321 : i32 to index
        %get3A_337 = arith.constant 16 : index
        %get3A_338 = tpu.vector_load %arg10[%get3A_336, %get3A_337] {strides = array<i32>} : memref<40x128xf32, #tpu.memory_space<vmem>>, vector<1x16xf32>,
        %get3A_339 = vector.shape_cast %get3A_338 : vector<1x16xf32> to vector<16xf32>
        %get3A_340 = arith.index_cast %scan3A_321 : i32 to index
        %get3A_341 = arith.constant 16 : index
        %get3A_342 = tpu.vector_load %arg12[%get3A_340, %get3A_341] {strides = array<i32>} : memref<40x128xf32, #tpu.memory_space<vmem>>, vector<1x16xf32>,
        %get3A_343 = vector.shape_cast %get3A_342 : vector<1x16xf32> to vector<16xf32>
        %add3A_344 = arith.addf %get3A_339, %get3A_343 : vector<16xf32>
        %max3A_345 = arith.constant 0.000000e+00 : f32
        %max3A_346 = vector.broadcast %max3A_345 : f32 to vector<16xf32>
        %max3A_347 = arith.maximumf %add3A_344, %max3A_346 : vector<16xf32>
        %swap3A_348 = arith.index_cast %scan3A_321 : i32 to index
        %swap3A_349 = arith.constant 16 : index
        %swap3A_350 = tpu.vector_load %arg14[%swap3A_348, %swap3A_349] {strides = array<i32>} : memref<40x128xf32, #tpu.memory_space<vmem>>, vector<1x16xf32>,
        %swap3A_351 = vector.shape_cast %swap3A_350 : vector<1x16xf32> to vector<16xf32>
        %swap3A_352 = vector.shape_cast %max3A_347 : vector<16xf32> to vector<1x16xf32>
        tpu.vector_store %arg14[%swap3A_348, %swap3A_349], %swap3A_352 {strides = array<i32>} : memref<40x128xf32, #tpu.memory_space<vmem>>, vector<1x16xf32>,
        %get3A_353 = arith.index_cast %scan3A_321 : i32 to index
        %get3A_354 = arith.constant 32 : index
        %get3A_355 = tpu.vector_load %arg10[%get3A_353, %get3A_354] {strides = array<i32>} : memref<40x128xf32, #tpu.memory_space<vmem>>, vector<1x16xf32>,
        %get3A_356 = vector.shape_cast %get3A_355 : vector<1x16xf32> to vector<16xf32>
        %get3A_357 = arith.index_cast %scan3A_321 : i32 to index
        %get3A_358 = arith.constant 32 : index
        %get3A_359 = tpu.vector_load %arg12[%get3A_357, %get3A_358] {strides = array<i32>} : memref<40x128xf32, #tpu.memory_space<vmem>>, vector<1x16xf32>,
        %get3A_360 = vector.shape_cast %get3A_359 : vector<1x16xf32> to vector<16xf32>
        %add3A_361 = arith.addf %get3A_356, %get3A_360 : vector<16xf32>
        %max3A_362 = arith.constant 0.000000e+00 : f32
        %max3A_363 = vector.broadcast %max3A_362 : f32 to vector<16xf32>
        %max3A_364 = arith.maximumf %add3A_361, %max3A_363 : vector<16xf32>
        %swap3A_365 = arith.index_cast %scan3A_321 : i32 to index
        %swap3A_366 = arith.constant 32 : index
        %swap3A_367 = tpu.vector_load %arg14[%swap3A_365, %swap3A_366] {strides = array<i32>} : memref<40x128xf32, #tpu.memory_space<vmem>>, vector<1x16xf32>,
        %swap3A_368 = vector.shape_cast %swap3A_367 : vector<1x16xf32> to vector<16xf32>
        %swap3A_369 = vector.shape_cast %max3A_364 : vector<16xf32> to vector<1x16xf32>
        tpu.vector_store %arg14[%swap3A_365, %swap3A_366], %swap3A_369 {strides = array<i32>} : memref<40x128xf32, #tpu.memory_space<vmem>>, vector<1x16xf32>,
        %get3A_370 = arith.index_cast %scan3A_321 : i32 to index
        %get3A_371 = arith.constant 48 : index
        %get3A_372 = tpu.vector_load %arg10[%get3A_370, %get3A_371] {strides = array<i32>} : memref<40x128xf32, #tpu.memory_space<vmem>>, vector<1x16xf32>,
        %get3A_373 = vector.shape_cast %get3A_372 : vector<1x16xf32> to vector<16xf32>
        %get3A_374 = arith.index_cast %scan3A_321 : i32 to index
        %get3A_375 = arith.constant 48 : index
        %get3A_376 = tpu.vector_load %arg12[%get3A_374, %get3A_375] {strides = array<i32>} : memref<40x128xf32, #tpu.memory_space<vmem>>, vector<1x16xf32>,
        %get3A_377 = vector.shape_cast %get3A_376 : vector<1x16xf32> to vector<16xf32>
        %add3A_378 = arith.addf %get3A_373, %get3A_377 : vector<16xf32>
        %max3A_379 = arith.constant 0.000000e+00 : f32
        %max3A_380 = vector.broadcast %max3A_379 : f32 to vector<16xf32>
        %max3A_381 = arith.maximumf %add3A_378, %max3A_380 : vector<16xf32>
        %swap3A_382 = arith.index_cast %scan3A_321 : i32 to index
        %swap3A_383 = arith.constant 48 : index
        %swap3A_384 = tpu.vector_load %arg14[%swap3A_382, %swap3A_383] {strides = array<i32>} : memref<40x128xf32, #tpu.memory_space<vmem>>, vector<1x16xf32>,
        %swap3A_385 = vector.shape_cast %swap3A_384 : vector<1x16xf32> to vector<16xf32>
        %swap3A_386 = vector.shape_cast %max3A_381 : vector<16xf32> to vector<1x16xf32>
        tpu.vector_store %arg14[%swap3A_382, %swap3A_383], %swap3A_386 {strides = array<i32>} : memref<40x128xf32, #tpu.memory_space<vmem>>, vector<1x16xf32>,
        %get3A_387 = arith.index_cast %scan3A_321 : i32 to index
        %get3A_388 = arith.constant 64 : index
        %get3A_389 = tpu.vector_load %arg10[%get3A_387, %get3A_388] {strides = array<i32>} : memref<40x128xf32, #tpu.memory_space<vmem>>, vector<1x16xf32>,
        %get3A_390 = vector.shape_cast %get3A_389 : vector<1x16xf32> to vector<16xf32>
        %get3A_391 = arith.index_cast %scan3A_321 : i32 to index
        %get3A_392 = arith.constant 64 : index
        %get3A_393 = tpu.vector_load %arg12[%get3A_391, %get3A_392] {strides = array<i32>} : memref<40x128xf32, #tpu.memory_space<vmem>>, vector<1x16xf32>,
        %get3A_394 = vector.shape_cast %get3A_393 : vector<1x16xf32> to vector<16xf32>
        %add3A_395 = arith.addf %get3A_390, %get3A_394 : vector<16xf32>
        %max3A_396 = arith.constant 0.000000e+00 : f32
        %max3A_397 = vector.broadcast %max3A_396 : f32 to vector<16xf32>
        %max3A_398 = arith.maximumf %add3A_395, %max3A_397 : vector<16xf32>
        %swap3A_399 = arith.index_cast %scan3A_321 : i32 to index
        %swap3A_400 = arith.constant 64 : index
        %swap3A_401 = tpu.vector_load %arg14[%swap3A_399, %swap3A_400] {strides = array<i32>} : memref<40x128xf32, #tpu.memory_space<vmem>>, vector<1x16xf32>,
        %swap3A_402 = vector.shape_cast %swap3A_401 : vector<1x16xf32> to vector<16xf32>
        %swap3A_403 = vector.shape_cast %max3A_398 : vector<16xf32> to vector<1x16xf32>
        tpu.vector_store %arg14[%swap3A_399, %swap3A_400], %swap3A_403 {strides = array<i32>} : memref<40x128xf32, #tpu.memory_space<vmem>>, vector<1x16xf32>,
        %get3A_404 = arith.index_cast %scan3A_321 : i32 to index
        %get3A_405 = arith.constant 80 : index
        %get3A_406 = tpu.vector_load %arg10[%get3A_404, %get3A_405] {strides = array<i32>} : memref<40x128xf32, #tpu.memory_space<vmem>>, vector<1x16xf32>,
        %get3A_407 = vector.shape_cast %get3A_406 : vector<1x16xf32> to vector<16xf32>
        %get3A_408 = arith.index_cast %scan3A_321 : i32 to index
        %get3A_409 = arith.constant 80 : index
        %get3A_410 = tpu.vector_load %arg12[%get3A_408, %get3A_409] {strides = array<i32>} : memref<40x128xf32, #tpu.memory_space<vmem>>, vector<1x16xf32>,
        %get3A_411 = vector.shape_cast %get3A_410 : vector<1x16xf32> to vector<16xf32>
        %add3A_412 = arith.addf %get3A_407, %get3A_411 : vector<16xf32>
        %max3A_413 = arith.constant 0.000000e+00 : f32
        %max3A_414 = vector.broadcast %max3A_413 : f32 to vector<16xf32>
        %max3A_415 = arith.maximumf %add3A_412, %max3A_414 : vector<16xf32>
        %swap3A_416 = arith.index_cast %scan3A_321 : i32 to index
        %swap3A_417 = arith.constant 80 : index
        %swap3A_418 = tpu.vector_load %arg14[%swap3A_416, %swap3A_417] {strides = array<i32>} : memref<40x128xf32, #tpu.memory_space<vmem>>, vector<1x16xf32>,
        %swap3A_419 = vector.shape_cast %swap3A_418 : vector<1x16xf32> to vector<16xf32>
        %swap3A_420 = vector.shape_cast %max3A_415 : vector<16xf32> to vector<1x16xf32>
        tpu.vector_store %arg14[%swap3A_416, %swap3A_417], %swap3A_420 {strides = array<i32>} : memref<40x128xf32, #tpu.memory_space<vmem>>, vector<1x16xf32>,
        %get3A_421 = arith.index_cast %scan3A_321 : i32 to index
        %get3A_422 = arith.constant 96 : index
        %get3A_423 = tpu.vector_load %arg10[%get3A_421, %get3A_422] {strides = array<i32>} : memref<40x128xf32, #tpu.memory_space<vmem>>, vector<1x16xf32>,
        %get3A_424 = vector.shape_cast %get3A_423 : vector<1x16xf32> to vector<16xf32>
        %get3A_425 = arith.index_cast %scan3A_321 : i32 to index
        %get3A_426 = arith.constant 96 : index
        %get3A_427 = tpu.vector_load %arg12[%get3A_425, %get3A_426] {strides = array<i32>} : memref<40x128xf32, #tpu.memory_space<vmem>>, vector<1x16xf32>,
        %get3A_428 = vector.shape_cast %get3A_427 : vector<1x16xf32> to vector<16xf32>
        %add3A_429 = arith.addf %get3A_424, %get3A_428 : vector<16xf32>
        %max3A_430 = arith.constant 0.000000e+00 : f32
        %max3A_431 = vector.broadcast %max3A_430 : f32 to vector<16xf32>
        %max3A_432 = arith.maximumf %add3A_429, %max3A_431 : vector<16xf32>
        %swap3A_433 = arith.index_cast %scan3A_321 : i32 to index
        %swap3A_434 = arith.constant 96 : index
        %swap3A_435 = tpu.vector_load %arg14[%swap3A_433, %swap3A_434] {strides = array<i32>} : memref<40x128xf32, #tpu.memory_space<vmem>>, vector<1x16xf32>,
        %swap3A_436 = vector.shape_cast %swap3A_435 : vector<1x16xf32> to vector<16xf32>
        %swap3A_437 = vector.shape_cast %max3A_432 : vector<16xf32> to vector<1x16xf32>
        tpu.vector_store %arg14[%swap3A_433, %swap3A_434], %swap3A_437 {strides = array<i32>} : memref<40x128xf32, #tpu.memory_space<vmem>>, vector<1x16xf32>,
        %get3A_438 = arith.index_cast %scan3A_321 : i32 to index
        %get3A_439 = arith.constant 112 : index
        %get3A_440 = tpu.vector_load %arg10[%get3A_438, %get3A_439] {strides = array<i32>} : memref<40x128xf32, #tpu.memory_space<vmem>>, vector<1x16xf32>,
        %get3A_441 = vector.shape_cast %get3A_440 : vector<1x16xf32> to vector<16xf32>
        %get3A_442 = arith.index_cast %scan3A_321 : i32 to index
        %get3A_443 = arith.constant 112 : index
        %get3A_444 = tpu.vector_load %arg12[%get3A_442, %get3A_443] {strides = array<i32>} : memref<40x128xf32, #tpu.memory_space<vmem>>, vector<1x16xf32>,
        %get3A_445 = vector.shape_cast %get3A_444 : vector<1x16xf32> to vector<16xf32>
        %add3A_446 = arith.addf %get3A_441, %get3A_445 : vector<16xf32>
        %max3A_447 = arith.constant 0.000000e+00 : f32
        %max3A_448 = vector.broadcast %max3A_447 : f32 to vector<16xf32>
        %max3A_449 = arith.maximumf %add3A_446, %max3A_448 : vector<16xf32>
        %swap3A_450 = arith.index_cast %scan3A_321 : i32 to index
        %swap3A_451 = arith.constant 112 : index
        %swap3A_452 = tpu.vector_load %arg14[%swap3A_450, %swap3A_451] {strides = array<i32>} : memref<40x128xf32, #tpu.memory_space<vmem>>, vector<1x16xf32>,
        %swap3A_453 = vector.shape_cast %swap3A_452 : vector<1x16xf32> to vector<16xf32>
        %swap3A_454 = vector.shape_cast %max3A_449 : vector<16xf32> to vector<1x16xf32>
        tpu.vector_store %arg14[%swap3A_450, %swap3A_451], %swap3A_454 {strides = array<i32>} : memref<40x128xf32, #tpu.memory_space<vmem>>, vector<1x16xf32>,
      }
      %scan3A_251 = arith.constant 40 : i32
      %jit3A_252 = arith.constant 25 : i32
      %div3A_253 = arith.divsi %add3A_204, %jit3A_252 : i32
      %sign3A_254 = arith.constant 0 : i32
      %sign3A_255 = arith.cmpi sgt, %add3A_204, %sign3A_254 : i32
      %sign3A_256 = arith.extui %sign3A_255 : i1 to i32
      %sign3A_257 = arith.constant 0 : i32
      %sign3A_258 = arith.cmpi slt, %add3A_204, %sign3A_257 : i32
      %sign3A_259 = arith.extui %sign3A_258 : i1 to i32
      %sign3A_260 = arith.subi %sign3A_256, %sign3A_259 : i32
      %sign3A_261 = arith.constant 0 : i32
      %sign3A_262 = arith.cmpi sgt, %jit3A_252, %sign3A_261 : i32
      %sign3A_263 = arith.extui %sign3A_262 : i1 to i32
      %sign3A_264 = arith.constant 0 : i32
      %sign3A_265 = arith.cmpi slt, %jit3A_252, %sign3A_264 : i32
      %sign3A_266 = arith.extui %sign3A_265 : i1 to i32
      %sign3A_267 = arith.subi %sign3A_263, %sign3A_266 : i32
      %ne3A_268 = arith.cmpi ne, %sign3A_260, %sign3A_267 : i32
      %rem3A_269 = arith.remsi %add3A_204, %jit3A_252 : i32
      %ne3A_270 = arith.constant 0 : i32
      %ne3A_271 = arith.cmpi ne, %rem3A_269, %ne3A_270 : i32
      %and3A_272 = arith.andi %ne3A_268, %ne3A_271 : i1
      %sub3A_273 = arith.constant 1 : i32
      %sub3A_274 = arith.subi %div3A_253, %sub3A_273 : i32
      %select_n3A_275 = arith.select %and3A_272, %sub3A_274, %div3A_253 : i32
      %jit3A_276 = arith.constant 2 : i32
      %eq3A_277 = arith.constant 0 : i32
      %eq3A_278 = arith.cmpi eq, %jit3A_276, %eq3A_277 : i32
      %jit3A_279 = arith.constant 1 : i32
      %select_n3A_280 = arith.select %eq3A_278, %jit3A_279, %jit3A_276 : i32
      %rem3A_281 = arith.remsi %select_n3A_275, %select_n3A_280 : i32
      %ne3A_282 = arith.constant 0 : i32
      %ne3A_283 = arith.cmpi ne, %rem3A_281, %ne3A_282 : i32
      %lt3A_284 = arith.constant 0 : i32
      %lt3A_285 = arith.cmpi slt, %rem3A_281, %lt3A_284 : i32
      %lt3A_286 = arith.constant 0 : i32
      %lt3A_287 = arith.cmpi slt, %select_n3A_280, %lt3A_286 : i32
      %ne3A_288 = arith.xori %lt3A_285, %lt3A_287 : i1
      %and3A_289 = arith.andi %ne3A_288, %ne3A_283 : i1
      %add3A_290 = arith.addi %rem3A_281, %select_n3A_280 : i32
      %select_n3A_291 = arith.select %and3A_289, %add3A_290, %rem3A_281 : i32
      %jit3A_292 = arith.constant 25 : i32
      %eq3A_293 = arith.constant 0 : i32
      %eq3A_294 = arith.cmpi eq, %jit3A_292, %eq3A_293 : i32
      %jit3A_295 = arith.constant 1 : i32
      %select_n3A_296 = arith.select %eq3A_294, %jit3A_295, %jit3A_292 : i32
      %rem3A_297 = arith.remsi %add3A_204, %select_n3A_296 : i32
      %ne3A_298 = arith.constant 0 : i32
      %ne3A_299 = arith.cmpi ne, %rem3A_297, %ne3A_298 : i32
      %lt3A_300 = arith.constant 0 : i32
      %lt3A_301 = arith.cmpi slt, %rem3A_297, %lt3A_300 : i32
      %lt3A_302 = arith.constant 0 : i32
      %lt3A_303 = arith.cmpi slt, %select_n3A_296, %lt3A_302 : i32
      %ne3A_304 = arith.xori %lt3A_301, %lt3A_303 : i1
      %and3A_305 = arith.andi %ne3A_304, %ne3A_299 : i1
      %add3A_306 = arith.addi %rem3A_297, %select_n3A_296 : i32
      %select_n3A_307 = arith.select %and3A_305, %add3A_306, %rem3A_297 : i32
      %dma_start3A_308 = arith.constant 0 : i32
      %dma_start3A_309 = tpu.memref_slice %arg8[%select_n3A_291, %select_n3A_307, %dma_start3A_308] : memref<2x25x40xi32, #tpu.memory_space<vmem>> -> memref<1x1x40xi32, #tpu.memory_space<vmem>>
      %dma_start3A_310 = tpu.memref_squeeze %dma_start3A_309 : memref<1x1x40xi32, #tpu.memory_space<vmem>> -> memref<40xi32, #tpu.memory_space<vmem>>
      %dma_start3A_311 = arith.constant 0 : i32
      %dma_start3A_312 = arith.constant 0 : i32
      %dma_start3A_313 = tpu.memref_slice %arg15[%dma_start3A_311, %dma_start3A_312] : memref<10000x128xf32, #tpu.memory_space<vmem_shared>> -> memref<10000x128xf32, #tpu.memory_space<vmem_shared>>
      tpu.enqueue_indirect_dma source(%arg14 : memref<40x128xf32, #tpu.memory_space<vmem>>) target(%dma_start3A_313 : memref<10000x128xf32, #tpu.memory_space<vmem_shared>>) offsets(%dma_start3A_310 : memref<40xi32, #tpu.memory_space<vmem>>) semaphore(%arg21 : memref<!tpu.dma_semaphore, #tpu.memory_space<semaphore_mem>>) {add = true}
      %add3A_314 = arith.constant 2 : i32
      %add3A_315 = arith.addi %add3A_204, %add3A_314 : i32
      %lt3A_316 = arith.constant 250 : i32
      %lt3A_317 = arith.cmpi slt, %add3A_315, %lt3A_316 : i32
      %convert_element_type3A_318 = arith.extui %lt3A_317 : i1 to i32
      %cond3A_319 = arith.constant 0 : i32
      %cond3A_320 = arith.cmpi ne, %convert_element_type3A_318, %cond3A_319 : i32
      scf.if %cond3A_320 {
        %add3A_321 = arith.constant 2 : i32
        %add3A_322 = arith.addi %add3A_204, %add3A_321 : i32
        %jit3A_323 = arith.constant 25 : i32
        %div3A_324 = arith.divsi %add3A_322, %jit3A_323 : i32
        %sign3A_325 = arith.constant 0 : i32
        %sign3A_326 = arith.cmpi sgt, %add3A_322, %sign3A_325 : i32
        %sign3A_327 = arith.extui %sign3A_326 : i1 to i32
        %sign3A_328 = arith.constant 0 : i32
        %sign3A_329 = arith.cmpi slt, %add3A_322, %sign3A_328 : i32
        %sign3A_330 = arith.extui %sign3A_329 : i1 to i32
        %sign3A_331 = arith.subi %sign3A_327, %sign3A_330 : i32
        %sign3A_332 = arith.constant 0 : i32
        %sign3A_333 = arith.cmpi sgt, %jit3A_323, %sign3A_332 : i32
        %sign3A_334 = arith.extui %sign3A_333 : i1 to i32
        %sign3A_335 = arith.constant 0 : i32
        %sign3A_336 = arith.cmpi slt, %jit3A_323, %sign3A_335 : i32
        %sign3A_337 = arith.extui %sign3A_336 : i1 to i32
        %sign3A_338 = arith.subi %sign3A_334, %sign3A_337 : i32
        %ne3A_339 = arith.cmpi ne, %sign3A_331, %sign3A_338 : i32
        %rem3A_340 = arith.remsi %add3A_322, %jit3A_323 : i32
        %ne3A_341 = arith.constant 0 : i32
        %ne3A_342 = arith.cmpi ne, %rem3A_340, %ne3A_341 : i32
        %and3A_343 = arith.andi %ne3A_339, %ne3A_342 : i1
        %sub3A_344 = arith.constant 1 : i32
        %sub3A_345 = arith.subi %div3A_324, %sub3A_344 : i32
        %select_n3A_346 = arith.select %and3A_343, %sub3A_345, %div3A_324 : i32
        %jit3A_347 = arith.constant 2 : i32
        %eq3A_348 = arith.constant 0 : i32
        %eq3A_349 = arith.cmpi eq, %jit3A_347, %eq3A_348 : i32
        %jit3A_350 = arith.constant 1 : i32
        %select_n3A_351 = arith.select %eq3A_349, %jit3A_350, %jit3A_347 : i32
        %rem3A_352 = arith.remsi %select_n3A_346, %select_n3A_351 : i32
        %ne3A_353 = arith.constant 0 : i32
        %ne3A_354 = arith.cmpi ne, %rem3A_352, %ne3A_353 : i32
        %lt3A_355 = arith.constant 0 : i32
        %lt3A_356 = arith.cmpi slt, %rem3A_352, %lt3A_355 : i32
        %lt3A_357 = arith.constant 0 : i32
        %lt3A_358 = arith.cmpi slt, %select_n3A_351, %lt3A_357 : i32
        %ne3A_359 = arith.xori %lt3A_356, %lt3A_358 : i1
        %and3A_360 = arith.andi %ne3A_359, %ne3A_354 : i1
        %add3A_361 = arith.addi %rem3A_352, %select_n3A_351 : i32
        %select_n3A_362 = arith.select %and3A_360, %add3A_361, %rem3A_352 : i32
        %jit3A_363 = arith.constant 25 : i32
        %eq3A_364 = arith.constant 0 : i32
        %eq3A_365 = arith.cmpi eq, %jit3A_363, %eq3A_364 : i32
        %jit3A_366 = arith.constant 1 : i32
        %select_n3A_367 = arith.select %eq3A_365, %jit3A_366, %jit3A_363 : i32
        %rem3A_368 = arith.remsi %add3A_322, %select_n3A_367 : i32
        %ne3A_369 = arith.constant 0 : i32
        %ne3A_370 = arith.cmpi ne, %rem3A_368, %ne3A_369 : i32
        %lt3A_371 = arith.constant 0 : i32
        %lt3A_372 = arith.cmpi slt, %rem3A_368, %lt3A_371 : i32
        %lt3A_373 = arith.constant 0 : i32
        %lt3A_374 = arith.cmpi slt, %select_n3A_367, %lt3A_373 : i32
        %ne3A_375 = arith.xori %lt3A_372, %lt3A_374 : i1
        %and3A_376 = arith.andi %ne3A_375, %ne3A_370 : i1
        %add3A_377 = arith.addi %rem3A_368, %select_n3A_367 : i32
        %select_n3A_378 = arith.select %and3A_376, %add3A_377, %rem3A_368 : i32
        %dma_start3A_379 = arith.constant 0 : i32
        %dma_start3A_380 = tpu.memref_slice %arg7[%select_n3A_362, %select_n3A_378, %dma_start3A_379] : memref<2x25x40xi32, #tpu.memory_space<vmem>> -> memref<1x1x40xi32, #tpu.memory_space<vmem>>
        %dma_start3A_381 = tpu.memref_squeeze %dma_start3A_380 : memref<1x1x40xi32, #tpu.memory_space<vmem>> -> memref<40xi32, #tpu.memory_space<vmem>>
        %dma_start3A_382 = arith.constant 0 : i32
        %dma_start3A_383 = arith.constant 0 : i32
        %dma_start3A_384 = tpu.memref_slice %arg2[%dma_start3A_382, %dma_start3A_383] : memref<10000x128xf32, #tpu.memory_space<hbm>> -> memref<10000x128xf32, #tpu.memory_space<hbm>>
        tpu.enqueue_indirect_dma source(%dma_start3A_384 : memref<10000x128xf32, #tpu.memory_space<hbm>>) target(%arg10 : memref<40x128xf32, #tpu.memory_space<vmem>>) offsets(%dma_start3A_381 : memref<40xi32, #tpu.memory_space<vmem>>) semaphore(%arg17 : memref<!tpu.dma_semaphore, #tpu.memory_space<semaphore_mem>>)
        %add3A_385 = arith.addi %mul3A_27, %add3A_322 : i32
        %mul3A_386 = arith.constant 40 : i32
        %mul3A_387 = arith.muli %add3A_385, %mul3A_386 : i32
        %dma_start3A_388 = arith.constant 0 : i32
        %dma_start3A_389 = tpu.memref_slice %arg3[%mul3A_387, %dma_start3A_388] : memref<320000x128xf32, #tpu.memory_space<hbm>> -> memref<40x128xf32, #tpu.memory_space<hbm>>
        %dma_start3A_390 = arith.constant 0 : i32
        %dma_start3A_391 = tpu.memref_slice %arg3[%mul3A_387, %dma_start3A_390] : memref<320000x128xf32, #tpu.memory_space<hbm>> -> memref<40x128xf32, #tpu.memory_space<hbm>>
        tpu.enqueue_dma source(%dma_start3A_391 : memref<40x128xf32, #tpu.memory_space<hbm>>) target(%arg12 : memref<40x128xf32, #tpu.memory_space<vmem>>) target_semaphore(%arg19 : memref<!tpu.dma_semaphore, #tpu.memory_space<semaphore_mem>>)
      } else {
      }
    }
    %scan3A_69 = arith.constant 125 : i32
    %dma_wait3A_70 = arith.constant 0 : i32
    %dma_wait3A_71 = arith.constant 0 : i32
    %dma_wait3A_72 = tpu.memref_slice %arg3[%dma_wait3A_70, %dma_wait3A_71] : memref<320000x128xf32, #tpu.memory_space<hbm>> -> memref<40x128xf32, #tpu.memory_space<hbm>>
    %dma_wait3A_73 = arith.constant 0 : i32
    %dma_wait3A_74 = arith.constant 0 : i32
    %dma_wait3A_75 = tpu.memref_slice %arg3[%dma_wait3A_73, %dma_wait3A_74] : memref<320000x128xf32, #tpu.memory_space<hbm>> -> memref<40x128xf32, #tpu.memory_space<hbm>>
    tpu.wait_dma2 semaphore(%arg20 : memref<!tpu.dma_semaphore, #tpu.memory_space<semaphore_mem>>) src(%dma_wait3A_75 : memref<40x128xf32, #tpu.memory_space<hbm>>) dst(%arg13 : memref<40x128xf32, #tpu.memory_space<vmem>>)
    %dma_wait3A_76 = arith.constant 0 : i32
    %dma_wait3A_77 = arith.constant 0 : i32
    %dma_wait3A_78 = tpu.memref_slice %arg3[%dma_wait3A_76, %dma_wait3A_77] : memref<320000x128xf32, #tpu.memory_space<hbm>> -> memref<40x128xf32, #tpu.memory_space<hbm>>
    %dma_wait3A_79 = arith.constant 0 : i32
    %dma_wait3A_80 = arith.constant 0 : i32
    %dma_wait3A_81 = tpu.memref_slice %arg3[%dma_wait3A_79, %dma_wait3A_80] : memref<320000x128xf32, #tpu.memory_space<hbm>> -> memref<40x128xf32, #tpu.memory_space<hbm>>
    tpu.wait_dma2 semaphore(%arg21 : memref<!tpu.dma_semaphore, #tpu.memory_space<semaphore_mem>>) src(%dma_wait3A_81 : memref<40x128xf32, #tpu.memory_space<hbm>>) dst(%arg14 : memref<40x128xf32, #tpu.memory_space<vmem>>)
    %barrier3A_82 = arith.constant 0 : index
    tpu.barrier barrier_id(%barrier3A_82)
    "tpu.region"() ({
      %run_scoped3A_88 = tpu.sem_alloc : memref<!tpu.dma_semaphore, #tpu.memory_space<semaphore_mem>>
      %dma_start3A_89 = arith.constant 0 : i32
      %dma_start3A_90 = tpu.memref_slice %arg6[%arg0, %mul3A_2, %dma_start3A_89] : memref<2x10000x128xf32, #tpu.memory_space<hbm>> -> memref<1x624x128xf32, #tpu.memory_space<hbm>>
      %dma_start3A_91 = tpu.memref_squeeze %dma_start3A_90 : memref<1x624x128xf32, #tpu.memory_space<hbm>> -> memref<624x128xf32, #tpu.memory_space<hbm>>
      %dma_start3A_92 = arith.constant 0 : i32
      %dma_start3A_93 = tpu.memref_slice %arg15[%mul3A_2, %dma_start3A_92] : memref<10000x128xf32, #tpu.memory_space<vmem_shared>> -> memref<624x128xf32, #tpu.memory_space<vmem_shared>>
      tpu.enqueue_dma source(%dma_start3A_93 : memref<624x128xf32, #tpu.memory_space<vmem_shared>>) target(%dma_start3A_91 : memref<624x128xf32, #tpu.memory_space<hbm>>) target_semaphore(%run_scoped3A_88 : memref<!tpu.dma_semaphore, #tpu.memory_space<semaphore_mem>>)
      %dma_wait3A_94 = arith.constant 0 : i32
      %dma_wait3A_95 = tpu.memref_slice %arg6[%arg0, %mul3A_2, %dma_wait3A_94] : memref<2x10000x128xf32, #tpu.memory_space<hbm>> -> memref<1x624x128xf32, #tpu.memory_space<hbm>>
      %dma_wait3A_96 = tpu.memref_squeeze %dma_wait3A_95 : memref<1x624x128xf32, #tpu.memory_space<hbm>> -> memref<624x128xf32, #tpu.memory_space<hbm>>
      %dma_wait3A_97 = arith.constant 0 : i32
      %dma_wait3A_98 = tpu.memref_slice %arg15[%mul3A_2, %dma_wait3A_97] : memref<10000x128xf32, #tpu.memory_space<vmem_shared>> -> memref<624x128xf32, #tpu.memory_space<vmem_shared>>
      tpu.wait_dma2 semaphore(%run_scoped3A_88 : memref<!tpu.dma_semaphore, #tpu.memory_space<semaphore_mem>>) src(%dma_wait3A_98 : memref<624x128xf32, #tpu.memory_space<vmem_shared>>) dst(%dma_wait3A_96 : memref<624x128xf32, #tpu.memory_space<hbm>>)
      tpu.yield
    }) : () -> ()
    %eq3A_83 = arith.constant 15 : i32
    %eq3A_84 = arith.cmpi eq, %arg1, %eq3A_83 : i32
    %convert_element_type3A_85 = arith.extui %eq3A_84 : i1 to i32
    %cond3A_86 = arith.constant 0 : i32
    %cond3A_87 = arith.cmpi ne, %convert_element_type3A_85, %cond3A_86 : i32
    scf.if %cond3A_87 {
      %add3A_88 = arith.constant 624 : i32
      %add3A_89 = arith.addi %mul3A_2, %add3A_88 : i32
      "tpu.region"() ({
        %run_scoped3A_90 = tpu.sem_alloc : memref<!tpu.dma_semaphore, #tpu.memory_space<semaphore_mem>>
        %dma_start3A_91 = arith.constant 0 : i32
        %dma_start3A_92 = tpu.memref_slice %arg6[%arg0, %add3A_89, %dma_start3A_91] : memref<2x10000x128xf32, #tpu.memory_space<hbm>> -> memref<1x16x128xf32, #tpu.memory_space<hbm>>
        %dma_start3A_93 = tpu.memref_squeeze %dma_start3A_92 : memref<1x16x128xf32, #tpu.memory_space<hbm>> -> memref<16x128xf32, #tpu.memory_space<hbm>>
        %dma_start3A_94 = arith.constant 0 : i32
        %dma_start3A_95 = tpu.memref_slice %arg15[%add3A_89, %dma_start3A_94] : memref<10000x128xf32, #tpu.memory_space<vmem_shared>> -> memref<16x128xf32, #tpu.memory_space<vmem_shared>>
        tpu.enqueue_dma source(%dma_start3A_95 : memref<16x128xf32, #tpu.memory_space<vmem_shared>>) target(%dma_start3A_93 : memref<16x128xf32, #tpu.memory_space<hbm>>) target_semaphore(%run_scoped3A_90 : memref<!tpu.dma_semaphore, #tpu.memory_space<semaphore_mem>>)
        %dma_wait3A_96 = arith.constant 0 : i32
        %dma_wait3A_97 = tpu.memref_slice %arg6[%arg0, %add3A_89, %dma_wait3A_96] : memref<2x10000x128xf32, #tpu.memory_space<hbm>> -> memref<1x16x128xf32, #tpu.memory_space<hbm>>
        %dma_wait3A_98 = tpu.memref_squeeze %dma_wait3A_97 : memref<1x16x128xf32, #tpu.memory_space<hbm>> -> memref<16x128xf32, #tpu.memory_space<hbm>>
        %dma_wait3A_99 = arith.constant 0 : i32
        %dma_wait3A_100 = tpu.memref_slice %arg15[%add3A_89, %dma_wait3A_99] : memref<10000x128xf32, #tpu.memory_space<vmem_shared>> -> memref<16x128xf32, #tpu.memory_space<vmem_shared>>
        tpu.wait_dma2 semaphore(%run_scoped3A_90 : memref<!tpu.dma_semaphore, #tpu.memory_space<semaphore_mem>>) src(%dma_wait3A_100 : memref<16x128xf32, #tpu.memory_space<vmem_shared>>) dst(%dma_wait3A_98 : memref<16x128xf32, #tpu.memory_space<hbm>>)
        tpu.yield
      }) : () -> ()
    } else {
    }
    return
  }
}

module attributes {stable_mosaic.version = 14 : i64} {
  func.func @_enc_body(%arg0: i32, %arg1: memref<200x128xf32, #tpu.memory_space<vmem>>, %arg2: memref<6400x16xf32, #tpu.memory_space<vmem>>, %arg3: memref<128x128xf32, #tpu.memory_space<vmem>>, %arg4: memref<1x128xf32, #tpu.memory_space<vmem>>, %arg5: memref<16x128xf32, #tpu.memory_space<vmem>>, %arg6: memref<1x128xf32, #tpu.memory_space<vmem>>, %arg7: memref<200x128xf32, #tpu.memory_space<vmem>>, %arg8: memref<6400x128xf32, #tpu.memory_space<vmem>>) attributes {dimension_semantics = [#tpu.dimension_semantics<arbitrary>], iteration_bounds = array<i64: 50>, scalar_prefetch = 0 : i64, scratch_operands = 0 : i64, tpu.core_type = #tpu.core_type<tc>, window_params = [{transform_indices = @transform_0, window_bounds = array<i64: 200, 128>}, {transform_indices = @transform_1, window_bounds = array<i64: 6400, 16>}, {pipeline_mode = #tpu.pipeline_mode<synchronous>, transform_indices = @transform_2, window_bounds = array<i64: 128, 128>}, {pipeline_mode = #tpu.pipeline_mode<synchronous>, transform_indices = @transform_3, window_bounds = array<i64: 1, 128>}, {pipeline_mode = #tpu.pipeline_mode<synchronous>, transform_indices = @transform_4, window_bounds = array<i64: 16, 128>}, {pipeline_mode = #tpu.pipeline_mode<synchronous>, transform_indices = @transform_5, window_bounds = array<i64: 1, 128>}, {transform_indices = @transform_6, window_bounds = array<i64: 200, 128>}, {transform_indices = @transform_7, window_bounds = array<i64: 6400, 128>}]} {
    %get3A = arith.constant 0 : index
    %get3A_0 = arith.constant 0 : index
    %get3A_1 = vector.load %arg1[%get3A, %get3A_0] : memref<200x128xf32, #tpu.memory_space<vmem>>, vector<200x128xf32>
    %get3A_2 = arith.constant 0 : index
    %get3A_3 = arith.constant 0 : index
    %get3A_4 = vector.load %arg3[%get3A_2, %get3A_3] : memref<128x128xf32, #tpu.memory_space<vmem>>, vector<128x128xf32>
    %dot_general3A = arith.constant dense<0.000000e+00> : vector<200x128xf32>
    %dot_general3A_5 = tpu.matmul %get3A_1, %get3A_4, %dot_general3A {dimension_numbers = #tpu.dot_dimension_numbers<[1], [0], [0], [1], [0, 0, 1, 1], [], []>, transpose_lhs_hint = false} : vector<200x128xf32>, vector<128x128xf32>, vector<200x128xf32> -> vector<200x128xf32>
    %get3A_6 = arith.constant 0 : index
    %get3A_7 = arith.constant 0 : index
    %get3A_8 = vector.load %arg4[%get3A_6, %get3A_7] : memref<1x128xf32, #tpu.memory_space<vmem>>, vector<1x128xf32>
    %add3A = vector.broadcast %get3A_8 : vector<1x128xf32> to vector<200x128xf32>
    %add3A_9 = arith.addf %dot_general3A_5, %add3A : vector<200x128xf32>
    %swap3A = arith.constant 0 : index
    %swap3A_10 = arith.constant 0 : index
    %swap3A_11 = vector.load %arg7[%swap3A, %swap3A_10] : memref<200x128xf32, #tpu.memory_space<vmem>>, vector<200x128xf32>
    tpu.vector_store %arg7[%swap3A, %swap3A_10], %add3A_9 {strides = array<i32>} : memref<200x128xf32, #tpu.memory_space<vmem>>, vector<200x128xf32>,
    %get3A_12 = arith.constant 0 : index
    %get3A_13 = arith.constant 0 : index
    %get3A_14 = vector.load %arg2[%get3A_12, %get3A_13] : memref<6400x16xf32, #tpu.memory_space<vmem>>, vector<6400x16xf32>
    %get3A_15 = arith.constant 0 : index
    %get3A_16 = arith.constant 0 : index
    %get3A_17 = vector.load %arg5[%get3A_15, %get3A_16] : memref<16x128xf32, #tpu.memory_space<vmem>>, vector<16x128xf32>
    %dot_general3A_18 = arith.constant dense<0.000000e+00> : vector<6400x128xf32>
    %dot_general3A_19 = tpu.matmul %get3A_14, %get3A_17, %dot_general3A_18 {dimension_numbers = #tpu.dot_dimension_numbers<[1], [0], [0], [1], [0, 0, 1, 1], [], []>, transpose_lhs_hint = false} : vector<6400x16xf32>, vector<16x128xf32>, vector<6400x128xf32> -> vector<6400x128xf32>
    %get3A_20 = arith.constant 0 : index
    %get3A_21 = arith.constant 0 : index
    %get3A_22 = vector.load %arg6[%get3A_20, %get3A_21] : memref<1x128xf32, #tpu.memory_space<vmem>>, vector<1x128xf32>
    %add3A_23 = vector.broadcast %get3A_22 : vector<1x128xf32> to vector<6400x128xf32>
    %add3A_24 = arith.addf %dot_general3A_19, %add3A_23 : vector<6400x128xf32>
    %swap3A_25 = arith.constant 0 : index
    %swap3A_26 = arith.constant 0 : index
    %swap3A_27 = vector.load %arg8[%swap3A_25, %swap3A_26] : memref<6400x128xf32, #tpu.memory_space<vmem>>, vector<6400x128xf32>
    tpu.vector_store %arg8[%swap3A_25, %swap3A_26], %add3A_24 {strides = array<i32>} : memref<6400x128xf32, #tpu.memory_space<vmem>>, vector<6400x128xf32>,
    return
  }
  func.func @transform_0(%arg0: i32) -> (i32, i32) {
    %c0_i32 = arith.constant 0 : i32
    %c0_i32_0 = arith.constant 0 : i32
    return %arg0, %c0_i32 : i32, i32
  }
  func.func @transform_1(%arg0: i32) -> (i32, i32) {
    %c0_i32 = arith.constant 0 : i32
    %c0_i32_0 = arith.constant 0 : i32
    return %arg0, %c0_i32 : i32, i32
  }
  func.func @transform_2(%arg0: i32) -> (i32, i32) {
    %c0_i32 = arith.constant 0 : i32
    %c0_i32_0 = arith.constant 0 : i32
    %c0_i32_1 = arith.constant 0 : i32
    return %c0_i32, %c0_i32_0 : i32, i32
  }
  func.func @transform_3(%arg0: i32) -> (i32, i32) {
    %c0_i32 = arith.constant 0 : i32
    %c0_i32_0 = arith.constant 0 : i32
    %c0_i32_1 = arith.constant 0 : i32
    return %c0_i32, %c0_i32_0 : i32, i32
  }
  func.func @transform_4(%arg0: i32) -> (i32, i32) {
    %c0_i32 = arith.constant 0 : i32
    %c0_i32_0 = arith.constant 0 : i32
    %c0_i32_1 = arith.constant 0 : i32
    return %c0_i32, %c0_i32_0 : i32, i32
  }
  func.func @transform_5(%arg0: i32) -> (i32, i32) {
    %c0_i32 = arith.constant 0 : i32
    %c0_i32_0 = arith.constant 0 : i32
    %c0_i32_1 = arith.constant 0 : i32
    return %c0_i32, %c0_i32_0 : i32, i32
  }
  func.func @transform_6(%arg0: i32) -> (i32, i32) {
    %c0_i32 = arith.constant 0 : i32
    %c0_i32_0 = arith.constant 0 : i32
    return %arg0, %c0_i32 : i32, i32
  }
  func.func @transform_7(%arg0: i32) -> (i32, i32) {
    %c0_i32 = arith.constant 0 : i32
    %c0_i32_0 = arith.constant 0 : i32
    return %arg0, %c0_i32 : i32, i32
  }
}

module attributes {stable_mosaic.version = 14 : i64} {
  func.func @_mlp_body(%arg0: i32, %arg1: memref<2000x128xf32, #tpu.memory_space<vmem>>, %arg2: memref<2x2000x128xf32, #tpu.memory_space<vmem>>, %arg3: memref<128x128xf32, #tpu.memory_space<vmem>>, %arg4: memref<1x128xf32, #tpu.memory_space<vmem>>, %arg5: memref<128x128xf32, #tpu.memory_space<vmem>>, %arg6: memref<1x128xf32, #tpu.memory_space<vmem>>, %arg7: memref<2000x128xf32, #tpu.memory_space<vmem>>) attributes {dimension_semantics = [#tpu.dimension_semantics<arbitrary>], iteration_bounds = array<i64: 5>, scalar_prefetch = 0 : i64, scratch_operands = 0 : i64, tpu.core_type = #tpu.core_type<tc>, window_params = [{transform_indices = @transform_0, window_bounds = array<i64: 2000, 128>}, {transform_indices = @transform_1, window_bounds = array<i64: 2, 2000, 128>}, {pipeline_mode = #tpu.pipeline_mode<synchronous>, transform_indices = @transform_2, window_bounds = array<i64: 128, 128>}, {pipeline_mode = #tpu.pipeline_mode<synchronous>, transform_indices = @transform_3, window_bounds = array<i64: 1, 128>}, {pipeline_mode = #tpu.pipeline_mode<synchronous>, transform_indices = @transform_4, window_bounds = array<i64: 128, 128>}, {pipeline_mode = #tpu.pipeline_mode<synchronous>, transform_indices = @transform_5, window_bounds = array<i64: 1, 128>}, {transform_indices = @transform_6, window_bounds = array<i64: 2000, 128>}]} {
    %get3A = arith.constant 0 : index
    %get3A_0 = arith.constant 0 : index
    %get3A_1 = vector.load %arg1[%get3A, %get3A_0] : memref<2000x128xf32, #tpu.memory_space<vmem>>, vector<2000x128xf32>
    %get3A_2 = arith.constant 0 : index
    %get3A_3 = arith.constant 0 : index
    %get3A_4 = arith.constant 0 : index
    %get3A_5 = vector.load %arg2[%get3A_2, %get3A_3, %get3A_4] : memref<2x2000x128xf32, #tpu.memory_space<vmem>>, vector<1x2000x128xf32>
    %get3A_6 = vector.shape_cast %get3A_5 : vector<1x2000x128xf32> to vector<2000x128xf32>
    %add3A = arith.addf %get3A_1, %get3A_6 : vector<2000x128xf32>
    %get3A_7 = arith.constant 1 : index
    %get3A_8 = arith.constant 0 : index
    %get3A_9 = arith.constant 0 : index
    %get3A_10 = vector.load %arg2[%get3A_7, %get3A_8, %get3A_9] : memref<2x2000x128xf32, #tpu.memory_space<vmem>>, vector<1x2000x128xf32>
    %get3A_11 = vector.shape_cast %get3A_10 : vector<1x2000x128xf32> to vector<2000x128xf32>
    %add3A_12 = arith.addf %add3A, %get3A_11 : vector<2000x128xf32>
    %get3A_13 = arith.constant 0 : index
    %get3A_14 = arith.constant 0 : index
    %get3A_15 = vector.load %arg3[%get3A_13, %get3A_14] : memref<128x128xf32, #tpu.memory_space<vmem>>, vector<128x128xf32>
    %dot_general3A = arith.constant dense<0.000000e+00> : vector<2000x128xf32>
    %dot_general3A_16 = tpu.matmul %add3A_12, %get3A_15, %dot_general3A {dimension_numbers = #tpu.dot_dimension_numbers<[1], [0], [0], [1], [0, 0, 1, 1], [], []>, transpose_lhs_hint = false} : vector<2000x128xf32>, vector<128x128xf32>, vector<2000x128xf32> -> vector<2000x128xf32>
    %get3A_17 = arith.constant 0 : index
    %get3A_18 = arith.constant 0 : index
    %get3A_19 = vector.load %arg4[%get3A_17, %get3A_18] : memref<1x128xf32, #tpu.memory_space<vmem>>, vector<1x128xf32>
    %add3A_20 = vector.broadcast %get3A_19 : vector<1x128xf32> to vector<2000x128xf32>
    %add3A_21 = arith.addf %dot_general3A_16, %add3A_20 : vector<2000x128xf32>
    %max3A = arith.constant 0.000000e+00 : f32
    %max3A_22 = vector.broadcast %max3A : f32 to vector<2000x128xf32>
    %max3A_23 = arith.maximumf %add3A_21, %max3A_22 : vector<2000x128xf32>
    %get3A_24 = arith.constant 0 : index
    %get3A_25 = arith.constant 0 : index
    %get3A_26 = vector.load %arg5[%get3A_24, %get3A_25] : memref<128x128xf32, #tpu.memory_space<vmem>>, vector<128x128xf32>
    %dot_general3A_27 = arith.constant dense<0.000000e+00> : vector<2000x128xf32>
    %dot_general3A_28 = tpu.matmul %max3A_23, %get3A_26, %dot_general3A_27 {dimension_numbers = #tpu.dot_dimension_numbers<[1], [0], [0], [1], [0, 0, 1, 1], [], []>, transpose_lhs_hint = false} : vector<2000x128xf32>, vector<128x128xf32>, vector<2000x128xf32> -> vector<2000x128xf32>
    %get3A_29 = arith.constant 0 : index
    %get3A_30 = arith.constant 0 : index
    %get3A_31 = vector.load %arg6[%get3A_29, %get3A_30] : memref<1x128xf32, #tpu.memory_space<vmem>>, vector<1x128xf32>
    %add3A_32 = vector.broadcast %get3A_31 : vector<1x128xf32> to vector<2000x128xf32>
    %add3A_33 = arith.addf %dot_general3A_28, %add3A_32 : vector<2000x128xf32>
    %max3A_34 = arith.constant 0.000000e+00 : f32
    %max3A_35 = vector.broadcast %max3A_34 : f32 to vector<2000x128xf32>
    %max3A_36 = arith.maximumf %add3A_33, %max3A_35 : vector<2000x128xf32>
    %swap3A = arith.constant 0 : index
    %swap3A_37 = arith.constant 0 : index
    %swap3A_38 = vector.load %arg7[%swap3A, %swap3A_37] : memref<2000x128xf32, #tpu.memory_space<vmem>>, vector<2000x128xf32>
    tpu.vector_store %arg7[%swap3A, %swap3A_37], %max3A_36 {strides = array<i32>} : memref<2000x128xf32, #tpu.memory_space<vmem>>, vector<2000x128xf32>,
    return
  }
  func.func @transform_0(%arg0: i32) -> (i32, i32) {
    %c0_i32 = arith.constant 0 : i32
    %c0_i32_0 = arith.constant 0 : i32
    return %arg0, %c0_i32 : i32, i32
  }
  func.func @transform_1(%arg0: i32) -> (i32, i32, i32) {
    %c0_i32 = arith.constant 0 : i32
    %c0_i32_0 = arith.constant 0 : i32
    %c0_i32_1 = arith.constant 0 : i32
    return %c0_i32, %arg0, %c0_i32_0 : i32, i32, i32
  }
  func.func @transform_2(%arg0: i32) -> (i32, i32) {
    %c0_i32 = arith.constant 0 : i32
    %c0_i32_0 = arith.constant 0 : i32
    %c0_i32_1 = arith.constant 0 : i32
    return %c0_i32, %c0_i32_0 : i32, i32
  }
  func.func @transform_3(%arg0: i32) -> (i32, i32) {
    %c0_i32 = arith.constant 0 : i32
    %c0_i32_0 = arith.constant 0 : i32
    %c0_i32_1 = arith.constant 0 : i32
    return %c0_i32, %c0_i32_0 : i32, i32
  }
  func.func @transform_4(%arg0: i32) -> (i32, i32) {
    %c0_i32 = arith.constant 0 : i32
    %c0_i32_0 = arith.constant 0 : i32
    %c0_i32_1 = arith.constant 0 : i32
    return %c0_i32, %c0_i32_0 : i32, i32
  }
  func.func @transform_5(%arg0: i32) -> (i32, i32) {
    %c0_i32 = arith.constant 0 : i32
    %c0_i32_0 = arith.constant 0 : i32
    %c0_i32_1 = arith.constant 0 : i32
    return %c0_i32, %c0_i32_0 : i32, i32
  }
  func.func @transform_6(%arg0: i32) -> (i32, i32) {
    %c0_i32 = arith.constant 0 : i32
    %c0_i32_0 = arith.constant 0 : i32
    return %arg0, %c0_i32 : i32, i32
  }
}

module attributes {stable_mosaic.version = 14 : i64} {
  func.func @_mlp_body(%arg0: i32, %arg1: memref<2000x128xf32, #tpu.memory_space<vmem>>, %arg2: memref<2x2000x128xf32, #tpu.memory_space<vmem>>, %arg3: memref<128x128xf32, #tpu.memory_space<vmem>>, %arg4: memref<1x128xf32, #tpu.memory_space<vmem>>, %arg5: memref<128x128xf32, #tpu.memory_space<vmem>>, %arg6: memref<1x128xf32, #tpu.memory_space<vmem>>, %arg7: memref<2000x128xf32, #tpu.memory_space<vmem>>) attributes {dimension_semantics = [#tpu.dimension_semantics<arbitrary>], iteration_bounds = array<i64: 5>, scalar_prefetch = 0 : i64, scratch_operands = 0 : i64, tpu.core_type = #tpu.core_type<tc>, window_params = [{transform_indices = @transform_0, window_bounds = array<i64: 2000, 128>}, {transform_indices = @transform_1, window_bounds = array<i64: 2, 2000, 128>}, {pipeline_mode = #tpu.pipeline_mode<synchronous>, transform_indices = @transform_2, window_bounds = array<i64: 128, 128>}, {pipeline_mode = #tpu.pipeline_mode<synchronous>, transform_indices = @transform_3, window_bounds = array<i64: 1, 128>}, {pipeline_mode = #tpu.pipeline_mode<synchronous>, transform_indices = @transform_4, window_bounds = array<i64: 128, 128>}, {pipeline_mode = #tpu.pipeline_mode<synchronous>, transform_indices = @transform_5, window_bounds = array<i64: 1, 128>}, {transform_indices = @transform_6, window_bounds = array<i64: 2000, 128>}]} {
    %get3A = arith.constant 0 : index
    %get3A_0 = arith.constant 0 : index
    %get3A_1 = vector.load %arg1[%get3A, %get3A_0] : memref<2000x128xf32, #tpu.memory_space<vmem>>, vector<2000x128xf32>
    %get3A_2 = arith.constant 0 : index
    %get3A_3 = arith.constant 0 : index
    %get3A_4 = arith.constant 0 : index
    %get3A_5 = vector.load %arg2[%get3A_2, %get3A_3, %get3A_4] : memref<2x2000x128xf32, #tpu.memory_space<vmem>>, vector<1x2000x128xf32>
    %get3A_6 = vector.shape_cast %get3A_5 : vector<1x2000x128xf32> to vector<2000x128xf32>
    %add3A = arith.addf %get3A_1, %get3A_6 : vector<2000x128xf32>
    %get3A_7 = arith.constant 1 : index
    %get3A_8 = arith.constant 0 : index
    %get3A_9 = arith.constant 0 : index
    %get3A_10 = vector.load %arg2[%get3A_7, %get3A_8, %get3A_9] : memref<2x2000x128xf32, #tpu.memory_space<vmem>>, vector<1x2000x128xf32>
    %get3A_11 = vector.shape_cast %get3A_10 : vector<1x2000x128xf32> to vector<2000x128xf32>
    %add3A_12 = arith.addf %add3A, %get3A_11 : vector<2000x128xf32>
    %get3A_13 = arith.constant 0 : index
    %get3A_14 = arith.constant 0 : index
    %get3A_15 = vector.load %arg3[%get3A_13, %get3A_14] : memref<128x128xf32, #tpu.memory_space<vmem>>, vector<128x128xf32>
    %dot_general3A = arith.constant dense<0.000000e+00> : vector<2000x128xf32>
    %dot_general3A_16 = tpu.matmul %add3A_12, %get3A_15, %dot_general3A {dimension_numbers = #tpu.dot_dimension_numbers<[1], [0], [0], [1], [0, 0, 1, 1], [], []>, transpose_lhs_hint = false} : vector<2000x128xf32>, vector<128x128xf32>, vector<2000x128xf32> -> vector<2000x128xf32>
    %get3A_17 = arith.constant 0 : index
    %get3A_18 = arith.constant 0 : index
    %get3A_19 = vector.load %arg4[%get3A_17, %get3A_18] : memref<1x128xf32, #tpu.memory_space<vmem>>, vector<1x128xf32>
    %add3A_20 = vector.broadcast %get3A_19 : vector<1x128xf32> to vector<2000x128xf32>
    %add3A_21 = arith.addf %dot_general3A_16, %add3A_20 : vector<2000x128xf32>
    %max3A = arith.constant 0.000000e+00 : f32
    %max3A_22 = vector.broadcast %max3A : f32 to vector<2000x128xf32>
    %max3A_23 = arith.maximumf %add3A_21, %max3A_22 : vector<2000x128xf32>
    %get3A_24 = arith.constant 0 : index
    %get3A_25 = arith.constant 0 : index
    %get3A_26 = vector.load %arg5[%get3A_24, %get3A_25] : memref<128x128xf32, #tpu.memory_space<vmem>>, vector<128x128xf32>
    %dot_general3A_27 = arith.constant dense<0.000000e+00> : vector<2000x128xf32>
    %dot_general3A_28 = tpu.matmul %max3A_23, %get3A_26, %dot_general3A_27 {dimension_numbers = #tpu.dot_dimension_numbers<[1], [0], [0], [1], [0, 0, 1, 1], [], []>, transpose_lhs_hint = false} : vector<2000x128xf32>, vector<128x128xf32>, vector<2000x128xf32> -> vector<2000x128xf32>
    %get3A_29 = arith.constant 0 : index
    %get3A_30 = arith.constant 0 : index
    %get3A_31 = vector.load %arg6[%get3A_29, %get3A_30] : memref<1x128xf32, #tpu.memory_space<vmem>>, vector<1x128xf32>
    %add3A_32 = vector.broadcast %get3A_31 : vector<1x128xf32> to vector<2000x128xf32>
    %add3A_33 = arith.addf %dot_general3A_28, %add3A_32 : vector<2000x128xf32>
    %swap3A = arith.constant 0 : index
    %swap3A_34 = arith.constant 0 : index
    %swap3A_35 = vector.load %arg7[%swap3A, %swap3A_34] : memref<2000x128xf32, #tpu.memory_space<vmem>>, vector<2000x128xf32>
    tpu.vector_store %arg7[%swap3A, %swap3A_34], %add3A_33 {strides = array<i32>} : memref<2000x128xf32, #tpu.memory_space<vmem>>, vector<2000x128xf32>,
    return
  }
  func.func @transform_0(%arg0: i32) -> (i32, i32) {
    %c0_i32 = arith.constant 0 : i32
    %c0_i32_0 = arith.constant 0 : i32
    return %arg0, %c0_i32 : i32, i32
  }
  func.func @transform_1(%arg0: i32) -> (i32, i32, i32) {
    %c0_i32 = arith.constant 0 : i32
    %c0_i32_0 = arith.constant 0 : i32
    %c0_i32_1 = arith.constant 0 : i32
    return %c0_i32, %arg0, %c0_i32_0 : i32, i32, i32
  }
  func.func @transform_2(%arg0: i32) -> (i32, i32) {
    %c0_i32 = arith.constant 0 : i32
    %c0_i32_0 = arith.constant 0 : i32
    %c0_i32_1 = arith.constant 0 : i32
    return %c0_i32, %c0_i32_0 : i32, i32
  }
  func.func @transform_3(%arg0: i32) -> (i32, i32) {
    %c0_i32 = arith.constant 0 : i32
    %c0_i32_0 = arith.constant 0 : i32
    %c0_i32_1 = arith.constant 0 : i32
    return %c0_i32, %c0_i32_0 : i32, i32
  }
  func.func @transform_4(%arg0: i32) -> (i32, i32) {
    %c0_i32 = arith.constant 0 : i32
    %c0_i32_0 = arith.constant 0 : i32
    %c0_i32_1 = arith.constant 0 : i32
    return %c0_i32, %c0_i32_0 : i32, i32
  }
  func.func @transform_5(%arg0: i32) -> (i32, i32) {
    %c0_i32 = arith.constant 0 : i32
    %c0_i32_0 = arith.constant 0 : i32
    %c0_i32_1 = arith.constant 0 : i32
    return %c0_i32, %c0_i32_0 : i32, i32
  }
  func.func @transform_6(%arg0: i32) -> (i32, i32) {
    %c0_i32 = arith.constant 0 : i32
    %c0_i32_0 = arith.constant 0 : i32
    return %arg0, %c0_i32 : i32, i32
  }
}

</mosaic_0001>

<sc_bundles>
// kernel: kernel.10.cloned.1.call-start
scs
__scs_entry_jumppad:
0x0: {  	(pc) =	sbr.rel $0x88, $3  }
0x1: {  	(tag) =	ssettag $0x0;
	lr =	simm.s32 $0x1  }
0x2: {  	[smem:$0x3F92] =	sst lr;
	_ =	strace $0xD0000000  }
0x3: {  	_ = 	snop  }
0x4: {  	_ = 	snop  }
0x5: {  	_ = 	snop  }
0x6: {  	_ = 	snop  }
0x7: {  	_ = 	snop  }
__scs_overlays_trampoline_lowered:
0x8: {  	[smem:$0x3FA1] =	sst s0  }
0x9: {  	[smem:$0x3FA2] =	sst s1  }
0xa: {  	[smem:$0x3FA3] =	sst s2  }
0xb: {  	[smem:$0x3FA4] =	sst s3  }
0xc: {  	[smem:$0x3FA5] =	sst s4  }
0xd: {  	[smem:$0x3FA6] =	sst s5  }
0xe: {  	[smem:$0x3FA7] =	sst s6  }
0xf: {  	[smem:$0x3FA8] =	sst s7  }
0x10: {  	[smem:$0x3FA9] =	sst s8  }
0x11: {  	[smem:$0x3FAA] =	sst s9;
	s0 =	simm.s32 @!p0 $0x0  }
0x12: {  	s1 =	sld [smem:$0x3F90];
	s0 =	simm.s32 @p0 $0x1  }
0x13: {  	[smem:$0x3FAB] =	sst s0;
	s0 =	simm.s32 @!p1 $0x0  }
0x14: {  	s2 =	sld [smem:$0x3F8F];
	s0 =	simm.s32 @p1 $0x1  }
0x15: {  	[smem:$0x3FAC] =	sst s0;
	s0 =	simm.s32 @!p2 $0x0  }
0x16: {  	s3 =	sld [smem:$0x3FDB];
	s0 =	simm.s32 @p2 $0x1  }
0x17: {  	s4 =	simm.s32 $0x1BF5;
	[smem:$0x3FAE] =	sst s0  }
0x18: {  	s0 =	sld [smem:$0x3F91];
	_ =	swait.ge [sflag:s4], $0x0  }
0x19: {  	s7 =	sld [smem:$0x3F92]  }
0x1a: {  	s8 =	sadd.s32 $0xFFFFE003, lr  }
0x1b: {  	s9 =	sadd.s32 $0xFFFFFEF7, lr;
	s5 =	simm.s32 $0xFFFFFFFF;
	p2 =	slt.u32 s8, $0xFFFFF086  }
0x1c: {  	p1 =	slt.u32 s9, $0xF7A;
	s5 =	simm.s32 @!p2 $0x0  }
0x1d: {  	s5 =	simm.s32 @p1 $0x1;
	p0 =	seq.s32 s7, s2  }
0x1e: {  	s7 =	smul.u32 @!p0 $0xF7A, s2;
	p2 =	seq.s32 @!p0 s5, $0x0  }
0x1f: {  	s9 =	smul.u32 $0xF7A, s1;
	s8 =	simm.s32 @!p0 $0x1BF5;
	p2 =	por !p2, p0  }
0x20: {  	[sflag:s8] =	ssyncset.s32 @!p0 $0xFFFFF086;
	s6 =	sadd.s32 @!p0 s3, s7;
	s7 =	simm.s32 @!p0 $0x108  }
0x21: {  	s3 =	sadd.s32 s3, s9;
	s6 =	sadd.s32 @!p0 $0x88, s6;
	s7 =	simm.s32 @p2 $0x1082  }
0x22: {  	[simem:s7], [sflag:s8] =	dma.local @!p0 [hbm:s6], $0xF7A  }
0x23: {  	s9 =	sor.u32 $0xD0000000, s2;
	s6 =	simm.s32 $0x108;
	_ =	swait.ge @!p0 [sflag:s8], $0x0  }
0x24: {  	s3 =	sadd.s32 $0x88, s3;
	s6 =	simm.s32 @!p1 $0x1082;
	[sflag:s4] =	ssyncset.s32 $0xFFFFF086  }
0x25: {  	[simem:s6], [sflag:s4] =	dma.local [hbm:s3], $0xF7A  }
0x26: {  	[smem:$0x3F92] =	sst s1;
	(tag) =	ssettag s2;
	_ =	strace s9  }
0x27: {  	s1 =	sld [smem:$0x3FA2]  }
0x28: {  	s2 =	sld [smem:$0x3FA3]  }
0x29: {  	s4 =	sld [smem:$0x3FA5]  }
0x2a: {  	p0 =	seq.s32 s5, $0x0;
	s5 =	sld [smem:$0x3FA6]  }
0x2b: {  	s6 =	sld [smem:$0x3FA7]  }
0x2c: {  	s7 =	sld [smem:$0x3FA8]  }
0x2d: {  	s3 =	simm.s32 $0x108;
	s8 =	sld [smem:$0x3FA9]  }
0x2e: {  	s3 =	simm.s32 @!p0 $0x1082;
	s9 =	sld [smem:$0x3FAA]  }
0x2f: {  	lr =	sadd.s32 s0, s3;
	s0 =	sld [smem:$0x3FA1]  }
0x30: {  	s3 =	sld [smem:$0x3FA4]  }
0x31: {  	[smem:$0x3FAD] =	sst s10  }
0x32: {  	s10 =	sld [smem:$0x3FAB];
	_ =	sdelay $0x3  }
0x33: {  	p0 =	seq.s32 s10, $0x1;
	s10 =	sld [smem:$0x3FAD];
	_ =	sdelay $0x3  }
0x34: {  	[smem:$0x3FAD] =	sst s10  }
0x35: {  	s10 =	sld [smem:$0x3FAC];
	_ =	sdelay $0x3  }
0x36: {  	p1 =	seq.s32 s10, $0x1;
	s10 =	sld [smem:$0x3FAD];
	_ =	sdelay $0x3  }
0x37: {  	[smem:$0x3FAD] =	sst s10  }
0x38: {  	s10 =	sld [smem:$0x3FAE]  }
0x39: {  	_ = 	snop;
	(pc) =	sbr.ind lr, $3  }
0x3a: {  	_ = 	snop  }
0x3b: {  	_ = 	snop  }
0x3c: {  	p2 =	seq.s32 s10, $0x1;
	s10 =	sld [smem:$0x3FAD]  }
0x3d: {  	_ =	shalt  }
0x3e: {  	_ =	shalt  }
0x3f: {  	_ =	shalt  }
0x40: {  	_ =	shalt  }
0x41: {  	_ =	shalt  }
0x42: {  	_ =	shalt  }
0x43: {  	_ =	shalt  }
0x44: {  	_ =	shalt  }
0x45: {  	_ =	shalt  }
0x46: {  	_ =	shalt  }
0x47: {  	_ =	shalt  }
0x48: {  	_ =	shalt  }
0x49: {  	_ =	shalt  }
0x4a: {  	_ =	shalt  }
0x4b: {  	_ =	shalt  }
0x4c: {  	_ =	shalt  }
0x4d: {  	_ =	shalt  }
0x4e: {  	_ =	shalt  }
0x4f: {  	_ =	shalt  }
0x50: {  	_ =	shalt  }
0x51: {  	_ =	shalt  }
0x52: {  	_ =	shalt  }
0x53: {  	_ =	shalt  }
0x54: {  	_ =	shalt  }
0x55: {  	_ =	shalt  }
0x56: {  	_ =	shalt  }
0x57: {  	_ =	shalt  }
0x58: {  	_ =	shalt  }
0x59: {  	_ =	shalt  }
0x5a: {  	_ =	shalt  }
0x5b: {  	_ =	shalt  }
0x5c: {  	_ =	shalt  }
0x5d: {  	_ =	shalt  }
0x5e: {  	_ =	shalt  }
0x5f: {  	_ =	shalt  }
0x60: {  	_ =	shalt  }
0x61: {  	_ =	shalt  }
0x62: {  	_ =	shalt  }
0x63: {  	_ =	shalt  }
0x64: {  	_ =	shalt  }
0x65: {  	_ =	shalt  }
0x66: {  	_ =	shalt  }
0x67: {  	_ =	shalt  }
0x68: {  	_ =	shalt  }
0x69: {  	_ =	shalt  }
0x6a: {  	_ =	shalt  }
0x6b: {  	_ =	shalt  }
0x6c: {  	_ =	shalt  }
0x6d: {  	_ =	shalt  }
0x6e: {  	_ =	shalt  }
0x6f: {  	_ =	shalt  }
0x70: {  	_ =	shalt  }
0x71: {  	_ =	shalt  }
0x72: {  	_ =	shalt  }
0x73: {  	_ =	shalt  }
0x74: {  	_ =	shalt  }
0x75: {  	_ =	shalt  }
0x76: {  	_ =	shalt  }
0x77: {  	_ =	shalt  }
0x78: {  	_ =	shalt  }
0x79: {  	_ =	shalt  }
0x7a: {  	_ =	shalt  }
0x7b: {  	_ =	shalt  }
0x7c: {  	_ =	shalt  }
0x7d: {  	_ =	shalt  }
0x7e: {  	_ =	shalt  }
0x7f: {  	_ =	shalt  }
0x80: {  	_ =	shalt  }
0x81: {  	_ =	shalt  }
0x82: {  	_ =	shalt  }
0x83: {  	_ =	shalt  }
0x84: {  	_ =	shalt  }
0x85: {  	_ =	shalt  }
0x86: {  	_ =	shalt  }
0x87: {  	_ =	shalt  }
.Lfunc_end0:
.L_simem_size_0:
called_computation.1_lowered:
.L_overlay_start_0:
0x88: {  	s2 =	sld [smem:$0x3FD9]  }
0x89: {  	s3 =	sld [smem:$0x3FFE];
	_ =	sdelay $0x1  }
0x8a: {  	s1 =	srdreg.scid  }
0x8b: {  	s0 =	sand.u32 $0x1, s1  }
0x8c: {  	s17 =	sshll.u32 s0, $0xA;
	s2 =	sadd.s32 s3, s2  }
0x8d: {  	s2 =	sadd.s32 s2, s17  }
0x8e: {  	[smem:$0x3FB9] =	sst s2  }
0x8f: {  	_ = 	snop  }
0x90: {  	s2 =	sld [smem:$0x3FD0];
	(tm) =	ssettm $0x1  }
0x91: {  	s18 =	sld [smem:$0x3FFB];
	_ =	sdelay $0x3  }
0x92: {  	_ =	strace s18  }
0x93: {  	s3 =	sld [smem:$0x3FFC];
	_ =	sdelay $0x3  }
0x94: {  	_ =	strace s3  }
0x95: {  	s3 =	sld [smem:$0x3FFD];
	_ =	sdelay $0x3  }
0x96: {  	_ =	strace s3  }
0x97: {  	_ =	strace $0x8FFFFFFF  }
0x98: {  	s19 =	sld [smem:$0x3FDB];
	_ =	sdelay $0x1  }
0x99: {  	s4 =	simm.s32 $_scs_section_size  }
0x9a: {  	s5 =	simm.s32 $_size__tile_overlayer_lowered;
	s6 =	simm.s32 $_tile_overlayer_lowered  }
0x9b: {  	s22 =	simm.s32 $0x1BFF;
	s21 =	sshll.u32 s6, $0x1;
	s3 =	sadd.s32 s4, s19  }
0x9c: {  	s7 =	simm.s32 $0x0;
	s20 =	sshll.u32 s5, $0x1;
	s5 =	sadd.s32 s21, s3  }
0x9d: {  	[timem:s7], [sflag:s22] =	dma.local [hbm:s5], s20  }
0x9e: {  	_ =	swait.ge [sflag:s22], s20  }
0x9f: {  	s4 =	ssub.s32 $0x0, s20;
	[sflag:s22] =	ssyncset.done $0x0  }
0xa0: {  	[sflag:s22] =	ssyncadd.s32 s4;
	_ =	sdelay $0x1  }
0xa1: {  	s23 =	simm.s32 $0x1B8B  }
0xa2: {  	_ =	swait.ge [sflag:s23], $0x1  }
0xa3: {  	[sflag:s23] =	ssyncset.done $0x0  }
0xa4: {  	s25 =	simm.s32 $0x1B8E;
	s24 =	sld [smem:$0x3FFE];
	[sflag:s23] =	ssyncadd.s32 $0xFFFFFFFF  }
0xa5: {  	s26 =	simm.s32 $execute0_lowered;
	[smem:$0x3FD2] =	sst s25  }
0xa6: {  	s5 =	sshll.u32 s26, $0x1;
	_ =	strace $0x80000049;
	[dreg:$0x1] =	wrdreg $0xFFFFFFFF  }
0xa7: {  	s28 =	simm.s32 $_size_execute0_lowered;
	s3 =	sadd.s32 s3, s5;
	[dreg:$0x0] =	wrdreg $0x0  }
0xa8: {  	s5 =	sshll.u32 s28, $0x1;
	[dreg:$0x2] =	wrdreg s3  }
0xa9: {  	[dreg:$0x3] =	wrdreg s5  }
0xaa: {  	[dreg:$0x4] =	wrdreg $0xC0  }
0xab: {  	_ =	task [dreg:s7], $0x5FFFF  }
0xac: {  	[dreg:$0x1] =	wrdreg $0xFFFFFFFF  }
0xad: {  	[dreg:$0x0] =	wrdreg $0x60  }
0xae: {  	[dreg:$0x2] =	wrdreg s2  }
0xaf: {  	[dreg:$0x3] =	wrdreg s24  }
0xb0: {  	[dreg:$0x4] =	wrdreg $0xB8000  }
0xb1: {  	[dreg:$0x5] =	wrdreg $0x9  }
0xb2: {  	_ =	task.clear_ibuf [dreg:s7], $0x6FFFF;
	_ =	strace $0x90000049  }
0xb3: {  	s29 =	simm.s32 $0x9;
	_ =	strace $0x8000004B  }
0xb4: {  	_ =	swait.ge [sflag:s29], $0x1  }
0xb5: {  	[sflag:s29] =	ssyncadd.s32 $0xFFFFFFFF  }
0xb6: {  	_ =	strace $0x9000004B  }
0xb7: {  	_ =	sfence  }
0xb8: {  	s30 =	sld [smem:$0x0];
	_ =	sdelay $0x2  }
0xb9: {  	s31 =	sshll.u32 s1, $0xD;
	s1 =	sshrl.u32 s1, $0x2  }
0xba: {  	s3 =	sand.u32 $0x4000, s31;
	s1 =	sadd.s32 s1, s30  }
0xbb: {  	s0 =	sor.u32 s3, s0;
	s1 =	sshll.u32 s1, $0x11  }
0xbc: {  	s0 =	sor.u32 s1, s0  }
0xbd: {  	s0 =	sadd.s32 $0x8F2B, s0  }
0xbe: {  	[sflag:s0] =	ssyncadd.remote.s32 $0x1  }
0xbf: {  	_ =	sfence.sel $0xFFFF  }
0xc0: {  	[dreg:$0x0] =	wrdreg $0xFFFFFFFF;
	(pc) =	sbr.abs _section_cstart, $3  }
0xc1: {  	[dreg:$0x1] =	wrdreg $0xFFFFFFFF  }
0xc2: {  	_ =	task.clear_ibuf [dreg:s7], $0x2FFFF;
	_ =	strace $0x9FFFFFFF  }
0xc3: {  	(tm) =	ssettm $0x7FFFFFFF  }
tec
execute0_lowered:
.L_overlay_start_1:
0x0: {  	(tag) =	ssettag $0x1  }
0x1: {  	s1 =	rddreg [dreg:$0x0]  }
0x2: {  	s0 =	rddreg [dreg:$0x1]  }
0x3: {  	s2 =	rddreg [dreg:$0x2]  }
0x4: {  	s3 =	srdreg.scid;
	s4 =	simm.s32 $0x0;
	s18 =	stileid.u32  }
0x5: {  	s20 =	simm.s32 $0x9000;
	s29 =	simm.s32 $0x5400;
	s30 =	simm.s32 $0x7C00  }
0x6: {  	s31 =	simm.s32 $0x1;
	s28 =	simm.s32 $0x5;
	s3 =	sand.u32 $0x1, s3  }
0x7: {  	[smem:$0x7FF] =	sst s4;
	s12 =	smul.u32 $0x4E000, s18;
	s7 =	sadd.s32 $0x4E5000, s0  }
0x8: {  	s9 =	sadd.s32 $0x50D000, s0;
	s17 =	smul.u32 $0x13800, s18;
	s5 =	sshll.u32 s3, $0x4  }
0x9: {  	s10 =	ssub.s32 $0x2, s3;
	s3 =	smul.u32 $0x138800, s3;
	s11 =	sor.u32 s18, s5  }
0xa: {  	p0 =	seq.s32 s18, $0xF;
	_ =	strace $0x8000004A;
	s6 =	smul.u32 $0xFA, s11  }
0xb: {  	s5 =	sadd.s32 $0x535000, s0;
	s13 =	sshrl.u32 s10, $0x1;
	s8 =	smul.u32 $0xA, s11  }
0xc: {  	s0 =	sadd.s32 $0x3000, s0;
	s12 =	sshrl.u32 s12, $0x2;
	s14 =	smul.u32 $0x1400, s11  }
0xd: {  	s13 =	ssub.s32 s10, s13;
	s15 =	smul.u32 $0x27100, s11;
	s10 =	simm.s32 $0x28  }
0xe: {  	s16 =	smul.u32 $0x138800, s11;
	s11 =	simm.s32 $0x28;
	s12 =	sadd.s32 s12, s2  }
0xf: {  	s24 =	sadd.s32 s17, s3;
	s3 =	sshrl.u32 s3, $0x3;
	s11 =	simm.s32 @!p0 $0x27  }
0x10: {  	s3 =	sadd.s32 s0, s3;
	s26 =	smax.u32 s13, $0x1;
	p0 =	sne.s32 s18, $0xF  }
0x11: {  	s13 =	simm.s32 $0x0;
	s19 =	sadd.s32 s7, s14;
	s14 =	sadd.s32 s9, s14  }
0x12: {  	s22 =	sadd.s32 s5, s15;
	s23 =	sshrl.u32 s16, $0x3;
	[dreg:$0xa] =	wrdreg s26  }
0x13: {  	s15 =	sshrl.u32 s24, $0x3;
	s25 =	sadd.s32 $0x27000, s3;
	[dreg:$0x4] =	wrdreg s19  }
0x14: {  	s24 =	simm.s32 $0x4;
	s26 =	simm.s32 $0xA400;
	[dreg:$0x5] =	wrdreg s14  }
.Ltmp0:
0x15: {  	s3 =	simm.s32 $0x6;
	[dreg:$0x6] =	wrdreg s22;
	(pc) =	sbr.rel .LBB2_1-.Ltmp0, $4  }
0x16: {  	s14 =	sadd.s32 s5, s23;
	s0 =	sadd.s32 s0, s15;
	[dreg:$0x9] =	wrdreg s25  }
0x17: {  	s14 =	sadd.s32 $0x280, s14;
	[dreg:$0x8] =	wrdreg s0;
	s0 =	sadd.s32 $0x138000, s2  }
0x18: {  	s22 =	simm.s32 $0x8;
	[dreg:$0x7] =	wrdreg s14;
	s0 =	sshrl.u32 @!p0 s0, $0x3  }
0x19: {  	v0 =	vimm.f32 $0.0e+00;
	s23 =	simm.s32 $0x2;
	[dreg:$0xb] =	wrdreg s0;
	s0 =	simm.s32 $0x3  }
.LBB2_14:
0x1a: {  	_ =	swait.ge [sflag:s28], $0x1400  }
0x1b: {  	[sflag:s28] =	ssyncset.done $0x0  }
0x1c: {  	[sflag:s28] =	ssyncadd.s32 $0xFFFFEC00  }
0x1d: {  	_ =	swait.ge [sflag:s3], $0x1400  }
0x1e: {  	[sflag:s3] =	ssyncset.done $0x0  }
0x1f: {  	s14 =	stileid.u32;
	[sflag:s3] =	ssyncadd.s32 $0xFFFFEC00  }
0x20: {  	s14 =	sshll.u32 s14, $0x6;
	[bflag:$0x0] =	sbarrier.arrive $0xFFFF  }
0x21: {  	s15 =	sshrl.u32 s12, $0x3;
	s14 =	sor.u32 $0x1C08, s14;
	s16 =	rddreg [dreg:$0x8]  }
0x22: {  	[hbm:s16], [sflag:s14] =	dma.local [spmem:s15], $0x2700  }
0x23: {  	_ =	swait.ge [sflag:s22], $0x2700  }
0x24: {  	[sflag:s22] =	ssyncset.done $0x0;
	s15 =	rddreg [dreg:$0x9]  }
0x25: {  	s16 =	rddreg [dreg:$0xb];
	[sflag:s22] =	ssyncadd.s32 $0xFFFFD900  }
0x26: {  	[hbm:s15], [sflag:s14] =	dma.local @!p0 [spmem:s16], $0x100  }
0x27: {  	s14 =	simm.s32 @!p0 $0x8  }
0x28: {  	_ =	swait.ge @!p0 [sflag:s14], $0x100  }
0x29: {  	s13 =	sadd.s32 $0x1, s13;
	s25 =	rddreg [dreg:$0xa]  }
0x2a: {  	p1 =	sne.s32 s13, s25  }
.Ltmp1:
0x2b: {  	_ = 	snop;
	(pc) =	sbr.rel @!p1 .LBB2_15-.Ltmp1, $3  }
0x2c: {  	_ =	sdelay $0x1  }
0x2d: {  	[sflag:s14] =	ssyncset.done @!p0 $0x0  }
0x2e: {  	[sflag:s14] =	ssyncadd.s32 @!p0 $0xFFFFFF00  }
.LBB2_1:
0x2f: {  	s14 =	simm.s32 $0x0;
	s15 =	simm.s32 $0x200  }
.LBB2_2:
0x30: {  	p1 =	sne.s32 s15, $0x1E00;
	[tilespmem:s14+$0x9070] =	vst v0  }
0x31: {  	[tilespmem:s14+$0x9000] =	vst v0  }
0x32: {  	[tilespmem:s14+$0x9010] =	vst v0  }
.Ltmp2:
0x33: {  	[tilespmem:s14+$0x9020] =	vst v0;
	(pc) =	sbr.rel @p1 .LBB2_2-.Ltmp2, $4  }
0x34: {  	[tilespmem:s14+$0x9030] =	vst v0  }
0x35: {  	[tilespmem:s14+$0x9040] =	vst v0  }
0x36: {  	[tilespmem:s14+$0x9050] =	vst v0  }
0x37: {  	[tilespmem:s14+$0x9060] =	vst v0;
	s14 =	sshra.s32 s15, $0x2;
	s15 =	sadd.s32 $0x200, s15  }
0x38: {  	[tilespmem:s14+$0x9070] =	vst v0  }
0x39: {  	[tilespmem:s14+$0x9000] =	vst v0  }
0x3a: {  	[tilespmem:s14+$0x9010] =	vst v0  }
0x3b: {  	[tilespmem:s14+$0x9020] =	vst v0;
	p1 =	sne.s32 s11, $0x1  }
.Ltmp3:
0x3c: {  	[tilespmem:s14+$0x9030] =	vst v0;
	(pc) =	sbr.rel @!p1 .LBB2_5-.Ltmp3, $4  }
0x3d: {  	[tilespmem:s14+$0x9040] =	vst v0  }
0x3e: {  	[tilespmem:s14+$0x9050] =	vst v0  }
0x3f: {  	[tilespmem:s14+$0x9060] =	vst v0;
	s14 =	sadd.s32 $0xFFFFFFFF, s11;
	s15 =	smov.u32 s12  }
0x40: {  	[spmem:s12] =	stream.linear.scatter [tilespmem:s20], [sflag:$0x7], $0x800, $0x38;
	[tilespmem:$0x1F080] =	vst v63  }
.LBB2_4:
0x41: {  	p1 =	sne.s32 s14, $0x1  }
.Ltmp4:
0x42: {  	_ = 	snop;
	(pc) =	sbr.rel @p1 .LBB2_4-.Ltmp4, $3  }
0x43: {  	_ = 	snop  }
0x44: {  	s14 =	sadd.s32 $0xFFFFFFFF, s14;
	s15 =	sadd.s32 $0x800, s15;
	_ =	sdelay $0x1  }
0x45: {  	[spmem:s15] =	stream.linear.scatter [tilespmem:s20], [sflag:$0x7], $0x800, $0x38;
	[tilespmem:$0x1F080] =	vst v63  }
.LBB2_5:
0x46: {  	s14 =	simm.s32 $0x7  }
0x47: {  	_ =	swait.ge [sflag:s14], $0x2700  }
0x48: {  	[sflag:s14] =	ssyncset.done $0x0  }
0x49: {  	[sflag:s14] =	ssyncadd.s32 $0xFFFFD900;
	s14 =	simm.s32 @!p0 $0x7  }
0x4a: {  	_ =	swait.ge @!p0 [sflag:s14], $0x100  }
0x4b: {  	[sflag:s14] =	ssyncset.done @!p0 $0x0  }
0x4c: {  	[sflag:s14] =	ssyncadd.s32 @!p0 $0xFFFFFF00  }
0x4d: {  	[bflag:$0x0] =	sbarrier.arrive $0xFFFF  }
0x4e: {  	s14 =	simm.s32 $0x0;
	s15 =	rddreg [dreg:$0x4]  }
0x4f: {  	[tilespmem:s14], [sflag:$0x8] =	stream.linear.gather [hbm4b:s15+s14], $0xC80, $0x38;
	[tilespmem:$0x1F080] =	vst v63  }
0x50: {  	_ =	swait.ge [sflag:s22], $0xC80  }
0x51: {  	[sflag:s22] =	ssyncset.done $0x0  }
0x52: {  	s16 =	simm.s32 $0x2000;
	s25 =	rddreg [dreg:$0x5];
	[sflag:s22] =	ssyncadd.s32 $0xFFFFF380  }
0x53: {  	[tilespmem:s16], [sflag:$0x8] =	stream.linear.gather [hbm4b:s25+s14], $0xC80, $0x38;
	[tilespmem:$0x1F080] =	vst v63  }
0x54: {  	_ =	swait.ge [sflag:s22], $0xC80  }
0x55: {  	[sflag:s22] =	ssyncset.done $0x0  }
0x56: {  	s17 =	simm.s32 $0x4000;
	[sflag:s22] =	ssyncadd.s32 $0xFFFFF380  }
0x57: {  	[tilespmem:s17], [sflag:$0x1] =	stream.indirect.gather [hbm4b:s1+s10], $0x80, s14, s10, $0xb8;
	[tilespmem:$0x1F080] =	vst v63  }
0x58: {  	s19 =	simm.s32 $0x6800;
	s18 =	rddreg [dreg:$0x6]  }
0x59: {  	[tilespmem:s19], [sflag:$0x3] =	stream.linear.gather [hbm4b:s18+s14], $0x1400, $0x38;
	[tilespmem:$0x1F080] =	vst v63  }
0x5a: {  	s21 =	simm.s32 $0x80  }
0x5b: {  	[tilespmem:s29], [sflag:$0x2] =	stream.indirect.gather [hbm4b:s1+s10], $0x80, s21, s10, $0xb8;
	[tilespmem:$0x1F080] =	vst v63  }
0x5c: {  	s25 =	rddreg [dreg:$0x7]  }
0x5d: {  	[tilespmem:s30], [sflag:$0x4] =	stream.linear.gather [hbm4b:s25+s14], $0x1400, $0x38;
	[tilespmem:$0x1F080] =	vst v63  }
.LBB2_6:
0x5e: {  	s15 =	sshll.u32 s14, $0x1  }
0x5f: {  	s16 =	smul.u32 $0x29, s15;
	_ =	sdelay $0x1  }
0x60: {  	s16 =	sshrl.u32 s16, $0xA  }
0x61: {  	s16 =	sand.u32 $0x3F, s16  }
0x62: {  	s16 =	smul.u32 $0x19, s16;
	_ =	sdelay $0x1  }
0x63: {  	p2 =	seq.s32 s14, $0x0;
	p1 =	sgt.u32 s14, $0x70;
	s16 =	ssub.s32 s15, s16  }
0x64: {  	s17 =	simm.s32 @!p2 $0x5;
	s18 =	sand.u32 @!p1 $0xFF, s16  }
0x65: {  	_ =	swait.ge @!p2 [sflag:s17], $0x1400;
	p3 =	sne.s32 @!p1 s18, $0x3  }
0x66: {  	[sflag:s17] =	ssyncset.done @!p2 $0x0;
	p1 =	por p3, p1  }
0x67: {  	[sflag:s17] =	ssyncadd.s32 @!p2 $0xFFFFEC00;
	s17 =	smul.u32 @!p1 $0x29, s15  }
0x68: {  	_ =	swait.ge [sflag:s31], $0x1400  }
0x69: {  	[sflag:s31] =	ssyncset.done $0x0;
	s17 =	sshrl.u32 @!p1 s17, $0xA  }
0x6a: {  	[sflag:s31] =	ssyncadd.s32 $0xFFFFEC00;
	s17 =	sand.u32 @!p1 $0x3F, s17  }
0x6b: {  	_ =	swait.ge [sflag:s0], $0x1400;
	s17 =	sadd.s32 @!p1 $0x1, s17  }
0x6c: {  	[sflag:s0] =	ssyncset.done $0x0;
	s18 =	sadd.s32 @!p1 s17, s8  }
0x6d: {  	[sflag:s0] =	ssyncadd.s32 $0xFFFFEC00;
	s17 =	sshll.u32 @!p1 s17, $0xC;
	s18 =	sshll.u32 @!p1 s18, $0x9  }
0x6e: {  	s25 =	simm.s32 @!p1 $0x0;
	s17 =	sand.u32 @!p1 $0x1000, s17;
	s19 =	sadd.s32 @!p1 s7, s18  }
0x6f: {  	[tilespmem:s17], [sflag:$0x8] =	stream.linear.gather @!p1 [hbm4b:s19+s25], $0xC80, $0x38;
	[tilespmem:$0x1F080] =	vst v63  }
0x70: {  	s19 =	simm.s32 @!p1 $0x8  }
0x71: {  	_ =	swait.ge @!p1 [sflag:s19], $0xC80  }
0x72: {  	[sflag:s19] =	ssyncset.done @!p1 $0x0  }
0x73: {  	s18 =	sadd.s32 @!p1 s9, s18;
	s17 =	sor.u32 @!p1 $0x2000, s17;
	[sflag:s19] =	ssyncadd.s32 @!p1 $0xFFFFF380  }
0x74: {  	[tilespmem:s17], [sflag:$0x8] =	stream.linear.gather @!p1 [hbm4b:s18+s25], $0xC80, $0x38;
	[tilespmem:$0x1F080] =	vst v63  }
0x75: {  	_ =	swait.ge @!p1 [sflag:s19], $0xC80  }
0x76: {  	[sflag:s19] =	ssyncset.done @!p1 $0x0  }
0x77: {  	s17 =	simm.s32 $0x0;
	[sflag:s19] =	ssyncadd.s32 @!p1 $0xFFFFF380  }
0x78: {  	v1 =	vld [tilespmem:s17+$0x4070]  }
0x79: {  	v2 =	vld [tilespmem:s17+$0x6870]  }
0x7a: {  	v3 =	vld [tilespmem:s17+$0x4000]  }
0x7b: {  	v4 =	vld [tilespmem:s17+$0x6800]  }
0x7c: {  	v5 =	vld [tilespmem:s17+$0x4010]  }
0x7d: {  	v6 =	vld [tilespmem:s17+$0x6810]  }
0x7e: {  	v7 =	vld [tilespmem:s17+$0x4020]  }
0x7f: {  	v1 =	vadd.f32 v2, v1;
	v2 =	vld [tilespmem:s17+$0x6820]  }
0x80: {  	v8 =	vld [tilespmem:s17+$0x4030]  }
0x81: {  	v9 =	vld [tilespmem:s17+$0x6830];
	v3 =	vadd.f32 v4, v3  }
0x82: {  	v10 =	vld [tilespmem:s17+$0x4040];
	v1 =	vmax.f32 v1, $0.0e+00  }
0x83: {  	[tilespmem:s17+$0x9070] =	vst v1;
	v1 =	vmax.f32 v3, $0.0e+00;
	v3 =	vadd.f32 v6, v5;
	v6 =	vld [tilespmem:s17+$0x6840]  }
0x84: {  	v4 =	vld [tilespmem:s17+$0x6850];
	v2 =	vadd.f32 v2, v7  }
0x85: {  	[tilespmem:s17+$0x9000] =	vst v1;
	v1 =	vld [tilespmem:s17+$0x4050];
	v3 =	vmax.f32 v3, $0.0e+00  }
0x86: {  	v5 =	vld [tilespmem:s17+$0x6860];
	v7 =	vadd.f32 v9, v8;
	[tilespmem:s17+$0x9010] =	vst v3;
	v3 =	vmax.f32 v2, $0.0e+00  }
0x87: {  	s18 =	simm.s32 $0x80;
	v2 =	vld [tilespmem:s17+$0x4060];
	[tilespmem:s17+$0x9020] =	vst v3  }
0x88: {  	s16 =	sand.u32 $0xFF, s16;
	s19 =	simm.s32 $0x400;
	v7 =	vmax.f32 v7, $0.0e+00;
	v6 =	vadd.f32 v6, v10;
	v3 =	vld [tilespmem:s18+$0x4070]  }
.LBB2_7:
0x89: {  	p1 =	sne.s32 s19, $0x4E00;
	v8 =	vld [tilespmem:s18+$0x6870];
	[tilespmem:s17+$0x9030] =	vst v7  }
0x8a: {  	v7 =	vld [tilespmem:s18+$0x4000];
	v6 =	vmax.f32 v6, $0.0e+00;
	v1 =	vadd.f32 v4, v1  }
0x8b: {  	v4 =	vld [tilespmem:s18+$0x6800];
	[tilespmem:s17+$0x9040] =	vst v6  }
0x8c: {  	v6 =	vld [tilespmem:s18+$0x4010];
	v1 =	vmax.f32 v1, $0.0e+00;
	v2 =	vadd.f32 v5, v2  }
0x8d: {  	v5 =	vld [tilespmem:s18+$0x6810];
	[tilespmem:s17+$0x9050] =	vst v1  }
0x8e: {  	v1 =	vld [tilespmem:s18+$0x4020];
	v3 =	vadd.f32 v8, v3;
	v2 =	vmax.f32 v2, $0.0e+00  }
0x8f: {  	v8 =	vld [tilespmem:s18+$0x6820];
	[tilespmem:s17+$0x9060] =	vst v2;
	s17 =	smov.u32 s18  }
0x90: {  	v2 =	vadd.f32 v4, v7;
	v7 =	vld [tilespmem:s17+$0x4030];
	v3 =	vmax.f32 v3, $0.0e+00  }
0x91: {  	v9 =	vld [tilespmem:s17+$0x6830];
	[tilespmem:s17+$0x9070] =	vst v3  }
0x92: {  	v2 =	vmax.f32 v2, $0.0e+00;
	v3 =	vadd.f32 v5, v6;
	v6 =	vld [tilespmem:s17+$0x4040]  }
0x93: {  	[tilespmem:s17+$0x9000] =	vst v2;
	v10 =	vld [tilespmem:s17+$0x6840]  }
.Ltmp5:
0x94: {  	v2 =	vmax.f32 v3, $0.0e+00;
	v3 =	vadd.f32 v8, v1;
	v1 =	vld [tilespmem:s17+$0x4050];
	(pc) =	sbr.rel @p1 .LBB2_7-.Ltmp5, $4  }
0x95: {  	[tilespmem:s17+$0x9010] =	vst v2;
	v4 =	vld [tilespmem:s17+$0x6850]  }
0x96: {  	v3 =	vmax.f32 v3, $0.0e+00;
	v7 =	vadd.f32 v9, v7;
	v2 =	vld [tilespmem:s17+$0x4060]  }
0x97: {  	s18 =	sshra.s32 s19, $0x2;
	[tilespmem:s17+$0x9020] =	vst v3;
	v5 =	vld [tilespmem:s17+$0x6860]  }
0x98: {  	s19 =	sadd.s32 $0x200, s19;
	v3 =	vld [tilespmem:s18+$0x4070];
	v7 =	vmax.f32 v7, $0.0e+00;
	v6 =	vadd.f32 v10, v6  }
0x99: {  	v8 =	vld [tilespmem:s18+$0x6870];
	[tilespmem:s17+$0x9030] =	vst v7  }
0x9a: {  	v7 =	vld [tilespmem:s18+$0x4000];
	v6 =	vmax.f32 v6, $0.0e+00;
	v1 =	vadd.f32 v4, v1  }
0x9b: {  	v9 =	vld [tilespmem:s18+$0x6800];
	[tilespmem:s17+$0x9040] =	vst v6  }
0x9c: {  	v57 =	vld [tilespmem:s18+$0x4010];
	v1 =	vmax.f32 v1, $0.0e+00;
	v2 =	vadd.f32 v5, v2  }
0x9d: {  	v6 =	vld [tilespmem:s18+$0x6810];
	[tilespmem:s17+$0x9050] =	vst v1  }
0x9e: {  	v1 =	vld [tilespmem:s18+$0x4020];
	v2 =	vmax.f32 v2, $0.0e+00  }
0x9f: {  	v58 =	vld [tilespmem:s18+$0x6820];
	[tilespmem:s17+$0x9060] =	vst v2  }
0xa0: {  	v2 =	vld [tilespmem:s18+$0x4030]  }
0xa1: {  	v3 =	vadd.f32 v8, v3;
	v59 =	vld [tilespmem:s18+$0x6830]  }
0xa2: {  	v7 =	vadd.f32 v9, v7;
	v60 =	vld [tilespmem:s18+$0x4040]  }
0xa3: {  	v3 =	vmax.f32 v3, $0.0e+00;
	v61 =	vld [tilespmem:s18+$0x4050]  }
0xa4: {  	v62 =	vld [tilespmem:s18+$0x6850];
	[tilespmem:s18+$0x9070] =	vst v3;
	v3 =	vmax.f32 v7, $0.0e+00;
	v1 =	vadd.f32 v58, v1  }
0xa5: {  	[tilespmem:s18+$0x9000] =	vst v3;
	v3 =	vld [tilespmem:s18+$0x6840]  }
0xa6: {  	v63 =	vld [tilespmem:s18+$0x4060];
	v1 =	vmax.f32 v1, $0.0e+00  }
0xa7: {  	[tilespmem:s18+$0x9020] =	vst v1;
	v1 =	vld [tilespmem:s18+$0x6860]  }
0xa8: {  	v4 =	vadd.f32 v6, v57  }
0xa9: {  	v2 =	vadd.f32 v59, v2  }
0xaa: {  	s25 =	smulhi.u32 $0x51EB851F, s15;
	p1 =	seq.s32 s14, $0x7C;
	v4 =	vmax.f32 v4, $0.0e+00;
	v3 =	vadd.f32 v3, v60  }
0xab: {  	s19 =	sadd.s32 @!p1 $0x2, s15;
	[tilespmem:s18+$0x9010] =	vst v4;
	v4 =	vadd.f32 v62, v61;
	v2 =	vmax.f32 v2, $0.0e+00  }
0xac: {  	s17 =	sshll.u32 s25, $0x9;
	s25 =	smulhi.u32 @!p1 $0x51EB851F, s19;
	[tilespmem:s18+$0x9030] =	vst v2;
	v2 =	vmax.f32 v3, $0.0e+00;
	v1 =	vadd.f32 v1, v63  }
0xad: {  	s16 =	sshll.u32 s16, $0x7;
	s17 =	sand.u32 $0x1000, s17;
	[tilespmem:s18+$0x9040] =	vst v2;
	v2 =	vmax.f32 v4, $0.0e+00  }
0xae: {  	s16 =	sadd.s32 s16, s17;
	s17 =	sshrl.u32 @!p1 s25, $0x3;
	[tilespmem:s18+$0x9050] =	vst v2;
	v1 =	vmax.f32 v1, $0.0e+00  }
0xaf: {  	s16 =	sadd.s32 $0x2000, s16;
	s17 =	smul.u32 @!p1 $0x19, s17;
	[tilespmem:s18+$0x9060] =	vst v1  }
0xb0: {  	[spmem:s2] =	stream.indirect.scatter.add.f32 [tilespmem:s20], [sflag:$0x5], $0x80, s16, s10, $0xb8;
	[tilespmem:$0x1F080] =	vst v63  }
0xb1: {  	s16 =	ssub.s32 @!p1 s19, s17;
	s17 =	sshll.u32 @!p1 s25, $0x9  }
0xb2: {  	s17 =	sand.u32 @!p1 $0x1000, s17;
	s16 =	sshll.u32 @!p1 s16, $0x7  }
0xb3: {  	p2 =	seq.s32 @!p1 s14, $0x0;
	s16 =	sor.u32 @!p1 s16, s17;
	s17 =	sadd.s32 @!p1 s6, s19  }
0xb4: {  	p2 =	por p1, !p2;
	s17 =	smul.u32 @!p1 $0x280, s17  }
.Ltmp6:
0xb5: {  	s18 =	simm.s32 @!p1 $0x28;
	s19 =	simm.s32 @!p1 $0x4000;
	(pc) =	sbr.rel @!p2 .LBB2_10-.Ltmp6, $4  }
0xb6: {  	[tilespmem:s19], [sflag:$0x1] =	stream.indirect.gather @!p1 [hbm4b:s1+s18], $0x80, s16, s18, $0xb8;
	[tilespmem:$0x1F080] =	vst v63  }
0xb7: {  	s18 =	simm.s32 @!p1 $0x6800;
	s16 =	sadd.s32 @!p1 s5, s17;
	s17 =	simm.s32 @!p1 $0x0  }
0xb8: {  	[tilespmem:s18], [sflag:$0x3] =	stream.linear.gather @!p1 [hbm4b:s16+s17], $0x1400, $0x38;
	[tilespmem:$0x1F080] =	vst v63  }
0xb9: {  	s18 =	sor.u32 @!p1 $0x1, s15  }
0xba: {  	_ =	swait.ge [sflag:s3], $0x1400  }
0xbb: {  	[sflag:s3] =	ssyncset.done $0x0  }
0xbc: {  	s18 =	simm.s32 @p1 $0xF9;
	[sflag:s3] =	ssyncadd.s32 $0xFFFFEC00  }
.LBB2_10:
0xbd: {  	s16 =	smulhi.u32 $0x51EB851F, s18;
	_ =	sdelay $0x1  }
0xbe: {  	s16 =	sshrl.u32 s16, $0x3  }
0xbf: {  	s17 =	smul.u32 $0x19, s16;
	_ =	sdelay $0x1  }
0xc0: {  	p2 =	sgt.u32 s18, $0xE0;
	s17 =	ssub.s32 s18, s17  }
0xc1: {  	p3 =	sne.s32 @!p2 s17, $0x3  }
0xc2: {  	p2 =	por p3, p2  }
0xc3: {  	s18 =	smul.u32 @!p2 $0x29, s18  }
0xc4: {  	_ =	swait.ge [sflag:s23], $0x1400  }
0xc5: {  	[sflag:s23] =	ssyncset.done $0x0;
	s18 =	sshrl.u32 @!p2 s18, $0xA  }
0xc6: {  	[sflag:s23] =	ssyncadd.s32 $0xFFFFEC00;
	s18 =	sand.u32 @!p2 $0x3F, s18  }
0xc7: {  	_ =	swait.ge [sflag:s24], $0x1400;
	s18 =	sadd.s32 @!p2 $0x1, s18  }
0xc8: {  	[sflag:s24] =	ssyncset.done $0x0;
	s19 =	sadd.s32 @!p2 s18, s8  }
0xc9: {  	[sflag:s24] =	ssyncadd.s32 $0xFFFFEC00;
	s18 =	sshll.u32 @!p2 s18, $0xC;
	s19 =	sshll.u32 @!p2 s19, $0x9  }
0xca: {  	s21 =	simm.s32 @!p2 $0x0;
	s18 =	sand.u32 @!p2 $0x1000, s18;
	s25 =	sadd.s32 @!p2 s7, s19  }
0xcb: {  	[tilespmem:s18], [sflag:$0x8] =	stream.linear.gather @!p2 [hbm4b:s25+s21], $0xC80, $0x38;
	[tilespmem:$0x1F080] =	vst v63  }
0xcc: {  	s25 =	simm.s32 @!p2 $0x8  }
0xcd: {  	_ =	swait.ge @!p2 [sflag:s25], $0xC80  }
0xce: {  	[sflag:s25] =	ssyncset.done @!p2 $0x0  }
0xcf: {  	s19 =	sadd.s32 @!p2 s9, s19;
	s18 =	sor.u32 @!p2 $0x2000, s18;
	[sflag:s25] =	ssyncadd.s32 @!p2 $0xFFFFF380  }
0xd0: {  	[tilespmem:s18], [sflag:$0x8] =	stream.linear.gather @!p2 [hbm4b:s19+s21], $0xC80, $0x38;
	[tilespmem:$0x1F080] =	vst v63  }
0xd1: {  	_ =	swait.ge @!p2 [sflag:s25], $0xC80  }
0xd2: {  	[sflag:s25] =	ssyncset.done @!p2 $0x0  }
0xd3: {  	s18 =	simm.s32 $0x0;
	[sflag:s25] =	ssyncadd.s32 @!p2 $0xFFFFF380  }
0xd4: {  	v1 =	vld [tilespmem:s18+$0x5470]  }
0xd5: {  	v2 =	vld [tilespmem:s18+$0x7C70]  }
0xd6: {  	v3 =	vld [tilespmem:s18+$0x5400]  }
0xd7: {  	v4 =	vld [tilespmem:s18+$0x7C00]  }
0xd8: {  	v5 =	vld [tilespmem:s18+$0x5410]  }
0xd9: {  	v6 =	vld [tilespmem:s18+$0x7C10]  }
0xda: {  	v7 =	vld [tilespmem:s18+$0x5420]  }
0xdb: {  	v1 =	vadd.f32 v2, v1;
	v2 =	vld [tilespmem:s18+$0x7C20]  }
0xdc: {  	v8 =	vld [tilespmem:s18+$0x5430]  }
0xdd: {  	v9 =	vld [tilespmem:s18+$0x7C30];
	v3 =	vadd.f32 v4, v3  }
0xde: {  	v10 =	vld [tilespmem:s18+$0x5440];
	v1 =	vmax.f32 v1, $0.0e+00  }
0xdf: {  	[tilespmem:s18+$0xA470] =	vst v1;
	v1 =	vmax.f32 v3, $0.0e+00;
	v3 =	vadd.f32 v6, v5;
	v6 =	vld [tilespmem:s18+$0x7C40]  }
0xe0: {  	v4 =	vld [tilespmem:s18+$0x7C50];
	v2 =	vadd.f32 v2, v7  }
0xe1: {  	[tilespmem:s18+$0xA400] =	vst v1;
	v1 =	vld [tilespmem:s18+$0x5450];
	v3 =	vmax.f32 v3, $0.0e+00  }
0xe2: {  	v5 =	vld [tilespmem:s18+$0x7C60];
	v7 =	vadd.f32 v9, v8;
	[tilespmem:s18+$0xA410] =	vst v3;
	v3 =	vmax.f32 v2, $0.0e+00  }
0xe3: {  	s19 =	simm.s32 $0x80;
	v2 =	vld [tilespmem:s18+$0x5460];
	[tilespmem:s18+$0xA420] =	vst v3  }
0xe4: {  	s25 =	simm.s32 $0x400;
	v7 =	vmax.f32 v7, $0.0e+00;
	v6 =	vadd.f32 v6, v10;
	v3 =	vld [tilespmem:s19+$0x5470]  }
.LBB2_11:
0xe5: {  	p2 =	sne.s32 s25, $0x4E00;
	v8 =	vld [tilespmem:s19+$0x7C70];
	[tilespmem:s18+$0xA430] =	vst v7  }
0xe6: {  	v7 =	vld [tilespmem:s19+$0x5400];
	v6 =	vmax.f32 v6, $0.0e+00;
	v1 =	vadd.f32 v4, v1  }
0xe7: {  	v4 =	vld [tilespmem:s19+$0x7C00];
	[tilespmem:s18+$0xA440] =	vst v6  }
0xe8: {  	v6 =	vld [tilespmem:s19+$0x5410];
	v1 =	vmax.f32 v1, $0.0e+00;
	v2 =	vadd.f32 v5, v2  }
0xe9: {  	v5 =	vld [tilespmem:s19+$0x7C10];
	[tilespmem:s18+$0xA450] =	vst v1  }
0xea: {  	v1 =	vld [tilespmem:s19+$0x5420];
	v3 =	vadd.f32 v8, v3;
	v2 =	vmax.f32 v2, $0.0e+00  }
0xeb: {  	v8 =	vld [tilespmem:s19+$0x7C20];
	[tilespmem:s18+$0xA460] =	vst v2;
	s18 =	smov.u32 s19  }
0xec: {  	v2 =	vadd.f32 v4, v7;
	v7 =	vld [tilespmem:s18+$0x5430];
	v3 =	vmax.f32 v3, $0.0e+00  }
0xed: {  	v9 =	vld [tilespmem:s18+$0x7C30];
	[tilespmem:s18+$0xA470] =	vst v3  }
0xee: {  	v2 =	vmax.f32 v2, $0.0e+00;
	v3 =	vadd.f32 v5, v6;
	v6 =	vld [tilespmem:s18+$0x5440]  }
0xef: {  	[tilespmem:s18+$0xA400] =	vst v2;
	v10 =	vld [tilespmem:s18+$0x7C40]  }
.Ltmp7:
0xf0: {  	v2 =	vmax.f32 v3, $0.0e+00;
	v3 =	vadd.f32 v8, v1;
	v1 =	vld [tilespmem:s18+$0x5450];
	(pc) =	sbr.rel @p2 .LBB2_11-.Ltmp7, $4  }
0xf1: {  	[tilespmem:s18+$0xA410] =	vst v2;
	v4 =	vld [tilespmem:s18+$0x7C50]  }
0xf2: {  	v3 =	vmax.f32 v3, $0.0e+00;
	v7 =	vadd.f32 v9, v7;
	v2 =	vld [tilespmem:s18+$0x5460]  }
0xf3: {  	s19 =	sshra.s32 s25, $0x2;
	[tilespmem:s18+$0xA420] =	vst v3;
	v5 =	vld [tilespmem:s18+$0x7C60]  }
0xf4: {  	s25 =	sadd.s32 $0x200, s25;
	v3 =	vld [tilespmem:s19+$0x5470];
	v7 =	vmax.f32 v7, $0.0e+00;
	v6 =	vadd.f32 v10, v6  }
0xf5: {  	v8 =	vld [tilespmem:s19+$0x7C70];
	[tilespmem:s18+$0xA430] =	vst v7  }
0xf6: {  	v7 =	vld [tilespmem:s19+$0x5400];
	v6 =	vmax.f32 v6, $0.0e+00;
	v1 =	vadd.f32 v4, v1  }
0xf7: {  	v9 =	vld [tilespmem:s19+$0x7C00];
	[tilespmem:s18+$0xA440] =	vst v6  }
0xf8: {  	v57 =	vld [tilespmem:s19+$0x5410];
	v1 =	vmax.f32 v1, $0.0e+00;
	v2 =	vadd.f32 v5, v2  }
0xf9: {  	v6 =	vld [tilespmem:s19+$0x7C10];
	[tilespmem:s18+$0xA450] =	vst v1  }
0xfa: {  	v1 =	vld [tilespmem:s19+$0x5420];
	v2 =	vmax.f32 v2, $0.0e+00  }
0xfb: {  	v58 =	vld [tilespmem:s19+$0x7C20];
	[tilespmem:s18+$0xA460] =	vst v2  }
0xfc: {  	v2 =	vld [tilespmem:s19+$0x5430]  }
0xfd: {  	v3 =	vadd.f32 v8, v3;
	v59 =	vld [tilespmem:s19+$0x7C30]  }
0xfe: {  	v7 =	vadd.f32 v9, v7;
	v60 =	vld [tilespmem:s19+$0x5440]  }
0xff: {  	v3 =	vmax.f32 v3, $0.0e+00;
	v61 =	vld [tilespmem:s19+$0x5450]  }
0x100: {  	v62 =	vld [tilespmem:s19+$0x7C50];
	[tilespmem:s19+$0xA470] =	vst v3;
	v3 =	vmax.f32 v7, $0.0e+00;
	v1 =	vadd.f32 v58, v1  }
0x101: {  	[tilespmem:s19+$0xA400] =	vst v3;
	v3 =	vld [tilespmem:s19+$0x7C40]  }
0x102: {  	v63 =	vld [tilespmem:s19+$0x5460];
	v1 =	vmax.f32 v1, $0.0e+00  }
0x103: {  	[tilespmem:s19+$0xA420] =	vst v1;
	v1 =	vld [tilespmem:s19+$0x7C60]  }
0x104: {  	v4 =	vadd.f32 v6, v57  }
0x105: {  	v2 =	vadd.f32 v59, v2  }
0x106: {  	v4 =	vmax.f32 v4, $0.0e+00;
	v3 =	vadd.f32 v3, v60  }
0x107: {  	[tilespmem:s19+$0xA410] =	vst v4;
	v4 =	vadd.f32 v62, v61;
	v2 =	vmax.f32 v2, $0.0e+00  }
.Ltmp8:
0x108: {  	s16 =	sshll.u32 s16, $0xC;
	s17 =	sshll.u32 s17, $0x7;
	[tilespmem:s19+$0xA430] =	vst v2;
	v2 =	vmax.f32 v3, $0.0e+00;
	v1 =	vadd.f32 v1, v63;
	(pc) =	sbr.rel @p1 .LBB2_14-.Ltmp8, $4  }
0x109: {  	s16 =	sand.u32 $0x1000, s16;
	s17 =	sand.u32 $0x3FFFFF80, s17;
	[tilespmem:s19+$0xA440] =	vst v2;
	v2 =	vmax.f32 v4, $0.0e+00  }
0x10a: {  	s16 =	sadd.s32 s17, s16;
	[tilespmem:s19+$0xA450] =	vst v2;
	v1 =	vmax.f32 v1, $0.0e+00  }
0x10b: {  	s16 =	sadd.s32 $0x2000, s16;
	[tilespmem:s19+$0xA460] =	vst v1  }
0x10c: {  	[spmem:s2] =	stream.indirect.scatter.add.f32 [tilespmem:s26], [sflag:$0x6], $0x80, s16, s10, $0xb8;
	[tilespmem:$0x1F080] =	vst v63  }
0x10d: {  	s15 =	sadd.s32 $0x3, s15  }
0x10e: {  	s16 =	smulhi.u32 $0x51EB851F, s15;
	_ =	sdelay $0x1  }
0x10f: {  	s17 =	sshrl.u32 s16, $0x3  }
0x110: {  	s17 =	smul.u32 $0x19, s17  }
0x111: {  	s16 =	sshll.u32 s16, $0x9  }
0x112: {  	s16 =	sand.u32 $0x1000, s16;
	s17 =	ssub.s32 s15, s17  }
.Ltmp9:
0x113: {  	s15 =	sadd.s32 s6, s15;
	s17 =	sshll.u32 s17, $0x7;
	(pc) =	sbr.rel .LBB2_6-.Ltmp9, $4  }
0x114: {  	s15 =	smul.u32 $0x280, s15;
	s16 =	sor.u32 s17, s16  }
0x115: {  	[tilespmem:s29], [sflag:$0x2] =	stream.indirect.gather [hbm4b:s1+s10], $0x80, s16, s10, $0xb8;
	[tilespmem:$0x1F080] =	vst v63  }
0x116: {  	s14 =	sadd.s32 $0x1, s14;
	s15 =	sadd.s32 s5, s15  }
0x117: {  	[tilespmem:s30], [sflag:$0x4] =	stream.linear.gather [hbm4b:s15+s4], $0x1400, $0x38;
	[tilespmem:$0x1F080] =	vst v63  }
.LBB2_15:
0x118: {  	_ =	sfence.sel $0x180000  }
0x119: {  	[bflag:$0x0] =	sbarrier.arrive $0xFFFF  }
0x11a: {  	_ =	strace $0x9000004A  }
0x11b: {  	s0 =	stileid.u32;
	[bflag:$0x2] =	sbarrier.arrive $0xFFFF  }
0x11c: {  	p0 =	sne.s32 s0, $0x0;
	s0 =	rddreg [dreg:$0x3]  }
0x11d: {  	s0 =	sadd.s32 @!p0 $0x100000, s0  }
0x11e: {  	[sflag:s0] =	ssyncadd.tile.s32 @!p0 $0x1;
	_ =	shalt  }
.Lfunc_end2:
_tile_overlayer_lowered:
.L_overlay_start_2:
0x11f: {  	(tag) =	ssettag $0x2  }
0x120: {  	s0 =	rddreg [dreg:$0x0];
	s2 =	stileid.u32  }
0x121: {  	s1 =	rddreg [dreg:$0x1];
	p0 =	sne.s32 s2, $0x0  }
0x122: {  	s3 =	rddreg [dreg:$0x2];
	[bflag:$0x3] =	sbarrier.arrive $0xFFFF;
	s2 =	simm.s32 @!p0 $0x1C08  }
0x123: {  	[timem:s3], [sflag:s2] =	dma.local @!p0 [hbm:s0], s1  }
0x124: {  	s0 =	simm.s32 @!p0 $0x8  }
0x125: {  	_ =	swait.ge @!p0 [sflag:s0], s1  }
0x126: {  	s1 =	ssub.s32 @!p0 $0x0, s1;
	[sflag:s0] =	ssyncset.done @!p0 $0x0  }
0x127: {  	[sflag:s0] =	ssyncadd.s32 @!p0 s1  }
0x128: {  	[bflag:$0x3] =	sbarrier.arrive $0xFFFF  }
0x129: {  	_ =	shalt  }

// kernel: kernel.7.cloned.1.call-start
scs
__scs_entry_jumppad:
0x0: {  	(pc) =	sbr.rel $0x88, $3  }
0x1: {  	(tag) =	ssettag $0x0;
	lr =	simm.s32 $0x1  }
0x2: {  	[smem:$0x3F92] =	sst lr;
	_ =	strace $0xD0000000  }
0x3: {  	_ = 	snop  }
0x4: {  	_ = 	snop  }
0x5: {  	_ = 	snop  }
0x6: {  	_ = 	snop  }
0x7: {  	_ = 	snop  }
__scs_overlays_trampoline_lowered:
0x8: {  	[smem:$0x3FA1] =	sst s0  }
0x9: {  	[smem:$0x3FA2] =	sst s1  }
0xa: {  	[smem:$0x3FA3] =	sst s2  }
0xb: {  	[smem:$0x3FA4] =	sst s3  }
0xc: {  	[smem:$0x3FA5] =	sst s4  }
0xd: {  	[smem:$0x3FA6] =	sst s5  }
0xe: {  	[smem:$0x3FA7] =	sst s6  }
0xf: {  	[smem:$0x3FA8] =	sst s7  }
0x10: {  	[smem:$0x3FA9] =	sst s8  }
0x11: {  	[smem:$0x3FAA] =	sst s9;
	s0 =	simm.s32 @!p0 $0x0  }
0x12: {  	s1 =	sld [smem:$0x3F90];
	s0 =	simm.s32 @p0 $0x1  }
0x13: {  	[smem:$0x3FAB] =	sst s0;
	s0 =	simm.s32 @!p1 $0x0  }
0x14: {  	s2 =	sld [smem:$0x3F8F];
	s0 =	simm.s32 @p1 $0x1  }
0x15: {  	[smem:$0x3FAC] =	sst s0;
	s0 =	simm.s32 @!p2 $0x0  }
0x16: {  	s3 =	sld [smem:$0x3FDB];
	s0 =	simm.s32 @p2 $0x1  }
0x17: {  	s4 =	simm.s32 $0x1BF5;
	[smem:$0x3FAE] =	sst s0  }
0x18: {  	s0 =	sld [smem:$0x3F91];
	_ =	swait.ge [sflag:s4], $0x0  }
0x19: {  	s7 =	sld [smem:$0x3F92]  }
0x1a: {  	s8 =	sadd.s32 $0xFFFFE003, lr  }
0x1b: {  	s9 =	sadd.s32 $0xFFFFFEF7, lr;
	s5 =	simm.s32 $0xFFFFFFFF;
	p2 =	slt.u32 s8, $0xFFFFF086  }
0x1c: {  	p1 =	slt.u32 s9, $0xF7A;
	s5 =	simm.s32 @!p2 $0x0  }
0x1d: {  	s5 =	simm.s32 @p1 $0x1;
	p0 =	seq.s32 s7, s2  }
0x1e: {  	s7 =	smul.u32 @!p0 $0xF7A, s2;
	p2 =	seq.s32 @!p0 s5, $0x0  }
0x1f: {  	s9 =	smul.u32 $0xF7A, s1;
	s8 =	simm.s32 @!p0 $0x1BF5;
	p2 =	por !p2, p0  }
0x20: {  	[sflag:s8] =	ssyncset.s32 @!p0 $0xFFFFF086;
	s6 =	sadd.s32 @!p0 s3, s7;
	s7 =	simm.s32 @!p0 $0x108  }
0x21: {  	s3 =	sadd.s32 s3, s9;
	s6 =	sadd.s32 @!p0 $0x88, s6;
	s7 =	simm.s32 @p2 $0x1082  }
0x22: {  	[simem:s7], [sflag:s8] =	dma.local @!p0 [hbm:s6], $0xF7A  }
0x23: {  	s9 =	sor.u32 $0xD0000000, s2;
	s6 =	simm.s32 $0x108;
	_ =	swait.ge @!p0 [sflag:s8], $0x0  }
0x24: {  	s3 =	sadd.s32 $0x88, s3;
	s6 =	simm.s32 @!p1 $0x1082;
	[sflag:s4] =	ssyncset.s32 $0xFFFFF086  }
0x25: {  	[simem:s6], [sflag:s4] =	dma.local [hbm:s3], $0xF7A  }
0x26: {  	[smem:$0x3F92] =	sst s1;
	(tag) =	ssettag s2;
	_ =	strace s9  }
0x27: {  	s1 =	sld [smem:$0x3FA2]  }
0x28: {  	s2 =	sld [smem:$0x3FA3]  }
0x29: {  	s4 =	sld [smem:$0x3FA5]  }
0x2a: {  	p0 =	seq.s32 s5, $0x0;
	s5 =	sld [smem:$0x3FA6]  }
0x2b: {  	s6 =	sld [smem:$0x3FA7]  }
0x2c: {  	s7 =	sld [smem:$0x3FA8]  }
0x2d: {  	s3 =	simm.s32 $0x108;
	s8 =	sld [smem:$0x3FA9]  }
0x2e: {  	s3 =	simm.s32 @!p0 $0x1082;
	s9 =	sld [smem:$0x3FAA]  }
0x2f: {  	lr =	sadd.s32 s0, s3;
	s0 =	sld [smem:$0x3FA1]  }
0x30: {  	s3 =	sld [smem:$0x3FA4]  }
0x31: {  	[smem:$0x3FAD] =	sst s10  }
0x32: {  	s10 =	sld [smem:$0x3FAB];
	_ =	sdelay $0x3  }
0x33: {  	p0 =	seq.s32 s10, $0x1;
	s10 =	sld [smem:$0x3FAD];
	_ =	sdelay $0x3  }
0x34: {  	[smem:$0x3FAD] =	sst s10  }
0x35: {  	s10 =	sld [smem:$0x3FAC];
	_ =	sdelay $0x3  }
0x36: {  	p1 =	seq.s32 s10, $0x1;
	s10 =	sld [smem:$0x3FAD];
	_ =	sdelay $0x3  }
0x37: {  	[smem:$0x3FAD] =	sst s10  }
0x38: {  	s10 =	sld [smem:$0x3FAE]  }
0x39: {  	_ = 	snop;
	(pc) =	sbr.ind lr, $3  }
0x3a: {  	_ = 	snop  }
0x3b: {  	_ = 	snop  }
0x3c: {  	p2 =	seq.s32 s10, $0x1;
	s10 =	sld [smem:$0x3FAD]  }
0x3d: {  	_ =	shalt  }
0x3e: {  	_ =	shalt  }
0x3f: {  	_ =	shalt  }
0x40: {  	_ =	shalt  }
0x41: {  	_ =	shalt  }
0x42: {  	_ =	shalt  }
0x43: {  	_ =	shalt  }
0x44: {  	_ =	shalt  }
0x45: {  	_ =	shalt  }
0x46: {  	_ =	shalt  }
0x47: {  	_ =	shalt  }
0x48: {  	_ =	shalt  }
0x49: {  	_ =	shalt  }
0x4a: {  	_ =	shalt  }
0x4b: {  	_ =	shalt  }
0x4c: {  	_ =	shalt  }
0x4d: {  	_ =	shalt  }
0x4e: {  	_ =	shalt  }
0x4f: {  	_ =	shalt  }
0x50: {  	_ =	shalt  }
0x51: {  	_ =	shalt  }
0x52: {  	_ =	shalt  }
0x53: {  	_ =	shalt  }
0x54: {  	_ =	shalt  }
0x55: {  	_ =	shalt  }
0x56: {  	_ =	shalt  }
0x57: {  	_ =	shalt  }
0x58: {  	_ =	shalt  }
0x59: {  	_ =	shalt  }
0x5a: {  	_ =	shalt  }
0x5b: {  	_ =	shalt  }
0x5c: {  	_ =	shalt  }
0x5d: {  	_ =	shalt  }
0x5e: {  	_ =	shalt  }
0x5f: {  	_ =	shalt  }
0x60: {  	_ =	shalt  }
0x61: {  	_ =	shalt  }
0x62: {  	_ =	shalt  }
0x63: {  	_ =	shalt  }
0x64: {  	_ =	shalt  }
0x65: {  	_ =	shalt  }
0x66: {  	_ =	shalt  }
0x67: {  	_ =	shalt  }
0x68: {  	_ =	shalt  }
0x69: {  	_ =	shalt  }
0x6a: {  	_ =	shalt  }
0x6b: {  	_ =	shalt  }
0x6c: {  	_ =	shalt  }
0x6d: {  	_ =	shalt  }
0x6e: {  	_ =	shalt  }
0x6f: {  	_ =	shalt  }
0x70: {  	_ =	shalt  }
0x71: {  	_ =	shalt  }
0x72: {  	_ =	shalt  }
0x73: {  	_ =	shalt  }
0x74: {  	_ =	shalt  }
0x75: {  	_ =	shalt  }
0x76: {  	_ =	shalt  }
0x77: {  	_ =	shalt  }
0x78: {  	_ =	shalt  }
0x79: {  	_ =	shalt  }
0x7a: {  	_ =	shalt  }
0x7b: {  	_ =	shalt  }
0x7c: {  	_ =	shalt  }
0x7d: {  	_ =	shalt  }
0x7e: {  	_ =	shalt  }
0x7f: {  	_ =	shalt  }
0x80: {  	_ =	shalt  }
0x81: {  	_ =	shalt  }
0x82: {  	_ =	shalt  }
0x83: {  	_ =	shalt  }
0x84: {  	_ =	shalt  }
0x85: {  	_ =	shalt  }
0x86: {  	_ =	shalt  }
0x87: {  	_ =	shalt  }
.Lfunc_end0:
.L_simem_size_0:
called_computation_lowered:
.L_overlay_start_0:
0x88: {  	s2 =	sld [smem:$0x3FD9]  }
0x89: {  	s3 =	sld [smem:$0x3FFE];
	_ =	sdelay $0x1  }
0x8a: {  	s1 =	srdreg.scid  }
0x8b: {  	s0 =	sand.u32 $0x1, s1  }
0x8c: {  	s17 =	sshll.u32 s0, $0xA;
	s2 =	sadd.s32 s3, s2  }
0x8d: {  	s2 =	sadd.s32 s2, s17  }
0x8e: {  	[smem:$0x3FB9] =	sst s2  }
0x8f: {  	_ = 	snop  }
0x90: {  	s2 =	sld [smem:$0x3FD0];
	(tm) =	ssettm $0x1  }
0x91: {  	s18 =	sld [smem:$0x3FFB];
	_ =	sdelay $0x3  }
0x92: {  	_ =	strace s18  }
0x93: {  	s3 =	sld [smem:$0x3FFC];
	_ =	sdelay $0x3  }
0x94: {  	_ =	strace s3  }
0x95: {  	s3 =	sld [smem:$0x3FFD];
	_ =	sdelay $0x3  }
0x96: {  	_ =	strace s3  }
0x97: {  	_ =	strace $0x8FFFFFFF  }
0x98: {  	s19 =	sld [smem:$0x3FDB];
	_ =	sdelay $0x1  }
0x99: {  	s4 =	simm.s32 $_scs_section_size  }
0x9a: {  	s5 =	simm.s32 $_size__tile_overlayer_lowered;
	s6 =	simm.s32 $_tile_overlayer_lowered  }
0x9b: {  	s22 =	simm.s32 $0x1BFF;
	s21 =	sshll.u32 s6, $0x1;
	s3 =	sadd.s32 s4, s19  }
0x9c: {  	s7 =	simm.s32 $0x0;
	s20 =	sshll.u32 s5, $0x1;
	s5 =	sadd.s32 s21, s3  }
0x9d: {  	[timem:s7], [sflag:s22] =	dma.local [hbm:s5], s20  }
0x9e: {  	_ =	swait.ge [sflag:s22], s20  }
0x9f: {  	s4 =	ssub.s32 $0x0, s20;
	[sflag:s22] =	ssyncset.done $0x0  }
0xa0: {  	[sflag:s22] =	ssyncadd.s32 s4;
	_ =	sdelay $0x1  }
0xa1: {  	s23 =	simm.s32 $0x1B8B  }
0xa2: {  	_ =	swait.ge [sflag:s23], $0x1  }
0xa3: {  	[sflag:s23] =	ssyncset.done $0x0  }
0xa4: {  	s25 =	simm.s32 $0x1B8E;
	s24 =	sld [smem:$0x3FFE];
	[sflag:s23] =	ssyncadd.s32 $0xFFFFFFFF  }
0xa5: {  	s26 =	simm.s32 $execute0_lowered;
	[smem:$0x3FD2] =	sst s25  }
0xa6: {  	s5 =	sshll.u32 s26, $0x1;
	_ =	strace $0x80000046;
	[dreg:$0x1] =	wrdreg $0xFFFFFFFF  }
0xa7: {  	s28 =	simm.s32 $_size_execute0_lowered;
	s3 =	sadd.s32 s3, s5;
	[dreg:$0x0] =	wrdreg $0x0  }
0xa8: {  	s5 =	sshll.u32 s28, $0x1;
	[dreg:$0x2] =	wrdreg s3  }
0xa9: {  	[dreg:$0x3] =	wrdreg s5  }
0xaa: {  	[dreg:$0x4] =	wrdreg $0xC0  }
0xab: {  	_ =	task [dreg:s7], $0x5FFFF  }
0xac: {  	[dreg:$0x1] =	wrdreg $0xFFFFFFFF  }
0xad: {  	[dreg:$0x0] =	wrdreg $0x60  }
0xae: {  	[dreg:$0x2] =	wrdreg s2  }
0xaf: {  	[dreg:$0x3] =	wrdreg s24  }
0xb0: {  	[dreg:$0x4] =	wrdreg $0xB8000  }
0xb1: {  	[dreg:$0x5] =	wrdreg $0x9  }
0xb2: {  	_ =	task.clear_ibuf [dreg:s7], $0x6FFFF;
	_ =	strace $0x90000046  }
0xb3: {  	s29 =	simm.s32 $0x9;
	_ =	strace $0x80000048  }
0xb4: {  	_ =	swait.ge [sflag:s29], $0x1  }
0xb5: {  	[sflag:s29] =	ssyncadd.s32 $0xFFFFFFFF  }
0xb6: {  	_ =	strace $0x90000048  }
0xb7: {  	_ =	sfence  }
0xb8: {  	s30 =	sld [smem:$0x0];
	_ =	sdelay $0x2  }
0xb9: {  	s31 =	sshll.u32 s1, $0xD;
	s1 =	sshrl.u32 s1, $0x2  }
0xba: {  	s3 =	sand.u32 $0x4000, s31;
	s1 =	sadd.s32 s1, s30  }
0xbb: {  	s0 =	sor.u32 s3, s0;
	s1 =	sshll.u32 s1, $0x11  }
0xbc: {  	s0 =	sor.u32 s1, s0  }
0xbd: {  	s0 =	sadd.s32 $0x8F2B, s0  }
0xbe: {  	[sflag:s0] =	ssyncadd.remote.s32 $0x1  }
0xbf: {  	_ =	sfence.sel $0xFFFF  }
0xc0: {  	[dreg:$0x0] =	wrdreg $0xFFFFFFFF;
	(pc) =	sbr.abs _section_cstart, $3  }
0xc1: {  	[dreg:$0x1] =	wrdreg $0xFFFFFFFF  }
0xc2: {  	_ =	task.clear_ibuf [dreg:s7], $0x2FFFF;
	_ =	strace $0x9FFFFFFF  }
0xc3: {  	(tm) =	ssettm $0x7FFFFFFF  }
tec
execute0_lowered:
.L_overlay_start_1:
0x0: {  	(tag) =	ssettag $0x1  }
0x1: {  	s1 =	rddreg [dreg:$0x0]  }
0x2: {  	s0 =	rddreg [dreg:$0x1]  }
0x3: {  	s2 =	rddreg [dreg:$0x2]  }
0x4: {  	s3 =	srdreg.scid;
	s4 =	simm.s32 $0x0;
	s18 =	stileid.u32  }
0x5: {  	s20 =	simm.s32 $0x9000;
	s29 =	simm.s32 $0x5400;
	s30 =	simm.s32 $0x7C00  }
0x6: {  	s31 =	simm.s32 $0x1;
	s28 =	simm.s32 $0x5;
	s3 =	sand.u32 $0x1, s3  }
0x7: {  	[smem:$0x7FF] =	sst s4;
	s12 =	smul.u32 $0x4E000, s18;
	s7 =	sadd.s32 $0x4E5000, s0  }
0x8: {  	s9 =	sadd.s32 $0x50D000, s0;
	s17 =	smul.u32 $0x13800, s18;
	s5 =	sshll.u32 s3, $0x4  }
0x9: {  	s10 =	ssub.s32 $0x2, s3;
	s3 =	smul.u32 $0x138800, s3;
	s11 =	sor.u32 s18, s5  }
0xa: {  	p0 =	seq.s32 s18, $0xF;
	_ =	strace $0x80000047;
	s6 =	smul.u32 $0xFA, s11  }
0xb: {  	s5 =	sadd.s32 $0x535000, s0;
	s13 =	sshrl.u32 s10, $0x1;
	s8 =	smul.u32 $0xA, s11  }
0xc: {  	s0 =	sadd.s32 $0x3000, s0;
	s12 =	sshrl.u32 s12, $0x2;
	s14 =	smul.u32 $0x1400, s11  }
0xd: {  	s13 =	ssub.s32 s10, s13;
	s15 =	smul.u32 $0x27100, s11;
	s10 =	simm.s32 $0x28  }
0xe: {  	s16 =	smul.u32 $0x138800, s11;
	s11 =	simm.s32 $0x28;
	s12 =	sadd.s32 s12, s2  }
0xf: {  	s24 =	sadd.s32 s17, s3;
	s3 =	sshrl.u32 s3, $0x3;
	s11 =	simm.s32 @!p0 $0x27  }
0x10: {  	s3 =	sadd.s32 s0, s3;
	s26 =	smax.u32 s13, $0x1;
	p0 =	sne.s32 s18, $0xF  }
0x11: {  	s13 =	simm.s32 $0x0;
	s19 =	sadd.s32 s7, s14;
	s14 =	sadd.s32 s9, s14  }
0x12: {  	s22 =	sadd.s32 s5, s15;
	s23 =	sshrl.u32 s16, $0x3;
	[dreg:$0xa] =	wrdreg s26  }
0x13: {  	s15 =	sshrl.u32 s24, $0x3;
	s25 =	sadd.s32 $0x27000, s3;
	[dreg:$0x4] =	wrdreg s19  }
0x14: {  	s24 =	simm.s32 $0x4;
	s26 =	simm.s32 $0xA400;
	[dreg:$0x5] =	wrdreg s14  }
.Ltmp0:
0x15: {  	s3 =	simm.s32 $0x6;
	[dreg:$0x6] =	wrdreg s22;
	(pc) =	sbr.rel .LBB2_1-.Ltmp0, $4  }
0x16: {  	s14 =	sadd.s32 s5, s23;
	s0 =	sadd.s32 s0, s15;
	[dreg:$0x9] =	wrdreg s25  }
0x17: {  	s14 =	sadd.s32 $0x280, s14;
	[dreg:$0x8] =	wrdreg s0;
	s0 =	sadd.s32 $0x138000, s2  }
0x18: {  	s22 =	simm.s32 $0x8;
	[dreg:$0x7] =	wrdreg s14;
	s0 =	sshrl.u32 @!p0 s0, $0x3  }
0x19: {  	v0 =	vimm.f32 $0.0e+00;
	s23 =	simm.s32 $0x2;
	[dreg:$0xb] =	wrdreg s0;
	s0 =	simm.s32 $0x3  }
.LBB2_14:
0x1a: {  	_ =	swait.ge [sflag:s28], $0x1400  }
0x1b: {  	[sflag:s28] =	ssyncset.done $0x0  }
0x1c: {  	[sflag:s28] =	ssyncadd.s32 $0xFFFFEC00  }
0x1d: {  	_ =	swait.ge [sflag:s3], $0x1400  }
0x1e: {  	[sflag:s3] =	ssyncset.done $0x0  }
0x1f: {  	s14 =	stileid.u32;
	[sflag:s3] =	ssyncadd.s32 $0xFFFFEC00  }
0x20: {  	s14 =	sshll.u32 s14, $0x6;
	[bflag:$0x0] =	sbarrier.arrive $0xFFFF  }
0x21: {  	s15 =	sshrl.u32 s12, $0x3;
	s14 =	sor.u32 $0x1C08, s14;
	s16 =	rddreg [dreg:$0x8]  }
0x22: {  	[hbm:s16], [sflag:s14] =	dma.local [spmem:s15], $0x2700  }
0x23: {  	_ =	swait.ge [sflag:s22], $0x2700  }
0x24: {  	[sflag:s22] =	ssyncset.done $0x0;
	s15 =	rddreg [dreg:$0x9]  }
0x25: {  	s16 =	rddreg [dreg:$0xb];
	[sflag:s22] =	ssyncadd.s32 $0xFFFFD900  }
0x26: {  	[hbm:s15], [sflag:s14] =	dma.local @!p0 [spmem:s16], $0x100  }
0x27: {  	s14 =	simm.s32 @!p0 $0x8  }
0x28: {  	_ =	swait.ge @!p0 [sflag:s14], $0x100  }
0x29: {  	s13 =	sadd.s32 $0x1, s13;
	s25 =	rddreg [dreg:$0xa]  }
0x2a: {  	p1 =	sne.s32 s13, s25  }
.Ltmp1:
0x2b: {  	_ = 	snop;
	(pc) =	sbr.rel @!p1 .LBB2_15-.Ltmp1, $3  }
0x2c: {  	_ =	sdelay $0x1  }
0x2d: {  	[sflag:s14] =	ssyncset.done @!p0 $0x0  }
0x2e: {  	[sflag:s14] =	ssyncadd.s32 @!p0 $0xFFFFFF00  }
.LBB2_1:
0x2f: {  	s14 =	simm.s32 $0x0;
	s15 =	simm.s32 $0x200  }
.LBB2_2:
0x30: {  	p1 =	sne.s32 s15, $0x1E00;
	[tilespmem:s14+$0x9070] =	vst v0  }
0x31: {  	[tilespmem:s14+$0x9000] =	vst v0  }
0x32: {  	[tilespmem:s14+$0x9010] =	vst v0  }
.Ltmp2:
0x33: {  	[tilespmem:s14+$0x9020] =	vst v0;
	(pc) =	sbr.rel @p1 .LBB2_2-.Ltmp2, $4  }
0x34: {  	[tilespmem:s14+$0x9030] =	vst v0  }
0x35: {  	[tilespmem:s14+$0x9040] =	vst v0  }
0x36: {  	[tilespmem:s14+$0x9050] =	vst v0  }
0x37: {  	[tilespmem:s14+$0x9060] =	vst v0;
	s14 =	sshra.s32 s15, $0x2;
	s15 =	sadd.s32 $0x200, s15  }
0x38: {  	[tilespmem:s14+$0x9070] =	vst v0  }
0x39: {  	[tilespmem:s14+$0x9000] =	vst v0  }
0x3a: {  	[tilespmem:s14+$0x9010] =	vst v0  }
0x3b: {  	[tilespmem:s14+$0x9020] =	vst v0;
	p1 =	sne.s32 s11, $0x1  }
.Ltmp3:
0x3c: {  	[tilespmem:s14+$0x9030] =	vst v0;
	(pc) =	sbr.rel @!p1 .LBB2_5-.Ltmp3, $4  }
0x3d: {  	[tilespmem:s14+$0x9040] =	vst v0  }
0x3e: {  	[tilespmem:s14+$0x9050] =	vst v0  }
0x3f: {  	[tilespmem:s14+$0x9060] =	vst v0;
	s14 =	sadd.s32 $0xFFFFFFFF, s11;
	s15 =	smov.u32 s12  }
0x40: {  	[spmem:s12] =	stream.linear.scatter [tilespmem:s20], [sflag:$0x7], $0x800, $0x38;
	[tilespmem:$0x1F080] =	vst v63  }
.LBB2_4:
0x41: {  	p1 =	sne.s32 s14, $0x1  }
.Ltmp4:
0x42: {  	_ = 	snop;
	(pc) =	sbr.rel @p1 .LBB2_4-.Ltmp4, $3  }
0x43: {  	_ = 	snop  }
0x44: {  	s14 =	sadd.s32 $0xFFFFFFFF, s14;
	s15 =	sadd.s32 $0x800, s15;
	_ =	sdelay $0x1  }
0x45: {  	[spmem:s15] =	stream.linear.scatter [tilespmem:s20], [sflag:$0x7], $0x800, $0x38;
	[tilespmem:$0x1F080] =	vst v63  }
.LBB2_5:
0x46: {  	s14 =	simm.s32 $0x7  }
0x47: {  	_ =	swait.ge [sflag:s14], $0x2700  }
0x48: {  	[sflag:s14] =	ssyncset.done $0x0  }
0x49: {  	[sflag:s14] =	ssyncadd.s32 $0xFFFFD900;
	s14 =	simm.s32 @!p0 $0x7  }
0x4a: {  	_ =	swait.ge @!p0 [sflag:s14], $0x100  }
0x4b: {  	[sflag:s14] =	ssyncset.done @!p0 $0x0  }
0x4c: {  	[sflag:s14] =	ssyncadd.s32 @!p0 $0xFFFFFF00  }
0x4d: {  	[bflag:$0x0] =	sbarrier.arrive $0xFFFF  }
0x4e: {  	s14 =	simm.s32 $0x0;
	s15 =	rddreg [dreg:$0x4]  }
0x4f: {  	[tilespmem:s14], [sflag:$0x8] =	stream.linear.gather [hbm4b:s15+s14], $0xC80, $0x38;
	[tilespmem:$0x1F080] =	vst v63  }
0x50: {  	_ =	swait.ge [sflag:s22], $0xC80  }
0x51: {  	[sflag:s22] =	ssyncset.done $0x0  }
0x52: {  	s16 =	simm.s32 $0x2000;
	s25 =	rddreg [dreg:$0x5];
	[sflag:s22] =	ssyncadd.s32 $0xFFFFF380  }
0x53: {  	[tilespmem:s16], [sflag:$0x8] =	stream.linear.gather [hbm4b:s25+s14], $0xC80, $0x38;
	[tilespmem:$0x1F080] =	vst v63  }
0x54: {  	_ =	swait.ge [sflag:s22], $0xC80  }
0x55: {  	[sflag:s22] =	ssyncset.done $0x0  }
0x56: {  	s17 =	simm.s32 $0x4000;
	[sflag:s22] =	ssyncadd.s32 $0xFFFFF380  }
0x57: {  	[tilespmem:s17], [sflag:$0x1] =	stream.indirect.gather [hbm4b:s1+s10], $0x80, s14, s10, $0xb8;
	[tilespmem:$0x1F080] =	vst v63  }
0x58: {  	s19 =	simm.s32 $0x6800;
	s18 =	rddreg [dreg:$0x6]  }
0x59: {  	[tilespmem:s19], [sflag:$0x3] =	stream.linear.gather [hbm4b:s18+s14], $0x1400, $0x38;
	[tilespmem:$0x1F080] =	vst v63  }
0x5a: {  	s21 =	simm.s32 $0x80  }
0x5b: {  	[tilespmem:s29], [sflag:$0x2] =	stream.indirect.gather [hbm4b:s1+s10], $0x80, s21, s10, $0xb8;
	[tilespmem:$0x1F080] =	vst v63  }
0x5c: {  	s25 =	rddreg [dreg:$0x7]  }
0x5d: {  	[tilespmem:s30], [sflag:$0x4] =	stream.linear.gather [hbm4b:s25+s14], $0x1400, $0x38;
	[tilespmem:$0x1F080] =	vst v63  }
.LBB2_6:
0x5e: {  	s15 =	sshll.u32 s14, $0x1  }
0x5f: {  	s16 =	smul.u32 $0x29, s15;
	_ =	sdelay $0x1  }
0x60: {  	s16 =	sshrl.u32 s16, $0xA  }
0x61: {  	s16 =	sand.u32 $0x3F, s16  }
0x62: {  	s16 =	smul.u32 $0x19, s16;
	_ =	sdelay $0x1  }
0x63: {  	p2 =	seq.s32 s14, $0x0;
	p1 =	sgt.u32 s14, $0x70;
	s16 =	ssub.s32 s15, s16  }
0x64: {  	s17 =	simm.s32 @!p2 $0x5;
	s18 =	sand.u32 @!p1 $0xFF, s16  }
0x65: {  	_ =	swait.ge @!p2 [sflag:s17], $0x1400;
	p3 =	sne.s32 @!p1 s18, $0x3  }
0x66: {  	[sflag:s17] =	ssyncset.done @!p2 $0x0;
	p1 =	por p3, p1  }
0x67: {  	[sflag:s17] =	ssyncadd.s32 @!p2 $0xFFFFEC00;
	s17 =	smul.u32 @!p1 $0x29, s15  }
0x68: {  	_ =	swait.ge [sflag:s31], $0x1400  }
0x69: {  	[sflag:s31] =	ssyncset.done $0x0;
	s17 =	sshrl.u32 @!p1 s17, $0xA  }
0x6a: {  	[sflag:s31] =	ssyncadd.s32 $0xFFFFEC00;
	s17 =	sand.u32 @!p1 $0x3F, s17  }
0x6b: {  	_ =	swait.ge [sflag:s0], $0x1400;
	s17 =	sadd.s32 @!p1 $0x1, s17  }
0x6c: {  	[sflag:s0] =	ssyncset.done $0x0;
	s18 =	sadd.s32 @!p1 s17, s8  }
0x6d: {  	[sflag:s0] =	ssyncadd.s32 $0xFFFFEC00;
	s17 =	sshll.u32 @!p1 s17, $0xC;
	s18 =	sshll.u32 @!p1 s18, $0x9  }
0x6e: {  	s25 =	simm.s32 @!p1 $0x0;
	s17 =	sand.u32 @!p1 $0x1000, s17;
	s19 =	sadd.s32 @!p1 s7, s18  }
0x6f: {  	[tilespmem:s17], [sflag:$0x8] =	stream.linear.gather @!p1 [hbm4b:s19+s25], $0xC80, $0x38;
	[tilespmem:$0x1F080] =	vst v63  }
0x70: {  	s19 =	simm.s32 @!p1 $0x8  }
0x71: {  	_ =	swait.ge @!p1 [sflag:s19], $0xC80  }
0x72: {  	[sflag:s19] =	ssyncset.done @!p1 $0x0  }
0x73: {  	s18 =	sadd.s32 @!p1 s9, s18;
	s17 =	sor.u32 @!p1 $0x2000, s17;
	[sflag:s19] =	ssyncadd.s32 @!p1 $0xFFFFF380  }
0x74: {  	[tilespmem:s17], [sflag:$0x8] =	stream.linear.gather @!p1 [hbm4b:s18+s25], $0xC80, $0x38;
	[tilespmem:$0x1F080] =	vst v63  }
0x75: {  	_ =	swait.ge @!p1 [sflag:s19], $0xC80  }
0x76: {  	[sflag:s19] =	ssyncset.done @!p1 $0x0  }
0x77: {  	s17 =	simm.s32 $0x0;
	[sflag:s19] =	ssyncadd.s32 @!p1 $0xFFFFF380  }
0x78: {  	v1 =	vld [tilespmem:s17+$0x4070]  }
0x79: {  	v2 =	vld [tilespmem:s17+$0x6870]  }
0x7a: {  	v3 =	vld [tilespmem:s17+$0x4000]  }
0x7b: {  	v4 =	vld [tilespmem:s17+$0x6800]  }
0x7c: {  	v5 =	vld [tilespmem:s17+$0x4010]  }
0x7d: {  	v6 =	vld [tilespmem:s17+$0x6810]  }
0x7e: {  	v7 =	vld [tilespmem:s17+$0x4020]  }
0x7f: {  	v1 =	vadd.f32 v2, v1;
	v2 =	vld [tilespmem:s17+$0x6820]  }
0x80: {  	v8 =	vld [tilespmem:s17+$0x4030]  }
0x81: {  	v9 =	vld [tilespmem:s17+$0x6830];
	v3 =	vadd.f32 v4, v3  }
0x82: {  	v10 =	vld [tilespmem:s17+$0x4040];
	v1 =	vmax.f32 v1, $0.0e+00  }
0x83: {  	[tilespmem:s17+$0x9070] =	vst v1;
	v1 =	vmax.f32 v3, $0.0e+00;
	v3 =	vadd.f32 v6, v5;
	v6 =	vld [tilespmem:s17+$0x6840]  }
0x84: {  	v4 =	vld [tilespmem:s17+$0x6850];
	v2 =	vadd.f32 v2, v7  }
0x85: {  	[tilespmem:s17+$0x9000] =	vst v1;
	v1 =	vld [tilespmem:s17+$0x4050];
	v3 =	vmax.f32 v3, $0.0e+00  }
0x86: {  	v5 =	vld [tilespmem:s17+$0x6860];
	v7 =	vadd.f32 v9, v8;
	[tilespmem:s17+$0x9010] =	vst v3;
	v3 =	vmax.f32 v2, $0.0e+00  }
0x87: {  	s18 =	simm.s32 $0x80;
	v2 =	vld [tilespmem:s17+$0x4060];
	[tilespmem:s17+$0x9020] =	vst v3  }
0x88: {  	s16 =	sand.u32 $0xFF, s16;
	s19 =	simm.s32 $0x400;
	v7 =	vmax.f32 v7, $0.0e+00;
	v6 =	vadd.f32 v6, v10;
	v3 =	vld [tilespmem:s18+$0x4070]  }
.LBB2_7:
0x89: {  	p1 =	sne.s32 s19, $0x4E00;
	v8 =	vld [tilespmem:s18+$0x6870];
	[tilespmem:s17+$0x9030] =	vst v7  }
0x8a: {  	v7 =	vld [tilespmem:s18+$0x4000];
	v6 =	vmax.f32 v6, $0.0e+00;
	v1 =	vadd.f32 v4, v1  }
0x8b: {  	v4 =	vld [tilespmem:s18+$0x6800];
	[tilespmem:s17+$0x9040] =	vst v6  }
0x8c: {  	v6 =	vld [tilespmem:s18+$0x4010];
	v1 =	vmax.f32 v1, $0.0e+00;
	v2 =	vadd.f32 v5, v2  }
0x8d: {  	v5 =	vld [tilespmem:s18+$0x6810];
	[tilespmem:s17+$0x9050] =	vst v1  }
0x8e: {  	v1 =	vld [tilespmem:s18+$0x4020];
	v3 =	vadd.f32 v8, v3;
	v2 =	vmax.f32 v2, $0.0e+00  }
0x8f: {  	v8 =	vld [tilespmem:s18+$0x6820];
	[tilespmem:s17+$0x9060] =	vst v2;
	s17 =	smov.u32 s18  }
0x90: {  	v2 =	vadd.f32 v4, v7;
	v7 =	vld [tilespmem:s17+$0x4030];
	v3 =	vmax.f32 v3, $0.0e+00  }
0x91: {  	v9 =	vld [tilespmem:s17+$0x6830];
	[tilespmem:s17+$0x9070] =	vst v3  }
0x92: {  	v2 =	vmax.f32 v2, $0.0e+00;
	v3 =	vadd.f32 v5, v6;
	v6 =	vld [tilespmem:s17+$0x4040]  }
0x93: {  	[tilespmem:s17+$0x9000] =	vst v2;
	v10 =	vld [tilespmem:s17+$0x6840]  }
.Ltmp5:
0x94: {  	v2 =	vmax.f32 v3, $0.0e+00;
	v3 =	vadd.f32 v8, v1;
	v1 =	vld [tilespmem:s17+$0x4050];
	(pc) =	sbr.rel @p1 .LBB2_7-.Ltmp5, $4  }
0x95: {  	[tilespmem:s17+$0x9010] =	vst v2;
	v4 =	vld [tilespmem:s17+$0x6850]  }
0x96: {  	v3 =	vmax.f32 v3, $0.0e+00;
	v7 =	vadd.f32 v9, v7;
	v2 =	vld [tilespmem:s17+$0x4060]  }
0x97: {  	s18 =	sshra.s32 s19, $0x2;
	[tilespmem:s17+$0x9020] =	vst v3;
	v5 =	vld [tilespmem:s17+$0x6860]  }
0x98: {  	s19 =	sadd.s32 $0x200, s19;
	v3 =	vld [tilespmem:s18+$0x4070];
	v7 =	vmax.f32 v7, $0.0e+00;
	v6 =	vadd.f32 v10, v6  }
0x99: {  	v8 =	vld [tilespmem:s18+$0x6870];
	[tilespmem:s17+$0x9030] =	vst v7  }
0x9a: {  	v7 =	vld [tilespmem:s18+$0x4000];
	v6 =	vmax.f32 v6, $0.0e+00;
	v1 =	vadd.f32 v4, v1  }
0x9b: {  	v9 =	vld [tilespmem:s18+$0x6800];
	[tilespmem:s17+$0x9040] =	vst v6  }
0x9c: {  	v57 =	vld [tilespmem:s18+$0x4010];
	v1 =	vmax.f32 v1, $0.0e+00;
	v2 =	vadd.f32 v5, v2  }
0x9d: {  	v6 =	vld [tilespmem:s18+$0x6810];
	[tilespmem:s17+$0x9050] =	vst v1  }
0x9e: {  	v1 =	vld [tilespmem:s18+$0x4020];
	v2 =	vmax.f32 v2, $0.0e+00  }
0x9f: {  	v58 =	vld [tilespmem:s18+$0x6820];
	[tilespmem:s17+$0x9060] =	vst v2  }
0xa0: {  	v2 =	vld [tilespmem:s18+$0x4030]  }
0xa1: {  	v3 =	vadd.f32 v8, v3;
	v59 =	vld [tilespmem:s18+$0x6830]  }
0xa2: {  	v7 =	vadd.f32 v9, v7;
	v60 =	vld [tilespmem:s18+$0x4040]  }
0xa3: {  	v3 =	vmax.f32 v3, $0.0e+00;
	v61 =	vld [tilespmem:s18+$0x4050]  }
0xa4: {  	v62 =	vld [tilespmem:s18+$0x6850];
	[tilespmem:s18+$0x9070] =	vst v3;
	v3 =	vmax.f32 v7, $0.0e+00;
	v1 =	vadd.f32 v58, v1  }
0xa5: {  	[tilespmem:s18+$0x9000] =	vst v3;
	v3 =	vld [tilespmem:s18+$0x6840]  }
0xa6: {  	v63 =	vld [tilespmem:s18+$0x4060];
	v1 =	vmax.f32 v1, $0.0e+00  }
0xa7: {  	[tilespmem:s18+$0x9020] =	vst v1;
	v1 =	vld [tilespmem:s18+$0x6860]  }
0xa8: {  	v4 =	vadd.f32 v6, v57  }
0xa9: {  	v2 =	vadd.f32 v59, v2  }
0xaa: {  	s25 =	smulhi.u32 $0x51EB851F, s15;
	p1 =	seq.s32 s14, $0x7C;
	v4 =	vmax.f32 v4, $0.0e+00;
	v3 =	vadd.f32 v3, v60  }
0xab: {  	s19 =	sadd.s32 @!p1 $0x2, s15;
	[tilespmem:s18+$0x9010] =	vst v4;
	v4 =	vadd.f32 v62, v61;
	v2 =	vmax.f32 v2, $0.0e+00  }
0xac: {  	s17 =	sshll.u32 s25, $0x9;
	s25 =	smulhi.u32 @!p1 $0x51EB851F, s19;
	[tilespmem:s18+$0x9030] =	vst v2;
	v2 =	vmax.f32 v3, $0.0e+00;
	v1 =	vadd.f32 v1, v63  }
0xad: {  	s16 =	sshll.u32 s16, $0x7;
	s17 =	sand.u32 $0x1000, s17;
	[tilespmem:s18+$0x9040] =	vst v2;
	v2 =	vmax.f32 v4, $0.0e+00  }
0xae: {  	s16 =	sadd.s32 s16, s17;
	s17 =	sshrl.u32 @!p1 s25, $0x3;
	[tilespmem:s18+$0x9050] =	vst v2;
	v1 =	vmax.f32 v1, $0.0e+00  }
0xaf: {  	s16 =	sadd.s32 $0x2000, s16;
	s17 =	smul.u32 @!p1 $0x19, s17;
	[tilespmem:s18+$0x9060] =	vst v1  }
0xb0: {  	[spmem:s2] =	stream.indirect.scatter.add.f32 [tilespmem:s20], [sflag:$0x5], $0x80, s16, s10, $0xb8;
	[tilespmem:$0x1F080] =	vst v63  }
0xb1: {  	s16 =	ssub.s32 @!p1 s19, s17;
	s17 =	sshll.u32 @!p1 s25, $0x9  }
0xb2: {  	s17 =	sand.u32 @!p1 $0x1000, s17;
	s16 =	sshll.u32 @!p1 s16, $0x7  }
0xb3: {  	p2 =	seq.s32 @!p1 s14, $0x0;
	s16 =	sor.u32 @!p1 s16, s17;
	s17 =	sadd.s32 @!p1 s6, s19  }
0xb4: {  	p2 =	por p1, !p2;
	s17 =	smul.u32 @!p1 $0x280, s17  }
.Ltmp6:
0xb5: {  	s18 =	simm.s32 @!p1 $0x28;
	s19 =	simm.s32 @!p1 $0x4000;
	(pc) =	sbr.rel @!p2 .LBB2_10-.Ltmp6, $4  }
0xb6: {  	[tilespmem:s19], [sflag:$0x1] =	stream.indirect.gather @!p1 [hbm4b:s1+s18], $0x80, s16, s18, $0xb8;
	[tilespmem:$0x1F080] =	vst v63  }
0xb7: {  	s18 =	simm.s32 @!p1 $0x6800;
	s16 =	sadd.s32 @!p1 s5, s17;
	s17 =	simm.s32 @!p1 $0x0  }
0xb8: {  	[tilespmem:s18], [sflag:$0x3] =	stream.linear.gather @!p1 [hbm4b:s16+s17], $0x1400, $0x38;
	[tilespmem:$0x1F080] =	vst v63  }
0xb9: {  	s18 =	sor.u32 @!p1 $0x1, s15  }
0xba: {  	_ =	swait.ge [sflag:s3], $0x1400  }
0xbb: {  	[sflag:s3] =	ssyncset.done $0x0  }
0xbc: {  	s18 =	simm.s32 @p1 $0xF9;
	[sflag:s3] =	ssyncadd.s32 $0xFFFFEC00  }
.LBB2_10:
0xbd: {  	s16 =	smulhi.u32 $0x51EB851F, s18;
	_ =	sdelay $0x1  }
0xbe: {  	s16 =	sshrl.u32 s16, $0x3  }
0xbf: {  	s17 =	smul.u32 $0x19, s16;
	_ =	sdelay $0x1  }
0xc0: {  	p2 =	sgt.u32 s18, $0xE0;
	s17 =	ssub.s32 s18, s17  }
0xc1: {  	p3 =	sne.s32 @!p2 s17, $0x3  }
0xc2: {  	p2 =	por p3, p2  }
0xc3: {  	s18 =	smul.u32 @!p2 $0x29, s18  }
0xc4: {  	_ =	swait.ge [sflag:s23], $0x1400  }
0xc5: {  	[sflag:s23] =	ssyncset.done $0x0;
	s18 =	sshrl.u32 @!p2 s18, $0xA  }
0xc6: {  	[sflag:s23] =	ssyncadd.s32 $0xFFFFEC00;
	s18 =	sand.u32 @!p2 $0x3F, s18  }
0xc7: {  	_ =	swait.ge [sflag:s24], $0x1400;
	s18 =	sadd.s32 @!p2 $0x1, s18  }
0xc8: {  	[sflag:s24] =	ssyncset.done $0x0;
	s19 =	sadd.s32 @!p2 s18, s8  }
0xc9: {  	[sflag:s24] =	ssyncadd.s32 $0xFFFFEC00;
	s18 =	sshll.u32 @!p2 s18, $0xC;
	s19 =	sshll.u32 @!p2 s19, $0x9  }
0xca: {  	s21 =	simm.s32 @!p2 $0x0;
	s18 =	sand.u32 @!p2 $0x1000, s18;
	s25 =	sadd.s32 @!p2 s7, s19  }
0xcb: {  	[tilespmem:s18], [sflag:$0x8] =	stream.linear.gather @!p2 [hbm4b:s25+s21], $0xC80, $0x38;
	[tilespmem:$0x1F080] =	vst v63  }
0xcc: {  	s25 =	simm.s32 @!p2 $0x8  }
0xcd: {  	_ =	swait.ge @!p2 [sflag:s25], $0xC80  }
0xce: {  	[sflag:s25] =	ssyncset.done @!p2 $0x0  }
0xcf: {  	s19 =	sadd.s32 @!p2 s9, s19;
	s18 =	sor.u32 @!p2 $0x2000, s18;
	[sflag:s25] =	ssyncadd.s32 @!p2 $0xFFFFF380  }
0xd0: {  	[tilespmem:s18], [sflag:$0x8] =	stream.linear.gather @!p2 [hbm4b:s19+s21], $0xC80, $0x38;
	[tilespmem:$0x1F080] =	vst v63  }
0xd1: {  	_ =	swait.ge @!p2 [sflag:s25], $0xC80  }
0xd2: {  	[sflag:s25] =	ssyncset.done @!p2 $0x0  }
0xd3: {  	s18 =	simm.s32 $0x0;
	[sflag:s25] =	ssyncadd.s32 @!p2 $0xFFFFF380  }
0xd4: {  	v1 =	vld [tilespmem:s18+$0x5470]  }
0xd5: {  	v2 =	vld [tilespmem:s18+$0x7C70]  }
0xd6: {  	v3 =	vld [tilespmem:s18+$0x5400]  }
0xd7: {  	v4 =	vld [tilespmem:s18+$0x7C00]  }
0xd8: {  	v5 =	vld [tilespmem:s18+$0x5410]  }
0xd9: {  	v6 =	vld [tilespmem:s18+$0x7C10]  }
0xda: {  	v7 =	vld [tilespmem:s18+$0x5420]  }
0xdb: {  	v1 =	vadd.f32 v2, v1;
	v2 =	vld [tilespmem:s18+$0x7C20]  }
0xdc: {  	v8 =	vld [tilespmem:s18+$0x5430]  }
0xdd: {  	v9 =	vld [tilespmem:s18+$0x7C30];
	v3 =	vadd.f32 v4, v3  }
0xde: {  	v10 =	vld [tilespmem:s18+$0x5440];
	v1 =	vmax.f32 v1, $0.0e+00  }
0xdf: {  	[tilespmem:s18+$0xA470] =	vst v1;
	v1 =	vmax.f32 v3, $0.0e+00;
	v3 =	vadd.f32 v6, v5;
	v6 =	vld [tilespmem:s18+$0x7C40]  }
0xe0: {  	v4 =	vld [tilespmem:s18+$0x7C50];
	v2 =	vadd.f32 v2, v7  }
0xe1: {  	[tilespmem:s18+$0xA400] =	vst v1;
	v1 =	vld [tilespmem:s18+$0x5450];
	v3 =	vmax.f32 v3, $0.0e+00  }
0xe2: {  	v5 =	vld [tilespmem:s18+$0x7C60];
	v7 =	vadd.f32 v9, v8;
	[tilespmem:s18+$0xA410] =	vst v3;
	v3 =	vmax.f32 v2, $0.0e+00  }
0xe3: {  	s19 =	simm.s32 $0x80;
	v2 =	vld [tilespmem:s18+$0x5460];
	[tilespmem:s18+$0xA420] =	vst v3  }
0xe4: {  	s25 =	simm.s32 $0x400;
	v7 =	vmax.f32 v7, $0.0e+00;
	v6 =	vadd.f32 v6, v10;
	v3 =	vld [tilespmem:s19+$0x5470]  }
.LBB2_11:
0xe5: {  	p2 =	sne.s32 s25, $0x4E00;
	v8 =	vld [tilespmem:s19+$0x7C70];
	[tilespmem:s18+$0xA430] =	vst v7  }
0xe6: {  	v7 =	vld [tilespmem:s19+$0x5400];
	v6 =	vmax.f32 v6, $0.0e+00;
	v1 =	vadd.f32 v4, v1  }
0xe7: {  	v4 =	vld [tilespmem:s19+$0x7C00];
	[tilespmem:s18+$0xA440] =	vst v6  }
0xe8: {  	v6 =	vld [tilespmem:s19+$0x5410];
	v1 =	vmax.f32 v1, $0.0e+00;
	v2 =	vadd.f32 v5, v2  }
0xe9: {  	v5 =	vld [tilespmem:s19+$0x7C10];
	[tilespmem:s18+$0xA450] =	vst v1  }
0xea: {  	v1 =	vld [tilespmem:s19+$0x5420];
	v3 =	vadd.f32 v8, v3;
	v2 =	vmax.f32 v2, $0.0e+00  }
0xeb: {  	v8 =	vld [tilespmem:s19+$0x7C20];
	[tilespmem:s18+$0xA460] =	vst v2;
	s18 =	smov.u32 s19  }
0xec: {  	v2 =	vadd.f32 v4, v7;
	v7 =	vld [tilespmem:s18+$0x5430];
	v3 =	vmax.f32 v3, $0.0e+00  }
0xed: {  	v9 =	vld [tilespmem:s18+$0x7C30];
	[tilespmem:s18+$0xA470] =	vst v3  }
0xee: {  	v2 =	vmax.f32 v2, $0.0e+00;
	v3 =	vadd.f32 v5, v6;
	v6 =	vld [tilespmem:s18+$0x5440]  }
0xef: {  	[tilespmem:s18+$0xA400] =	vst v2;
	v10 =	vld [tilespmem:s18+$0x7C40]  }
.Ltmp7:
0xf0: {  	v2 =	vmax.f32 v3, $0.0e+00;
	v3 =	vadd.f32 v8, v1;
	v1 =	vld [tilespmem:s18+$0x5450];
	(pc) =	sbr.rel @p2 .LBB2_11-.Ltmp7, $4  }
0xf1: {  	[tilespmem:s18+$0xA410] =	vst v2;
	v4 =	vld [tilespmem:s18+$0x7C50]  }
0xf2: {  	v3 =	vmax.f32 v3, $0.0e+00;
	v7 =	vadd.f32 v9, v7;
	v2 =	vld [tilespmem:s18+$0x5460]  }
0xf3: {  	s19 =	sshra.s32 s25, $0x2;
	[tilespmem:s18+$0xA420] =	vst v3;
	v5 =	vld [tilespmem:s18+$0x7C60]  }
0xf4: {  	s25 =	sadd.s32 $0x200, s25;
	v3 =	vld [tilespmem:s19+$0x5470];
	v7 =	vmax.f32 v7, $0.0e+00;
	v6 =	vadd.f32 v10, v6  }
0xf5: {  	v8 =	vld [tilespmem:s19+$0x7C70];
	[tilespmem:s18+$0xA430] =	vst v7  }
0xf6: {  	v7 =	vld [tilespmem:s19+$0x5400];
	v6 =	vmax.f32 v6, $0.0e+00;
	v1 =	vadd.f32 v4, v1  }
0xf7: {  	v9 =	vld [tilespmem:s19+$0x7C00];
	[tilespmem:s18+$0xA440] =	vst v6  }
0xf8: {  	v57 =	vld [tilespmem:s19+$0x5410];
	v1 =	vmax.f32 v1, $0.0e+00;
	v2 =	vadd.f32 v5, v2  }
0xf9: {  	v6 =	vld [tilespmem:s19+$0x7C10];
	[tilespmem:s18+$0xA450] =	vst v1  }
0xfa: {  	v1 =	vld [tilespmem:s19+$0x5420];
	v2 =	vmax.f32 v2, $0.0e+00  }
0xfb: {  	v58 =	vld [tilespmem:s19+$0x7C20];
	[tilespmem:s18+$0xA460] =	vst v2  }
0xfc: {  	v2 =	vld [tilespmem:s19+$0x5430]  }
0xfd: {  	v3 =	vadd.f32 v8, v3;
	v59 =	vld [tilespmem:s19+$0x7C30]  }
0xfe: {  	v7 =	vadd.f32 v9, v7;
	v60 =	vld [tilespmem:s19+$0x5440]  }
0xff: {  	v3 =	vmax.f32 v3, $0.0e+00;
	v61 =	vld [tilespmem:s19+$0x5450]  }
0x100: {  	v62 =	vld [tilespmem:s19+$0x7C50];
	[tilespmem:s19+$0xA470] =	vst v3;
	v3 =	vmax.f32 v7, $0.0e+00;
	v1 =	vadd.f32 v58, v1  }
0x101: {  	[tilespmem:s19+$0xA400] =	vst v3;
	v3 =	vld [tilespmem:s19+$0x7C40]  }
0x102: {  	v63 =	vld [tilespmem:s19+$0x5460];
	v1 =	vmax.f32 v1, $0.0e+00  }
0x103: {  	[tilespmem:s19+$0xA420] =	vst v1;
	v1 =	vld [tilespmem:s19+$0x7C60]  }
0x104: {  	v4 =	vadd.f32 v6, v57  }
0x105: {  	v2 =	vadd.f32 v59, v2  }
0x106: {  	v4 =	vmax.f32 v4, $0.0e+00;
	v3 =	vadd.f32 v3, v60  }
0x107: {  	[tilespmem:s19+$0xA410] =	vst v4;
	v4 =	vadd.f32 v62, v61;
	v2 =	vmax.f32 v2, $0.0e+00  }
.Ltmp8:
0x108: {  	s16 =	sshll.u32 s16, $0xC;
	s17 =	sshll.u32 s17, $0x7;
	[tilespmem:s19+$0xA430] =	vst v2;
	v2 =	vmax.f32 v3, $0.0e+00;
	v1 =	vadd.f32 v1, v63;
	(pc) =	sbr.rel @p1 .LBB2_14-.Ltmp8, $4  }
0x109: {  	s16 =	sand.u32 $0x1000, s16;
	s17 =	sand.u32 $0x3FFFFF80, s17;
	[tilespmem:s19+$0xA440] =	vst v2;
	v2 =	vmax.f32 v4, $0.0e+00  }
0x10a: {  	s16 =	sadd.s32 s17, s16;
	[tilespmem:s19+$0xA450] =	vst v2;
	v1 =	vmax.f32 v1, $0.0e+00  }
0x10b: {  	s16 =	sadd.s32 $0x2000, s16;
	[tilespmem:s19+$0xA460] =	vst v1  }
0x10c: {  	[spmem:s2] =	stream.indirect.scatter.add.f32 [tilespmem:s26], [sflag:$0x6], $0x80, s16, s10, $0xb8;
	[tilespmem:$0x1F080] =	vst v63  }
0x10d: {  	s15 =	sadd.s32 $0x3, s15  }
0x10e: {  	s16 =	smulhi.u32 $0x51EB851F, s15;
	_ =	sdelay $0x1  }
0x10f: {  	s17 =	sshrl.u32 s16, $0x3  }
0x110: {  	s17 =	smul.u32 $0x19, s17  }
0x111: {  	s16 =	sshll.u32 s16, $0x9  }
0x112: {  	s16 =	sand.u32 $0x1000, s16;
	s17 =	ssub.s32 s15, s17  }
.Ltmp9:
0x113: {  	s15 =	sadd.s32 s6, s15;
	s17 =	sshll.u32 s17, $0x7;
	(pc) =	sbr.rel .LBB2_6-.Ltmp9, $4  }
0x114: {  	s15 =	smul.u32 $0x280, s15;
	s16 =	sor.u32 s17, s16  }
0x115: {  	[tilespmem:s29], [sflag:$0x2] =	stream.indirect.gather [hbm4b:s1+s10], $0x80, s16, s10, $0xb8;
	[tilespmem:$0x1F080] =	vst v63  }
0x116: {  	s14 =	sadd.s32 $0x1, s14;
	s15 =	sadd.s32 s5, s15  }
0x117: {  	[tilespmem:s30], [sflag:$0x4] =	stream.linear.gather [hbm4b:s15+s4], $0x1400, $0x38;
	[tilespmem:$0x1F080] =	vst v63  }
.LBB2_15:
0x118: {  	_ =	sfence.sel $0x180000  }
0x119: {  	[bflag:$0x0] =	sbarrier.arrive $0xFFFF  }
0x11a: {  	_ =	strace $0x90000047  }
0x11b: {  	s0 =	stileid.u32;
	[bflag:$0x2] =	sbarrier.arrive $0xFFFF  }
0x11c: {  	p0 =	sne.s32 s0, $0x0;
	s0 =	rddreg [dreg:$0x3]  }
0x11d: {  	s0 =	sadd.s32 @!p0 $0x100000, s0  }
0x11e: {  	[sflag:s0] =	ssyncadd.tile.s32 @!p0 $0x1;
	_ =	shalt  }
.Lfunc_end2:
_tile_overlayer_lowered:
.L_overlay_start_2:
0x11f: {  	(tag) =	ssettag $0x2  }
0x120: {  	s0 =	rddreg [dreg:$0x0];
	s2 =	stileid.u32  }
0x121: {  	s1 =	rddreg [dreg:$0x1];
	p0 =	sne.s32 s2, $0x0  }
0x122: {  	s3 =	rddreg [dreg:$0x2];
	[bflag:$0x3] =	sbarrier.arrive $0xFFFF;
	s2 =	simm.s32 @!p0 $0x1C08  }
0x123: {  	[timem:s3], [sflag:s2] =	dma.local @!p0 [hbm:s0], s1  }
0x124: {  	s0 =	simm.s32 @!p0 $0x8  }
0x125: {  	_ =	swait.ge @!p0 [sflag:s0], s1  }
0x126: {  	s1 =	ssub.s32 @!p0 $0x0, s1;
	[sflag:s0] =	ssyncset.done @!p0 $0x0  }
0x127: {  	[sflag:s0] =	ssyncadd.s32 @!p0 s1  }
0x128: {  	[bflag:$0x3] =	sbarrier.arrive $0xFFFF  }
0x129: {  	_ =	shalt  }

</sc_bundles>
